<compile_context>
chip_gen: v7x
topology: tpu7x:2x2x1
jax: 0.10.2.dev20260603
libtpu: 0.0.44.dev20260713+nightly
codegen_flags: <defaults>
</compile_context>

<pallas_src>
import functools

import jax
import jax.numpy as jnp
import numpy as np
from jax import lax
from jax.experimental import pallas as pl
from jax.experimental.pallas import tpu as pltpu
from jax.experimental.pallas import tpu_sc as plsc

_BATCH = 16384
_CLS = 1000
_NUM_CLEAN = 64
_FORGET = 0.2
_GRADUAL = 10
_EPOCHS = 100


def _sched():
    rs = np.ones(_EPOCHS) * _FORGET
    rs[:_GRADUAL] = np.linspace(0.0, _FORGET, _GRADUAL)
    return rs


_K = int((1.0 - _sched()[5]) * _BATCH)

_S_TC = 12288
_S_SC = _BATCH - _S_TC
_S_SC_HALF = _S_SC // 2


_R = 1024


def _ce_body(x1_ref, x2_ref, lab_ref, l1_ref, l2_ref):
    lab = lab_ref[...]
    col = lax.broadcasted_iota(jnp.int32, (_R, _CLS), 1)
    onehot = col == lab
    for x_ref, out_ref in ((x1_ref, l1_ref), (x2_ref, l2_ref)):
        x = x_ref[...]
        m = jnp.max(x, axis=1, keepdims=True)
        s = jnp.sum(jnp.exp(x - m), axis=1, keepdims=True)
        xl = jnp.sum(jnp.where(onehot, x, 0.0), axis=1, keepdims=True)
        out_ref[...] = (m + jnp.log(s)) - xl


def _ce_losses_tc(logits, logits2, labels2d):
    grid = _S_TC // _R
    return pl.pallas_call(
        _ce_body,
        grid=(grid,),
        in_specs=[
            pl.BlockSpec((_R, _CLS), lambda i: (i, 0)),
            pl.BlockSpec((_R, _CLS), lambda i: (i, 0)),
            pl.BlockSpec((_R, 1), lambda i: (i, 0)),
        ],
        out_specs=[
            pl.BlockSpec((_R, 1), lambda i: (i, 0)),
            pl.BlockSpec((_R, 1), lambda i: (i, 0)),
        ],
        out_shape=[
            jax.ShapeDtypeStruct((_S_TC, 1), jnp.float32),
            jax.ShapeDtypeStruct((_S_TC, 1), jnp.float32),
        ],
    )(logits, logits2, labels2d)



_NC = 2
_NS = 16
_NW = _NC * _NS
_RPW = _S_SC // _NW
_CHUNK = 32
_NCHUNK = _RPW // _CHUNK
_FULL = _CLS // 16
_TAIL = _CLS - _FULL * 16


def _sc_ce_body(row0, x1_hbm, x2_hbm, lab_hbm, s1_hbm, xl1_hbm, s2_hbm,
                xl2_hbm, buf0, buf1, lab_buf, s_scr, xl_scr, sem0, sem1):
    wid = lax.axis_index("s") * _NC + lax.axis_index("c")
    base = wid * _RPW
    lane = lax.iota(jnp.int32, 16)
    pltpu.sync_copy(lab_hbm.at[pl.ds(base, _RPW)], lab_buf)

    def compute_chunk(ch, buf, s_hbm, xl_hbm):
        def row_body(t, carry):
            lab_b = lab_buf[ch * _CHUNK + t, :]
            accs = [jnp.zeros((16,), jnp.float32) for _ in range(4)]
            xlacc = jnp.zeros((16,), jnp.float32)
            for j in range(_FULL):
                x = buf[t, pl.ds(16 * j, 16)]
                accs[j % 4] = accs[j % 4] + jnp.exp(x)
                xlacc = jnp.where(lane + 16 * j == lab_b, x, xlacc)
            xt = buf[t, pl.ds(_CLS - 16, 16)]
            accs[3] = accs[3] + jnp.where(lane >= 16 - _TAIL,
                                          jnp.exp(xt), 0.0)
            xlacc = jnp.where(lane + (_CLS - 16) == lab_b, xt, xlacc)
            s_scr[t, :] = (accs[0] + accs[1]) + (accs[2] + accs[3])
            xl_scr[t, :] = xlacc
            return carry

        lax.fori_loop(0, _CHUNK, row_body, 0)
        pltpu.sync_copy(s_scr, s_hbm.at[pl.ds(base + ch * _CHUNK, _CHUNK), :])
        pltpu.sync_copy(xl_scr, xl_hbm.at[pl.ds(base + ch * _CHUNK, _CHUNK), :])

    def start(x_hbm, ch, buf, sem):
        r0 = row0 + base + ch * _CHUNK
        pltpu.async_copy(x_hbm.at[pl.ds(r0, _CHUNK), :], buf, sem)

    def wait(x_hbm, ch, buf, sem):
        r0 = row0 + base + ch * _CHUNK
        pltpu.make_async_copy(x_hbm.at[pl.ds(r0, _CHUNK), :], buf, sem).wait()

    for x_hbm, s_hbm, xl_hbm in ((x1_hbm, s1_hbm, xl1_hbm),
                                 (x2_hbm, s2_hbm, xl2_hbm)):
        start(x_hbm, 0, buf0, sem0)

        def pair_body(o, carry, x_hbm=x_hbm, s_hbm=s_hbm, xl_hbm=xl_hbm):
            ch0 = 2 * o
            ch1 = 2 * o + 1
            start(x_hbm, ch1, buf1, sem1)
            wait(x_hbm, ch0, buf0, sem0)
            compute_chunk(ch0, buf0, s_hbm, xl_hbm)

            @pl.when(ch0 + 2 < _NCHUNK)
            def _():
                start(x_hbm, ch0 + 2, buf0, sem0)

            wait(x_hbm, ch1, buf1, sem1)
            compute_chunk(ch1, buf1, s_hbm, xl_hbm)
            return carry

        lax.fori_loop(0, _NCHUNK // 2, pair_body, 0)


def _make_sc_ce(row0):
    @functools.partial(
        pl.kernel,
        mesh=plsc.VectorSubcoreMesh(core_axis_name="c", subcore_axis_name="s"),
        out_type=[jax.ShapeDtypeStruct((_S_SC, 16), jnp.float32)] * 4,
        scratch_types=[
            pltpu.VMEM((_CHUNK, _CLS), jnp.float32),
            pltpu.VMEM((_CHUNK, _CLS), jnp.float32),
            pltpu.VMEM((_RPW, 16), jnp.int32),
            pltpu.VMEM((_CHUNK, 16), jnp.float32),
            pltpu.VMEM((_CHUNK, 16), jnp.float32),
            pltpu.SemaphoreType.DMA,
            pltpu.SemaphoreType.DMA,
        ],
    )
    def sc_ce(x1_hbm, x2_hbm, lab_hbm, s1_hbm, xl1_hbm, s2_hbm, xl2_hbm,
              buf0, buf1, lab_buf, s_scr, xl_scr, sem0, sem1):
        _sc_ce_body(row0, x1_hbm, x2_hbm, lab_hbm, s1_hbm, xl1_hbm, s2_hbm,
                    xl2_hbm, buf0, buf1, lab_buf, s_scr, xl_scr, sem0, sem1)

    return sc_ce


_sc_ce_one = _make_sc_ce(_S_TC)




def _radix_select(bits, pos, k):
    shape = bits.shape
    sel0 = jnp.zeros(shape, dtype=jnp.int32)
    cand0 = jnp.ones(shape, dtype=jnp.int32)

    def step(src, nbits):
        def body(j, carry):
            sel, cand, r = carry
            b = nbits - 1 - j
            bit = jnp.bitwise_and(lax.shift_right_logical(src, b), 1)
            zero = cand & (bit ^ 1)
            c = jnp.sum(zero)
            take_zero = r <= c
            sel = jnp.where(take_zero, sel, sel | zero)
            cand = jnp.where(take_zero, zero, cand & bit)
            r = jnp.where(take_zero, r, r - c)
            return sel, cand, r

        return body

    carry = (sel0, cand0, jnp.int32(k))
    carry = lax.fori_loop(0, 32, step(bits, 32), carry)
    carry = lax.fori_loop(0, 14, step(pos, 14), carry)
    sel, cand, _ = carry
    return (sel | cand) == 1


def _sel_body(lt1_ref, lt2_ref, s1_ref, xl1_ref, s2_ref, xl2_ref, idx_ref,
              o1_ref, o2_ref):
    gcol = lax.broadcasted_iota(jnp.int32, (2048, 128), 0)
    grow = lax.broadcasted_iota(jnp.int32, (2048, 128), 1)
    gmat = jnp.where(gcol // 16 == grow, 1.0, 0.0)

    def reduce16(ref):
        return jax.lax.dot(ref[...], gmat,
                           preferred_element_type=jnp.float32)

    l1 = jnp.concatenate(
        [lt1_ref[...], jnp.log(reduce16(s1_ref)) - reduce16(xl1_ref)], axis=0)
    l2 = jnp.concatenate(
        [lt2_ref[...], jnp.log(reduce16(s2_ref)) - reduce16(xl2_ref)], axis=0)
    filt = idx_ref[...] < _NUM_CLEAN
    row = lax.broadcasted_iota(jnp.int32, l1.shape, 0)
    col = lax.broadcasted_iota(jnp.int32, l1.shape, 1)
    pos = row * l1.shape[1] + col
    sel1 = _radix_select(lax.bitcast_convert_type(l1, jnp.int32), pos, _K)
    sel2 = _radix_select(lax.bitcast_convert_type(l2, jnp.int32), pos, _K)
    o1_ref[...] = jnp.sum(jnp.where(sel2 & filt, l1, 0.0))[None, None]
    o2_ref[...] = jnp.sum(jnp.where(sel1 & filt, l2, 0.0))[None, None]


def _select_sums(args):
    return pl.pallas_call(
        _sel_body,
        out_shape=[
            jax.ShapeDtypeStruct((1, 1), jnp.float32),
            jax.ShapeDtypeStruct((1, 1), jnp.float32),
        ],
    )(*args)


def kernel(logits, logits2, labels, epoch, index):
    lab_sc = jnp.broadcast_to(labels[_S_TC:, None], (_S_SC, 16))
    parts = _sc_ce_one(logits, logits2, lab_sc)
    labels2d = labels[:_S_TC].reshape(_S_TC, 1)
    lt1, lt2 = _ce_losses_tc(logits, logits2, labels2d)
    hp = _S_SC // 128
    o1, o2 = _select_sums(
        [lt1.reshape(_S_TC // 128, 128), lt2.reshape(_S_TC // 128, 128)]
        + [p.reshape(hp, 2048) for p in parts]
        + [index.reshape(128, 128)]
    )
    rs = jnp.asarray(_sched(), dtype=jnp.float32)
    num_remember_t = jnp.floor((1.0 - rs[epoch]) * _BATCH)
    return (o1[0, 0] / num_remember_t, o2[0, 0] / num_remember_t)

# --- scband reference (transcript-rebuilt; emitter-appended) ---
"""Pipeline reference for scband-coteaching-distill-loss-18528488915004 (READ-ONLY COPY).

The authoritative reference and input builder live on the scoring server;
editing this copy changes nothing except your own understanding.
"""

import jax, jax.numpy as jnp
import numpy as np

FORGET_RATE = 0.2
NUM_GRADUAL = 10
N_EPOCH = 100
NUM_EXAMP = 128
NUM_CLEAN = 64
BATCH = 16384
NUM_CLASSES = 1000


def _rate_schedule():
    rs = np.ones(N_EPOCH) * FORGET_RATE
    rs[:NUM_GRADUAL] = np.linspace(0, FORGET_RATE, NUM_GRADUAL)
    return rs


def _ce_per_sample(logits, labels):
    logp = jax.nn.log_softmax(logits, axis=1)
    return -jnp.take_along_axis(logp, labels[:, None], axis=1)[:, 0]


def setup_inputs(seed: int = 0):
    key = jax.random.key(seed)
    k1, k2, k3, k4 = jax.random.split(key, 4)
    logits = jax.random.normal(k1, (BATCH, NUM_CLASSES), dtype=jnp.float32)
    logits2 = jax.random.normal(k2, (BATCH, NUM_CLASSES), dtype=jnp.float32)
    labels = jax.random.randint(k3, (BATCH,), 0, NUM_CLASSES, dtype=jnp.int32)
    index = jax.random.randint(k4, (BATCH,), 0, NUM_EXAMP, dtype=jnp.int32)
    return {"logits": logits, "logits2": logits2, "labels": labels, "epoch": 5, "index": index}


def reference(logits, logits2, labels, epoch, index):
    # is_in_teacher_idx built from clean_indexs = [0..NUM_CLEAN-1]
    is_in_teacher = jnp.arange(NUM_EXAMP) < NUM_CLEAN
    filtered = is_in_teacher[index]

    loss_1 = _ce_per_sample(logits, labels)
    ind_1_sorted = jnp.argsort(jax.lax.stop_gradient(loss_1))
    filtered_1_sorted = filtered[ind_1_sorted]

    loss_2 = _ce_per_sample(logits2, labels)
    ind_2_sorted = jnp.argsort(jax.lax.stop_gradient(loss_2))
    filtered_2_sorted = filtered[ind_2_sorted]

    rate_schedule = jnp.asarray(_rate_schedule(), dtype=jnp.float32)
    remember_rate = 1.0 - rate_schedule[epoch]
    EPOCH_CONST = 5
    num_remember = int((1.0 - _rate_schedule()[EPOCH_CONST]) * logits.shape[0])
    num_remember_t = jnp.floor(remember_rate * logits.shape[0])

    ind_1_update = ind_1_sorted[:num_remember]
    ind_2_update = ind_2_sorted[:num_remember]
    filtered_1_update = filtered_1_sorted[:num_remember]
    filtered_2_update = filtered_2_sorted[:num_remember]

    ce_loss_1_update = _ce_per_sample(logits[ind_2_update], labels[ind_2_update])
    ce_loss_2_update = _ce_per_sample(logits2[ind_1_update], labels[ind_1_update])

    loss_1_update = jnp.sum(jnp.where(filtered_2_update, ce_loss_1_update, 0.0)) / num_remember_t
    loss_2_update = jnp.sum(jnp.where(filtered_1_update, ce_loss_2_update, 0.0)) / num_remember_t
    return (loss_1_update, loss_2_update)

if __name__ == "__main__":
    import jax
    _d = setup_inputs()
    print(jax.jit(kernel)(*tuple(_d.values())))

</pallas_src>

<mosaic_0001>
#map = affine_map<(d0, d1) -> (0, 0)>
module attributes {stable_mosaic.version = 14 : i64} {
  func.func @sc_ce(%arg0: i32, %arg1: i32, %arg2: memref<16384x1000xf32, #tpu.memory_space<hbm>>, %arg3: memref<16384x1000xf32, #tpu.memory_space<hbm>>, %arg4: memref<4096x16xi32, #tpu.memory_space<hbm>>, %arg5: memref<4096x16xf32, #tpu.memory_space<hbm>>, %arg6: memref<4096x16xf32, #tpu.memory_space<hbm>>, %arg7: memref<4096x16xf32, #tpu.memory_space<hbm>>, %arg8: memref<4096x16xf32, #tpu.memory_space<hbm>>, %arg9: memref<32x1000xf32, #tpu.memory_space<vmem>>, %arg10: memref<32x1000xf32, #tpu.memory_space<vmem>>, %arg11: memref<128x16xi32, #tpu.memory_space<vmem>>, %arg12: memref<32x16xf32, #tpu.memory_space<vmem>>, %arg13: memref<32x16xf32, #tpu.memory_space<vmem>>, %arg14: memref<!tpu.dma_semaphore, #tpu.memory_space<semaphore_mem>>, %arg15: memref<!tpu.dma_semaphore, #tpu.memory_space<semaphore_mem>>) attributes {dimension_semantics = [#tpu.dimension_semantics<core_parallel>, #tpu.dimension_semantics<subcore_parallel>], iteration_bounds = array<i64: 2, 16>, scalar_prefetch = 0 : i64, scratch_operands = 7 : i64, tpu.core_type = #tpu.core_type<sc_vector_subcore>, window_params = [{transform_indices = #map}, {transform_indices = #map}, {transform_indices = #map}, {transform_indices = #map}, {transform_indices = #map}, {transform_indices = #map}, {transform_indices = #map}]} {
    %mul3A = arith.constant 2 : i32
    %mul3A_0 = arith.muli %arg1, %mul3A : i32
    %add3A = arith.addi %mul3A_0, %arg0 : i32
    %mul3A_1 = arith.constant 128 : i32
    %mul3A_2 = arith.muli %add3A, %mul3A_1 : i32
    %iota3A = tpu.iota {dimensions = array<i32: 0>} : vector<16xi32>
    "tpu.region"() ({
      %run_scoped3A = tpu.sem_alloc : memref<!tpu.dma_semaphore, #tpu.memory_space<semaphore_mem>>
      %dma_start3A_29 = arith.constant 0 : i32
      %dma_start3A_30 = tpu.memref_slice %arg4[%mul3A_2, %dma_start3A_29] : memref<4096x16xi32, #tpu.memory_space<hbm>> -> memref<128x16xi32, #tpu.memory_space<hbm>>
      %dma_start3A_31 = arith.constant 0 : i32
      %dma_start3A_32 = tpu.memref_slice %arg4[%mul3A_2, %dma_start3A_31] : memref<4096x16xi32, #tpu.memory_space<hbm>> -> memref<128x16xi32, #tpu.memory_space<hbm>>
      tpu.enqueue_dma source(%dma_start3A_32 : memref<128x16xi32, #tpu.memory_space<hbm>>) target(%arg11 : memref<128x16xi32, #tpu.memory_space<vmem>>) target_semaphore(%run_scoped3A : memref<!tpu.dma_semaphore, #tpu.memory_space<semaphore_mem>>)
      %dma_wait3A = arith.constant 0 : i32
      %dma_wait3A_33 = tpu.memref_slice %arg4[%mul3A_2, %dma_wait3A] : memref<4096x16xi32, #tpu.memory_space<hbm>> -> memref<128x16xi32, #tpu.memory_space<hbm>>
      %dma_wait3A_34 = arith.constant 0 : i32
      %dma_wait3A_35 = tpu.memref_slice %arg4[%mul3A_2, %dma_wait3A_34] : memref<4096x16xi32, #tpu.memory_space<hbm>> -> memref<128x16xi32, #tpu.memory_space<hbm>>
      tpu.wait_dma2 semaphore(%run_scoped3A : memref<!tpu.dma_semaphore, #tpu.memory_space<semaphore_mem>>) src(%dma_wait3A_35 : memref<128x16xi32, #tpu.memory_space<hbm>>) dst(%arg11 : memref<128x16xi32, #tpu.memory_space<vmem>>)
      tpu.yield
    }) : () -> ()
    %add3A_3 = arith.constant 12288 : i32
    %add3A_4 = arith.addi %add3A_3, %mul3A_2 : i32
    %add3A_5 = arith.constant 0 : i32
    %add3A_6 = arith.addi %add3A_4, %add3A_5 : i32
    %dma_start3A = arith.constant 0 : i32
    %dma_start3A_7 = tpu.memref_slice %arg2[%add3A_6, %dma_start3A] : memref<16384x1000xf32, #tpu.memory_space<hbm>> -> memref<32x1000xf32, #tpu.memory_space<hbm>>
    %dma_start3A_8 = arith.constant 0 : i32
    %dma_start3A_9 = tpu.memref_slice %arg2[%add3A_6, %dma_start3A_8] : memref<16384x1000xf32, #tpu.memory_space<hbm>> -> memref<32x1000xf32, #tpu.memory_space<hbm>>
    tpu.enqueue_dma source(%dma_start3A_9 : memref<32x1000xf32, #tpu.memory_space<hbm>>) target(%arg9 : memref<32x1000xf32, #tpu.memory_space<vmem>>) target_semaphore(%arg14 : memref<!tpu.dma_semaphore, #tpu.memory_space<semaphore_mem>>)
    %scan3A = arith.constant 0 : i32
    %scan3A_10 = arith.constant 0 : i32
    %scan3A_11 = arith.constant 2 : i32
    %scan3A_12 = arith.addi %scan3A_10, %scan3A_11 : i32
    %scan3A_13 = arith.constant 1 : i32
    scf.for %scan3A_29 = %scan3A_10 to %scan3A_12 step %scan3A_13  : i32 {
      %mul3A_30 = arith.constant 2 : i32
      %mul3A_31 = arith.muli %mul3A_30, %scan3A_29 : i32
      %mul3A_32 = arith.constant 2 : i32
      %mul3A_33 = arith.muli %mul3A_32, %scan3A_29 : i32
      %add3A_34 = arith.constant 1 : i32
      %add3A_35 = arith.addi %mul3A_33, %add3A_34 : i32
      %add3A_36 = arith.constant 12288 : i32
      %add3A_37 = arith.addi %add3A_36, %mul3A_2 : i32
      %mul3A_38 = arith.constant 32 : i32
      %mul3A_39 = arith.muli %add3A_35, %mul3A_38 : i32
      %add3A_40 = arith.addi %add3A_37, %mul3A_39 : i32
      %dma_start3A_41 = arith.constant 0 : i32
      %dma_start3A_42 = tpu.memref_slice %arg2[%add3A_40, %dma_start3A_41] : memref<16384x1000xf32, #tpu.memory_space<hbm>> -> memref<32x1000xf32, #tpu.memory_space<hbm>>
      %dma_start3A_43 = arith.constant 0 : i32
      %dma_start3A_44 = tpu.memref_slice %arg2[%add3A_40, %dma_start3A_43] : memref<16384x1000xf32, #tpu.memory_space<hbm>> -> memref<32x1000xf32, #tpu.memory_space<hbm>>
      tpu.enqueue_dma source(%dma_start3A_44 : memref<32x1000xf32, #tpu.memory_space<hbm>>) target(%arg10 : memref<32x1000xf32, #tpu.memory_space<vmem>>) target_semaphore(%arg15 : memref<!tpu.dma_semaphore, #tpu.memory_space<semaphore_mem>>)
      %add3A_45 = arith.constant 12288 : i32
      %add3A_46 = arith.addi %add3A_45, %mul3A_2 : i32
      %mul3A_47 = arith.constant 32 : i32
      %mul3A_48 = arith.muli %mul3A_31, %mul3A_47 : i32
      %add3A_49 = arith.addi %add3A_46, %mul3A_48 : i32
      %dma_wait3A = arith.constant 0 : i32
      %dma_wait3A_50 = tpu.memref_slice %arg2[%add3A_49, %dma_wait3A] : memref<16384x1000xf32, #tpu.memory_space<hbm>> -> memref<32x1000xf32, #tpu.memory_space<hbm>>
      %dma_wait3A_51 = arith.constant 0 : i32
      %dma_wait3A_52 = tpu.memref_slice %arg2[%add3A_49, %dma_wait3A_51] : memref<16384x1000xf32, #tpu.memory_space<hbm>> -> memref<32x1000xf32, #tpu.memory_space<hbm>>
      tpu.wait_dma2 semaphore(%arg14 : memref<!tpu.dma_semaphore, #tpu.memory_space<semaphore_mem>>) src(%dma_wait3A_52 : memref<32x1000xf32, #tpu.memory_space<hbm>>) dst(%arg9 : memref<32x1000xf32, #tpu.memory_space<vmem>>)
      %scan3A_53 = arith.constant 0 : i32
      %scan3A_54 = arith.constant 0 : i32
      %scan3A_55 = arith.constant 32 : i32
      %scan3A_56 = arith.addi %scan3A_54, %scan3A_55 : i32
      %scan3A_57 = arith.constant 1 : i32
      scf.for %scan3A_90 = %scan3A_54 to %scan3A_56 step %scan3A_57  : i32 {
        %mul3A_91 = arith.constant 32 : i32
        %mul3A_92 = arith.muli %mul3A_31, %mul3A_91 : i32
        %add3A_93 = arith.addi %mul3A_92, %scan3A_90 : i32
        %get3A = arith.index_cast %add3A_93 : i32 to index
        %get3A_94 = arith.constant 0 : index
        %get3A_95 = tpu.vector_load %arg11[%get3A, %get3A_94] {strides = array<i32>} : memref<128x16xi32, #tpu.memory_space<vmem>>, vector<1x16xi32>,
        %get3A_96 = vector.shape_cast %get3A_95 : vector<1x16xi32> to vector<16xi32>
        %broadcast_in_dim3A = arith.constant 0.000000e+00 : f32
        %broadcast_in_dim3A_97 = vector.broadcast %broadcast_in_dim3A : f32 to vector<16xf32>
        %broadcast_in_dim3A_98 = arith.constant 0.000000e+00 : f32
        %broadcast_in_dim3A_99 = vector.broadcast %broadcast_in_dim3A_98 : f32 to vector<16xf32>
        %broadcast_in_dim3A_100 = arith.constant 0.000000e+00 : f32
        %broadcast_in_dim3A_101 = vector.broadcast %broadcast_in_dim3A_100 : f32 to vector<16xf32>
        %broadcast_in_dim3A_102 = arith.constant 0.000000e+00 : f32
        %broadcast_in_dim3A_103 = vector.broadcast %broadcast_in_dim3A_102 : f32 to vector<16xf32>
        %broadcast_in_dim3A_104 = arith.constant 0.000000e+00 : f32
        %broadcast_in_dim3A_105 = vector.broadcast %broadcast_in_dim3A_104 : f32 to vector<16xf32>
        %get3A_106 = arith.index_cast %scan3A_90 : i32 to index
        %get3A_107 = arith.constant 0 : index
        %get3A_108 = tpu.vector_load %arg9[%get3A_106, %get3A_107] {strides = array<i32>} : memref<32x1000xf32, #tpu.memory_space<vmem>>, vector<1x16xf32>,
        %get3A_109 = vector.shape_cast %get3A_108 : vector<1x16xf32> to vector<16xf32>
        %exp3A = math.exp %get3A_109 : vector<16xf32>
        %add3A_110 = arith.addf %broadcast_in_dim3A_97, %exp3A : vector<16xf32>
        %add3A_111 = arith.constant 0 : i32
        %add3A_112 = vector.broadcast %add3A_111 : i32 to vector<16xi32>
        %add3A_113 = arith.addi %iota3A, %add3A_112 : vector<16xi32>
        %eq3A = arith.cmpi eq, %add3A_113, %get3A_96 : vector<16xi32>
        %select_n3A = arith.select %eq3A, %get3A_109, %broadcast_in_dim3A_105 : vector<16xi1>, vector<16xf32>
        %get3A_114 = arith.index_cast %scan3A_90 : i32 to index
        %get3A_115 = arith.constant 16 : index
        %get3A_116 = tpu.vector_load %arg9[%get3A_114, %get3A_115] {strides = array<i32>} : memref<32x1000xf32, #tpu.memory_space<vmem>>, vector<1x16xf32>,
        %get3A_117 = vector.shape_cast %get3A_116 : vector<1x16xf32> to vector<16xf32>
        %exp3A_118 = math.exp %get3A_117 : vector<16xf32>
        %add3A_119 = arith.addf %broadcast_in_dim3A_99, %exp3A_118 : vector<16xf32>
        %add3A_120 = arith.constant 16 : i32
        %add3A_121 = vector.broadcast %add3A_120 : i32 to vector<16xi32>
        %add3A_122 = arith.addi %iota3A, %add3A_121 : vector<16xi32>
        %eq3A_123 = arith.cmpi eq, %add3A_122, %get3A_96 : vector<16xi32>
        %select_n3A_124 = arith.select %eq3A_123, %get3A_117, %select_n3A : vector<16xi1>, vector<16xf32>
        %get3A_125 = arith.index_cast %scan3A_90 : i32 to index
        %get3A_126 = arith.constant 32 : index
        %get3A_127 = tpu.vector_load %arg9[%get3A_125, %get3A_126] {strides = array<i32>} : memref<32x1000xf32, #tpu.memory_space<vmem>>, vector<1x16xf32>,
        %get3A_128 = vector.shape_cast %get3A_127 : vector<1x16xf32> to vector<16xf32>
        %exp3A_129 = math.exp %get3A_128 : vector<16xf32>
        %add3A_130 = arith.addf %broadcast_in_dim3A_101, %exp3A_129 : vector<16xf32>
        %add3A_131 = arith.constant 32 : i32
        %add3A_132 = vector.broadcast %add3A_131 : i32 to vector<16xi32>
        %add3A_133 = arith.addi %iota3A, %add3A_132 : vector<16xi32>
        %eq3A_134 = arith.cmpi eq, %add3A_133, %get3A_96 : vector<16xi32>
        %select_n3A_135 = arith.select %eq3A_134, %get3A_128, %select_n3A_124 : vector<16xi1>, vector<16xf32>
        %get3A_136 = arith.index_cast %scan3A_90 : i32 to index
        %get3A_137 = arith.constant 48 : index
        %get3A_138 = tpu.vector_load %arg9[%get3A_136, %get3A_137] {strides = array<i32>} : memref<32x1000xf32, #tpu.memory_space<vmem>>, vector<1x16xf32>,
        %get3A_139 = vector.shape_cast %get3A_138 : vector<1x16xf32> to vector<16xf32>
        %exp3A_140 = math.exp %get3A_139 : vector<16xf32>
        %add3A_141 = arith.addf %broadcast_in_dim3A_103, %exp3A_140 : vector<16xf32>
        %add3A_142 = arith.constant 48 : i32
        %add3A_143 = vector.broadcast %add3A_142 : i32 to vector<16xi32>
        %add3A_144 = arith.addi %iota3A, %add3A_143 : vector<16xi32>
        %eq3A_145 = arith.cmpi eq, %add3A_144, %get3A_96 : vector<16xi32>
        %select_n3A_146 = arith.select %eq3A_145, %get3A_139, %select_n3A_135 : vector<16xi1>, vector<16xf32>
        %get3A_147 = arith.index_cast %scan3A_90 : i32 to index
        %get3A_148 = arith.constant 64 : index
        %get3A_149 = tpu.vector_load %arg9[%get3A_147, %get3A_148] {strides = array<i32>} : memref<32x1000xf32, #tpu.memory_space<vmem>>, vector<1x16xf32>,
        %get3A_150 = vector.shape_cast %get3A_149 : vector<1x16xf32> to vector<16xf32>
        %exp3A_151 = math.exp %get3A_150 : vector<16xf32>
        %add3A_152 = arith.addf %add3A_110, %exp3A_151 : vector<16xf32>
        %add3A_153 = arith.constant 64 : i32
        %add3A_154 = vector.broadcast %add3A_153 : i32 to vector<16xi32>
        %add3A_155 = arith.addi %iota3A, %add3A_154 : vector<16xi32>
        %eq3A_156 = arith.cmpi eq, %add3A_155, %get3A_96 : vector<16xi32>
        %select_n3A_157 = arith.select %eq3A_156, %get3A_150, %select_n3A_146 : vector<16xi1>, vector<16xf32>
        %get3A_158 = arith.index_cast %scan3A_90 : i32 to index
        %get3A_159 = arith.constant 80 : index
        %get3A_160 = tpu.vector_load %arg9[%get3A_158, %get3A_159] {strides = array<i32>} : memref<32x1000xf32, #tpu.memory_space<vmem>>, vector<1x16xf32>,
        %get3A_161 = vector.shape_cast %get3A_160 : vector<1x16xf32> to vector<16xf32>
        %exp3A_162 = math.exp %get3A_161 : vector<16xf32>
        %add3A_163 = arith.addf %add3A_119, %exp3A_162 : vector<16xf32>
        %add3A_164 = arith.constant 80 : i32
        %add3A_165 = vector.broadcast %add3A_164 : i32 to vector<16xi32>
        %add3A_166 = arith.addi %iota3A, %add3A_165 : vector<16xi32>
        %eq3A_167 = arith.cmpi eq, %add3A_166, %get3A_96 : vector<16xi32>
        %select_n3A_168 = arith.select %eq3A_167, %get3A_161, %select_n3A_157 : vector<16xi1>, vector<16xf32>
        %get3A_169 = arith.index_cast %scan3A_90 : i32 to index
        %get3A_170 = arith.constant 96 : index
        %get3A_171 = tpu.vector_load %arg9[%get3A_169, %get3A_170] {strides = array<i32>} : memref<32x1000xf32, #tpu.memory_space<vmem>>, vector<1x16xf32>,
        %get3A_172 = vector.shape_cast %get3A_171 : vector<1x16xf32> to vector<16xf32>
        %exp3A_173 = math.exp %get3A_172 : vector<16xf32>
        %add3A_174 = arith.addf %add3A_130, %exp3A_173 : vector<16xf32>
        %add3A_175 = arith.constant 96 : i32
        %add3A_176 = vector.broadcast %add3A_175 : i32 to vector<16xi32>
        %add3A_177 = arith.addi %iota3A, %add3A_176 : vector<16xi32>
        %eq3A_178 = arith.cmpi eq, %add3A_177, %get3A_96 : vector<16xi32>
        %select_n3A_179 = arith.select %eq3A_178, %get3A_172, %select_n3A_168 : vector<16xi1>, vector<16xf32>
        %get3A_180 = arith.index_cast %scan3A_90 : i32 to index
        %get3A_181 = arith.constant 112 : index
        %get3A_182 = tpu.vector_load %arg9[%get3A_180, %get3A_181] {strides = array<i32>} : memref<32x1000xf32, #tpu.memory_space<vmem>>, vector<1x16xf32>,
        %get3A_183 = vector.shape_cast %get3A_182 : vector<1x16xf32> to vector<16xf32>
        %exp3A_184 = math.exp %get3A_183 : vector<16xf32>
        %add3A_185 = arith.addf %add3A_141, %exp3A_184 : vector<16xf32>
        %add3A_186 = arith.constant 112 : i32
        %add3A_187 = vector.broadcast %add3A_186 : i32 to vector<16xi32>
        %add3A_188 = arith.addi %iota3A, %add3A_187 : vector<16xi32>
        %eq3A_189 = arith.cmpi eq, %add3A_188, %get3A_96 : vector<16xi32>
        %select_n3A_190 = arith.select %eq3A_189, %get3A_183, %select_n3A_179 : vector<16xi1>, vector<16xf32>
        %get3A_191 = arith.index_cast %scan3A_90 : i32 to index
        %get3A_192 = arith.constant 128 : index
        %get3A_193 = tpu.vector_load %arg9[%get3A_191, %get3A_192] {strides = array<i32>} : memref<32x1000xf32, #tpu.memory_space<vmem>>, vector<1x16xf32>,
        %get3A_194 = vector.shape_cast %get3A_193 : vector<1x16xf32> to vector<16xf32>
        %exp3A_195 = math.exp %get3A_194 : vector<16xf32>
        %add3A_196 = arith.addf %add3A_152, %exp3A_195 : vector<16xf32>
        %add3A_197 = arith.constant 128 : i32
        %add3A_198 = vector.broadcast %add3A_197 : i32 to vector<16xi32>
        %add3A_199 = arith.addi %iota3A, %add3A_198 : vector<16xi32>
        %eq3A_200 = arith.cmpi eq, %add3A_199, %get3A_96 : vector<16xi32>
        %select_n3A_201 = arith.select %eq3A_200, %get3A_194, %select_n3A_190 : vector<16xi1>, vector<16xf32>
        %get3A_202 = arith.index_cast %scan3A_90 : i32 to index
        %get3A_203 = arith.constant 144 : index
        %get3A_204 = tpu.vector_load %arg9[%get3A_202, %get3A_203] {strides = array<i32>} : memref<32x1000xf32, #tpu.memory_space<vmem>>, vector<1x16xf32>,
        %get3A_205 = vector.shape_cast %get3A_204 : vector<1x16xf32> to vector<16xf32>
        %exp3A_206 = math.exp %get3A_205 : vector<16xf32>
        %add3A_207 = arith.addf %add3A_163, %exp3A_206 : vector<16xf32>
        %add3A_208 = arith.constant 144 : i32
        %add3A_209 = vector.broadcast %add3A_208 : i32 to vector<16xi32>
        %add3A_210 = arith.addi %iota3A, %add3A_209 : vector<16xi32>
        %eq3A_211 = arith.cmpi eq, %add3A_210, %get3A_96 : vector<16xi32>
        %select_n3A_212 = arith.select %eq3A_211, %get3A_205, %select_n3A_201 : vector<16xi1>, vector<16xf32>
        %get3A_213 = arith.index_cast %scan3A_90 : i32 to index
        %get3A_214 = arith.constant 160 : index
        %get3A_215 = tpu.vector_load %arg9[%get3A_213, %get3A_214] {strides = array<i32>} : memref<32x1000xf32, #tpu.memory_space<vmem>>, vector<1x16xf32>,
        %get3A_216 = vector.shape_cast %get3A_215 : vector<1x16xf32> to vector<16xf32>
        %exp3A_217 = math.exp %get3A_216 : vector<16xf32>
        %add3A_218 = arith.addf %add3A_174, %exp3A_217 : vector<16xf32>
        %add3A_219 = arith.constant 160 : i32
        %add3A_220 = vector.broadcast %add3A_219 : i32 to vector<16xi32>
        %add3A_221 = arith.addi %iota3A, %add3A_220 : vector<16xi32>
        %eq3A_222 = arith.cmpi eq, %add3A_221, %get3A_96 : vector<16xi32>
        %select_n3A_223 = arith.select %eq3A_222, %get3A_216, %select_n3A_212 : vector<16xi1>, vector<16xf32>
        %get3A_224 = arith.index_cast %scan3A_90 : i32 to index
        %get3A_225 = arith.constant 176 : index
        %get3A_226 = tpu.vector_load %arg9[%get3A_224, %get3A_225] {strides = array<i32>} : memref<32x1000xf32, #tpu.memory_space<vmem>>, vector<1x16xf32>,
        %get3A_227 = vector.shape_cast %get3A_226 : vector<1x16xf32> to vector<16xf32>
        %exp3A_228 = math.exp %get3A_227 : vector<16xf32>
        %add3A_229 = arith.addf %add3A_185, %exp3A_228 : vector<16xf32>
        %add3A_230 = arith.constant 176 : i32
        %add3A_231 = vector.broadcast %add3A_230 : i32 to vector<16xi32>
        %add3A_232 = arith.addi %iota3A, %add3A_231 : vector<16xi32>
        %eq3A_233 = arith.cmpi eq, %add3A_232, %get3A_96 : vector<16xi32>
        %select_n3A_234 = arith.select %eq3A_233, %get3A_227, %select_n3A_223 : vector<16xi1>, vector<16xf32>
        %get3A_235 = arith.index_cast %scan3A_90 : i32 to index
        %get3A_236 = arith.constant 192 : index
        %get3A_237 = tpu.vector_load %arg9[%get3A_235, %get3A_236] {strides = array<i32>} : memref<32x1000xf32, #tpu.memory_space<vmem>>, vector<1x16xf32>,
        %get3A_238 = vector.shape_cast %get3A_237 : vector<1x16xf32> to vector<16xf32>
        %exp3A_239 = math.exp %get3A_238 : vector<16xf32>
        %add3A_240 = arith.addf %add3A_196, %exp3A_239 : vector<16xf32>
        %add3A_241 = arith.constant 192 : i32
        %add3A_242 = vector.broadcast %add3A_241 : i32 to vector<16xi32>
        %add3A_243 = arith.addi %iota3A, %add3A_242 : vector<16xi32>
        %eq3A_244 = arith.cmpi eq, %add3A_243, %get3A_96 : vector<16xi32>
        %select_n3A_245 = arith.select %eq3A_244, %get3A_238, %select_n3A_234 : vector<16xi1>, vector<16xf32>
        %get3A_246 = arith.index_cast %scan3A_90 : i32 to index
        %get3A_247 = arith.constant 208 : index
        %get3A_248 = tpu.vector_load %arg9[%get3A_246, %get3A_247] {strides = array<i32>} : memref<32x1000xf32, #tpu.memory_space<vmem>>, vector<1x16xf32>,
        %get3A_249 = vector.shape_cast %get3A_248 : vector<1x16xf32> to vector<16xf32>
        %exp3A_250 = math.exp %get3A_249 : vector<16xf32>
        %add3A_251 = arith.addf %add3A_207, %exp3A_250 : vector<16xf32>
        %add3A_252 = arith.constant 208 : i32
        %add3A_253 = vector.broadcast %add3A_252 : i32 to vector<16xi32>
        %add3A_254 = arith.addi %iota3A, %add3A_253 : vector<16xi32>
        %eq3A_255 = arith.cmpi eq, %add3A_254, %get3A_96 : vector<16xi32>
        %select_n3A_256 = arith.select %eq3A_255, %get3A_249, %select_n3A_245 : vector<16xi1>, vector<16xf32>
        %get3A_257 = arith.index_cast %scan3A_90 : i32 to index
        %get3A_258 = arith.constant 224 : index
        %get3A_259 = tpu.vector_load %arg9[%get3A_257, %get3A_258] {strides = array<i32>} : memref<32x1000xf32, #tpu.memory_space<vmem>>, vector<1x16xf32>,
        %get3A_260 = vector.shape_cast %get3A_259 : vector<1x16xf32> to vector<16xf32>
        %exp3A_261 = math.exp %get3A_260 : vector<16xf32>
        %add3A_262 = arith.addf %add3A_218, %exp3A_261 : vector<16xf32>
        %add3A_263 = arith.constant 224 : i32
        %add3A_264 = vector.broadcast %add3A_263 : i32 to vector<16xi32>
        %add3A_265 = arith.addi %iota3A, %add3A_264 : vector<16xi32>
        %eq3A_266 = arith.cmpi eq, %add3A_265, %get3A_96 : vector<16xi32>
        %select_n3A_267 = arith.select %eq3A_266, %get3A_260, %select_n3A_256 : vector<16xi1>, vector<16xf32>
        %get3A_268 = arith.index_cast %scan3A_90 : i32 to index
        %get3A_269 = arith.constant 240 : index
        %get3A_270 = tpu.vector_load %arg9[%get3A_268, %get3A_269] {strides = array<i32>} : memref<32x1000xf32, #tpu.memory_space<vmem>>, vector<1x16xf32>,
        %get3A_271 = vector.shape_cast %get3A_270 : vector<1x16xf32> to vector<16xf32>
        %exp3A_272 = math.exp %get3A_271 : vector<16xf32>
        %add3A_273 = arith.addf %add3A_229, %exp3A_272 : vector<16xf32>
        %add3A_274 = arith.constant 240 : i32
        %add3A_275 = vector.broadcast %add3A_274 : i32 to vector<16xi32>
        %add3A_276 = arith.addi %iota3A, %add3A_275 : vector<16xi32>
        %eq3A_277 = arith.cmpi eq, %add3A_276, %get3A_96 : vector<16xi32>
        %select_n3A_278 = arith.select %eq3A_277, %get3A_271, %select_n3A_267 : vector<16xi1>, vector<16xf32>
        %get3A_279 = arith.index_cast %scan3A_90 : i32 to index
        %get3A_280 = arith.constant 256 : index
        %get3A_281 = tpu.vector_load %arg9[%get3A_279, %get3A_280] {strides = array<i32>} : memref<32x1000xf32, #tpu.memory_space<vmem>>, vector<1x16xf32>,
        %get3A_282 = vector.shape_cast %get3A_281 : vector<1x16xf32> to vector<16xf32>
        %exp3A_283 = math.exp %get3A_282 : vector<16xf32>
        %add3A_284 = arith.addf %add3A_240, %exp3A_283 : vector<16xf32>
        %add3A_285 = arith.constant 256 : i32
        %add3A_286 = vector.broadcast %add3A_285 : i32 to vector<16xi32>
        %add3A_287 = arith.addi %iota3A, %add3A_286 : vector<16xi32>
        %eq3A_288 = arith.cmpi eq, %add3A_287, %get3A_96 : vector<16xi32>
        %select_n3A_289 = arith.select %eq3A_288, %get3A_282, %select_n3A_278 : vector<16xi1>, vector<16xf32>
        %get3A_290 = arith.index_cast %scan3A_90 : i32 to index
        %get3A_291 = arith.constant 272 : index
        %get3A_292 = tpu.vector_load %arg9[%get3A_290, %get3A_291] {strides = array<i32>} : memref<32x1000xf32, #tpu.memory_space<vmem>>, vector<1x16xf32>,
        %get3A_293 = vector.shape_cast %get3A_292 : vector<1x16xf32> to vector<16xf32>
        %exp3A_294 = math.exp %get3A_293 : vector<16xf32>
        %add3A_295 = arith.addf %add3A_251, %exp3A_294 : vector<16xf32>
        %add3A_296 = arith.constant 272 : i32
        %add3A_297 = vector.broadcast %add3A_296 : i32 to vector<16xi32>
        %add3A_298 = arith.addi %iota3A, %add3A_297 : vector<16xi32>
        %eq3A_299 = arith.cmpi eq, %add3A_298, %get3A_96 : vector<16xi32>
        %select_n3A_300 = arith.select %eq3A_299, %get3A_293, %select_n3A_289 : vector<16xi1>, vector<16xf32>
        %get3A_301 = arith.index_cast %scan3A_90 : i32 to index
        %get3A_302 = arith.constant 288 : index
        %get3A_303 = tpu.vector_load %arg9[%get3A_301, %get3A_302] {strides = array<i32>} : memref<32x1000xf32, #tpu.memory_space<vmem>>, vector<1x16xf32>,
        %get3A_304 = vector.shape_cast %get3A_303 : vector<1x16xf32> to vector<16xf32>
        %exp3A_305 = math.exp %get3A_304 : vector<16xf32>
        %add3A_306 = arith.addf %add3A_262, %exp3A_305 : vector<16xf32>
        %add3A_307 = arith.constant 288 : i32
        %add3A_308 = vector.broadcast %add3A_307 : i32 to vector<16xi32>
        %add3A_309 = arith.addi %iota3A, %add3A_308 : vector<16xi32>
        %eq3A_310 = arith.cmpi eq, %add3A_309, %get3A_96 : vector<16xi32>
        %select_n3A_311 = arith.select %eq3A_310, %get3A_304, %select_n3A_300 : vector<16xi1>, vector<16xf32>
        %get3A_312 = arith.index_cast %scan3A_90 : i32 to index
        %get3A_313 = arith.constant 304 : index
        %get3A_314 = tpu.vector_load %arg9[%get3A_312, %get3A_313] {strides = array<i32>} : memref<32x1000xf32, #tpu.memory_space<vmem>>, vector<1x16xf32>,
        %get3A_315 = vector.shape_cast %get3A_314 : vector<1x16xf32> to vector<16xf32>
        %exp3A_316 = math.exp %get3A_315 : vector<16xf32>
        %add3A_317 = arith.addf %add3A_273, %exp3A_316 : vector<16xf32>
        %add3A_318 = arith.constant 304 : i32
        %add3A_319 = vector.broadcast %add3A_318 : i32 to vector<16xi32>
        %add3A_320 = arith.addi %iota3A, %add3A_319 : vector<16xi32>
        %eq3A_321 = arith.cmpi eq, %add3A_320, %get3A_96 : vector<16xi32>
        %select_n3A_322 = arith.select %eq3A_321, %get3A_315, %select_n3A_311 : vector<16xi1>, vector<16xf32>
        %get3A_323 = arith.index_cast %scan3A_90 : i32 to index
        %get3A_324 = arith.constant 320 : index
        %get3A_325 = tpu.vector_load %arg9[%get3A_323, %get3A_324] {strides = array<i32>} : memref<32x1000xf32, #tpu.memory_space<vmem>>, vector<1x16xf32>,
        %get3A_326 = vector.shape_cast %get3A_325 : vector<1x16xf32> to vector<16xf32>
        %exp3A_327 = math.exp %get3A_326 : vector<16xf32>
        %add3A_328 = arith.addf %add3A_284, %exp3A_327 : vector<16xf32>
        %add3A_329 = arith.constant 320 : i32
        %add3A_330 = vector.broadcast %add3A_329 : i32 to vector<16xi32>
        %add3A_331 = arith.addi %iota3A, %add3A_330 : vector<16xi32>
        %eq3A_332 = arith.cmpi eq, %add3A_331, %get3A_96 : vector<16xi32>
        %select_n3A_333 = arith.select %eq3A_332, %get3A_326, %select_n3A_322 : vector<16xi1>, vector<16xf32>
        %get3A_334 = arith.index_cast %scan3A_90 : i32 to index
        %get3A_335 = arith.constant 336 : index
        %get3A_336 = tpu.vector_load %arg9[%get3A_334, %get3A_335] {strides = array<i32>} : memref<32x1000xf32, #tpu.memory_space<vmem>>, vector<1x16xf32>,
        %get3A_337 = vector.shape_cast %get3A_336 : vector<1x16xf32> to vector<16xf32>
        %exp3A_338 = math.exp %get3A_337 : vector<16xf32>
        %add3A_339 = arith.addf %add3A_295, %exp3A_338 : vector<16xf32>
        %add3A_340 = arith.constant 336 : i32
        %add3A_341 = vector.broadcast %add3A_340 : i32 to vector<16xi32>
        %add3A_342 = arith.addi %iota3A, %add3A_341 : vector<16xi32>
        %eq3A_343 = arith.cmpi eq, %add3A_342, %get3A_96 : vector<16xi32>
        %select_n3A_344 = arith.select %eq3A_343, %get3A_337, %select_n3A_333 : vector<16xi1>, vector<16xf32>
        %get3A_345 = arith.index_cast %scan3A_90 : i32 to index
        %get3A_346 = arith.constant 352 : index
        %get3A_347 = tpu.vector_load %arg9[%get3A_345, %get3A_346] {strides = array<i32>} : memref<32x1000xf32, #tpu.memory_space<vmem>>, vector<1x16xf32>,
        %get3A_348 = vector.shape_cast %get3A_347 : vector<1x16xf32> to vector<16xf32>
        %exp3A_349 = math.exp %get3A_348 : vector<16xf32>
        %add3A_350 = arith.addf %add3A_306, %exp3A_349 : vector<16xf32>
        %add3A_351 = arith.constant 352 : i32
        %add3A_352 = vector.broadcast %add3A_351 : i32 to vector<16xi32>
        %add3A_353 = arith.addi %iota3A, %add3A_352 : vector<16xi32>
        %eq3A_354 = arith.cmpi eq, %add3A_353, %get3A_96 : vector<16xi32>
        %select_n3A_355 = arith.select %eq3A_354, %get3A_348, %select_n3A_344 : vector<16xi1>, vector<16xf32>
        %get3A_356 = arith.index_cast %scan3A_90 : i32 to index
        %get3A_357 = arith.constant 368 : index
        %get3A_358 = tpu.vector_load %arg9[%get3A_356, %get3A_357] {strides = array<i32>} : memref<32x1000xf32, #tpu.memory_space<vmem>>, vector<1x16xf32>,
        %get3A_359 = vector.shape_cast %get3A_358 : vector<1x16xf32> to vector<16xf32>
        %exp3A_360 = math.exp %get3A_359 : vector<16xf32>
        %add3A_361 = arith.addf %add3A_317, %exp3A_360 : vector<16xf32>
        %add3A_362 = arith.constant 368 : i32
        %add3A_363 = vector.broadcast %add3A_362 : i32 to vector<16xi32>
        %add3A_364 = arith.addi %iota3A, %add3A_363 : vector<16xi32>
        %eq3A_365 = arith.cmpi eq, %add3A_364, %get3A_96 : vector<16xi32>
        %select_n3A_366 = arith.select %eq3A_365, %get3A_359, %select_n3A_355 : vector<16xi1>, vector<16xf32>
        %get3A_367 = arith.index_cast %scan3A_90 : i32 to index
        %get3A_368 = arith.constant 384 : index
        %get3A_369 = tpu.vector_load %arg9[%get3A_367, %get3A_368] {strides = array<i32>} : memref<32x1000xf32, #tpu.memory_space<vmem>>, vector<1x16xf32>,
        %get3A_370 = vector.shape_cast %get3A_369 : vector<1x16xf32> to vector<16xf32>
        %exp3A_371 = math.exp %get3A_370 : vector<16xf32>
        %add3A_372 = arith.addf %add3A_328, %exp3A_371 : vector<16xf32>
        %add3A_373 = arith.constant 384 : i32
        %add3A_374 = vector.broadcast %add3A_373 : i32 to vector<16xi32>
        %add3A_375 = arith.addi %iota3A, %add3A_374 : vector<16xi32>
        %eq3A_376 = arith.cmpi eq, %add3A_375, %get3A_96 : vector<16xi32>
        %select_n3A_377 = arith.select %eq3A_376, %get3A_370, %select_n3A_366 : vector<16xi1>, vector<16xf32>
        %get3A_378 = arith.index_cast %scan3A_90 : i32 to index
        %get3A_379 = arith.constant 400 : index
        %get3A_380 = tpu.vector_load %arg9[%get3A_378, %get3A_379] {strides = array<i32>} : memref<32x1000xf32, #tpu.memory_space<vmem>>, vector<1x16xf32>,
        %get3A_381 = vector.shape_cast %get3A_380 : vector<1x16xf32> to vector<16xf32>
        %exp3A_382 = math.exp %get3A_381 : vector<16xf32>
        %add3A_383 = arith.addf %add3A_339, %exp3A_382 : vector<16xf32>
        %add3A_384 = arith.constant 400 : i32
        %add3A_385 = vector.broadcast %add3A_384 : i32 to vector<16xi32>
        %add3A_386 = arith.addi %iota3A, %add3A_385 : vector<16xi32>
        %eq3A_387 = arith.cmpi eq, %add3A_386, %get3A_96 : vector<16xi32>
        %select_n3A_388 = arith.select %eq3A_387, %get3A_381, %select_n3A_377 : vector<16xi1>, vector<16xf32>
        %get3A_389 = arith.index_cast %scan3A_90 : i32 to index
        %get3A_390 = arith.constant 416 : index
        %get3A_391 = tpu.vector_load %arg9[%get3A_389, %get3A_390] {strides = array<i32>} : memref<32x1000xf32, #tpu.memory_space<vmem>>, vector<1x16xf32>,
        %get3A_392 = vector.shape_cast %get3A_391 : vector<1x16xf32> to vector<16xf32>
        %exp3A_393 = math.exp %get3A_392 : vector<16xf32>
        %add3A_394 = arith.addf %add3A_350, %exp3A_393 : vector<16xf32>
        %add3A_395 = arith.constant 416 : i32
        %add3A_396 = vector.broadcast %add3A_395 : i32 to vector<16xi32>
        %add3A_397 = arith.addi %iota3A, %add3A_396 : vector<16xi32>
        %eq3A_398 = arith.cmpi eq, %add3A_397, %get3A_96 : vector<16xi32>
        %select_n3A_399 = arith.select %eq3A_398, %get3A_392, %select_n3A_388 : vector<16xi1>, vector<16xf32>
        %get3A_400 = arith.index_cast %scan3A_90 : i32 to index
        %get3A_401 = arith.constant 432 : index
        %get3A_402 = tpu.vector_load %arg9[%get3A_400, %get3A_401] {strides = array<i32>} : memref<32x1000xf32, #tpu.memory_space<vmem>>, vector<1x16xf32>,
        %get3A_403 = vector.shape_cast %get3A_402 : vector<1x16xf32> to vector<16xf32>
        %exp3A_404 = math.exp %get3A_403 : vector<16xf32>
        %add3A_405 = arith.addf %add3A_361, %exp3A_404 : vector<16xf32>
        %add3A_406 = arith.constant 432 : i32
        %add3A_407 = vector.broadcast %add3A_406 : i32 to vector<16xi32>
        %add3A_408 = arith.addi %iota3A, %add3A_407 : vector<16xi32>
        %eq3A_409 = arith.cmpi eq, %add3A_408, %get3A_96 : vector<16xi32>
        %select_n3A_410 = arith.select %eq3A_409, %get3A_403, %select_n3A_399 : vector<16xi1>, vector<16xf32>
        %get3A_411 = arith.index_cast %scan3A_90 : i32 to index
        %get3A_412 = arith.constant 448 : index
        %get3A_413 = tpu.vector_load %arg9[%get3A_411, %get3A_412] {strides = array<i32>} : memref<32x1000xf32, #tpu.memory_space<vmem>>, vector<1x16xf32>,
        %get3A_414 = vector.shape_cast %get3A_413 : vector<1x16xf32> to vector<16xf32>
        %exp3A_415 = math.exp %get3A_414 : vector<16xf32>
        %add3A_416 = arith.addf %add3A_372, %exp3A_415 : vector<16xf32>
        %add3A_417 = arith.constant 448 : i32
        %add3A_418 = vector.broadcast %add3A_417 : i32 to vector<16xi32>
        %add3A_419 = arith.addi %iota3A, %add3A_418 : vector<16xi32>
        %eq3A_420 = arith.cmpi eq, %add3A_419, %get3A_96 : vector<16xi32>
        %select_n3A_421 = arith.select %eq3A_420, %get3A_414, %select_n3A_410 : vector<16xi1>, vector<16xf32>
        %get3A_422 = arith.index_cast %scan3A_90 : i32 to index
        %get3A_423 = arith.constant 464 : index
        %get3A_424 = tpu.vector_load %arg9[%get3A_422, %get3A_423] {strides = array<i32>} : memref<32x1000xf32, #tpu.memory_space<vmem>>, vector<1x16xf32>,
        %get3A_425 = vector.shape_cast %get3A_424 : vector<1x16xf32> to vector<16xf32>
        %exp3A_426 = math.exp %get3A_425 : vector<16xf32>
        %add3A_427 = arith.addf %add3A_383, %exp3A_426 : vector<16xf32>
        %add3A_428 = arith.constant 464 : i32
        %add3A_429 = vector.broadcast %add3A_428 : i32 to vector<16xi32>
        %add3A_430 = arith.addi %iota3A, %add3A_429 : vector<16xi32>
        %eq3A_431 = arith.cmpi eq, %add3A_430, %get3A_96 : vector<16xi32>
        %select_n3A_432 = arith.select %eq3A_431, %get3A_425, %select_n3A_421 : vector<16xi1>, vector<16xf32>
        %get3A_433 = arith.index_cast %scan3A_90 : i32 to index
        %get3A_434 = arith.constant 480 : index
        %get3A_435 = tpu.vector_load %arg9[%get3A_433, %get3A_434] {strides = array<i32>} : memref<32x1000xf32, #tpu.memory_space<vmem>>, vector<1x16xf32>,
        %get3A_436 = vector.shape_cast %get3A_435 : vector<1x16xf32> to vector<16xf32>
        %exp3A_437 = math.exp %get3A_436 : vector<16xf32>
        %add3A_438 = arith.addf %add3A_394, %exp3A_437 : vector<16xf32>
        %add3A_439 = arith.constant 480 : i32
        %add3A_440 = vector.broadcast %add3A_439 : i32 to vector<16xi32>
        %add3A_441 = arith.addi %iota3A, %add3A_440 : vector<16xi32>
        %eq3A_442 = arith.cmpi eq, %add3A_441, %get3A_96 : vector<16xi32>
        %select_n3A_443 = arith.select %eq3A_442, %get3A_436, %select_n3A_432 : vector<16xi1>, vector<16xf32>
        %get3A_444 = arith.index_cast %scan3A_90 : i32 to index
        %get3A_445 = arith.constant 496 : index
        %get3A_446 = tpu.vector_load %arg9[%get3A_444, %get3A_445] {strides = array<i32>} : memref<32x1000xf32, #tpu.memory_space<vmem>>, vector<1x16xf32>,
        %get3A_447 = vector.shape_cast %get3A_446 : vector<1x16xf32> to vector<16xf32>
        %exp3A_448 = math.exp %get3A_447 : vector<16xf32>
        %add3A_449 = arith.addf %add3A_405, %exp3A_448 : vector<16xf32>
        %add3A_450 = arith.constant 496 : i32
        %add3A_451 = vector.broadcast %add3A_450 : i32 to vector<16xi32>
        %add3A_452 = arith.addi %iota3A, %add3A_451 : vector<16xi32>
        %eq3A_453 = arith.cmpi eq, %add3A_452, %get3A_96 : vector<16xi32>
        %select_n3A_454 = arith.select %eq3A_453, %get3A_447, %select_n3A_443 : vector<16xi1>, vector<16xf32>
        %get3A_455 = arith.index_cast %scan3A_90 : i32 to index
        %get3A_456 = arith.constant 512 : index
        %get3A_457 = tpu.vector_load %arg9[%get3A_455, %get3A_456] {strides = array<i32>} : memref<32x1000xf32, #tpu.memory_space<vmem>>, vector<1x16xf32>,
        %get3A_458 = vector.shape_cast %get3A_457 : vector<1x16xf32> to vector<16xf32>
        %exp3A_459 = math.exp %get3A_458 : vector<16xf32>
        %add3A_460 = arith.addf %add3A_416, %exp3A_459 : vector<16xf32>
        %add3A_461 = arith.constant 512 : i32
        %add3A_462 = vector.broadcast %add3A_461 : i32 to vector<16xi32>
        %add3A_463 = arith.addi %iota3A, %add3A_462 : vector<16xi32>
        %eq3A_464 = arith.cmpi eq, %add3A_463, %get3A_96 : vector<16xi32>
        %select_n3A_465 = arith.select %eq3A_464, %get3A_458, %select_n3A_454 : vector<16xi1>, vector<16xf32>
        %get3A_466 = arith.index_cast %scan3A_90 : i32 to index
        %get3A_467 = arith.constant 528 : index
        %get3A_468 = tpu.vector_load %arg9[%get3A_466, %get3A_467] {strides = array<i32>} : memref<32x1000xf32, #tpu.memory_space<vmem>>, vector<1x16xf32>,
        %get3A_469 = vector.shape_cast %get3A_468 : vector<1x16xf32> to vector<16xf32>
        %exp3A_470 = math.exp %get3A_469 : vector<16xf32>
        %add3A_471 = arith.addf %add3A_427, %exp3A_470 : vector<16xf32>
        %add3A_472 = arith.constant 528 : i32
        %add3A_473 = vector.broadcast %add3A_472 : i32 to vector<16xi32>
        %add3A_474 = arith.addi %iota3A, %add3A_473 : vector<16xi32>
        %eq3A_475 = arith.cmpi eq, %add3A_474, %get3A_96 : vector<16xi32>
        %select_n3A_476 = arith.select %eq3A_475, %get3A_469, %select_n3A_465 : vector<16xi1>, vector<16xf32>
        %get3A_477 = arith.index_cast %scan3A_90 : i32 to index
        %get3A_478 = arith.constant 544 : index
        %get3A_479 = tpu.vector_load %arg9[%get3A_477, %get3A_478] {strides = array<i32>} : memref<32x1000xf32, #tpu.memory_space<vmem>>, vector<1x16xf32>,
        %get3A_480 = vector.shape_cast %get3A_479 : vector<1x16xf32> to vector<16xf32>
        %exp3A_481 = math.exp %get3A_480 : vector<16xf32>
        %add3A_482 = arith.addf %add3A_438, %exp3A_481 : vector<16xf32>
        %add3A_483 = arith.constant 544 : i32
        %add3A_484 = vector.broadcast %add3A_483 : i32 to vector<16xi32>
        %add3A_485 = arith.addi %iota3A, %add3A_484 : vector<16xi32>
        %eq3A_486 = arith.cmpi eq, %add3A_485, %get3A_96 : vector<16xi32>
        %select_n3A_487 = arith.select %eq3A_486, %get3A_480, %select_n3A_476 : vector<16xi1>, vector<16xf32>
        %get3A_488 = arith.index_cast %scan3A_90 : i32 to index
        %get3A_489 = arith.constant 560 : index
        %get3A_490 = tpu.vector_load %arg9[%get3A_488, %get3A_489] {strides = array<i32>} : memref<32x1000xf32, #tpu.memory_space<vmem>>, vector<1x16xf32>,
        %get3A_491 = vector.shape_cast %get3A_490 : vector<1x16xf32> to vector<16xf32>
        %exp3A_492 = math.exp %get3A_491 : vector<16xf32>
        %add3A_493 = arith.addf %add3A_449, %exp3A_492 : vector<16xf32>
        %add3A_494 = arith.constant 560 : i32
        %add3A_495 = vector.broadcast %add3A_494 : i32 to vector<16xi32>
        %add3A_496 = arith.addi %iota3A, %add3A_495 : vector<16xi32>
        %eq3A_497 = arith.cmpi eq, %add3A_496, %get3A_96 : vector<16xi32>
        %select_n3A_498 = arith.select %eq3A_497, %get3A_491, %select_n3A_487 : vector<16xi1>, vector<16xf32>
        %get3A_499 = arith.index_cast %scan3A_90 : i32 to index
        %get3A_500 = arith.constant 576 : index
        %get3A_501 = tpu.vector_load %arg9[%get3A_499, %get3A_500] {strides = array<i32>} : memref<32x1000xf32, #tpu.memory_space<vmem>>, vector<1x16xf32>,
        %get3A_502 = vector.shape_cast %get3A_501 : vector<1x16xf32> to vector<16xf32>
        %exp3A_503 = math.exp %get3A_502 : vector<16xf32>
        %add3A_504 = arith.addf %add3A_460, %exp3A_503 : vector<16xf32>
        %add3A_505 = arith.constant 576 : i32
        %add3A_506 = vector.broadcast %add3A_505 : i32 to vector<16xi32>
        %add3A_507 = arith.addi %iota3A, %add3A_506 : vector<16xi32>
        %eq3A_508 = arith.cmpi eq, %add3A_507, %get3A_96 : vector<16xi32>
        %select_n3A_509 = arith.select %eq3A_508, %get3A_502, %select_n3A_498 : vector<16xi1>, vector<16xf32>
        %get3A_510 = arith.index_cast %scan3A_90 : i32 to index
        %get3A_511 = arith.constant 592 : index
        %get3A_512 = tpu.vector_load %arg9[%get3A_510, %get3A_511] {strides = array<i32>} : memref<32x1000xf32, #tpu.memory_space<vmem>>, vector<1x16xf32>,
        %get3A_513 = vector.shape_cast %get3A_512 : vector<1x16xf32> to vector<16xf32>
        %exp3A_514 = math.exp %get3A_513 : vector<16xf32>
        %add3A_515 = arith.addf %add3A_471, %exp3A_514 : vector<16xf32>
        %add3A_516 = arith.constant 592 : i32
        %add3A_517 = vector.broadcast %add3A_516 : i32 to vector<16xi32>
        %add3A_518 = arith.addi %iota3A, %add3A_517 : vector<16xi32>
        %eq3A_519 = arith.cmpi eq, %add3A_518, %get3A_96 : vector<16xi32>
        %select_n3A_520 = arith.select %eq3A_519, %get3A_513, %select_n3A_509 : vector<16xi1>, vector<16xf32>
        %get3A_521 = arith.index_cast %scan3A_90 : i32 to index
        %get3A_522 = arith.constant 608 : index
        %get3A_523 = tpu.vector_load %arg9[%get3A_521, %get3A_522] {strides = array<i32>} : memref<32x1000xf32, #tpu.memory_space<vmem>>, vector<1x16xf32>,
        %get3A_524 = vector.shape_cast %get3A_523 : vector<1x16xf32> to vector<16xf32>
        %exp3A_525 = math.exp %get3A_524 : vector<16xf32>
        %add3A_526 = arith.addf %add3A_482, %exp3A_525 : vector<16xf32>
        %add3A_527 = arith.constant 608 : i32
        %add3A_528 = vector.broadcast %add3A_527 : i32 to vector<16xi32>
        %add3A_529 = arith.addi %iota3A, %add3A_528 : vector<16xi32>
        %eq3A_530 = arith.cmpi eq, %add3A_529, %get3A_96 : vector<16xi32>
        %select_n3A_531 = arith.select %eq3A_530, %get3A_524, %select_n3A_520 : vector<16xi1>, vector<16xf32>
        %get3A_532 = arith.index_cast %scan3A_90 : i32 to index
        %get3A_533 = arith.constant 624 : index
        %get3A_534 = tpu.vector_load %arg9[%get3A_532, %get3A_533] {strides = array<i32>} : memref<32x1000xf32, #tpu.memory_space<vmem>>, vector<1x16xf32>,
        %get3A_535 = vector.shape_cast %get3A_534 : vector<1x16xf32> to vector<16xf32>
        %exp3A_536 = math.exp %get3A_535 : vector<16xf32>
        %add3A_537 = arith.addf %add3A_493, %exp3A_536 : vector<16xf32>
        %add3A_538 = arith.constant 624 : i32
        %add3A_539 = vector.broadcast %add3A_538 : i32 to vector<16xi32>
        %add3A_540 = arith.addi %iota3A, %add3A_539 : vector<16xi32>
        %eq3A_541 = arith.cmpi eq, %add3A_540, %get3A_96 : vector<16xi32>
        %select_n3A_542 = arith.select %eq3A_541, %get3A_535, %select_n3A_531 : vector<16xi1>, vector<16xf32>
        %get3A_543 = arith.index_cast %scan3A_90 : i32 to index
        %get3A_544 = arith.constant 640 : index
        %get3A_545 = tpu.vector_load %arg9[%get3A_543, %get3A_544] {strides = array<i32>} : memref<32x1000xf32, #tpu.memory_space<vmem>>, vector<1x16xf32>,
        %get3A_546 = vector.shape_cast %get3A_545 : vector<1x16xf32> to vector<16xf32>
        %exp3A_547 = math.exp %get3A_546 : vector<16xf32>
        %add3A_548 = arith.addf %add3A_504, %exp3A_547 : vector<16xf32>
        %add3A_549 = arith.constant 640 : i32
        %add3A_550 = vector.broadcast %add3A_549 : i32 to vector<16xi32>
        %add3A_551 = arith.addi %iota3A, %add3A_550 : vector<16xi32>
        %eq3A_552 = arith.cmpi eq, %add3A_551, %get3A_96 : vector<16xi32>
        %select_n3A_553 = arith.select %eq3A_552, %get3A_546, %select_n3A_542 : vector<16xi1>, vector<16xf32>
        %get3A_554 = arith.index_cast %scan3A_90 : i32 to index
        %get3A_555 = arith.constant 656 : index
        %get3A_556 = tpu.vector_load %arg9[%get3A_554, %get3A_555] {strides = array<i32>} : memref<32x1000xf32, #tpu.memory_space<vmem>>, vector<1x16xf32>,
        %get3A_557 = vector.shape_cast %get3A_556 : vector<1x16xf32> to vector<16xf32>
        %exp3A_558 = math.exp %get3A_557 : vector<16xf32>
        %add3A_559 = arith.addf %add3A_515, %exp3A_558 : vector<16xf32>
        %add3A_560 = arith.constant 656 : i32
        %add3A_561 = vector.broadcast %add3A_560 : i32 to vector<16xi32>
        %add3A_562 = arith.addi %iota3A, %add3A_561 : vector<16xi32>
        %eq3A_563 = arith.cmpi eq, %add3A_562, %get3A_96 : vector<16xi32>
        %select_n3A_564 = arith.select %eq3A_563, %get3A_557, %select_n3A_553 : vector<16xi1>, vector<16xf32>
        %get3A_565 = arith.index_cast %scan3A_90 : i32 to index
        %get3A_566 = arith.constant 672 : index
        %get3A_567 = tpu.vector_load %arg9[%get3A_565, %get3A_566] {strides = array<i32>} : memref<32x1000xf32, #tpu.memory_space<vmem>>, vector<1x16xf32>,
        %get3A_568 = vector.shape_cast %get3A_567 : vector<1x16xf32> to vector<16xf32>
        %exp3A_569 = math.exp %get3A_568 : vector<16xf32>
        %add3A_570 = arith.addf %add3A_526, %exp3A_569 : vector<16xf32>
        %add3A_571 = arith.constant 672 : i32
        %add3A_572 = vector.broadcast %add3A_571 : i32 to vector<16xi32>
        %add3A_573 = arith.addi %iota3A, %add3A_572 : vector<16xi32>
        %eq3A_574 = arith.cmpi eq, %add3A_573, %get3A_96 : vector<16xi32>
        %select_n3A_575 = arith.select %eq3A_574, %get3A_568, %select_n3A_564 : vector<16xi1>, vector<16xf32>
        %get3A_576 = arith.index_cast %scan3A_90 : i32 to index
        %get3A_577 = arith.constant 688 : index
        %get3A_578 = tpu.vector_load %arg9[%get3A_576, %get3A_577] {strides = array<i32>} : memref<32x1000xf32, #tpu.memory_space<vmem>>, vector<1x16xf32>,
        %get3A_579 = vector.shape_cast %get3A_578 : vector<1x16xf32> to vector<16xf32>
        %exp3A_580 = math.exp %get3A_579 : vector<16xf32>
        %add3A_581 = arith.addf %add3A_537, %exp3A_580 : vector<16xf32>
        %add3A_582 = arith.constant 688 : i32
        %add3A_583 = vector.broadcast %add3A_582 : i32 to vector<16xi32>
        %add3A_584 = arith.addi %iota3A, %add3A_583 : vector<16xi32>
        %eq3A_585 = arith.cmpi eq, %add3A_584, %get3A_96 : vector<16xi32>
        %select_n3A_586 = arith.select %eq3A_585, %get3A_579, %select_n3A_575 : vector<16xi1>, vector<16xf32>
        %get3A_587 = arith.index_cast %scan3A_90 : i32 to index
        %get3A_588 = arith.constant 704 : index
        %get3A_589 = tpu.vector_load %arg9[%get3A_587, %get3A_588] {strides = array<i32>} : memref<32x1000xf32, #tpu.memory_space<vmem>>, vector<1x16xf32>,
        %get3A_590 = vector.shape_cast %get3A_589 : vector<1x16xf32> to vector<16xf32>
        %exp3A_591 = math.exp %get3A_590 : vector<16xf32>
        %add3A_592 = arith.addf %add3A_548, %exp3A_591 : vector<16xf32>
        %add3A_593 = arith.constant 704 : i32
        %add3A_594 = vector.broadcast %add3A_593 : i32 to vector<16xi32>
        %add3A_595 = arith.addi %iota3A, %add3A_594 : vector<16xi32>
        %eq3A_596 = arith.cmpi eq, %add3A_595, %get3A_96 : vector<16xi32>
        %select_n3A_597 = arith.select %eq3A_596, %get3A_590, %select_n3A_586 : vector<16xi1>, vector<16xf32>
        %get3A_598 = arith.index_cast %scan3A_90 : i32 to index
        %get3A_599 = arith.constant 720 : index
        %get3A_600 = tpu.vector_load %arg9[%get3A_598, %get3A_599] {strides = array<i32>} : memref<32x1000xf32, #tpu.memory_space<vmem>>, vector<1x16xf32>,
        %get3A_601 = vector.shape_cast %get3A_600 : vector<1x16xf32> to vector<16xf32>
        %exp3A_602 = math.exp %get3A_601 : vector<16xf32>
        %add3A_603 = arith.addf %add3A_559, %exp3A_602 : vector<16xf32>
        %add3A_604 = arith.constant 720 : i32
        %add3A_605 = vector.broadcast %add3A_604 : i32 to vector<16xi32>
        %add3A_606 = arith.addi %iota3A, %add3A_605 : vector<16xi32>
        %eq3A_607 = arith.cmpi eq, %add3A_606, %get3A_96 : vector<16xi32>
        %select_n3A_608 = arith.select %eq3A_607, %get3A_601, %select_n3A_597 : vector<16xi1>, vector<16xf32>
        %get3A_609 = arith.index_cast %scan3A_90 : i32 to index
        %get3A_610 = arith.constant 736 : index
        %get3A_611 = tpu.vector_load %arg9[%get3A_609, %get3A_610] {strides = array<i32>} : memref<32x1000xf32, #tpu.memory_space<vmem>>, vector<1x16xf32>,
        %get3A_612 = vector.shape_cast %get3A_611 : vector<1x16xf32> to vector<16xf32>
        %exp3A_613 = math.exp %get3A_612 : vector<16xf32>
        %add3A_614 = arith.addf %add3A_570, %exp3A_613 : vector<16xf32>
        %add3A_615 = arith.constant 736 : i32
        %add3A_616 = vector.broadcast %add3A_615 : i32 to vector<16xi32>
        %add3A_617 = arith.addi %iota3A, %add3A_616 : vector<16xi32>
        %eq3A_618 = arith.cmpi eq, %add3A_617, %get3A_96 : vector<16xi32>
        %select_n3A_619 = arith.select %eq3A_618, %get3A_612, %select_n3A_608 : vector<16xi1>, vector<16xf32>
        %get3A_620 = arith.index_cast %scan3A_90 : i32 to index
        %get3A_621 = arith.constant 752 : index
        %get3A_622 = tpu.vector_load %arg9[%get3A_620, %get3A_621] {strides = array<i32>} : memref<32x1000xf32, #tpu.memory_space<vmem>>, vector<1x16xf32>,
        %get3A_623 = vector.shape_cast %get3A_622 : vector<1x16xf32> to vector<16xf32>
        %exp3A_624 = math.exp %get3A_623 : vector<16xf32>
        %add3A_625 = arith.addf %add3A_581, %exp3A_624 : vector<16xf32>
        %add3A_626 = arith.constant 752 : i32
        %add3A_627 = vector.broadcast %add3A_626 : i32 to vector<16xi32>
        %add3A_628 = arith.addi %iota3A, %add3A_627 : vector<16xi32>
        %eq3A_629 = arith.cmpi eq, %add3A_628, %get3A_96 : vector<16xi32>
        %select_n3A_630 = arith.select %eq3A_629, %get3A_623, %select_n3A_619 : vector<16xi1>, vector<16xf32>
        %get3A_631 = arith.index_cast %scan3A_90 : i32 to index
        %get3A_632 = arith.constant 768 : index
        %get3A_633 = tpu.vector_load %arg9[%get3A_631, %get3A_632] {strides = array<i32>} : memref<32x1000xf32, #tpu.memory_space<vmem>>, vector<1x16xf32>,
        %get3A_634 = vector.shape_cast %get3A_633 : vector<1x16xf32> to vector<16xf32>
        %exp3A_635 = math.exp %get3A_634 : vector<16xf32>
        %add3A_636 = arith.addf %add3A_592, %exp3A_635 : vector<16xf32>
        %add3A_637 = arith.constant 768 : i32
        %add3A_638 = vector.broadcast %add3A_637 : i32 to vector<16xi32>
        %add3A_639 = arith.addi %iota3A, %add3A_638 : vector<16xi32>
        %eq3A_640 = arith.cmpi eq, %add3A_639, %get3A_96 : vector<16xi32>
        %select_n3A_641 = arith.select %eq3A_640, %get3A_634, %select_n3A_630 : vector<16xi1>, vector<16xf32>
        %get3A_642 = arith.index_cast %scan3A_90 : i32 to index
        %get3A_643 = arith.constant 784 : index
        %get3A_644 = tpu.vector_load %arg9[%get3A_642, %get3A_643] {strides = array<i32>} : memref<32x1000xf32, #tpu.memory_space<vmem>>, vector<1x16xf32>,
        %get3A_645 = vector.shape_cast %get3A_644 : vector<1x16xf32> to vector<16xf32>
        %exp3A_646 = math.exp %get3A_645 : vector<16xf32>
        %add3A_647 = arith.addf %add3A_603, %exp3A_646 : vector<16xf32>
        %add3A_648 = arith.constant 784 : i32
        %add3A_649 = vector.broadcast %add3A_648 : i32 to vector<16xi32>
        %add3A_650 = arith.addi %iota3A, %add3A_649 : vector<16xi32>
        %eq3A_651 = arith.cmpi eq, %add3A_650, %get3A_96 : vector<16xi32>
        %select_n3A_652 = arith.select %eq3A_651, %get3A_645, %select_n3A_641 : vector<16xi1>, vector<16xf32>
        %get3A_653 = arith.index_cast %scan3A_90 : i32 to index
        %get3A_654 = arith.constant 800 : index
        %get3A_655 = tpu.vector_load %arg9[%get3A_653, %get3A_654] {strides = array<i32>} : memref<32x1000xf32, #tpu.memory_space<vmem>>, vector<1x16xf32>,
        %get3A_656 = vector.shape_cast %get3A_655 : vector<1x16xf32> to vector<16xf32>
        %exp3A_657 = math.exp %get3A_656 : vector<16xf32>
        %add3A_658 = arith.addf %add3A_614, %exp3A_657 : vector<16xf32>
        %add3A_659 = arith.constant 800 : i32
        %add3A_660 = vector.broadcast %add3A_659 : i32 to vector<16xi32>
        %add3A_661 = arith.addi %iota3A, %add3A_660 : vector<16xi32>
        %eq3A_662 = arith.cmpi eq, %add3A_661, %get3A_96 : vector<16xi32>
        %select_n3A_663 = arith.select %eq3A_662, %get3A_656, %select_n3A_652 : vector<16xi1>, vector<16xf32>
        %get3A_664 = arith.index_cast %scan3A_90 : i32 to index
        %get3A_665 = arith.constant 816 : index
        %get3A_666 = tpu.vector_load %arg9[%get3A_664, %get3A_665] {strides = array<i32>} : memref<32x1000xf32, #tpu.memory_space<vmem>>, vector<1x16xf32>,
        %get3A_667 = vector.shape_cast %get3A_666 : vector<1x16xf32> to vector<16xf32>
        %exp3A_668 = math.exp %get3A_667 : vector<16xf32>
        %add3A_669 = arith.addf %add3A_625, %exp3A_668 : vector<16xf32>
        %add3A_670 = arith.constant 816 : i32
        %add3A_671 = vector.broadcast %add3A_670 : i32 to vector<16xi32>
        %add3A_672 = arith.addi %iota3A, %add3A_671 : vector<16xi32>
        %eq3A_673 = arith.cmpi eq, %add3A_672, %get3A_96 : vector<16xi32>
        %select_n3A_674 = arith.select %eq3A_673, %get3A_667, %select_n3A_663 : vector<16xi1>, vector<16xf32>
        %get3A_675 = arith.index_cast %scan3A_90 : i32 to index
        %get3A_676 = arith.constant 832 : index
        %get3A_677 = tpu.vector_load %arg9[%get3A_675, %get3A_676] {strides = array<i32>} : memref<32x1000xf32, #tpu.memory_space<vmem>>, vector<1x16xf32>,
        %get3A_678 = vector.shape_cast %get3A_677 : vector<1x16xf32> to vector<16xf32>
        %exp3A_679 = math.exp %get3A_678 : vector<16xf32>
        %add3A_680 = arith.addf %add3A_636, %exp3A_679 : vector<16xf32>
        %add3A_681 = arith.constant 832 : i32
        %add3A_682 = vector.broadcast %add3A_681 : i32 to vector<16xi32>
        %add3A_683 = arith.addi %iota3A, %add3A_682 : vector<16xi32>
        %eq3A_684 = arith.cmpi eq, %add3A_683, %get3A_96 : vector<16xi32>
        %select_n3A_685 = arith.select %eq3A_684, %get3A_678, %select_n3A_674 : vector<16xi1>, vector<16xf32>
        %get3A_686 = arith.index_cast %scan3A_90 : i32 to index
        %get3A_687 = arith.constant 848 : index
        %get3A_688 = tpu.vector_load %arg9[%get3A_686, %get3A_687] {strides = array<i32>} : memref<32x1000xf32, #tpu.memory_space<vmem>>, vector<1x16xf32>,
        %get3A_689 = vector.shape_cast %get3A_688 : vector<1x16xf32> to vector<16xf32>
        %exp3A_690 = math.exp %get3A_689 : vector<16xf32>
        %add3A_691 = arith.addf %add3A_647, %exp3A_690 : vector<16xf32>
        %add3A_692 = arith.constant 848 : i32
        %add3A_693 = vector.broadcast %add3A_692 : i32 to vector<16xi32>
        %add3A_694 = arith.addi %iota3A, %add3A_693 : vector<16xi32>
        %eq3A_695 = arith.cmpi eq, %add3A_694, %get3A_96 : vector<16xi32>
        %select_n3A_696 = arith.select %eq3A_695, %get3A_689, %select_n3A_685 : vector<16xi1>, vector<16xf32>
        %get3A_697 = arith.index_cast %scan3A_90 : i32 to index
        %get3A_698 = arith.constant 864 : index
        %get3A_699 = tpu.vector_load %arg9[%get3A_697, %get3A_698] {strides = array<i32>} : memref<32x1000xf32, #tpu.memory_space<vmem>>, vector<1x16xf32>,
        %get3A_700 = vector.shape_cast %get3A_699 : vector<1x16xf32> to vector<16xf32>
        %exp3A_701 = math.exp %get3A_700 : vector<16xf32>
        %add3A_702 = arith.addf %add3A_658, %exp3A_701 : vector<16xf32>
        %add3A_703 = arith.constant 864 : i32
        %add3A_704 = vector.broadcast %add3A_703 : i32 to vector<16xi32>
        %add3A_705 = arith.addi %iota3A, %add3A_704 : vector<16xi32>
        %eq3A_706 = arith.cmpi eq, %add3A_705, %get3A_96 : vector<16xi32>
        %select_n3A_707 = arith.select %eq3A_706, %get3A_700, %select_n3A_696 : vector<16xi1>, vector<16xf32>
        %get3A_708 = arith.index_cast %scan3A_90 : i32 to index
        %get3A_709 = arith.constant 880 : index
        %get3A_710 = tpu.vector_load %arg9[%get3A_708, %get3A_709] {strides = array<i32>} : memref<32x1000xf32, #tpu.memory_space<vmem>>, vector<1x16xf32>,
        %get3A_711 = vector.shape_cast %get3A_710 : vector<1x16xf32> to vector<16xf32>
        %exp3A_712 = math.exp %get3A_711 : vector<16xf32>
        %add3A_713 = arith.addf %add3A_669, %exp3A_712 : vector<16xf32>
        %add3A_714 = arith.constant 880 : i32
        %add3A_715 = vector.broadcast %add3A_714 : i32 to vector<16xi32>
        %add3A_716 = arith.addi %iota3A, %add3A_715 : vector<16xi32>
        %eq3A_717 = arith.cmpi eq, %add3A_716, %get3A_96 : vector<16xi32>
        %select_n3A_718 = arith.select %eq3A_717, %get3A_711, %select_n3A_707 : vector<16xi1>, vector<16xf32>
        %get3A_719 = arith.index_cast %scan3A_90 : i32 to index
        %get3A_720 = arith.constant 896 : index
        %get3A_721 = tpu.vector_load %arg9[%get3A_719, %get3A_720] {strides = array<i32>} : memref<32x1000xf32, #tpu.memory_space<vmem>>, vector<1x16xf32>,
        %get3A_722 = vector.shape_cast %get3A_721 : vector<1x16xf32> to vector<16xf32>
        %exp3A_723 = math.exp %get3A_722 : vector<16xf32>
        %add3A_724 = arith.addf %add3A_680, %exp3A_723 : vector<16xf32>
        %add3A_725 = arith.constant 896 : i32
        %add3A_726 = vector.broadcast %add3A_725 : i32 to vector<16xi32>
        %add3A_727 = arith.addi %iota3A, %add3A_726 : vector<16xi32>
        %eq3A_728 = arith.cmpi eq, %add3A_727, %get3A_96 : vector<16xi32>
        %select_n3A_729 = arith.select %eq3A_728, %get3A_722, %select_n3A_718 : vector<16xi1>, vector<16xf32>
        %get3A_730 = arith.index_cast %scan3A_90 : i32 to index
        %get3A_731 = arith.constant 912 : index
        %get3A_732 = tpu.vector_load %arg9[%get3A_730, %get3A_731] {strides = array<i32>} : memref<32x1000xf32, #tpu.memory_space<vmem>>, vector<1x16xf32>,
        %get3A_733 = vector.shape_cast %get3A_732 : vector<1x16xf32> to vector<16xf32>
        %exp3A_734 = math.exp %get3A_733 : vector<16xf32>
        %add3A_735 = arith.addf %add3A_691, %exp3A_734 : vector<16xf32>
        %add3A_736 = arith.constant 912 : i32
        %add3A_737 = vector.broadcast %add3A_736 : i32 to vector<16xi32>
        %add3A_738 = arith.addi %iota3A, %add3A_737 : vector<16xi32>
        %eq3A_739 = arith.cmpi eq, %add3A_738, %get3A_96 : vector<16xi32>
        %select_n3A_740 = arith.select %eq3A_739, %get3A_733, %select_n3A_729 : vector<16xi1>, vector<16xf32>
        %get3A_741 = arith.index_cast %scan3A_90 : i32 to index
        %get3A_742 = arith.constant 928 : index
        %get3A_743 = tpu.vector_load %arg9[%get3A_741, %get3A_742] {strides = array<i32>} : memref<32x1000xf32, #tpu.memory_space<vmem>>, vector<1x16xf32>,
        %get3A_744 = vector.shape_cast %get3A_743 : vector<1x16xf32> to vector<16xf32>
        %exp3A_745 = math.exp %get3A_744 : vector<16xf32>
        %add3A_746 = arith.addf %add3A_702, %exp3A_745 : vector<16xf32>
        %add3A_747 = arith.constant 928 : i32
        %add3A_748 = vector.broadcast %add3A_747 : i32 to vector<16xi32>
        %add3A_749 = arith.addi %iota3A, %add3A_748 : vector<16xi32>
        %eq3A_750 = arith.cmpi eq, %add3A_749, %get3A_96 : vector<16xi32>
        %select_n3A_751 = arith.select %eq3A_750, %get3A_744, %select_n3A_740 : vector<16xi1>, vector<16xf32>
        %get3A_752 = arith.index_cast %scan3A_90 : i32 to index
        %get3A_753 = arith.constant 944 : index
        %get3A_754 = tpu.vector_load %arg9[%get3A_752, %get3A_753] {strides = array<i32>} : memref<32x1000xf32, #tpu.memory_space<vmem>>, vector<1x16xf32>,
        %get3A_755 = vector.shape_cast %get3A_754 : vector<1x16xf32> to vector<16xf32>
        %exp3A_756 = math.exp %get3A_755 : vector<16xf32>
        %add3A_757 = arith.addf %add3A_713, %exp3A_756 : vector<16xf32>
        %add3A_758 = arith.constant 944 : i32
        %add3A_759 = vector.broadcast %add3A_758 : i32 to vector<16xi32>
        %add3A_760 = arith.addi %iota3A, %add3A_759 : vector<16xi32>
        %eq3A_761 = arith.cmpi eq, %add3A_760, %get3A_96 : vector<16xi32>
        %select_n3A_762 = arith.select %eq3A_761, %get3A_755, %select_n3A_751 : vector<16xi1>, vector<16xf32>
        %get3A_763 = arith.index_cast %scan3A_90 : i32 to index
        %get3A_764 = arith.constant 960 : index
        %get3A_765 = tpu.vector_load %arg9[%get3A_763, %get3A_764] {strides = array<i32>} : memref<32x1000xf32, #tpu.memory_space<vmem>>, vector<1x16xf32>,
        %get3A_766 = vector.shape_cast %get3A_765 : vector<1x16xf32> to vector<16xf32>
        %exp3A_767 = math.exp %get3A_766 : vector<16xf32>
        %add3A_768 = arith.addf %add3A_724, %exp3A_767 : vector<16xf32>
        %add3A_769 = arith.constant 960 : i32
        %add3A_770 = vector.broadcast %add3A_769 : i32 to vector<16xi32>
        %add3A_771 = arith.addi %iota3A, %add3A_770 : vector<16xi32>
        %eq3A_772 = arith.cmpi eq, %add3A_771, %get3A_96 : vector<16xi32>
        %select_n3A_773 = arith.select %eq3A_772, %get3A_766, %select_n3A_762 : vector<16xi1>, vector<16xf32>
        %get3A_774 = arith.index_cast %scan3A_90 : i32 to index
        %get3A_775 = arith.constant 976 : index
        %get3A_776 = tpu.vector_load %arg9[%get3A_774, %get3A_775] {strides = array<i32>} : memref<32x1000xf32, #tpu.memory_space<vmem>>, vector<1x16xf32>,
        %get3A_777 = vector.shape_cast %get3A_776 : vector<1x16xf32> to vector<16xf32>
        %exp3A_778 = math.exp %get3A_777 : vector<16xf32>
        %add3A_779 = arith.addf %add3A_735, %exp3A_778 : vector<16xf32>
        %add3A_780 = arith.constant 976 : i32
        %add3A_781 = vector.broadcast %add3A_780 : i32 to vector<16xi32>
        %add3A_782 = arith.addi %iota3A, %add3A_781 : vector<16xi32>
        %eq3A_783 = arith.cmpi eq, %add3A_782, %get3A_96 : vector<16xi32>
        %select_n3A_784 = arith.select %eq3A_783, %get3A_777, %select_n3A_773 : vector<16xi1>, vector<16xf32>
        %get3A_785 = arith.index_cast %scan3A_90 : i32 to index
        %get3A_786 = arith.constant 984 : index
        %get3A_787 = tpu.vector_load %arg9[%get3A_785, %get3A_786] {strides = array<i32>} : memref<32x1000xf32, #tpu.memory_space<vmem>>, vector<1x16xf32>,
        %get3A_788 = vector.shape_cast %get3A_787 : vector<1x16xf32> to vector<16xf32>
        %ge3A = arith.constant 8 : i32
        %ge3A_789 = vector.broadcast %ge3A : i32 to vector<16xi32>
        %ge3A_790 = arith.cmpi sge, %iota3A, %ge3A_789 : vector<16xi32>
        %exp3A_791 = math.exp %get3A_788 : vector<16xf32>
        %jit3A = arith.constant 0.000000e+00 : f32
        %broadcast_in_dim3A_792 = vector.broadcast %jit3A : f32 to vector<16xf32>
        %select_n3A_793 = arith.select %ge3A_790, %exp3A_791, %broadcast_in_dim3A_792 : vector<16xi1>, vector<16xf32>
        %add3A_794 = arith.addf %add3A_757, %select_n3A_793 : vector<16xf32>
        %add3A_795 = arith.constant 984 : i32
        %add3A_796 = vector.broadcast %add3A_795 : i32 to vector<16xi32>
        %add3A_797 = arith.addi %iota3A, %add3A_796 : vector<16xi32>
        %eq3A_798 = arith.cmpi eq, %add3A_797, %get3A_96 : vector<16xi32>
        %select_n3A_799 = arith.select %eq3A_798, %get3A_788, %select_n3A_784 : vector<16xi1>, vector<16xf32>
        %add3A_800 = arith.addf %add3A_768, %add3A_779 : vector<16xf32>
        %add3A_801 = arith.addf %add3A_746, %add3A_794 : vector<16xf32>
        %add3A_802 = arith.addf %add3A_800, %add3A_801 : vector<16xf32>
        %swap3A = arith.index_cast %scan3A_90 : i32 to index
        %swap3A_803 = arith.constant 0 : index
        %swap3A_804 = tpu.vector_load %arg12[%swap3A, %swap3A_803] {strides = array<i32>} : memref<32x16xf32, #tpu.memory_space<vmem>>, vector<1x16xf32>,
        %swap3A_805 = vector.shape_cast %swap3A_804 : vector<1x16xf32> to vector<16xf32>
        %swap3A_806 = vector.shape_cast %add3A_802 : vector<16xf32> to vector<1x16xf32>
        tpu.vector_store %arg12[%swap3A, %swap3A_803], %swap3A_806 {strides = array<i32>} : memref<32x16xf32, #tpu.memory_space<vmem>>, vector<1x16xf32>,
        %swap3A_807 = arith.index_cast %scan3A_90 : i32 to index
        %swap3A_808 = arith.constant 0 : index
        %swap3A_809 = tpu.vector_load %arg13[%swap3A_807, %swap3A_808] {strides = array<i32>} : memref<32x16xf32, #tpu.memory_space<vmem>>, vector<1x16xf32>,
        %swap3A_810 = vector.shape_cast %swap3A_809 : vector<1x16xf32> to vector<16xf32>
        %swap3A_811 = vector.shape_cast %select_n3A_799 : vector<16xf32> to vector<1x16xf32>
        tpu.vector_store %arg13[%swap3A_807, %swap3A_808], %swap3A_811 {strides = array<i32>} : memref<32x16xf32, #tpu.memory_space<vmem>>, vector<1x16xf32>,
      }
      %scan3A_58 = arith.constant 32 : i32
      %mul3A_59 = arith.constant 32 : i32
      %mul3A_60 = arith.muli %mul3A_31, %mul3A_59 : i32
      %add3A_61 = arith.addi %mul3A_2, %mul3A_60 : i32
      "tpu.region"() ({
        %run_scoped3A = tpu.sem_alloc : memref<!tpu.dma_semaphore, #tpu.memory_space<semaphore_mem>>
        %dma_start3A_90 = arith.constant 0 : i32
        %dma_start3A_91 = tpu.memref_slice %arg5[%add3A_61, %dma_start3A_90] : memref<4096x16xf32, #tpu.memory_space<hbm>> -> memref<32x16xf32, #tpu.memory_space<hbm>>
        %dma_start3A_92 = arith.constant 0 : i32
        %dma_start3A_93 = tpu.memref_slice %arg5[%add3A_61, %dma_start3A_92] : memref<4096x16xf32, #tpu.memory_space<hbm>> -> memref<32x16xf32, #tpu.memory_space<hbm>>
        tpu.enqueue_dma source(%arg12 : memref<32x16xf32, #tpu.memory_space<vmem>>) target(%dma_start3A_93 : memref<32x16xf32, #tpu.memory_space<hbm>>) target_semaphore(%run_scoped3A : memref<!tpu.dma_semaphore, #tpu.memory_space<semaphore_mem>>)
        %dma_wait3A_94 = arith.constant 0 : i32
        %dma_wait3A_95 = tpu.memref_slice %arg5[%add3A_61, %dma_wait3A_94] : memref<4096x16xf32, #tpu.memory_space<hbm>> -> memref<32x16xf32, #tpu.memory_space<hbm>>
        %dma_wait3A_96 = arith.constant 0 : i32
        %dma_wait3A_97 = tpu.memref_slice %arg5[%add3A_61, %dma_wait3A_96] : memref<4096x16xf32, #tpu.memory_space<hbm>> -> memref<32x16xf32, #tpu.memory_space<hbm>>
        tpu.wait_dma2 semaphore(%run_scoped3A : memref<!tpu.dma_semaphore, #tpu.memory_space<semaphore_mem>>) src(%arg12 : memref<32x16xf32, #tpu.memory_space<vmem>>) dst(%dma_wait3A_97 : memref<32x16xf32, #tpu.memory_space<hbm>>)
        tpu.yield
      }) : () -> ()
      %mul3A_62 = arith.constant 32 : i32
      %mul3A_63 = arith.muli %mul3A_31, %mul3A_62 : i32
      %add3A_64 = arith.addi %mul3A_2, %mul3A_63 : i32
      "tpu.region"() ({
        %run_scoped3A = tpu.sem_alloc : memref<!tpu.dma_semaphore, #tpu.memory_space<semaphore_mem>>
        %dma_start3A_90 = arith.constant 0 : i32
        %dma_start3A_91 = tpu.memref_slice %arg6[%add3A_64, %dma_start3A_90] : memref<4096x16xf32, #tpu.memory_space<hbm>> -> memref<32x16xf32, #tpu.memory_space<hbm>>
        %dma_start3A_92 = arith.constant 0 : i32
        %dma_start3A_93 = tpu.memref_slice %arg6[%add3A_64, %dma_start3A_92] : memref<4096x16xf32, #tpu.memory_space<hbm>> -> memref<32x16xf32, #tpu.memory_space<hbm>>
        tpu.enqueue_dma source(%arg13 : memref<32x16xf32, #tpu.memory_space<vmem>>) target(%dma_start3A_93 : memref<32x16xf32, #tpu.memory_space<hbm>>) target_semaphore(%run_scoped3A : memref<!tpu.dma_semaphore, #tpu.memory_space<semaphore_mem>>)
        %dma_wait3A_94 = arith.constant 0 : i32
        %dma_wait3A_95 = tpu.memref_slice %arg6[%add3A_64, %dma_wait3A_94] : memref<4096x16xf32, #tpu.memory_space<hbm>> -> memref<32x16xf32, #tpu.memory_space<hbm>>
        %dma_wait3A_96 = arith.constant 0 : i32
        %dma_wait3A_97 = tpu.memref_slice %arg6[%add3A_64, %dma_wait3A_96] : memref<4096x16xf32, #tpu.memory_space<hbm>> -> memref<32x16xf32, #tpu.memory_space<hbm>>
        tpu.wait_dma2 semaphore(%run_scoped3A : memref<!tpu.dma_semaphore, #tpu.memory_space<semaphore_mem>>) src(%arg13 : memref<32x16xf32, #tpu.memory_space<vmem>>) dst(%dma_wait3A_97 : memref<32x16xf32, #tpu.memory_space<hbm>>)
        tpu.yield
      }) : () -> ()
      %add3A_65 = arith.constant 2 : i32
      %add3A_66 = arith.addi %mul3A_31, %add3A_65 : i32
      %lt3A = arith.constant 4 : i32
      %lt3A_67 = arith.cmpi slt, %add3A_66, %lt3A : i32
      %convert_element_type3A = arith.extui %lt3A_67 : i1 to i32
      %cond3A = arith.constant 0 : i32
      %cond3A_68 = arith.cmpi ne, %convert_element_type3A, %cond3A : i32
      scf.if %cond3A_68 {
        %add3A_90 = arith.constant 2 : i32
        %add3A_91 = arith.addi %mul3A_31, %add3A_90 : i32
        %add3A_92 = arith.constant 12288 : i32
        %add3A_93 = arith.addi %add3A_92, %mul3A_2 : i32
        %mul3A_94 = arith.constant 32 : i32
        %mul3A_95 = arith.muli %add3A_91, %mul3A_94 : i32
        %add3A_96 = arith.addi %add3A_93, %mul3A_95 : i32
        %dma_start3A_97 = arith.constant 0 : i32
        %dma_start3A_98 = tpu.memref_slice %arg2[%add3A_96, %dma_start3A_97] : memref<16384x1000xf32, #tpu.memory_space<hbm>> -> memref<32x1000xf32, #tpu.memory_space<hbm>>
        %dma_start3A_99 = arith.constant 0 : i32
        %dma_start3A_100 = tpu.memref_slice %arg2[%add3A_96, %dma_start3A_99] : memref<16384x1000xf32, #tpu.memory_space<hbm>> -> memref<32x1000xf32, #tpu.memory_space<hbm>>
        tpu.enqueue_dma source(%dma_start3A_100 : memref<32x1000xf32, #tpu.memory_space<hbm>>) target(%arg9 : memref<32x1000xf32, #tpu.memory_space<vmem>>) target_semaphore(%arg14 : memref<!tpu.dma_semaphore, #tpu.memory_space<semaphore_mem>>)
      } else {
      }
      %add3A_69 = arith.constant 12288 : i32
      %add3A_70 = arith.addi %add3A_69, %mul3A_2 : i32
      %mul3A_71 = arith.constant 32 : i32
      %mul3A_72 = arith.muli %add3A_35, %mul3A_71 : i32
      %add3A_73 = arith.addi %add3A_70, %mul3A_72 : i32
      %dma_wait3A_74 = arith.constant 0 : i32
      %dma_wait3A_75 = tpu.memref_slice %arg2[%add3A_73, %dma_wait3A_74] : memref<16384x1000xf32, #tpu.memory_space<hbm>> -> memref<32x1000xf32, #tpu.memory_space<hbm>>
      %dma_wait3A_76 = arith.constant 0 : i32
      %dma_wait3A_77 = tpu.memref_slice %arg2[%add3A_73, %dma_wait3A_76] : memref<16384x1000xf32, #tpu.memory_space<hbm>> -> memref<32x1000xf32, #tpu.memory_space<hbm>>
      tpu.wait_dma2 semaphore(%arg15 : memref<!tpu.dma_semaphore, #tpu.memory_space<semaphore_mem>>) src(%dma_wait3A_77 : memref<32x1000xf32, #tpu.memory_space<hbm>>) dst(%arg10 : memref<32x1000xf32, #tpu.memory_space<vmem>>)
      %scan3A_78 = arith.constant 0 : i32
      %scan3A_79 = arith.constant 0 : i32
      %scan3A_80 = arith.constant 32 : i32
      %scan3A_81 = arith.addi %scan3A_79, %scan3A_80 : i32
      %scan3A_82 = arith.constant 1 : i32
      scf.for %scan3A_90 = %scan3A_79 to %scan3A_81 step %scan3A_82  : i32 {
        %mul3A_91 = arith.constant 32 : i32
        %mul3A_92 = arith.muli %add3A_35, %mul3A_91 : i32
        %add3A_93 = arith.addi %mul3A_92, %scan3A_90 : i32
        %get3A = arith.index_cast %add3A_93 : i32 to index
        %get3A_94 = arith.constant 0 : index
        %get3A_95 = tpu.vector_load %arg11[%get3A, %get3A_94] {strides = array<i32>} : memref<128x16xi32, #tpu.memory_space<vmem>>, vector<1x16xi32>,
        %get3A_96 = vector.shape_cast %get3A_95 : vector<1x16xi32> to vector<16xi32>
        %broadcast_in_dim3A = arith.constant 0.000000e+00 : f32
        %broadcast_in_dim3A_97 = vector.broadcast %broadcast_in_dim3A : f32 to vector<16xf32>
        %broadcast_in_dim3A_98 = arith.constant 0.000000e+00 : f32
        %broadcast_in_dim3A_99 = vector.broadcast %broadcast_in_dim3A_98 : f32 to vector<16xf32>
        %broadcast_in_dim3A_100 = arith.constant 0.000000e+00 : f32
        %broadcast_in_dim3A_101 = vector.broadcast %broadcast_in_dim3A_100 : f32 to vector<16xf32>
        %broadcast_in_dim3A_102 = arith.constant 0.000000e+00 : f32
        %broadcast_in_dim3A_103 = vector.broadcast %broadcast_in_dim3A_102 : f32 to vector<16xf32>
        %broadcast_in_dim3A_104 = arith.constant 0.000000e+00 : f32
        %broadcast_in_dim3A_105 = vector.broadcast %broadcast_in_dim3A_104 : f32 to vector<16xf32>
        %get3A_106 = arith.index_cast %scan3A_90 : i32 to index
        %get3A_107 = arith.constant 0 : index
        %get3A_108 = tpu.vector_load %arg10[%get3A_106, %get3A_107] {strides = array<i32>} : memref<32x1000xf32, #tpu.memory_space<vmem>>, vector<1x16xf32>,
        %get3A_109 = vector.shape_cast %get3A_108 : vector<1x16xf32> to vector<16xf32>
        %exp3A = math.exp %get3A_109 : vector<16xf32>
        %add3A_110 = arith.addf %broadcast_in_dim3A_97, %exp3A : vector<16xf32>
        %add3A_111 = arith.constant 0 : i32
        %add3A_112 = vector.broadcast %add3A_111 : i32 to vector<16xi32>
        %add3A_113 = arith.addi %iota3A, %add3A_112 : vector<16xi32>
        %eq3A = arith.cmpi eq, %add3A_113, %get3A_96 : vector<16xi32>
        %select_n3A = arith.select %eq3A, %get3A_109, %broadcast_in_dim3A_105 : vector<16xi1>, vector<16xf32>
        %get3A_114 = arith.index_cast %scan3A_90 : i32 to index
        %get3A_115 = arith.constant 16 : index
        %get3A_116 = tpu.vector_load %arg10[%get3A_114, %get3A_115] {strides = array<i32>} : memref<32x1000xf32, #tpu.memory_space<vmem>>, vector<1x16xf32>,
        %get3A_117 = vector.shape_cast %get3A_116 : vector<1x16xf32> to vector<16xf32>
        %exp3A_118 = math.exp %get3A_117 : vector<16xf32>
        %add3A_119 = arith.addf %broadcast_in_dim3A_99, %exp3A_118 : vector<16xf32>
        %add3A_120 = arith.constant 16 : i32
        %add3A_121 = vector.broadcast %add3A_120 : i32 to vector<16xi32>
        %add3A_122 = arith.addi %iota3A, %add3A_121 : vector<16xi32>
        %eq3A_123 = arith.cmpi eq, %add3A_122, %get3A_96 : vector<16xi32>
        %select_n3A_124 = arith.select %eq3A_123, %get3A_117, %select_n3A : vector<16xi1>, vector<16xf32>
        %get3A_125 = arith.index_cast %scan3A_90 : i32 to index
        %get3A_126 = arith.constant 32 : index
        %get3A_127 = tpu.vector_load %arg10[%get3A_125, %get3A_126] {strides = array<i32>} : memref<32x1000xf32, #tpu.memory_space<vmem>>, vector<1x16xf32>,
        %get3A_128 = vector.shape_cast %get3A_127 : vector<1x16xf32> to vector<16xf32>
        %exp3A_129 = math.exp %get3A_128 : vector<16xf32>
        %add3A_130 = arith.addf %broadcast_in_dim3A_101, %exp3A_129 : vector<16xf32>
        %add3A_131 = arith.constant 32 : i32
        %add3A_132 = vector.broadcast %add3A_131 : i32 to vector<16xi32>
        %add3A_133 = arith.addi %iota3A, %add3A_132 : vector<16xi32>
        %eq3A_134 = arith.cmpi eq, %add3A_133, %get3A_96 : vector<16xi32>
        %select_n3A_135 = arith.select %eq3A_134, %get3A_128, %select_n3A_124 : vector<16xi1>, vector<16xf32>
        %get3A_136 = arith.index_cast %scan3A_90 : i32 to index
        %get3A_137 = arith.constant 48 : index
        %get3A_138 = tpu.vector_load %arg10[%get3A_136, %get3A_137] {strides = array<i32>} : memref<32x1000xf32, #tpu.memory_space<vmem>>, vector<1x16xf32>,
        %get3A_139 = vector.shape_cast %get3A_138 : vector<1x16xf32> to vector<16xf32>
        %exp3A_140 = math.exp %get3A_139 : vector<16xf32>
        %add3A_141 = arith.addf %broadcast_in_dim3A_103, %exp3A_140 : vector<16xf32>
        %add3A_142 = arith.constant 48 : i32
        %add3A_143 = vector.broadcast %add3A_142 : i32 to vector<16xi32>
        %add3A_144 = arith.addi %iota3A, %add3A_143 : vector<16xi32>
        %eq3A_145 = arith.cmpi eq, %add3A_144, %get3A_96 : vector<16xi32>
        %select_n3A_146 = arith.select %eq3A_145, %get3A_139, %select_n3A_135 : vector<16xi1>, vector<16xf32>
        %get3A_147 = arith.index_cast %scan3A_90 : i32 to index
        %get3A_148 = arith.constant 64 : index
        %get3A_149 = tpu.vector_load %arg10[%get3A_147, %get3A_148] {strides = array<i32>} : memref<32x1000xf32, #tpu.memory_space<vmem>>, vector<1x16xf32>,
        %get3A_150 = vector.shape_cast %get3A_149 : vector<1x16xf32> to vector<16xf32>
        %exp3A_151 = math.exp %get3A_150 : vector<16xf32>
        %add3A_152 = arith.addf %add3A_110, %exp3A_151 : vector<16xf32>
        %add3A_153 = arith.constant 64 : i32
        %add3A_154 = vector.broadcast %add3A_153 : i32 to vector<16xi32>
        %add3A_155 = arith.addi %iota3A, %add3A_154 : vector<16xi32>
        %eq3A_156 = arith.cmpi eq, %add3A_155, %get3A_96 : vector<16xi32>
        %select_n3A_157 = arith.select %eq3A_156, %get3A_150, %select_n3A_146 : vector<16xi1>, vector<16xf32>
        %get3A_158 = arith.index_cast %scan3A_90 : i32 to index
        %get3A_159 = arith.constant 80 : index
        %get3A_160 = tpu.vector_load %arg10[%get3A_158, %get3A_159] {strides = array<i32>} : memref<32x1000xf32, #tpu.memory_space<vmem>>, vector<1x16xf32>,
        %get3A_161 = vector.shape_cast %get3A_160 : vector<1x16xf32> to vector<16xf32>
        %exp3A_162 = math.exp %get3A_161 : vector<16xf32>
        %add3A_163 = arith.addf %add3A_119, %exp3A_162 : vector<16xf32>
        %add3A_164 = arith.constant 80 : i32
        %add3A_165 = vector.broadcast %add3A_164 : i32 to vector<16xi32>
        %add3A_166 = arith.addi %iota3A, %add3A_165 : vector<16xi32>
        %eq3A_167 = arith.cmpi eq, %add3A_166, %get3A_96 : vector<16xi32>
        %select_n3A_168 = arith.select %eq3A_167, %get3A_161, %select_n3A_157 : vector<16xi1>, vector<16xf32>
        %get3A_169 = arith.index_cast %scan3A_90 : i32 to index
        %get3A_170 = arith.constant 96 : index
        %get3A_171 = tpu.vector_load %arg10[%get3A_169, %get3A_170] {strides = array<i32>} : memref<32x1000xf32, #tpu.memory_space<vmem>>, vector<1x16xf32>,
        %get3A_172 = vector.shape_cast %get3A_171 : vector<1x16xf32> to vector<16xf32>
        %exp3A_173 = math.exp %get3A_172 : vector<16xf32>
        %add3A_174 = arith.addf %add3A_130, %exp3A_173 : vector<16xf32>
        %add3A_175 = arith.constant 96 : i32
        %add3A_176 = vector.broadcast %add3A_175 : i32 to vector<16xi32>
        %add3A_177 = arith.addi %iota3A, %add3A_176 : vector<16xi32>
        %eq3A_178 = arith.cmpi eq, %add3A_177, %get3A_96 : vector<16xi32>
        %select_n3A_179 = arith.select %eq3A_178, %get3A_172, %select_n3A_168 : vector<16xi1>, vector<16xf32>
        %get3A_180 = arith.index_cast %scan3A_90 : i32 to index
        %get3A_181 = arith.constant 112 : index
        %get3A_182 = tpu.vector_load %arg10[%get3A_180, %get3A_181] {strides = array<i32>} : memref<32x1000xf32, #tpu.memory_space<vmem>>, vector<1x16xf32>,
        %get3A_183 = vector.shape_cast %get3A_182 : vector<1x16xf32> to vector<16xf32>
        %exp3A_184 = math.exp %get3A_183 : vector<16xf32>
        %add3A_185 = arith.addf %add3A_141, %exp3A_184 : vector<16xf32>
        %add3A_186 = arith.constant 112 : i32
        %add3A_187 = vector.broadcast %add3A_186 : i32 to vector<16xi32>
        %add3A_188 = arith.addi %iota3A, %add3A_187 : vector<16xi32>
        %eq3A_189 = arith.cmpi eq, %add3A_188, %get3A_96 : vector<16xi32>
        %select_n3A_190 = arith.select %eq3A_189, %get3A_183, %select_n3A_179 : vector<16xi1>, vector<16xf32>
        %get3A_191 = arith.index_cast %scan3A_90 : i32 to index
        %get3A_192 = arith.constant 128 : index
        %get3A_193 = tpu.vector_load %arg10[%get3A_191, %get3A_192] {strides = array<i32>} : memref<32x1000xf32, #tpu.memory_space<vmem>>, vector<1x16xf32>,
        %get3A_194 = vector.shape_cast %get3A_193 : vector<1x16xf32> to vector<16xf32>
        %exp3A_195 = math.exp %get3A_194 : vector<16xf32>
        %add3A_196 = arith.addf %add3A_152, %exp3A_195 : vector<16xf32>
        %add3A_197 = arith.constant 128 : i32
        %add3A_198 = vector.broadcast %add3A_197 : i32 to vector<16xi32>
        %add3A_199 = arith.addi %iota3A, %add3A_198 : vector<16xi32>
        %eq3A_200 = arith.cmpi eq, %add3A_199, %get3A_96 : vector<16xi32>
        %select_n3A_201 = arith.select %eq3A_200, %get3A_194, %select_n3A_190 : vector<16xi1>, vector<16xf32>
        %get3A_202 = arith.index_cast %scan3A_90 : i32 to index
        %get3A_203 = arith.constant 144 : index
        %get3A_204 = tpu.vector_load %arg10[%get3A_202, %get3A_203] {strides = array<i32>} : memref<32x1000xf32, #tpu.memory_space<vmem>>, vector<1x16xf32>,
        %get3A_205 = vector.shape_cast %get3A_204 : vector<1x16xf32> to vector<16xf32>
        %exp3A_206 = math.exp %get3A_205 : vector<16xf32>
        %add3A_207 = arith.addf %add3A_163, %exp3A_206 : vector<16xf32>
        %add3A_208 = arith.constant 144 : i32
        %add3A_209 = vector.broadcast %add3A_208 : i32 to vector<16xi32>
        %add3A_210 = arith.addi %iota3A, %add3A_209 : vector<16xi32>
        %eq3A_211 = arith.cmpi eq, %add3A_210, %get3A_96 : vector<16xi32>
        %select_n3A_212 = arith.select %eq3A_211, %get3A_205, %select_n3A_201 : vector<16xi1>, vector<16xf32>
        %get3A_213 = arith.index_cast %scan3A_90 : i32 to index
        %get3A_214 = arith.constant 160 : index
        %get3A_215 = tpu.vector_load %arg10[%get3A_213, %get3A_214] {strides = array<i32>} : memref<32x1000xf32, #tpu.memory_space<vmem>>, vector<1x16xf32>,
        %get3A_216 = vector.shape_cast %get3A_215 : vector<1x16xf32> to vector<16xf32>
        %exp3A_217 = math.exp %get3A_216 : vector<16xf32>
        %add3A_218 = arith.addf %add3A_174, %exp3A_217 : vector<16xf32>
        %add3A_219 = arith.constant 160 : i32
        %add3A_220 = vector.broadcast %add3A_219 : i32 to vector<16xi32>
        %add3A_221 = arith.addi %iota3A, %add3A_220 : vector<16xi32>
        %eq3A_222 = arith.cmpi eq, %add3A_221, %get3A_96 : vector<16xi32>
        %select_n3A_223 = arith.select %eq3A_222, %get3A_216, %select_n3A_212 : vector<16xi1>, vector<16xf32>
        %get3A_224 = arith.index_cast %scan3A_90 : i32 to index
        %get3A_225 = arith.constant 176 : index
        %get3A_226 = tpu.vector_load %arg10[%get3A_224, %get3A_225] {strides = array<i32>} : memref<32x1000xf32, #tpu.memory_space<vmem>>, vector<1x16xf32>,
        %get3A_227 = vector.shape_cast %get3A_226 : vector<1x16xf32> to vector<16xf32>
        %exp3A_228 = math.exp %get3A_227 : vector<16xf32>
        %add3A_229 = arith.addf %add3A_185, %exp3A_228 : vector<16xf32>
        %add3A_230 = arith.constant 176 : i32
        %add3A_231 = vector.broadcast %add3A_230 : i32 to vector<16xi32>
        %add3A_232 = arith.addi %iota3A, %add3A_231 : vector<16xi32>
        %eq3A_233 = arith.cmpi eq, %add3A_232, %get3A_96 : vector<16xi32>
        %select_n3A_234 = arith.select %eq3A_233, %get3A_227, %select_n3A_223 : vector<16xi1>, vector<16xf32>
        %get3A_235 = arith.index_cast %scan3A_90 : i32 to index
        %get3A_236 = arith.constant 192 : index
        %get3A_237 = tpu.vector_load %arg10[%get3A_235, %get3A_236] {strides = array<i32>} : memref<32x1000xf32, #tpu.memory_space<vmem>>, vector<1x16xf32>,
        %get3A_238 = vector.shape_cast %get3A_237 : vector<1x16xf32> to vector<16xf32>
        %exp3A_239 = math.exp %get3A_238 : vector<16xf32>
        %add3A_240 = arith.addf %add3A_196, %exp3A_239 : vector<16xf32>
        %add3A_241 = arith.constant 192 : i32
        %add3A_242 = vector.broadcast %add3A_241 : i32 to vector<16xi32>
        %add3A_243 = arith.addi %iota3A, %add3A_242 : vector<16xi32>
        %eq3A_244 = arith.cmpi eq, %add3A_243, %get3A_96 : vector<16xi32>
        %select_n3A_245 = arith.select %eq3A_244, %get3A_238, %select_n3A_234 : vector<16xi1>, vector<16xf32>
        %get3A_246 = arith.index_cast %scan3A_90 : i32 to index
        %get3A_247 = arith.constant 208 : index
        %get3A_248 = tpu.vector_load %arg10[%get3A_246, %get3A_247] {strides = array<i32>} : memref<32x1000xf32, #tpu.memory_space<vmem>>, vector<1x16xf32>,
        %get3A_249 = vector.shape_cast %get3A_248 : vector<1x16xf32> to vector<16xf32>
        %exp3A_250 = math.exp %get3A_249 : vector<16xf32>
        %add3A_251 = arith.addf %add3A_207, %exp3A_250 : vector<16xf32>
        %add3A_252 = arith.constant 208 : i32
        %add3A_253 = vector.broadcast %add3A_252 : i32 to vector<16xi32>
        %add3A_254 = arith.addi %iota3A, %add3A_253 : vector<16xi32>
        %eq3A_255 = arith.cmpi eq, %add3A_254, %get3A_96 : vector<16xi32>
        %select_n3A_256 = arith.select %eq3A_255, %get3A_249, %select_n3A_245 : vector<16xi1>, vector<16xf32>
        %get3A_257 = arith.index_cast %scan3A_90 : i32 to index
        %get3A_258 = arith.constant 224 : index
        %get3A_259 = tpu.vector_load %arg10[%get3A_257, %get3A_258] {strides = array<i32>} : memref<32x1000xf32, #tpu.memory_space<vmem>>, vector<1x16xf32>,
        %get3A_260 = vector.shape_cast %get3A_259 : vector<1x16xf32> to vector<16xf32>
        %exp3A_261 = math.exp %get3A_260 : vector<16xf32>
        %add3A_262 = arith.addf %add3A_218, %exp3A_261 : vector<16xf32>
        %add3A_263 = arith.constant 224 : i32
        %add3A_264 = vector.broadcast %add3A_263 : i32 to vector<16xi32>
        %add3A_265 = arith.addi %iota3A, %add3A_264 : vector<16xi32>
        %eq3A_266 = arith.cmpi eq, %add3A_265, %get3A_96 : vector<16xi32>
        %select_n3A_267 = arith.select %eq3A_266, %get3A_260, %select_n3A_256 : vector<16xi1>, vector<16xf32>
        %get3A_268 = arith.index_cast %scan3A_90 : i32 to index
        %get3A_269 = arith.constant 240 : index
        %get3A_270 = tpu.vector_load %arg10[%get3A_268, %get3A_269] {strides = array<i32>} : memref<32x1000xf32, #tpu.memory_space<vmem>>, vector<1x16xf32>,
        %get3A_271 = vector.shape_cast %get3A_270 : vector<1x16xf32> to vector<16xf32>
        %exp3A_272 = math.exp %get3A_271 : vector<16xf32>
        %add3A_273 = arith.addf %add3A_229, %exp3A_272 : vector<16xf32>
        %add3A_274 = arith.constant 240 : i32
        %add3A_275 = vector.broadcast %add3A_274 : i32 to vector<16xi32>
        %add3A_276 = arith.addi %iota3A, %add3A_275 : vector<16xi32>
        %eq3A_277 = arith.cmpi eq, %add3A_276, %get3A_96 : vector<16xi32>
        %select_n3A_278 = arith.select %eq3A_277, %get3A_271, %select_n3A_267 : vector<16xi1>, vector<16xf32>
        %get3A_279 = arith.index_cast %scan3A_90 : i32 to index
        %get3A_280 = arith.constant 256 : index
        %get3A_281 = tpu.vector_load %arg10[%get3A_279, %get3A_280] {strides = array<i32>} : memref<32x1000xf32, #tpu.memory_space<vmem>>, vector<1x16xf32>,
        %get3A_282 = vector.shape_cast %get3A_281 : vector<1x16xf32> to vector<16xf32>
        %exp3A_283 = math.exp %get3A_282 : vector<16xf32>
        %add3A_284 = arith.addf %add3A_240, %exp3A_283 : vector<16xf32>
        %add3A_285 = arith.constant 256 : i32
        %add3A_286 = vector.broadcast %add3A_285 : i32 to vector<16xi32>
        %add3A_287 = arith.addi %iota3A, %add3A_286 : vector<16xi32>
        %eq3A_288 = arith.cmpi eq, %add3A_287, %get3A_96 : vector<16xi32>
        %select_n3A_289 = arith.select %eq3A_288, %get3A_282, %select_n3A_278 : vector<16xi1>, vector<16xf32>
        %get3A_290 = arith.index_cast %scan3A_90 : i32 to index
        %get3A_291 = arith.constant 272 : index
        %get3A_292 = tpu.vector_load %arg10[%get3A_290, %get3A_291] {strides = array<i32>} : memref<32x1000xf32, #tpu.memory_space<vmem>>, vector<1x16xf32>,
        %get3A_293 = vector.shape_cast %get3A_292 : vector<1x16xf32> to vector<16xf32>
        %exp3A_294 = math.exp %get3A_293 : vector<16xf32>
        %add3A_295 = arith.addf %add3A_251, %exp3A_294 : vector<16xf32>
        %add3A_296 = arith.constant 272 : i32
        %add3A_297 = vector.broadcast %add3A_296 : i32 to vector<16xi32>
        %add3A_298 = arith.addi %iota3A, %add3A_297 : vector<16xi32>
        %eq3A_299 = arith.cmpi eq, %add3A_298, %get3A_96 : vector<16xi32>
        %select_n3A_300 = arith.select %eq3A_299, %get3A_293, %select_n3A_289 : vector<16xi1>, vector<16xf32>
        %get3A_301 = arith.index_cast %scan3A_90 : i32 to index
        %get3A_302 = arith.constant 288 : index
        %get3A_303 = tpu.vector_load %arg10[%get3A_301, %get3A_302] {strides = array<i32>} : memref<32x1000xf32, #tpu.memory_space<vmem>>, vector<1x16xf32>,
        %get3A_304 = vector.shape_cast %get3A_303 : vector<1x16xf32> to vector<16xf32>
        %exp3A_305 = math.exp %get3A_304 : vector<16xf32>
        %add3A_306 = arith.addf %add3A_262, %exp3A_305 : vector<16xf32>
        %add3A_307 = arith.constant 288 : i32
        %add3A_308 = vector.broadcast %add3A_307 : i32 to vector<16xi32>
        %add3A_309 = arith.addi %iota3A, %add3A_308 : vector<16xi32>
        %eq3A_310 = arith.cmpi eq, %add3A_309, %get3A_96 : vector<16xi32>
        %select_n3A_311 = arith.select %eq3A_310, %get3A_304, %select_n3A_300 : vector<16xi1>, vector<16xf32>
        %get3A_312 = arith.index_cast %scan3A_90 : i32 to index
        %get3A_313 = arith.constant 304 : index
        %get3A_314 = tpu.vector_load %arg10[%get3A_312, %get3A_313] {strides = array<i32>} : memref<32x1000xf32, #tpu.memory_space<vmem>>, vector<1x16xf32>,
        %get3A_315 = vector.shape_cast %get3A_314 : vector<1x16xf32> to vector<16xf32>
        %exp3A_316 = math.exp %get3A_315 : vector<16xf32>
        %add3A_317 = arith.addf %add3A_273, %exp3A_316 : vector<16xf32>
        %add3A_318 = arith.constant 304 : i32
        %add3A_319 = vector.broadcast %add3A_318 : i32 to vector<16xi32>
        %add3A_320 = arith.addi %iota3A, %add3A_319 : vector<16xi32>
        %eq3A_321 = arith.cmpi eq, %add3A_320, %get3A_96 : vector<16xi32>
        %select_n3A_322 = arith.select %eq3A_321, %get3A_315, %select_n3A_311 : vector<16xi1>, vector<16xf32>
        %get3A_323 = arith.index_cast %scan3A_90 : i32 to index
        %get3A_324 = arith.constant 320 : index
        %get3A_325 = tpu.vector_load %arg10[%get3A_323, %get3A_324] {strides = array<i32>} : memref<32x1000xf32, #tpu.memory_space<vmem>>, vector<1x16xf32>,
        %get3A_326 = vector.shape_cast %get3A_325 : vector<1x16xf32> to vector<16xf32>
        %exp3A_327 = math.exp %get3A_326 : vector<16xf32>
        %add3A_328 = arith.addf %add3A_284, %exp3A_327 : vector<16xf32>
        %add3A_329 = arith.constant 320 : i32
        %add3A_330 = vector.broadcast %add3A_329 : i32 to vector<16xi32>
        %add3A_331 = arith.addi %iota3A, %add3A_330 : vector<16xi32>
        %eq3A_332 = arith.cmpi eq, %add3A_331, %get3A_96 : vector<16xi32>
        %select_n3A_333 = arith.select %eq3A_332, %get3A_326, %select_n3A_322 : vector<16xi1>, vector<16xf32>
        %get3A_334 = arith.index_cast %scan3A_90 : i32 to index
        %get3A_335 = arith.constant 336 : index
        %get3A_336 = tpu.vector_load %arg10[%get3A_334, %get3A_335] {strides = array<i32>} : memref<32x1000xf32, #tpu.memory_space<vmem>>, vector<1x16xf32>,
        %get3A_337 = vector.shape_cast %get3A_336 : vector<1x16xf32> to vector<16xf32>
        %exp3A_338 = math.exp %get3A_337 : vector<16xf32>
        %add3A_339 = arith.addf %add3A_295, %exp3A_338 : vector<16xf32>
        %add3A_340 = arith.constant 336 : i32
        %add3A_341 = vector.broadcast %add3A_340 : i32 to vector<16xi32>
        %add3A_342 = arith.addi %iota3A, %add3A_341 : vector<16xi32>
        %eq3A_343 = arith.cmpi eq, %add3A_342, %get3A_96 : vector<16xi32>
        %select_n3A_344 = arith.select %eq3A_343, %get3A_337, %select_n3A_333 : vector<16xi1>, vector<16xf32>
        %get3A_345 = arith.index_cast %scan3A_90 : i32 to index
        %get3A_346 = arith.constant 352 : index
        %get3A_347 = tpu.vector_load %arg10[%get3A_345, %get3A_346] {strides = array<i32>} : memref<32x1000xf32, #tpu.memory_space<vmem>>, vector<1x16xf32>,
        %get3A_348 = vector.shape_cast %get3A_347 : vector<1x16xf32> to vector<16xf32>
        %exp3A_349 = math.exp %get3A_348 : vector<16xf32>
        %add3A_350 = arith.addf %add3A_306, %exp3A_349 : vector<16xf32>
        %add3A_351 = arith.constant 352 : i32
        %add3A_352 = vector.broadcast %add3A_351 : i32 to vector<16xi32>
        %add3A_353 = arith.addi %iota3A, %add3A_352 : vector<16xi32>
        %eq3A_354 = arith.cmpi eq, %add3A_353, %get3A_96 : vector<16xi32>
        %select_n3A_355 = arith.select %eq3A_354, %get3A_348, %select_n3A_344 : vector<16xi1>, vector<16xf32>
        %get3A_356 = arith.index_cast %scan3A_90 : i32 to index
        %get3A_357 = arith.constant 368 : index
        %get3A_358 = tpu.vector_load %arg10[%get3A_356, %get3A_357] {strides = array<i32>} : memref<32x1000xf32, #tpu.memory_space<vmem>>, vector<1x16xf32>,
        %get3A_359 = vector.shape_cast %get3A_358 : vector<1x16xf32> to vector<16xf32>
        %exp3A_360 = math.exp %get3A_359 : vector<16xf32>
        %add3A_361 = arith.addf %add3A_317, %exp3A_360 : vector<16xf32>
        %add3A_362 = arith.constant 368 : i32
        %add3A_363 = vector.broadcast %add3A_362 : i32 to vector<16xi32>
        %add3A_364 = arith.addi %iota3A, %add3A_363 : vector<16xi32>
        %eq3A_365 = arith.cmpi eq, %add3A_364, %get3A_96 : vector<16xi32>
        %select_n3A_366 = arith.select %eq3A_365, %get3A_359, %select_n3A_355 : vector<16xi1>, vector<16xf32>
        %get3A_367 = arith.index_cast %scan3A_90 : i32 to index
        %get3A_368 = arith.constant 384 : index
        %get3A_369 = tpu.vector_load %arg10[%get3A_367, %get3A_368] {strides = array<i32>} : memref<32x1000xf32, #tpu.memory_space<vmem>>, vector<1x16xf32>,
        %get3A_370 = vector.shape_cast %get3A_369 : vector<1x16xf32> to vector<16xf32>
        %exp3A_371 = math.exp %get3A_370 : vector<16xf32>
        %add3A_372 = arith.addf %add3A_328, %exp3A_371 : vector<16xf32>
        %add3A_373 = arith.constant 384 : i32
        %add3A_374 = vector.broadcast %add3A_373 : i32 to vector<16xi32>
        %add3A_375 = arith.addi %iota3A, %add3A_374 : vector<16xi32>
        %eq3A_376 = arith.cmpi eq, %add3A_375, %get3A_96 : vector<16xi32>
        %select_n3A_377 = arith.select %eq3A_376, %get3A_370, %select_n3A_366 : vector<16xi1>, vector<16xf32>
        %get3A_378 = arith.index_cast %scan3A_90 : i32 to index
        %get3A_379 = arith.constant 400 : index
        %get3A_380 = tpu.vector_load %arg10[%get3A_378, %get3A_379] {strides = array<i32>} : memref<32x1000xf32, #tpu.memory_space<vmem>>, vector<1x16xf32>,
        %get3A_381 = vector.shape_cast %get3A_380 : vector<1x16xf32> to vector<16xf32>
        %exp3A_382 = math.exp %get3A_381 : vector<16xf32>
        %add3A_383 = arith.addf %add3A_339, %exp3A_382 : vector<16xf32>
        %add3A_384 = arith.constant 400 : i32
        %add3A_385 = vector.broadcast %add3A_384 : i32 to vector<16xi32>
        %add3A_386 = arith.addi %iota3A, %add3A_385 : vector<16xi32>
        %eq3A_387 = arith.cmpi eq, %add3A_386, %get3A_96 : vector<16xi32>
        %select_n3A_388 = arith.select %eq3A_387, %get3A_381, %select_n3A_377 : vector<16xi1>, vector<16xf32>
        %get3A_389 = arith.index_cast %scan3A_90 : i32 to index
        %get3A_390 = arith.constant 416 : index
        %get3A_391 = tpu.vector_load %arg10[%get3A_389, %get3A_390] {strides = array<i32>} : memref<32x1000xf32, #tpu.memory_space<vmem>>, vector<1x16xf32>,
        %get3A_392 = vector.shape_cast %get3A_391 : vector<1x16xf32> to vector<16xf32>
        %exp3A_393 = math.exp %get3A_392 : vector<16xf32>
        %add3A_394 = arith.addf %add3A_350, %exp3A_393 : vector<16xf32>
        %add3A_395 = arith.constant 416 : i32
        %add3A_396 = vector.broadcast %add3A_395 : i32 to vector<16xi32>
        %add3A_397 = arith.addi %iota3A, %add3A_396 : vector<16xi32>
        %eq3A_398 = arith.cmpi eq, %add3A_397, %get3A_96 : vector<16xi32>
        %select_n3A_399 = arith.select %eq3A_398, %get3A_392, %select_n3A_388 : vector<16xi1>, vector<16xf32>
        %get3A_400 = arith.index_cast %scan3A_90 : i32 to index
        %get3A_401 = arith.constant 432 : index
        %get3A_402 = tpu.vector_load %arg10[%get3A_400, %get3A_401] {strides = array<i32>} : memref<32x1000xf32, #tpu.memory_space<vmem>>, vector<1x16xf32>,
        %get3A_403 = vector.shape_cast %get3A_402 : vector<1x16xf32> to vector<16xf32>
        %exp3A_404 = math.exp %get3A_403 : vector<16xf32>
        %add3A_405 = arith.addf %add3A_361, %exp3A_404 : vector<16xf32>
        %add3A_406 = arith.constant 432 : i32
        %add3A_407 = vector.broadcast %add3A_406 : i32 to vector<16xi32>
        %add3A_408 = arith.addi %iota3A, %add3A_407 : vector<16xi32>
        %eq3A_409 = arith.cmpi eq, %add3A_408, %get3A_96 : vector<16xi32>
        %select_n3A_410 = arith.select %eq3A_409, %get3A_403, %select_n3A_399 : vector<16xi1>, vector<16xf32>
        %get3A_411 = arith.index_cast %scan3A_90 : i32 to index
        %get3A_412 = arith.constant 448 : index
        %get3A_413 = tpu.vector_load %arg10[%get3A_411, %get3A_412] {strides = array<i32>} : memref<32x1000xf32, #tpu.memory_space<vmem>>, vector<1x16xf32>,
        %get3A_414 = vector.shape_cast %get3A_413 : vector<1x16xf32> to vector<16xf32>
        %exp3A_415 = math.exp %get3A_414 : vector<16xf32>
        %add3A_416 = arith.addf %add3A_372, %exp3A_415 : vector<16xf32>
        %add3A_417 = arith.constant 448 : i32
        %add3A_418 = vector.broadcast %add3A_417 : i32 to vector<16xi32>
        %add3A_419 = arith.addi %iota3A, %add3A_418 : vector<16xi32>
        %eq3A_420 = arith.cmpi eq, %add3A_419, %get3A_96 : vector<16xi32>
        %select_n3A_421 = arith.select %eq3A_420, %get3A_414, %select_n3A_410 : vector<16xi1>, vector<16xf32>
        %get3A_422 = arith.index_cast %scan3A_90 : i32 to index
        %get3A_423 = arith.constant 464 : index
        %get3A_424 = tpu.vector_load %arg10[%get3A_422, %get3A_423] {strides = array<i32>} : memref<32x1000xf32, #tpu.memory_space<vmem>>, vector<1x16xf32>,
        %get3A_425 = vector.shape_cast %get3A_424 : vector<1x16xf32> to vector<16xf32>
        %exp3A_426 = math.exp %get3A_425 : vector<16xf32>
        %add3A_427 = arith.addf %add3A_383, %exp3A_426 : vector<16xf32>
        %add3A_428 = arith.constant 464 : i32
        %add3A_429 = vector.broadcast %add3A_428 : i32 to vector<16xi32>
        %add3A_430 = arith.addi %iota3A, %add3A_429 : vector<16xi32>
        %eq3A_431 = arith.cmpi eq, %add3A_430, %get3A_96 : vector<16xi32>
        %select_n3A_432 = arith.select %eq3A_431, %get3A_425, %select_n3A_421 : vector<16xi1>, vector<16xf32>
        %get3A_433 = arith.index_cast %scan3A_90 : i32 to index
        %get3A_434 = arith.constant 480 : index
        %get3A_435 = tpu.vector_load %arg10[%get3A_433, %get3A_434] {strides = array<i32>} : memref<32x1000xf32, #tpu.memory_space<vmem>>, vector<1x16xf32>,
        %get3A_436 = vector.shape_cast %get3A_435 : vector<1x16xf32> to vector<16xf32>
        %exp3A_437 = math.exp %get3A_436 : vector<16xf32>
        %add3A_438 = arith.addf %add3A_394, %exp3A_437 : vector<16xf32>
        %add3A_439 = arith.constant 480 : i32
        %add3A_440 = vector.broadcast %add3A_439 : i32 to vector<16xi32>
        %add3A_441 = arith.addi %iota3A, %add3A_440 : vector<16xi32>
        %eq3A_442 = arith.cmpi eq, %add3A_441, %get3A_96 : vector<16xi32>
        %select_n3A_443 = arith.select %eq3A_442, %get3A_436, %select_n3A_432 : vector<16xi1>, vector<16xf32>
        %get3A_444 = arith.index_cast %scan3A_90 : i32 to index
        %get3A_445 = arith.constant 496 : index
        %get3A_446 = tpu.vector_load %arg10[%get3A_444, %get3A_445] {strides = array<i32>} : memref<32x1000xf32, #tpu.memory_space<vmem>>, vector<1x16xf32>,
        %get3A_447 = vector.shape_cast %get3A_446 : vector<1x16xf32> to vector<16xf32>
        %exp3A_448 = math.exp %get3A_447 : vector<16xf32>
        %add3A_449 = arith.addf %add3A_405, %exp3A_448 : vector<16xf32>
        %add3A_450 = arith.constant 496 : i32
        %add3A_451 = vector.broadcast %add3A_450 : i32 to vector<16xi32>
        %add3A_452 = arith.addi %iota3A, %add3A_451 : vector<16xi32>
        %eq3A_453 = arith.cmpi eq, %add3A_452, %get3A_96 : vector<16xi32>
        %select_n3A_454 = arith.select %eq3A_453, %get3A_447, %select_n3A_443 : vector<16xi1>, vector<16xf32>
        %get3A_455 = arith.index_cast %scan3A_90 : i32 to index
        %get3A_456 = arith.constant 512 : index
        %get3A_457 = tpu.vector_load %arg10[%get3A_455, %get3A_456] {strides = array<i32>} : memref<32x1000xf32, #tpu.memory_space<vmem>>, vector<1x16xf32>,
        %get3A_458 = vector.shape_cast %get3A_457 : vector<1x16xf32> to vector<16xf32>
        %exp3A_459 = math.exp %get3A_458 : vector<16xf32>
        %add3A_460 = arith.addf %add3A_416, %exp3A_459 : vector<16xf32>
        %add3A_461 = arith.constant 512 : i32
        %add3A_462 = vector.broadcast %add3A_461 : i32 to vector<16xi32>
        %add3A_463 = arith.addi %iota3A, %add3A_462 : vector<16xi32>
        %eq3A_464 = arith.cmpi eq, %add3A_463, %get3A_96 : vector<16xi32>
        %select_n3A_465 = arith.select %eq3A_464, %get3A_458, %select_n3A_454 : vector<16xi1>, vector<16xf32>
        %get3A_466 = arith.index_cast %scan3A_90 : i32 to index
        %get3A_467 = arith.constant 528 : index
        %get3A_468 = tpu.vector_load %arg10[%get3A_466, %get3A_467] {strides = array<i32>} : memref<32x1000xf32, #tpu.memory_space<vmem>>, vector<1x16xf32>,
        %get3A_469 = vector.shape_cast %get3A_468 : vector<1x16xf32> to vector<16xf32>
        %exp3A_470 = math.exp %get3A_469 : vector<16xf32>
        %add3A_471 = arith.addf %add3A_427, %exp3A_470 : vector<16xf32>
        %add3A_472 = arith.constant 528 : i32
        %add3A_473 = vector.broadcast %add3A_472 : i32 to vector<16xi32>
        %add3A_474 = arith.addi %iota3A, %add3A_473 : vector<16xi32>
        %eq3A_475 = arith.cmpi eq, %add3A_474, %get3A_96 : vector<16xi32>
        %select_n3A_476 = arith.select %eq3A_475, %get3A_469, %select_n3A_465 : vector<16xi1>, vector<16xf32>
        %get3A_477 = arith.index_cast %scan3A_90 : i32 to index
        %get3A_478 = arith.constant 544 : index
        %get3A_479 = tpu.vector_load %arg10[%get3A_477, %get3A_478] {strides = array<i32>} : memref<32x1000xf32, #tpu.memory_space<vmem>>, vector<1x16xf32>,
        %get3A_480 = vector.shape_cast %get3A_479 : vector<1x16xf32> to vector<16xf32>
        %exp3A_481 = math.exp %get3A_480 : vector<16xf32>
        %add3A_482 = arith.addf %add3A_438, %exp3A_481 : vector<16xf32>
        %add3A_483 = arith.constant 544 : i32
        %add3A_484 = vector.broadcast %add3A_483 : i32 to vector<16xi32>
        %add3A_485 = arith.addi %iota3A, %add3A_484 : vector<16xi32>
        %eq3A_486 = arith.cmpi eq, %add3A_485, %get3A_96 : vector<16xi32>
        %select_n3A_487 = arith.select %eq3A_486, %get3A_480, %select_n3A_476 : vector<16xi1>, vector<16xf32>
        %get3A_488 = arith.index_cast %scan3A_90 : i32 to index
        %get3A_489 = arith.constant 560 : index
        %get3A_490 = tpu.vector_load %arg10[%get3A_488, %get3A_489] {strides = array<i32>} : memref<32x1000xf32, #tpu.memory_space<vmem>>, vector<1x16xf32>,
        %get3A_491 = vector.shape_cast %get3A_490 : vector<1x16xf32> to vector<16xf32>
        %exp3A_492 = math.exp %get3A_491 : vector<16xf32>
        %add3A_493 = arith.addf %add3A_449, %exp3A_492 : vector<16xf32>
        %add3A_494 = arith.constant 560 : i32
        %add3A_495 = vector.broadcast %add3A_494 : i32 to vector<16xi32>
        %add3A_496 = arith.addi %iota3A, %add3A_495 : vector<16xi32>
        %eq3A_497 = arith.cmpi eq, %add3A_496, %get3A_96 : vector<16xi32>
        %select_n3A_498 = arith.select %eq3A_497, %get3A_491, %select_n3A_487 : vector<16xi1>, vector<16xf32>
        %get3A_499 = arith.index_cast %scan3A_90 : i32 to index
        %get3A_500 = arith.constant 576 : index
        %get3A_501 = tpu.vector_load %arg10[%get3A_499, %get3A_500] {strides = array<i32>} : memref<32x1000xf32, #tpu.memory_space<vmem>>, vector<1x16xf32>,
        %get3A_502 = vector.shape_cast %get3A_501 : vector<1x16xf32> to vector<16xf32>
        %exp3A_503 = math.exp %get3A_502 : vector<16xf32>
        %add3A_504 = arith.addf %add3A_460, %exp3A_503 : vector<16xf32>
        %add3A_505 = arith.constant 576 : i32
        %add3A_506 = vector.broadcast %add3A_505 : i32 to vector<16xi32>
        %add3A_507 = arith.addi %iota3A, %add3A_506 : vector<16xi32>
        %eq3A_508 = arith.cmpi eq, %add3A_507, %get3A_96 : vector<16xi32>
        %select_n3A_509 = arith.select %eq3A_508, %get3A_502, %select_n3A_498 : vector<16xi1>, vector<16xf32>
        %get3A_510 = arith.index_cast %scan3A_90 : i32 to index
        %get3A_511 = arith.constant 592 : index
        %get3A_512 = tpu.vector_load %arg10[%get3A_510, %get3A_511] {strides = array<i32>} : memref<32x1000xf32, #tpu.memory_space<vmem>>, vector<1x16xf32>,
        %get3A_513 = vector.shape_cast %get3A_512 : vector<1x16xf32> to vector<16xf32>
        %exp3A_514 = math.exp %get3A_513 : vector<16xf32>
        %add3A_515 = arith.addf %add3A_471, %exp3A_514 : vector<16xf32>
        %add3A_516 = arith.constant 592 : i32
        %add3A_517 = vector.broadcast %add3A_516 : i32 to vector<16xi32>
        %add3A_518 = arith.addi %iota3A, %add3A_517 : vector<16xi32>
        %eq3A_519 = arith.cmpi eq, %add3A_518, %get3A_96 : vector<16xi32>
        %select_n3A_520 = arith.select %eq3A_519, %get3A_513, %select_n3A_509 : vector<16xi1>, vector<16xf32>
        %get3A_521 = arith.index_cast %scan3A_90 : i32 to index
        %get3A_522 = arith.constant 608 : index
        %get3A_523 = tpu.vector_load %arg10[%get3A_521, %get3A_522] {strides = array<i32>} : memref<32x1000xf32, #tpu.memory_space<vmem>>, vector<1x16xf32>,
        %get3A_524 = vector.shape_cast %get3A_523 : vector<1x16xf32> to vector<16xf32>
        %exp3A_525 = math.exp %get3A_524 : vector<16xf32>
        %add3A_526 = arith.addf %add3A_482, %exp3A_525 : vector<16xf32>
        %add3A_527 = arith.constant 608 : i32
        %add3A_528 = vector.broadcast %add3A_527 : i32 to vector<16xi32>
        %add3A_529 = arith.addi %iota3A, %add3A_528 : vector<16xi32>
        %eq3A_530 = arith.cmpi eq, %add3A_529, %get3A_96 : vector<16xi32>
        %select_n3A_531 = arith.select %eq3A_530, %get3A_524, %select_n3A_520 : vector<16xi1>, vector<16xf32>
        %get3A_532 = arith.index_cast %scan3A_90 : i32 to index
        %get3A_533 = arith.constant 624 : index
        %get3A_534 = tpu.vector_load %arg10[%get3A_532, %get3A_533] {strides = array<i32>} : memref<32x1000xf32, #tpu.memory_space<vmem>>, vector<1x16xf32>,
        %get3A_535 = vector.shape_cast %get3A_534 : vector<1x16xf32> to vector<16xf32>
        %exp3A_536 = math.exp %get3A_535 : vector<16xf32>
        %add3A_537 = arith.addf %add3A_493, %exp3A_536 : vector<16xf32>
        %add3A_538 = arith.constant 624 : i32
        %add3A_539 = vector.broadcast %add3A_538 : i32 to vector<16xi32>
        %add3A_540 = arith.addi %iota3A, %add3A_539 : vector<16xi32>
        %eq3A_541 = arith.cmpi eq, %add3A_540, %get3A_96 : vector<16xi32>
        %select_n3A_542 = arith.select %eq3A_541, %get3A_535, %select_n3A_531 : vector<16xi1>, vector<16xf32>
        %get3A_543 = arith.index_cast %scan3A_90 : i32 to index
        %get3A_544 = arith.constant 640 : index
        %get3A_545 = tpu.vector_load %arg10[%get3A_543, %get3A_544] {strides = array<i32>} : memref<32x1000xf32, #tpu.memory_space<vmem>>, vector<1x16xf32>,
        %get3A_546 = vector.shape_cast %get3A_545 : vector<1x16xf32> to vector<16xf32>
        %exp3A_547 = math.exp %get3A_546 : vector<16xf32>
        %add3A_548 = arith.addf %add3A_504, %exp3A_547 : vector<16xf32>
        %add3A_549 = arith.constant 640 : i32
        %add3A_550 = vector.broadcast %add3A_549 : i32 to vector<16xi32>
        %add3A_551 = arith.addi %iota3A, %add3A_550 : vector<16xi32>
        %eq3A_552 = arith.cmpi eq, %add3A_551, %get3A_96 : vector<16xi32>
        %select_n3A_553 = arith.select %eq3A_552, %get3A_546, %select_n3A_542 : vector<16xi1>, vector<16xf32>
        %get3A_554 = arith.index_cast %scan3A_90 : i32 to index
        %get3A_555 = arith.constant 656 : index
        %get3A_556 = tpu.vector_load %arg10[%get3A_554, %get3A_555] {strides = array<i32>} : memref<32x1000xf32, #tpu.memory_space<vmem>>, vector<1x16xf32>,
        %get3A_557 = vector.shape_cast %get3A_556 : vector<1x16xf32> to vector<16xf32>
        %exp3A_558 = math.exp %get3A_557 : vector<16xf32>
        %add3A_559 = arith.addf %add3A_515, %exp3A_558 : vector<16xf32>
        %add3A_560 = arith.constant 656 : i32
        %add3A_561 = vector.broadcast %add3A_560 : i32 to vector<16xi32>
        %add3A_562 = arith.addi %iota3A, %add3A_561 : vector<16xi32>
        %eq3A_563 = arith.cmpi eq, %add3A_562, %get3A_96 : vector<16xi32>
        %select_n3A_564 = arith.select %eq3A_563, %get3A_557, %select_n3A_553 : vector<16xi1>, vector<16xf32>
        %get3A_565 = arith.index_cast %scan3A_90 : i32 to index
        %get3A_566 = arith.constant 672 : index
        %get3A_567 = tpu.vector_load %arg10[%get3A_565, %get3A_566] {strides = array<i32>} : memref<32x1000xf32, #tpu.memory_space<vmem>>, vector<1x16xf32>,
        %get3A_568 = vector.shape_cast %get3A_567 : vector<1x16xf32> to vector<16xf32>
        %exp3A_569 = math.exp %get3A_568 : vector<16xf32>
        %add3A_570 = arith.addf %add3A_526, %exp3A_569 : vector<16xf32>
        %add3A_571 = arith.constant 672 : i32
        %add3A_572 = vector.broadcast %add3A_571 : i32 to vector<16xi32>
        %add3A_573 = arith.addi %iota3A, %add3A_572 : vector<16xi32>
        %eq3A_574 = arith.cmpi eq, %add3A_573, %get3A_96 : vector<16xi32>
        %select_n3A_575 = arith.select %eq3A_574, %get3A_568, %select_n3A_564 : vector<16xi1>, vector<16xf32>
        %get3A_576 = arith.index_cast %scan3A_90 : i32 to index
        %get3A_577 = arith.constant 688 : index
        %get3A_578 = tpu.vector_load %arg10[%get3A_576, %get3A_577] {strides = array<i32>} : memref<32x1000xf32, #tpu.memory_space<vmem>>, vector<1x16xf32>,
        %get3A_579 = vector.shape_cast %get3A_578 : vector<1x16xf32> to vector<16xf32>
        %exp3A_580 = math.exp %get3A_579 : vector<16xf32>
        %add3A_581 = arith.addf %add3A_537, %exp3A_580 : vector<16xf32>
        %add3A_582 = arith.constant 688 : i32
        %add3A_583 = vector.broadcast %add3A_582 : i32 to vector<16xi32>
        %add3A_584 = arith.addi %iota3A, %add3A_583 : vector<16xi32>
        %eq3A_585 = arith.cmpi eq, %add3A_584, %get3A_96 : vector<16xi32>
        %select_n3A_586 = arith.select %eq3A_585, %get3A_579, %select_n3A_575 : vector<16xi1>, vector<16xf32>
        %get3A_587 = arith.index_cast %scan3A_90 : i32 to index
        %get3A_588 = arith.constant 704 : index
        %get3A_589 = tpu.vector_load %arg10[%get3A_587, %get3A_588] {strides = array<i32>} : memref<32x1000xf32, #tpu.memory_space<vmem>>, vector<1x16xf32>,
        %get3A_590 = vector.shape_cast %get3A_589 : vector<1x16xf32> to vector<16xf32>
        %exp3A_591 = math.exp %get3A_590 : vector<16xf32>
        %add3A_592 = arith.addf %add3A_548, %exp3A_591 : vector<16xf32>
        %add3A_593 = arith.constant 704 : i32
        %add3A_594 = vector.broadcast %add3A_593 : i32 to vector<16xi32>
        %add3A_595 = arith.addi %iota3A, %add3A_594 : vector<16xi32>
        %eq3A_596 = arith.cmpi eq, %add3A_595, %get3A_96 : vector<16xi32>
        %select_n3A_597 = arith.select %eq3A_596, %get3A_590, %select_n3A_586 : vector<16xi1>, vector<16xf32>
        %get3A_598 = arith.index_cast %scan3A_90 : i32 to index
        %get3A_599 = arith.constant 720 : index
        %get3A_600 = tpu.vector_load %arg10[%get3A_598, %get3A_599] {strides = array<i32>} : memref<32x1000xf32, #tpu.memory_space<vmem>>, vector<1x16xf32>,
        %get3A_601 = vector.shape_cast %get3A_600 : vector<1x16xf32> to vector<16xf32>
        %exp3A_602 = math.exp %get3A_601 : vector<16xf32>
        %add3A_603 = arith.addf %add3A_559, %exp3A_602 : vector<16xf32>
        %add3A_604 = arith.constant 720 : i32
        %add3A_605 = vector.broadcast %add3A_604 : i32 to vector<16xi32>
        %add3A_606 = arith.addi %iota3A, %add3A_605 : vector<16xi32>
        %eq3A_607 = arith.cmpi eq, %add3A_606, %get3A_96 : vector<16xi32>
        %select_n3A_608 = arith.select %eq3A_607, %get3A_601, %select_n3A_597 : vector<16xi1>, vector<16xf32>
        %get3A_609 = arith.index_cast %scan3A_90 : i32 to index
        %get3A_610 = arith.constant 736 : index
        %get3A_611 = tpu.vector_load %arg10[%get3A_609, %get3A_610] {strides = array<i32>} : memref<32x1000xf32, #tpu.memory_space<vmem>>, vector<1x16xf32>,
        %get3A_612 = vector.shape_cast %get3A_611 : vector<1x16xf32> to vector<16xf32>
        %exp3A_613 = math.exp %get3A_612 : vector<16xf32>
        %add3A_614 = arith.addf %add3A_570, %exp3A_613 : vector<16xf32>
        %add3A_615 = arith.constant 736 : i32
        %add3A_616 = vector.broadcast %add3A_615 : i32 to vector<16xi32>
        %add3A_617 = arith.addi %iota3A, %add3A_616 : vector<16xi32>
        %eq3A_618 = arith.cmpi eq, %add3A_617, %get3A_96 : vector<16xi32>
        %select_n3A_619 = arith.select %eq3A_618, %get3A_612, %select_n3A_608 : vector<16xi1>, vector<16xf32>
        %get3A_620 = arith.index_cast %scan3A_90 : i32 to index
        %get3A_621 = arith.constant 752 : index
        %get3A_622 = tpu.vector_load %arg10[%get3A_620, %get3A_621] {strides = array<i32>} : memref<32x1000xf32, #tpu.memory_space<vmem>>, vector<1x16xf32>,
        %get3A_623 = vector.shape_cast %get3A_622 : vector<1x16xf32> to vector<16xf32>
        %exp3A_624 = math.exp %get3A_623 : vector<16xf32>
        %add3A_625 = arith.addf %add3A_581, %exp3A_624 : vector<16xf32>
        %add3A_626 = arith.constant 752 : i32
        %add3A_627 = vector.broadcast %add3A_626 : i32 to vector<16xi32>
        %add3A_628 = arith.addi %iota3A, %add3A_627 : vector<16xi32>
        %eq3A_629 = arith.cmpi eq, %add3A_628, %get3A_96 : vector<16xi32>
        %select_n3A_630 = arith.select %eq3A_629, %get3A_623, %select_n3A_619 : vector<16xi1>, vector<16xf32>
        %get3A_631 = arith.index_cast %scan3A_90 : i32 to index
        %get3A_632 = arith.constant 768 : index
        %get3A_633 = tpu.vector_load %arg10[%get3A_631, %get3A_632] {strides = array<i32>} : memref<32x1000xf32, #tpu.memory_space<vmem>>, vector<1x16xf32>,
        %get3A_634 = vector.shape_cast %get3A_633 : vector<1x16xf32> to vector<16xf32>
        %exp3A_635 = math.exp %get3A_634 : vector<16xf32>
        %add3A_636 = arith.addf %add3A_592, %exp3A_635 : vector<16xf32>
        %add3A_637 = arith.constant 768 : i32
        %add3A_638 = vector.broadcast %add3A_637 : i32 to vector<16xi32>
        %add3A_639 = arith.addi %iota3A, %add3A_638 : vector<16xi32>
        %eq3A_640 = arith.cmpi eq, %add3A_639, %get3A_96 : vector<16xi32>
        %select_n3A_641 = arith.select %eq3A_640, %get3A_634, %select_n3A_630 : vector<16xi1>, vector<16xf32>
        %get3A_642 = arith.index_cast %scan3A_90 : i32 to index
        %get3A_643 = arith.constant 784 : index
        %get3A_644 = tpu.vector_load %arg10[%get3A_642, %get3A_643] {strides = array<i32>} : memref<32x1000xf32, #tpu.memory_space<vmem>>, vector<1x16xf32>,
        %get3A_645 = vector.shape_cast %get3A_644 : vector<1x16xf32> to vector<16xf32>
        %exp3A_646 = math.exp %get3A_645 : vector<16xf32>
        %add3A_647 = arith.addf %add3A_603, %exp3A_646 : vector<16xf32>
        %add3A_648 = arith.constant 784 : i32
        %add3A_649 = vector.broadcast %add3A_648 : i32 to vector<16xi32>
        %add3A_650 = arith.addi %iota3A, %add3A_649 : vector<16xi32>
        %eq3A_651 = arith.cmpi eq, %add3A_650, %get3A_96 : vector<16xi32>
        %select_n3A_652 = arith.select %eq3A_651, %get3A_645, %select_n3A_641 : vector<16xi1>, vector<16xf32>
        %get3A_653 = arith.index_cast %scan3A_90 : i32 to index
        %get3A_654 = arith.constant 800 : index
        %get3A_655 = tpu.vector_load %arg10[%get3A_653, %get3A_654] {strides = array<i32>} : memref<32x1000xf32, #tpu.memory_space<vmem>>, vector<1x16xf32>,
        %get3A_656 = vector.shape_cast %get3A_655 : vector<1x16xf32> to vector<16xf32>
        %exp3A_657 = math.exp %get3A_656 : vector<16xf32>
        %add3A_658 = arith.addf %add3A_614, %exp3A_657 : vector<16xf32>
        %add3A_659 = arith.constant 800 : i32
        %add3A_660 = vector.broadcast %add3A_659 : i32 to vector<16xi32>
        %add3A_661 = arith.addi %iota3A, %add3A_660 : vector<16xi32>
        %eq3A_662 = arith.cmpi eq, %add3A_661, %get3A_96 : vector<16xi32>
        %select_n3A_663 = arith.select %eq3A_662, %get3A_656, %select_n3A_652 : vector<16xi1>, vector<16xf32>
        %get3A_664 = arith.index_cast %scan3A_90 : i32 to index
        %get3A_665 = arith.constant 816 : index
        %get3A_666 = tpu.vector_load %arg10[%get3A_664, %get3A_665] {strides = array<i32>} : memref<32x1000xf32, #tpu.memory_space<vmem>>, vector<1x16xf32>,
        %get3A_667 = vector.shape_cast %get3A_666 : vector<1x16xf32> to vector<16xf32>
        %exp3A_668 = math.exp %get3A_667 : vector<16xf32>
        %add3A_669 = arith.addf %add3A_625, %exp3A_668 : vector<16xf32>
        %add3A_670 = arith.constant 816 : i32
        %add3A_671 = vector.broadcast %add3A_670 : i32 to vector<16xi32>
        %add3A_672 = arith.addi %iota3A, %add3A_671 : vector<16xi32>
        %eq3A_673 = arith.cmpi eq, %add3A_672, %get3A_96 : vector<16xi32>
        %select_n3A_674 = arith.select %eq3A_673, %get3A_667, %select_n3A_663 : vector<16xi1>, vector<16xf32>
        %get3A_675 = arith.index_cast %scan3A_90 : i32 to index
        %get3A_676 = arith.constant 832 : index
        %get3A_677 = tpu.vector_load %arg10[%get3A_675, %get3A_676] {strides = array<i32>} : memref<32x1000xf32, #tpu.memory_space<vmem>>, vector<1x16xf32>,
        %get3A_678 = vector.shape_cast %get3A_677 : vector<1x16xf32> to vector<16xf32>
        %exp3A_679 = math.exp %get3A_678 : vector<16xf32>
        %add3A_680 = arith.addf %add3A_636, %exp3A_679 : vector<16xf32>
        %add3A_681 = arith.constant 832 : i32
        %add3A_682 = vector.broadcast %add3A_681 : i32 to vector<16xi32>
        %add3A_683 = arith.addi %iota3A, %add3A_682 : vector<16xi32>
        %eq3A_684 = arith.cmpi eq, %add3A_683, %get3A_96 : vector<16xi32>
        %select_n3A_685 = arith.select %eq3A_684, %get3A_678, %select_n3A_674 : vector<16xi1>, vector<16xf32>
        %get3A_686 = arith.index_cast %scan3A_90 : i32 to index
        %get3A_687 = arith.constant 848 : index
        %get3A_688 = tpu.vector_load %arg10[%get3A_686, %get3A_687] {strides = array<i32>} : memref<32x1000xf32, #tpu.memory_space<vmem>>, vector<1x16xf32>,
        %get3A_689 = vector.shape_cast %get3A_688 : vector<1x16xf32> to vector<16xf32>
        %exp3A_690 = math.exp %get3A_689 : vector<16xf32>
        %add3A_691 = arith.addf %add3A_647, %exp3A_690 : vector<16xf32>
        %add3A_692 = arith.constant 848 : i32
        %add3A_693 = vector.broadcast %add3A_692 : i32 to vector<16xi32>
        %add3A_694 = arith.addi %iota3A, %add3A_693 : vector<16xi32>
        %eq3A_695 = arith.cmpi eq, %add3A_694, %get3A_96 : vector<16xi32>
        %select_n3A_696 = arith.select %eq3A_695, %get3A_689, %select_n3A_685 : vector<16xi1>, vector<16xf32>
        %get3A_697 = arith.index_cast %scan3A_90 : i32 to index
        %get3A_698 = arith.constant 864 : index
        %get3A_699 = tpu.vector_load %arg10[%get3A_697, %get3A_698] {strides = array<i32>} : memref<32x1000xf32, #tpu.memory_space<vmem>>, vector<1x16xf32>,
        %get3A_700 = vector.shape_cast %get3A_699 : vector<1x16xf32> to vector<16xf32>
        %exp3A_701 = math.exp %get3A_700 : vector<16xf32>
        %add3A_702 = arith.addf %add3A_658, %exp3A_701 : vector<16xf32>
        %add3A_703 = arith.constant 864 : i32
        %add3A_704 = vector.broadcast %add3A_703 : i32 to vector<16xi32>
        %add3A_705 = arith.addi %iota3A, %add3A_704 : vector<16xi32>
        %eq3A_706 = arith.cmpi eq, %add3A_705, %get3A_96 : vector<16xi32>
        %select_n3A_707 = arith.select %eq3A_706, %get3A_700, %select_n3A_696 : vector<16xi1>, vector<16xf32>
        %get3A_708 = arith.index_cast %scan3A_90 : i32 to index
        %get3A_709 = arith.constant 880 : index
        %get3A_710 = tpu.vector_load %arg10[%get3A_708, %get3A_709] {strides = array<i32>} : memref<32x1000xf32, #tpu.memory_space<vmem>>, vector<1x16xf32>,
        %get3A_711 = vector.shape_cast %get3A_710 : vector<1x16xf32> to vector<16xf32>
        %exp3A_712 = math.exp %get3A_711 : vector<16xf32>
        %add3A_713 = arith.addf %add3A_669, %exp3A_712 : vector<16xf32>
        %add3A_714 = arith.constant 880 : i32
        %add3A_715 = vector.broadcast %add3A_714 : i32 to vector<16xi32>
        %add3A_716 = arith.addi %iota3A, %add3A_715 : vector<16xi32>
        %eq3A_717 = arith.cmpi eq, %add3A_716, %get3A_96 : vector<16xi32>
        %select_n3A_718 = arith.select %eq3A_717, %get3A_711, %select_n3A_707 : vector<16xi1>, vector<16xf32>
        %get3A_719 = arith.index_cast %scan3A_90 : i32 to index
        %get3A_720 = arith.constant 896 : index
        %get3A_721 = tpu.vector_load %arg10[%get3A_719, %get3A_720] {strides = array<i32>} : memref<32x1000xf32, #tpu.memory_space<vmem>>, vector<1x16xf32>,
        %get3A_722 = vector.shape_cast %get3A_721 : vector<1x16xf32> to vector<16xf32>
        %exp3A_723 = math.exp %get3A_722 : vector<16xf32>
        %add3A_724 = arith.addf %add3A_680, %exp3A_723 : vector<16xf32>
        %add3A_725 = arith.constant 896 : i32
        %add3A_726 = vector.broadcast %add3A_725 : i32 to vector<16xi32>
        %add3A_727 = arith.addi %iota3A, %add3A_726 : vector<16xi32>
        %eq3A_728 = arith.cmpi eq, %add3A_727, %get3A_96 : vector<16xi32>
        %select_n3A_729 = arith.select %eq3A_728, %get3A_722, %select_n3A_718 : vector<16xi1>, vector<16xf32>
        %get3A_730 = arith.index_cast %scan3A_90 : i32 to index
        %get3A_731 = arith.constant 912 : index
        %get3A_732 = tpu.vector_load %arg10[%get3A_730, %get3A_731] {strides = array<i32>} : memref<32x1000xf32, #tpu.memory_space<vmem>>, vector<1x16xf32>,
        %get3A_733 = vector.shape_cast %get3A_732 : vector<1x16xf32> to vector<16xf32>
        %exp3A_734 = math.exp %get3A_733 : vector<16xf32>
        %add3A_735 = arith.addf %add3A_691, %exp3A_734 : vector<16xf32>
        %add3A_736 = arith.constant 912 : i32
        %add3A_737 = vector.broadcast %add3A_736 : i32 to vector<16xi32>
        %add3A_738 = arith.addi %iota3A, %add3A_737 : vector<16xi32>
        %eq3A_739 = arith.cmpi eq, %add3A_738, %get3A_96 : vector<16xi32>
        %select_n3A_740 = arith.select %eq3A_739, %get3A_733, %select_n3A_729 : vector<16xi1>, vector<16xf32>
        %get3A_741 = arith.index_cast %scan3A_90 : i32 to index
        %get3A_742 = arith.constant 928 : index
        %get3A_743 = tpu.vector_load %arg10[%get3A_741, %get3A_742] {strides = array<i32>} : memref<32x1000xf32, #tpu.memory_space<vmem>>, vector<1x16xf32>,
        %get3A_744 = vector.shape_cast %get3A_743 : vector<1x16xf32> to vector<16xf32>
        %exp3A_745 = math.exp %get3A_744 : vector<16xf32>
        %add3A_746 = arith.addf %add3A_702, %exp3A_745 : vector<16xf32>
        %add3A_747 = arith.constant 928 : i32
        %add3A_748 = vector.broadcast %add3A_747 : i32 to vector<16xi32>
        %add3A_749 = arith.addi %iota3A, %add3A_748 : vector<16xi32>
        %eq3A_750 = arith.cmpi eq, %add3A_749, %get3A_96 : vector<16xi32>
        %select_n3A_751 = arith.select %eq3A_750, %get3A_744, %select_n3A_740 : vector<16xi1>, vector<16xf32>
        %get3A_752 = arith.index_cast %scan3A_90 : i32 to index
        %get3A_753 = arith.constant 944 : index
        %get3A_754 = tpu.vector_load %arg10[%get3A_752, %get3A_753] {strides = array<i32>} : memref<32x1000xf32, #tpu.memory_space<vmem>>, vector<1x16xf32>,
        %get3A_755 = vector.shape_cast %get3A_754 : vector<1x16xf32> to vector<16xf32>
        %exp3A_756 = math.exp %get3A_755 : vector<16xf32>
        %add3A_757 = arith.addf %add3A_713, %exp3A_756 : vector<16xf32>
        %add3A_758 = arith.constant 944 : i32
        %add3A_759 = vector.broadcast %add3A_758 : i32 to vector<16xi32>
        %add3A_760 = arith.addi %iota3A, %add3A_759 : vector<16xi32>
        %eq3A_761 = arith.cmpi eq, %add3A_760, %get3A_96 : vector<16xi32>
        %select_n3A_762 = arith.select %eq3A_761, %get3A_755, %select_n3A_751 : vector<16xi1>, vector<16xf32>
        %get3A_763 = arith.index_cast %scan3A_90 : i32 to index
        %get3A_764 = arith.constant 960 : index
        %get3A_765 = tpu.vector_load %arg10[%get3A_763, %get3A_764] {strides = array<i32>} : memref<32x1000xf32, #tpu.memory_space<vmem>>, vector<1x16xf32>,
        %get3A_766 = vector.shape_cast %get3A_765 : vector<1x16xf32> to vector<16xf32>
        %exp3A_767 = math.exp %get3A_766 : vector<16xf32>
        %add3A_768 = arith.addf %add3A_724, %exp3A_767 : vector<16xf32>
        %add3A_769 = arith.constant 960 : i32
        %add3A_770 = vector.broadcast %add3A_769 : i32 to vector<16xi32>
        %add3A_771 = arith.addi %iota3A, %add3A_770 : vector<16xi32>
        %eq3A_772 = arith.cmpi eq, %add3A_771, %get3A_96 : vector<16xi32>
        %select_n3A_773 = arith.select %eq3A_772, %get3A_766, %select_n3A_762 : vector<16xi1>, vector<16xf32>
        %get3A_774 = arith.index_cast %scan3A_90 : i32 to index
        %get3A_775 = arith.constant 976 : index
        %get3A_776 = tpu.vector_load %arg10[%get3A_774, %get3A_775] {strides = array<i32>} : memref<32x1000xf32, #tpu.memory_space<vmem>>, vector<1x16xf32>,
        %get3A_777 = vector.shape_cast %get3A_776 : vector<1x16xf32> to vector<16xf32>
        %exp3A_778 = math.exp %get3A_777 : vector<16xf32>
        %add3A_779 = arith.addf %add3A_735, %exp3A_778 : vector<16xf32>
        %add3A_780 = arith.constant 976 : i32
        %add3A_781 = vector.broadcast %add3A_780 : i32 to vector<16xi32>
        %add3A_782 = arith.addi %iota3A, %add3A_781 : vector<16xi32>
        %eq3A_783 = arith.cmpi eq, %add3A_782, %get3A_96 : vector<16xi32>
        %select_n3A_784 = arith.select %eq3A_783, %get3A_777, %select_n3A_773 : vector<16xi1>, vector<16xf32>
        %get3A_785 = arith.index_cast %scan3A_90 : i32 to index
        %get3A_786 = arith.constant 984 : index
        %get3A_787 = tpu.vector_load %arg10[%get3A_785, %get3A_786] {strides = array<i32>} : memref<32x1000xf32, #tpu.memory_space<vmem>>, vector<1x16xf32>,
        %get3A_788 = vector.shape_cast %get3A_787 : vector<1x16xf32> to vector<16xf32>
        %ge3A = arith.constant 8 : i32
        %ge3A_789 = vector.broadcast %ge3A : i32 to vector<16xi32>
        %ge3A_790 = arith.cmpi sge, %iota3A, %ge3A_789 : vector<16xi32>
        %exp3A_791 = math.exp %get3A_788 : vector<16xf32>
        %jit3A = arith.constant 0.000000e+00 : f32
        %broadcast_in_dim3A_792 = vector.broadcast %jit3A : f32 to vector<16xf32>
        %select_n3A_793 = arith.select %ge3A_790, %exp3A_791, %broadcast_in_dim3A_792 : vector<16xi1>, vector<16xf32>
        %add3A_794 = arith.addf %add3A_757, %select_n3A_793 : vector<16xf32>
        %add3A_795 = arith.constant 984 : i32
        %add3A_796 = vector.broadcast %add3A_795 : i32 to vector<16xi32>
        %add3A_797 = arith.addi %iota3A, %add3A_796 : vector<16xi32>
        %eq3A_798 = arith.cmpi eq, %add3A_797, %get3A_96 : vector<16xi32>
        %select_n3A_799 = arith.select %eq3A_798, %get3A_788, %select_n3A_784 : vector<16xi1>, vector<16xf32>
        %add3A_800 = arith.addf %add3A_768, %add3A_779 : vector<16xf32>
        %add3A_801 = arith.addf %add3A_746, %add3A_794 : vector<16xf32>
        %add3A_802 = arith.addf %add3A_800, %add3A_801 : vector<16xf32>
        %swap3A = arith.index_cast %scan3A_90 : i32 to index
        %swap3A_803 = arith.constant 0 : index
        %swap3A_804 = tpu.vector_load %arg12[%swap3A, %swap3A_803] {strides = array<i32>} : memref<32x16xf32, #tpu.memory_space<vmem>>, vector<1x16xf32>,
        %swap3A_805 = vector.shape_cast %swap3A_804 : vector<1x16xf32> to vector<16xf32>
        %swap3A_806 = vector.shape_cast %add3A_802 : vector<16xf32> to vector<1x16xf32>
        tpu.vector_store %arg12[%swap3A, %swap3A_803], %swap3A_806 {strides = array<i32>} : memref<32x16xf32, #tpu.memory_space<vmem>>, vector<1x16xf32>,
        %swap3A_807 = arith.index_cast %scan3A_90 : i32 to index
        %swap3A_808 = arith.constant 0 : index
        %swap3A_809 = tpu.vector_load %arg13[%swap3A_807, %swap3A_808] {strides = array<i32>} : memref<32x16xf32, #tpu.memory_space<vmem>>, vector<1x16xf32>,
        %swap3A_810 = vector.shape_cast %swap3A_809 : vector<1x16xf32> to vector<16xf32>
        %swap3A_811 = vector.shape_cast %select_n3A_799 : vector<16xf32> to vector<1x16xf32>
        tpu.vector_store %arg13[%swap3A_807, %swap3A_808], %swap3A_811 {strides = array<i32>} : memref<32x16xf32, #tpu.memory_space<vmem>>, vector<1x16xf32>,
      }
      %scan3A_83 = arith.constant 32 : i32
      %mul3A_84 = arith.constant 32 : i32
      %mul3A_85 = arith.muli %add3A_35, %mul3A_84 : i32
      %add3A_86 = arith.addi %mul3A_2, %mul3A_85 : i32
      "tpu.region"() ({
        %run_scoped3A = tpu.sem_alloc : memref<!tpu.dma_semaphore, #tpu.memory_space<semaphore_mem>>
        %dma_start3A_90 = arith.constant 0 : i32
        %dma_start3A_91 = tpu.memref_slice %arg5[%add3A_86, %dma_start3A_90] : memref<4096x16xf32, #tpu.memory_space<hbm>> -> memref<32x16xf32, #tpu.memory_space<hbm>>
        %dma_start3A_92 = arith.constant 0 : i32
        %dma_start3A_93 = tpu.memref_slice %arg5[%add3A_86, %dma_start3A_92] : memref<4096x16xf32, #tpu.memory_space<hbm>> -> memref<32x16xf32, #tpu.memory_space<hbm>>
        tpu.enqueue_dma source(%arg12 : memref<32x16xf32, #tpu.memory_space<vmem>>) target(%dma_start3A_93 : memref<32x16xf32, #tpu.memory_space<hbm>>) target_semaphore(%run_scoped3A : memref<!tpu.dma_semaphore, #tpu.memory_space<semaphore_mem>>)
        %dma_wait3A_94 = arith.constant 0 : i32
        %dma_wait3A_95 = tpu.memref_slice %arg5[%add3A_86, %dma_wait3A_94] : memref<4096x16xf32, #tpu.memory_space<hbm>> -> memref<32x16xf32, #tpu.memory_space<hbm>>
        %dma_wait3A_96 = arith.constant 0 : i32
        %dma_wait3A_97 = tpu.memref_slice %arg5[%add3A_86, %dma_wait3A_96] : memref<4096x16xf32, #tpu.memory_space<hbm>> -> memref<32x16xf32, #tpu.memory_space<hbm>>
        tpu.wait_dma2 semaphore(%run_scoped3A : memref<!tpu.dma_semaphore, #tpu.memory_space<semaphore_mem>>) src(%arg12 : memref<32x16xf32, #tpu.memory_space<vmem>>) dst(%dma_wait3A_97 : memref<32x16xf32, #tpu.memory_space<hbm>>)
        tpu.yield
      }) : () -> ()
      %mul3A_87 = arith.constant 32 : i32
      %mul3A_88 = arith.muli %add3A_35, %mul3A_87 : i32
      %add3A_89 = arith.addi %mul3A_2, %mul3A_88 : i32
      "tpu.region"() ({
        %run_scoped3A = tpu.sem_alloc : memref<!tpu.dma_semaphore, #tpu.memory_space<semaphore_mem>>
        %dma_start3A_90 = arith.constant 0 : i32
        %dma_start3A_91 = tpu.memref_slice %arg6[%add3A_89, %dma_start3A_90] : memref<4096x16xf32, #tpu.memory_space<hbm>> -> memref<32x16xf32, #tpu.memory_space<hbm>>
        %dma_start3A_92 = arith.constant 0 : i32
        %dma_start3A_93 = tpu.memref_slice %arg6[%add3A_89, %dma_start3A_92] : memref<4096x16xf32, #tpu.memory_space<hbm>> -> memref<32x16xf32, #tpu.memory_space<hbm>>
        tpu.enqueue_dma source(%arg13 : memref<32x16xf32, #tpu.memory_space<vmem>>) target(%dma_start3A_93 : memref<32x16xf32, #tpu.memory_space<hbm>>) target_semaphore(%run_scoped3A : memref<!tpu.dma_semaphore, #tpu.memory_space<semaphore_mem>>)
        %dma_wait3A_94 = arith.constant 0 : i32
        %dma_wait3A_95 = tpu.memref_slice %arg6[%add3A_89, %dma_wait3A_94] : memref<4096x16xf32, #tpu.memory_space<hbm>> -> memref<32x16xf32, #tpu.memory_space<hbm>>
        %dma_wait3A_96 = arith.constant 0 : i32
        %dma_wait3A_97 = tpu.memref_slice %arg6[%add3A_89, %dma_wait3A_96] : memref<4096x16xf32, #tpu.memory_space<hbm>> -> memref<32x16xf32, #tpu.memory_space<hbm>>
        tpu.wait_dma2 semaphore(%run_scoped3A : memref<!tpu.dma_semaphore, #tpu.memory_space<semaphore_mem>>) src(%arg13 : memref<32x16xf32, #tpu.memory_space<vmem>>) dst(%dma_wait3A_97 : memref<32x16xf32, #tpu.memory_space<hbm>>)
        tpu.yield
      }) : () -> ()
    }
    %scan3A_14 = arith.constant 2 : i32
    %add3A_15 = arith.constant 12288 : i32
    %add3A_16 = arith.addi %add3A_15, %mul3A_2 : i32
    %add3A_17 = arith.constant 0 : i32
    %add3A_18 = arith.addi %add3A_16, %add3A_17 : i32
    %dma_start3A_19 = arith.constant 0 : i32
    %dma_start3A_20 = tpu.memref_slice %arg3[%add3A_18, %dma_start3A_19] : memref<16384x1000xf32, #tpu.memory_space<hbm>> -> memref<32x1000xf32, #tpu.memory_space<hbm>>
    %dma_start3A_21 = arith.constant 0 : i32
    %dma_start3A_22 = tpu.memref_slice %arg3[%add3A_18, %dma_start3A_21] : memref<16384x1000xf32, #tpu.memory_space<hbm>> -> memref<32x1000xf32, #tpu.memory_space<hbm>>
    tpu.enqueue_dma source(%dma_start3A_22 : memref<32x1000xf32, #tpu.memory_space<hbm>>) target(%arg9 : memref<32x1000xf32, #tpu.memory_space<vmem>>) target_semaphore(%arg14 : memref<!tpu.dma_semaphore, #tpu.memory_space<semaphore_mem>>)
    %scan3A_23 = arith.constant 0 : i32
    %scan3A_24 = arith.constant 0 : i32
    %scan3A_25 = arith.constant 2 : i32
    %scan3A_26 = arith.addi %scan3A_24, %scan3A_25 : i32
    %scan3A_27 = arith.constant 1 : i32
    scf.for %scan3A_29 = %scan3A_24 to %scan3A_26 step %scan3A_27  : i32 {
      %mul3A_30 = arith.constant 2 : i32
      %mul3A_31 = arith.muli %mul3A_30, %scan3A_29 : i32
      %mul3A_32 = arith.constant 2 : i32
      %mul3A_33 = arith.muli %mul3A_32, %scan3A_29 : i32
      %add3A_34 = arith.constant 1 : i32
      %add3A_35 = arith.addi %mul3A_33, %add3A_34 : i32
      %add3A_36 = arith.constant 12288 : i32
      %add3A_37 = arith.addi %add3A_36, %mul3A_2 : i32
      %mul3A_38 = arith.constant 32 : i32
      %mul3A_39 = arith.muli %add3A_35, %mul3A_38 : i32
      %add3A_40 = arith.addi %add3A_37, %mul3A_39 : i32
      %dma_start3A_41 = arith.constant 0 : i32
      %dma_start3A_42 = tpu.memref_slice %arg3[%add3A_40, %dma_start3A_41] : memref<16384x1000xf32, #tpu.memory_space<hbm>> -> memref<32x1000xf32, #tpu.memory_space<hbm>>
      %dma_start3A_43 = arith.constant 0 : i32
      %dma_start3A_44 = tpu.memref_slice %arg3[%add3A_40, %dma_start3A_43] : memref<16384x1000xf32, #tpu.memory_space<hbm>> -> memref<32x1000xf32, #tpu.memory_space<hbm>>
      tpu.enqueue_dma source(%dma_start3A_44 : memref<32x1000xf32, #tpu.memory_space<hbm>>) target(%arg10 : memref<32x1000xf32, #tpu.memory_space<vmem>>) target_semaphore(%arg15 : memref<!tpu.dma_semaphore, #tpu.memory_space<semaphore_mem>>)
      %add3A_45 = arith.constant 12288 : i32
      %add3A_46 = arith.addi %add3A_45, %mul3A_2 : i32
      %mul3A_47 = arith.constant 32 : i32
      %mul3A_48 = arith.muli %mul3A_31, %mul3A_47 : i32
      %add3A_49 = arith.addi %add3A_46, %mul3A_48 : i32
      %dma_wait3A = arith.constant 0 : i32
      %dma_wait3A_50 = tpu.memref_slice %arg3[%add3A_49, %dma_wait3A] : memref<16384x1000xf32, #tpu.memory_space<hbm>> -> memref<32x1000xf32, #tpu.memory_space<hbm>>
      %dma_wait3A_51 = arith.constant 0 : i32
      %dma_wait3A_52 = tpu.memref_slice %arg3[%add3A_49, %dma_wait3A_51] : memref<16384x1000xf32, #tpu.memory_space<hbm>> -> memref<32x1000xf32, #tpu.memory_space<hbm>>
      tpu.wait_dma2 semaphore(%arg14 : memref<!tpu.dma_semaphore, #tpu.memory_space<semaphore_mem>>) src(%dma_wait3A_52 : memref<32x1000xf32, #tpu.memory_space<hbm>>) dst(%arg9 : memref<32x1000xf32, #tpu.memory_space<vmem>>)
      %scan3A_53 = arith.constant 0 : i32
      %scan3A_54 = arith.constant 0 : i32
      %scan3A_55 = arith.constant 32 : i32
      %scan3A_56 = arith.addi %scan3A_54, %scan3A_55 : i32
      %scan3A_57 = arith.constant 1 : i32
      scf.for %scan3A_90 = %scan3A_54 to %scan3A_56 step %scan3A_57  : i32 {
        %mul3A_91 = arith.constant 32 : i32
        %mul3A_92 = arith.muli %mul3A_31, %mul3A_91 : i32
        %add3A_93 = arith.addi %mul3A_92, %scan3A_90 : i32
        %get3A = arith.index_cast %add3A_93 : i32 to index
        %get3A_94 = arith.constant 0 : index
        %get3A_95 = tpu.vector_load %arg11[%get3A, %get3A_94] {strides = array<i32>} : memref<128x16xi32, #tpu.memory_space<vmem>>, vector<1x16xi32>,
        %get3A_96 = vector.shape_cast %get3A_95 : vector<1x16xi32> to vector<16xi32>
        %broadcast_in_dim3A = arith.constant 0.000000e+00 : f32
        %broadcast_in_dim3A_97 = vector.broadcast %broadcast_in_dim3A : f32 to vector<16xf32>
        %broadcast_in_dim3A_98 = arith.constant 0.000000e+00 : f32
        %broadcast_in_dim3A_99 = vector.broadcast %broadcast_in_dim3A_98 : f32 to vector<16xf32>
        %broadcast_in_dim3A_100 = arith.constant 0.000000e+00 : f32
        %broadcast_in_dim3A_101 = vector.broadcast %broadcast_in_dim3A_100 : f32 to vector<16xf32>
        %broadcast_in_dim3A_102 = arith.constant 0.000000e+00 : f32
        %broadcast_in_dim3A_103 = vector.broadcast %broadcast_in_dim3A_102 : f32 to vector<16xf32>
        %broadcast_in_dim3A_104 = arith.constant 0.000000e+00 : f32
        %broadcast_in_dim3A_105 = vector.broadcast %broadcast_in_dim3A_104 : f32 to vector<16xf32>
        %get3A_106 = arith.index_cast %scan3A_90 : i32 to index
        %get3A_107 = arith.constant 0 : index
        %get3A_108 = tpu.vector_load %arg9[%get3A_106, %get3A_107] {strides = array<i32>} : memref<32x1000xf32, #tpu.memory_space<vmem>>, vector<1x16xf32>,
        %get3A_109 = vector.shape_cast %get3A_108 : vector<1x16xf32> to vector<16xf32>
        %exp3A = math.exp %get3A_109 : vector<16xf32>
        %add3A_110 = arith.addf %broadcast_in_dim3A_97, %exp3A : vector<16xf32>
        %add3A_111 = arith.constant 0 : i32
        %add3A_112 = vector.broadcast %add3A_111 : i32 to vector<16xi32>
        %add3A_113 = arith.addi %iota3A, %add3A_112 : vector<16xi32>
        %eq3A = arith.cmpi eq, %add3A_113, %get3A_96 : vector<16xi32>
        %select_n3A = arith.select %eq3A, %get3A_109, %broadcast_in_dim3A_105 : vector<16xi1>, vector<16xf32>
        %get3A_114 = arith.index_cast %scan3A_90 : i32 to index
        %get3A_115 = arith.constant 16 : index
        %get3A_116 = tpu.vector_load %arg9[%get3A_114, %get3A_115] {strides = array<i32>} : memref<32x1000xf32, #tpu.memory_space<vmem>>, vector<1x16xf32>,
        %get3A_117 = vector.shape_cast %get3A_116 : vector<1x16xf32> to vector<16xf32>
        %exp3A_118 = math.exp %get3A_117 : vector<16xf32>
        %add3A_119 = arith.addf %broadcast_in_dim3A_99, %exp3A_118 : vector<16xf32>
        %add3A_120 = arith.constant 16 : i32
        %add3A_121 = vector.broadcast %add3A_120 : i32 to vector<16xi32>
        %add3A_122 = arith.addi %iota3A, %add3A_121 : vector<16xi32>
        %eq3A_123 = arith.cmpi eq, %add3A_122, %get3A_96 : vector<16xi32>
        %select_n3A_124 = arith.select %eq3A_123, %get3A_117, %select_n3A : vector<16xi1>, vector<16xf32>
        %get3A_125 = arith.index_cast %scan3A_90 : i32 to index
        %get3A_126 = arith.constant 32 : index
        %get3A_127 = tpu.vector_load %arg9[%get3A_125, %get3A_126] {strides = array<i32>} : memref<32x1000xf32, #tpu.memory_space<vmem>>, vector<1x16xf32>,
        %get3A_128 = vector.shape_cast %get3A_127 : vector<1x16xf32> to vector<16xf32>
        %exp3A_129 = math.exp %get3A_128 : vector<16xf32>
        %add3A_130 = arith.addf %broadcast_in_dim3A_101, %exp3A_129 : vector<16xf32>
        %add3A_131 = arith.constant 32 : i32
        %add3A_132 = vector.broadcast %add3A_131 : i32 to vector<16xi32>
        %add3A_133 = arith.addi %iota3A, %add3A_132 : vector<16xi32>
        %eq3A_134 = arith.cmpi eq, %add3A_133, %get3A_96 : vector<16xi32>
        %select_n3A_135 = arith.select %eq3A_134, %get3A_128, %select_n3A_124 : vector<16xi1>, vector<16xf32>
        %get3A_136 = arith.index_cast %scan3A_90 : i32 to index
        %get3A_137 = arith.constant 48 : index
        %get3A_138 = tpu.vector_load %arg9[%get3A_136, %get3A_137] {strides = array<i32>} : memref<32x1000xf32, #tpu.memory_space<vmem>>, vector<1x16xf32>,
        %get3A_139 = vector.shape_cast %get3A_138 : vector<1x16xf32> to vector<16xf32>
        %exp3A_140 = math.exp %get3A_139 : vector<16xf32>
        %add3A_141 = arith.addf %broadcast_in_dim3A_103, %exp3A_140 : vector<16xf32>
        %add3A_142 = arith.constant 48 : i32
        %add3A_143 = vector.broadcast %add3A_142 : i32 to vector<16xi32>
        %add3A_144 = arith.addi %iota3A, %add3A_143 : vector<16xi32>
        %eq3A_145 = arith.cmpi eq, %add3A_144, %get3A_96 : vector<16xi32>
        %select_n3A_146 = arith.select %eq3A_145, %get3A_139, %select_n3A_135 : vector<16xi1>, vector<16xf32>
        %get3A_147 = arith.index_cast %scan3A_90 : i32 to index
        %get3A_148 = arith.constant 64 : index
        %get3A_149 = tpu.vector_load %arg9[%get3A_147, %get3A_148] {strides = array<i32>} : memref<32x1000xf32, #tpu.memory_space<vmem>>, vector<1x16xf32>,
        %get3A_150 = vector.shape_cast %get3A_149 : vector<1x16xf32> to vector<16xf32>
        %exp3A_151 = math.exp %get3A_150 : vector<16xf32>
        %add3A_152 = arith.addf %add3A_110, %exp3A_151 : vector<16xf32>
        %add3A_153 = arith.constant 64 : i32
        %add3A_154 = vector.broadcast %add3A_153 : i32 to vector<16xi32>
        %add3A_155 = arith.addi %iota3A, %add3A_154 : vector<16xi32>
        %eq3A_156 = arith.cmpi eq, %add3A_155, %get3A_96 : vector<16xi32>
        %select_n3A_157 = arith.select %eq3A_156, %get3A_150, %select_n3A_146 : vector<16xi1>, vector<16xf32>
        %get3A_158 = arith.index_cast %scan3A_90 : i32 to index
        %get3A_159 = arith.constant 80 : index
        %get3A_160 = tpu.vector_load %arg9[%get3A_158, %get3A_159] {strides = array<i32>} : memref<32x1000xf32, #tpu.memory_space<vmem>>, vector<1x16xf32>,
        %get3A_161 = vector.shape_cast %get3A_160 : vector<1x16xf32> to vector<16xf32>
        %exp3A_162 = math.exp %get3A_161 : vector<16xf32>
        %add3A_163 = arith.addf %add3A_119, %exp3A_162 : vector<16xf32>
        %add3A_164 = arith.constant 80 : i32
        %add3A_165 = vector.broadcast %add3A_164 : i32 to vector<16xi32>
        %add3A_166 = arith.addi %iota3A, %add3A_165 : vector<16xi32>
        %eq3A_167 = arith.cmpi eq, %add3A_166, %get3A_96 : vector<16xi32>
        %select_n3A_168 = arith.select %eq3A_167, %get3A_161, %select_n3A_157 : vector<16xi1>, vector<16xf32>
        %get3A_169 = arith.index_cast %scan3A_90 : i32 to index
        %get3A_170 = arith.constant 96 : index
        %get3A_171 = tpu.vector_load %arg9[%get3A_169, %get3A_170] {strides = array<i32>} : memref<32x1000xf32, #tpu.memory_space<vmem>>, vector<1x16xf32>,
        %get3A_172 = vector.shape_cast %get3A_171 : vector<1x16xf32> to vector<16xf32>
        %exp3A_173 = math.exp %get3A_172 : vector<16xf32>
        %add3A_174 = arith.addf %add3A_130, %exp3A_173 : vector<16xf32>
        %add3A_175 = arith.constant 96 : i32
        %add3A_176 = vector.broadcast %add3A_175 : i32 to vector<16xi32>
        %add3A_177 = arith.addi %iota3A, %add3A_176 : vector<16xi32>
        %eq3A_178 = arith.cmpi eq, %add3A_177, %get3A_96 : vector<16xi32>
        %select_n3A_179 = arith.select %eq3A_178, %get3A_172, %select_n3A_168 : vector<16xi1>, vector<16xf32>
        %get3A_180 = arith.index_cast %scan3A_90 : i32 to index
        %get3A_181 = arith.constant 112 : index
        %get3A_182 = tpu.vector_load %arg9[%get3A_180, %get3A_181] {strides = array<i32>} : memref<32x1000xf32, #tpu.memory_space<vmem>>, vector<1x16xf32>,
        %get3A_183 = vector.shape_cast %get3A_182 : vector<1x16xf32> to vector<16xf32>
        %exp3A_184 = math.exp %get3A_183 : vector<16xf32>
        %add3A_185 = arith.addf %add3A_141, %exp3A_184 : vector<16xf32>
        %add3A_186 = arith.constant 112 : i32
        %add3A_187 = vector.broadcast %add3A_186 : i32 to vector<16xi32>
        %add3A_188 = arith.addi %iota3A, %add3A_187 : vector<16xi32>
        %eq3A_189 = arith.cmpi eq, %add3A_188, %get3A_96 : vector<16xi32>
        %select_n3A_190 = arith.select %eq3A_189, %get3A_183, %select_n3A_179 : vector<16xi1>, vector<16xf32>
        %get3A_191 = arith.index_cast %scan3A_90 : i32 to index
        %get3A_192 = arith.constant 128 : index
        %get3A_193 = tpu.vector_load %arg9[%get3A_191, %get3A_192] {strides = array<i32>} : memref<32x1000xf32, #tpu.memory_space<vmem>>, vector<1x16xf32>,
        %get3A_194 = vector.shape_cast %get3A_193 : vector<1x16xf32> to vector<16xf32>
        %exp3A_195 = math.exp %get3A_194 : vector<16xf32>
        %add3A_196 = arith.addf %add3A_152, %exp3A_195 : vector<16xf32>
        %add3A_197 = arith.constant 128 : i32
        %add3A_198 = vector.broadcast %add3A_197 : i32 to vector<16xi32>
        %add3A_199 = arith.addi %iota3A, %add3A_198 : vector<16xi32>
        %eq3A_200 = arith.cmpi eq, %add3A_199, %get3A_96 : vector<16xi32>
        %select_n3A_201 = arith.select %eq3A_200, %get3A_194, %select_n3A_190 : vector<16xi1>, vector<16xf32>
        %get3A_202 = arith.index_cast %scan3A_90 : i32 to index
        %get3A_203 = arith.constant 144 : index
        %get3A_204 = tpu.vector_load %arg9[%get3A_202, %get3A_203] {strides = array<i32>} : memref<32x1000xf32, #tpu.memory_space<vmem>>, vector<1x16xf32>,
        %get3A_205 = vector.shape_cast %get3A_204 : vector<1x16xf32> to vector<16xf32>
        %exp3A_206 = math.exp %get3A_205 : vector<16xf32>
        %add3A_207 = arith.addf %add3A_163, %exp3A_206 : vector<16xf32>
        %add3A_208 = arith.constant 144 : i32
        %add3A_209 = vector.broadcast %add3A_208 : i32 to vector<16xi32>
        %add3A_210 = arith.addi %iota3A, %add3A_209 : vector<16xi32>
        %eq3A_211 = arith.cmpi eq, %add3A_210, %get3A_96 : vector<16xi32>
        %select_n3A_212 = arith.select %eq3A_211, %get3A_205, %select_n3A_201 : vector<16xi1>, vector<16xf32>
        %get3A_213 = arith.index_cast %scan3A_90 : i32 to index
        %get3A_214 = arith.constant 160 : index
        %get3A_215 = tpu.vector_load %arg9[%get3A_213, %get3A_214] {strides = array<i32>} : memref<32x1000xf32, #tpu.memory_space<vmem>>, vector<1x16xf32>,
        %get3A_216 = vector.shape_cast %get3A_215 : vector<1x16xf32> to vector<16xf32>
        %exp3A_217 = math.exp %get3A_216 : vector<16xf32>
        %add3A_218 = arith.addf %add3A_174, %exp3A_217 : vector<16xf32>
        %add3A_219 = arith.constant 160 : i32
        %add3A_220 = vector.broadcast %add3A_219 : i32 to vector<16xi32>
        %add3A_221 = arith.addi %iota3A, %add3A_220 : vector<16xi32>
        %eq3A_222 = arith.cmpi eq, %add3A_221, %get3A_96 : vector<16xi32>
        %select_n3A_223 = arith.select %eq3A_222, %get3A_216, %select_n3A_212 : vector<16xi1>, vector<16xf32>
        %get3A_224 = arith.index_cast %scan3A_90 : i32 to index
        %get3A_225 = arith.constant 176 : index
        %get3A_226 = tpu.vector_load %arg9[%get3A_224, %get3A_225] {strides = array<i32>} : memref<32x1000xf32, #tpu.memory_space<vmem>>, vector<1x16xf32>,
        %get3A_227 = vector.shape_cast %get3A_226 : vector<1x16xf32> to vector<16xf32>
        %exp3A_228 = math.exp %get3A_227 : vector<16xf32>
        %add3A_229 = arith.addf %add3A_185, %exp3A_228 : vector<16xf32>
        %add3A_230 = arith.constant 176 : i32
        %add3A_231 = vector.broadcast %add3A_230 : i32 to vector<16xi32>
        %add3A_232 = arith.addi %iota3A, %add3A_231 : vector<16xi32>
        %eq3A_233 = arith.cmpi eq, %add3A_232, %get3A_96 : vector<16xi32>
        %select_n3A_234 = arith.select %eq3A_233, %get3A_227, %select_n3A_223 : vector<16xi1>, vector<16xf32>
        %get3A_235 = arith.index_cast %scan3A_90 : i32 to index
        %get3A_236 = arith.constant 192 : index
        %get3A_237 = tpu.vector_load %arg9[%get3A_235, %get3A_236] {strides = array<i32>} : memref<32x1000xf32, #tpu.memory_space<vmem>>, vector<1x16xf32>,
        %get3A_238 = vector.shape_cast %get3A_237 : vector<1x16xf32> to vector<16xf32>
        %exp3A_239 = math.exp %get3A_238 : vector<16xf32>
        %add3A_240 = arith.addf %add3A_196, %exp3A_239 : vector<16xf32>
        %add3A_241 = arith.constant 192 : i32
        %add3A_242 = vector.broadcast %add3A_241 : i32 to vector<16xi32>
        %add3A_243 = arith.addi %iota3A, %add3A_242 : vector<16xi32>
        %eq3A_244 = arith.cmpi eq, %add3A_243, %get3A_96 : vector<16xi32>
        %select_n3A_245 = arith.select %eq3A_244, %get3A_238, %select_n3A_234 : vector<16xi1>, vector<16xf32>
        %get3A_246 = arith.index_cast %scan3A_90 : i32 to index
        %get3A_247 = arith.constant 208 : index
        %get3A_248 = tpu.vector_load %arg9[%get3A_246, %get3A_247] {strides = array<i32>} : memref<32x1000xf32, #tpu.memory_space<vmem>>, vector<1x16xf32>,
        %get3A_249 = vector.shape_cast %get3A_248 : vector<1x16xf32> to vector<16xf32>
        %exp3A_250 = math.exp %get3A_249 : vector<16xf32>
        %add3A_251 = arith.addf %add3A_207, %exp3A_250 : vector<16xf32>
        %add3A_252 = arith.constant 208 : i32
        %add3A_253 = vector.broadcast %add3A_252 : i32 to vector<16xi32>
        %add3A_254 = arith.addi %iota3A, %add3A_253 : vector<16xi32>
        %eq3A_255 = arith.cmpi eq, %add3A_254, %get3A_96 : vector<16xi32>
        %select_n3A_256 = arith.select %eq3A_255, %get3A_249, %select_n3A_245 : vector<16xi1>, vector<16xf32>
        %get3A_257 = arith.index_cast %scan3A_90 : i32 to index
        %get3A_258 = arith.constant 224 : index
        %get3A_259 = tpu.vector_load %arg9[%get3A_257, %get3A_258] {strides = array<i32>} : memref<32x1000xf32, #tpu.memory_space<vmem>>, vector<1x16xf32>,
        %get3A_260 = vector.shape_cast %get3A_259 : vector<1x16xf32> to vector<16xf32>
        %exp3A_261 = math.exp %get3A_260 : vector<16xf32>
        %add3A_262 = arith.addf %add3A_218, %exp3A_261 : vector<16xf32>
        %add3A_263 = arith.constant 224 : i32
        %add3A_264 = vector.broadcast %add3A_263 : i32 to vector<16xi32>
        %add3A_265 = arith.addi %iota3A, %add3A_264 : vector<16xi32>
        %eq3A_266 = arith.cmpi eq, %add3A_265, %get3A_96 : vector<16xi32>
        %select_n3A_267 = arith.select %eq3A_266, %get3A_260, %select_n3A_256 : vector<16xi1>, vector<16xf32>
        %get3A_268 = arith.index_cast %scan3A_90 : i32 to index
        %get3A_269 = arith.constant 240 : index
        %get3A_270 = tpu.vector_load %arg9[%get3A_268, %get3A_269] {strides = array<i32>} : memref<32x1000xf32, #tpu.memory_space<vmem>>, vector<1x16xf32>,
        %get3A_271 = vector.shape_cast %get3A_270 : vector<1x16xf32> to vector<16xf32>
        %exp3A_272 = math.exp %get3A_271 : vector<16xf32>
        %add3A_273 = arith.addf %add3A_229, %exp3A_272 : vector<16xf32>
        %add3A_274 = arith.constant 240 : i32
        %add3A_275 = vector.broadcast %add3A_274 : i32 to vector<16xi32>
        %add3A_276 = arith.addi %iota3A, %add3A_275 : vector<16xi32>
        %eq3A_277 = arith.cmpi eq, %add3A_276, %get3A_96 : vector<16xi32>
        %select_n3A_278 = arith.select %eq3A_277, %get3A_271, %select_n3A_267 : vector<16xi1>, vector<16xf32>
        %get3A_279 = arith.index_cast %scan3A_90 : i32 to index
        %get3A_280 = arith.constant 256 : index
        %get3A_281 = tpu.vector_load %arg9[%get3A_279, %get3A_280] {strides = array<i32>} : memref<32x1000xf32, #tpu.memory_space<vmem>>, vector<1x16xf32>,
        %get3A_282 = vector.shape_cast %get3A_281 : vector<1x16xf32> to vector<16xf32>
        %exp3A_283 = math.exp %get3A_282 : vector<16xf32>
        %add3A_284 = arith.addf %add3A_240, %exp3A_283 : vector<16xf32>
        %add3A_285 = arith.constant 256 : i32
        %add3A_286 = vector.broadcast %add3A_285 : i32 to vector<16xi32>
        %add3A_287 = arith.addi %iota3A, %add3A_286 : vector<16xi32>
        %eq3A_288 = arith.cmpi eq, %add3A_287, %get3A_96 : vector<16xi32>
        %select_n3A_289 = arith.select %eq3A_288, %get3A_282, %select_n3A_278 : vector<16xi1>, vector<16xf32>
        %get3A_290 = arith.index_cast %scan3A_90 : i32 to index
        %get3A_291 = arith.constant 272 : index
        %get3A_292 = tpu.vector_load %arg9[%get3A_290, %get3A_291] {strides = array<i32>} : memref<32x1000xf32, #tpu.memory_space<vmem>>, vector<1x16xf32>,
        %get3A_293 = vector.shape_cast %get3A_292 : vector<1x16xf32> to vector<16xf32>
        %exp3A_294 = math.exp %get3A_293 : vector<16xf32>
        %add3A_295 = arith.addf %add3A_251, %exp3A_294 : vector<16xf32>
        %add3A_296 = arith.constant 272 : i32
        %add3A_297 = vector.broadcast %add3A_296 : i32 to vector<16xi32>
        %add3A_298 = arith.addi %iota3A, %add3A_297 : vector<16xi32>
        %eq3A_299 = arith.cmpi eq, %add3A_298, %get3A_96 : vector<16xi32>
        %select_n3A_300 = arith.select %eq3A_299, %get3A_293, %select_n3A_289 : vector<16xi1>, vector<16xf32>
        %get3A_301 = arith.index_cast %scan3A_90 : i32 to index
        %get3A_302 = arith.constant 288 : index
        %get3A_303 = tpu.vector_load %arg9[%get3A_301, %get3A_302] {strides = array<i32>} : memref<32x1000xf32, #tpu.memory_space<vmem>>, vector<1x16xf32>,
        %get3A_304 = vector.shape_cast %get3A_303 : vector<1x16xf32> to vector<16xf32>
        %exp3A_305 = math.exp %get3A_304 : vector<16xf32>
        %add3A_306 = arith.addf %add3A_262, %exp3A_305 : vector<16xf32>
        %add3A_307 = arith.constant 288 : i32
        %add3A_308 = vector.broadcast %add3A_307 : i32 to vector<16xi32>
        %add3A_309 = arith.addi %iota3A, %add3A_308 : vector<16xi32>
        %eq3A_310 = arith.cmpi eq, %add3A_309, %get3A_96 : vector<16xi32>
        %select_n3A_311 = arith.select %eq3A_310, %get3A_304, %select_n3A_300 : vector<16xi1>, vector<16xf32>
        %get3A_312 = arith.index_cast %scan3A_90 : i32 to index
        %get3A_313 = arith.constant 304 : index
        %get3A_314 = tpu.vector_load %arg9[%get3A_312, %get3A_313] {strides = array<i32>} : memref<32x1000xf32, #tpu.memory_space<vmem>>, vector<1x16xf32>,
        %get3A_315 = vector.shape_cast %get3A_314 : vector<1x16xf32> to vector<16xf32>
        %exp3A_316 = math.exp %get3A_315 : vector<16xf32>
        %add3A_317 = arith.addf %add3A_273, %exp3A_316 : vector<16xf32>
        %add3A_318 = arith.constant 304 : i32
        %add3A_319 = vector.broadcast %add3A_318 : i32 to vector<16xi32>
        %add3A_320 = arith.addi %iota3A, %add3A_319 : vector<16xi32>
        %eq3A_321 = arith.cmpi eq, %add3A_320, %get3A_96 : vector<16xi32>
        %select_n3A_322 = arith.select %eq3A_321, %get3A_315, %select_n3A_311 : vector<16xi1>, vector<16xf32>
        %get3A_323 = arith.index_cast %scan3A_90 : i32 to index
        %get3A_324 = arith.constant 320 : index
        %get3A_325 = tpu.vector_load %arg9[%get3A_323, %get3A_324] {strides = array<i32>} : memref<32x1000xf32, #tpu.memory_space<vmem>>, vector<1x16xf32>,
        %get3A_326 = vector.shape_cast %get3A_325 : vector<1x16xf32> to vector<16xf32>
        %exp3A_327 = math.exp %get3A_326 : vector<16xf32>
        %add3A_328 = arith.addf %add3A_284, %exp3A_327 : vector<16xf32>
        %add3A_329 = arith.constant 320 : i32
        %add3A_330 = vector.broadcast %add3A_329 : i32 to vector<16xi32>
        %add3A_331 = arith.addi %iota3A, %add3A_330 : vector<16xi32>
        %eq3A_332 = arith.cmpi eq, %add3A_331, %get3A_96 : vector<16xi32>
        %select_n3A_333 = arith.select %eq3A_332, %get3A_326, %select_n3A_322 : vector<16xi1>, vector<16xf32>
        %get3A_334 = arith.index_cast %scan3A_90 : i32 to index
        %get3A_335 = arith.constant 336 : index
        %get3A_336 = tpu.vector_load %arg9[%get3A_334, %get3A_335] {strides = array<i32>} : memref<32x1000xf32, #tpu.memory_space<vmem>>, vector<1x16xf32>,
        %get3A_337 = vector.shape_cast %get3A_336 : vector<1x16xf32> to vector<16xf32>
        %exp3A_338 = math.exp %get3A_337 : vector<16xf32>
        %add3A_339 = arith.addf %add3A_295, %exp3A_338 : vector<16xf32>
        %add3A_340 = arith.constant 336 : i32
        %add3A_341 = vector.broadcast %add3A_340 : i32 to vector<16xi32>
        %add3A_342 = arith.addi %iota3A, %add3A_341 : vector<16xi32>
        %eq3A_343 = arith.cmpi eq, %add3A_342, %get3A_96 : vector<16xi32>
        %select_n3A_344 = arith.select %eq3A_343, %get3A_337, %select_n3A_333 : vector<16xi1>, vector<16xf32>
        %get3A_345 = arith.index_cast %scan3A_90 : i32 to index
        %get3A_346 = arith.constant 352 : index
        %get3A_347 = tpu.vector_load %arg9[%get3A_345, %get3A_346] {strides = array<i32>} : memref<32x1000xf32, #tpu.memory_space<vmem>>, vector<1x16xf32>,
        %get3A_348 = vector.shape_cast %get3A_347 : vector<1x16xf32> to vector<16xf32>
        %exp3A_349 = math.exp %get3A_348 : vector<16xf32>
        %add3A_350 = arith.addf %add3A_306, %exp3A_349 : vector<16xf32>
        %add3A_351 = arith.constant 352 : i32
        %add3A_352 = vector.broadcast %add3A_351 : i32 to vector<16xi32>
        %add3A_353 = arith.addi %iota3A, %add3A_352 : vector<16xi32>
        %eq3A_354 = arith.cmpi eq, %add3A_353, %get3A_96 : vector<16xi32>
        %select_n3A_355 = arith.select %eq3A_354, %get3A_348, %select_n3A_344 : vector<16xi1>, vector<16xf32>
        %get3A_356 = arith.index_cast %scan3A_90 : i32 to index
        %get3A_357 = arith.constant 368 : index
        %get3A_358 = tpu.vector_load %arg9[%get3A_356, %get3A_357] {strides = array<i32>} : memref<32x1000xf32, #tpu.memory_space<vmem>>, vector<1x16xf32>,
        %get3A_359 = vector.shape_cast %get3A_358 : vector<1x16xf32> to vector<16xf32>
        %exp3A_360 = math.exp %get3A_359 : vector<16xf32>
        %add3A_361 = arith.addf %add3A_317, %exp3A_360 : vector<16xf32>
        %add3A_362 = arith.constant 368 : i32
        %add3A_363 = vector.broadcast %add3A_362 : i32 to vector<16xi32>
        %add3A_364 = arith.addi %iota3A, %add3A_363 : vector<16xi32>
        %eq3A_365 = arith.cmpi eq, %add3A_364, %get3A_96 : vector<16xi32>
        %select_n3A_366 = arith.select %eq3A_365, %get3A_359, %select_n3A_355 : vector<16xi1>, vector<16xf32>
        %get3A_367 = arith.index_cast %scan3A_90 : i32 to index
        %get3A_368 = arith.constant 384 : index
        %get3A_369 = tpu.vector_load %arg9[%get3A_367, %get3A_368] {strides = array<i32>} : memref<32x1000xf32, #tpu.memory_space<vmem>>, vector<1x16xf32>,
        %get3A_370 = vector.shape_cast %get3A_369 : vector<1x16xf32> to vector<16xf32>
        %exp3A_371 = math.exp %get3A_370 : vector<16xf32>
        %add3A_372 = arith.addf %add3A_328, %exp3A_371 : vector<16xf32>
        %add3A_373 = arith.constant 384 : i32
        %add3A_374 = vector.broadcast %add3A_373 : i32 to vector<16xi32>
        %add3A_375 = arith.addi %iota3A, %add3A_374 : vector<16xi32>
        %eq3A_376 = arith.cmpi eq, %add3A_375, %get3A_96 : vector<16xi32>
        %select_n3A_377 = arith.select %eq3A_376, %get3A_370, %select_n3A_366 : vector<16xi1>, vector<16xf32>
        %get3A_378 = arith.index_cast %scan3A_90 : i32 to index
        %get3A_379 = arith.constant 400 : index
        %get3A_380 = tpu.vector_load %arg9[%get3A_378, %get3A_379] {strides = array<i32>} : memref<32x1000xf32, #tpu.memory_space<vmem>>, vector<1x16xf32>,
        %get3A_381 = vector.shape_cast %get3A_380 : vector<1x16xf32> to vector<16xf32>
        %exp3A_382 = math.exp %get3A_381 : vector<16xf32>
        %add3A_383 = arith.addf %add3A_339, %exp3A_382 : vector<16xf32>
        %add3A_384 = arith.constant 400 : i32
        %add3A_385 = vector.broadcast %add3A_384 : i32 to vector<16xi32>
        %add3A_386 = arith.addi %iota3A, %add3A_385 : vector<16xi32>
        %eq3A_387 = arith.cmpi eq, %add3A_386, %get3A_96 : vector<16xi32>
        %select_n3A_388 = arith.select %eq3A_387, %get3A_381, %select_n3A_377 : vector<16xi1>, vector<16xf32>
        %get3A_389 = arith.index_cast %scan3A_90 : i32 to index
        %get3A_390 = arith.constant 416 : index
        %get3A_391 = tpu.vector_load %arg9[%get3A_389, %get3A_390] {strides = array<i32>} : memref<32x1000xf32, #tpu.memory_space<vmem>>, vector<1x16xf32>,
        %get3A_392 = vector.shape_cast %get3A_391 : vector<1x16xf32> to vector<16xf32>
        %exp3A_393 = math.exp %get3A_392 : vector<16xf32>
        %add3A_394 = arith.addf %add3A_350, %exp3A_393 : vector<16xf32>
        %add3A_395 = arith.constant 416 : i32
        %add3A_396 = vector.broadcast %add3A_395 : i32 to vector<16xi32>
        %add3A_397 = arith.addi %iota3A, %add3A_396 : vector<16xi32>
        %eq3A_398 = arith.cmpi eq, %add3A_397, %get3A_96 : vector<16xi32>
        %select_n3A_399 = arith.select %eq3A_398, %get3A_392, %select_n3A_388 : vector<16xi1>, vector<16xf32>
        %get3A_400 = arith.index_cast %scan3A_90 : i32 to index
        %get3A_401 = arith.constant 432 : index
        %get3A_402 = tpu.vector_load %arg9[%get3A_400, %get3A_401] {strides = array<i32>} : memref<32x1000xf32, #tpu.memory_space<vmem>>, vector<1x16xf32>,
        %get3A_403 = vector.shape_cast %get3A_402 : vector<1x16xf32> to vector<16xf32>
        %exp3A_404 = math.exp %get3A_403 : vector<16xf32>
        %add3A_405 = arith.addf %add3A_361, %exp3A_404 : vector<16xf32>
        %add3A_406 = arith.constant 432 : i32
        %add3A_407 = vector.broadcast %add3A_406 : i32 to vector<16xi32>
        %add3A_408 = arith.addi %iota3A, %add3A_407 : vector<16xi32>
        %eq3A_409 = arith.cmpi eq, %add3A_408, %get3A_96 : vector<16xi32>
        %select_n3A_410 = arith.select %eq3A_409, %get3A_403, %select_n3A_399 : vector<16xi1>, vector<16xf32>
        %get3A_411 = arith.index_cast %scan3A_90 : i32 to index
        %get3A_412 = arith.constant 448 : index
        %get3A_413 = tpu.vector_load %arg9[%get3A_411, %get3A_412] {strides = array<i32>} : memref<32x1000xf32, #tpu.memory_space<vmem>>, vector<1x16xf32>,
        %get3A_414 = vector.shape_cast %get3A_413 : vector<1x16xf32> to vector<16xf32>
        %exp3A_415 = math.exp %get3A_414 : vector<16xf32>
        %add3A_416 = arith.addf %add3A_372, %exp3A_415 : vector<16xf32>
        %add3A_417 = arith.constant 448 : i32
        %add3A_418 = vector.broadcast %add3A_417 : i32 to vector<16xi32>
        %add3A_419 = arith.addi %iota3A, %add3A_418 : vector<16xi32>
        %eq3A_420 = arith.cmpi eq, %add3A_419, %get3A_96 : vector<16xi32>
        %select_n3A_421 = arith.select %eq3A_420, %get3A_414, %select_n3A_410 : vector<16xi1>, vector<16xf32>
        %get3A_422 = arith.index_cast %scan3A_90 : i32 to index
        %get3A_423 = arith.constant 464 : index
        %get3A_424 = tpu.vector_load %arg9[%get3A_422, %get3A_423] {strides = array<i32>} : memref<32x1000xf32, #tpu.memory_space<vmem>>, vector<1x16xf32>,
        %get3A_425 = vector.shape_cast %get3A_424 : vector<1x16xf32> to vector<16xf32>
        %exp3A_426 = math.exp %get3A_425 : vector<16xf32>
        %add3A_427 = arith.addf %add3A_383, %exp3A_426 : vector<16xf32>
        %add3A_428 = arith.constant 464 : i32
        %add3A_429 = vector.broadcast %add3A_428 : i32 to vector<16xi32>
        %add3A_430 = arith.addi %iota3A, %add3A_429 : vector<16xi32>
        %eq3A_431 = arith.cmpi eq, %add3A_430, %get3A_96 : vector<16xi32>
        %select_n3A_432 = arith.select %eq3A_431, %get3A_425, %select_n3A_421 : vector<16xi1>, vector<16xf32>
        %get3A_433 = arith.index_cast %scan3A_90 : i32 to index
        %get3A_434 = arith.constant 480 : index
        %get3A_435 = tpu.vector_load %arg9[%get3A_433, %get3A_434] {strides = array<i32>} : memref<32x1000xf32, #tpu.memory_space<vmem>>, vector<1x16xf32>,
        %get3A_436 = vector.shape_cast %get3A_435 : vector<1x16xf32> to vector<16xf32>
        %exp3A_437 = math.exp %get3A_436 : vector<16xf32>
        %add3A_438 = arith.addf %add3A_394, %exp3A_437 : vector<16xf32>
        %add3A_439 = arith.constant 480 : i32
        %add3A_440 = vector.broadcast %add3A_439 : i32 to vector<16xi32>
        %add3A_441 = arith.addi %iota3A, %add3A_440 : vector<16xi32>
        %eq3A_442 = arith.cmpi eq, %add3A_441, %get3A_96 : vector<16xi32>
        %select_n3A_443 = arith.select %eq3A_442, %get3A_436, %select_n3A_432 : vector<16xi1>, vector<16xf32>
        %get3A_444 = arith.index_cast %scan3A_90 : i32 to index
        %get3A_445 = arith.constant 496 : index
        %get3A_446 = tpu.vector_load %arg9[%get3A_444, %get3A_445] {strides = array<i32>} : memref<32x1000xf32, #tpu.memory_space<vmem>>, vector<1x16xf32>,
        %get3A_447 = vector.shape_cast %get3A_446 : vector<1x16xf32> to vector<16xf32>
        %exp3A_448 = math.exp %get3A_447 : vector<16xf32>
        %add3A_449 = arith.addf %add3A_405, %exp3A_448 : vector<16xf32>
        %add3A_450 = arith.constant 496 : i32
        %add3A_451 = vector.broadcast %add3A_450 : i32 to vector<16xi32>
        %add3A_452 = arith.addi %iota3A, %add3A_451 : vector<16xi32>
        %eq3A_453 = arith.cmpi eq, %add3A_452, %get3A_96 : vector<16xi32>
        %select_n3A_454 = arith.select %eq3A_453, %get3A_447, %select_n3A_443 : vector<16xi1>, vector<16xf32>
        %get3A_455 = arith.index_cast %scan3A_90 : i32 to index
        %get3A_456 = arith.constant 512 : index
        %get3A_457 = tpu.vector_load %arg9[%get3A_455, %get3A_456] {strides = array<i32>} : memref<32x1000xf32, #tpu.memory_space<vmem>>, vector<1x16xf32>,
        %get3A_458 = vector.shape_cast %get3A_457 : vector<1x16xf32> to vector<16xf32>
        %exp3A_459 = math.exp %get3A_458 : vector<16xf32>
        %add3A_460 = arith.addf %add3A_416, %exp3A_459 : vector<16xf32>
        %add3A_461 = arith.constant 512 : i32
        %add3A_462 = vector.broadcast %add3A_461 : i32 to vector<16xi32>
        %add3A_463 = arith.addi %iota3A, %add3A_462 : vector<16xi32>
        %eq3A_464 = arith.cmpi eq, %add3A_463, %get3A_96 : vector<16xi32>
        %select_n3A_465 = arith.select %eq3A_464, %get3A_458, %select_n3A_454 : vector<16xi1>, vector<16xf32>
        %get3A_466 = arith.index_cast %scan3A_90 : i32 to index
        %get3A_467 = arith.constant 528 : index
        %get3A_468 = tpu.vector_load %arg9[%get3A_466, %get3A_467] {strides = array<i32>} : memref<32x1000xf32, #tpu.memory_space<vmem>>, vector<1x16xf32>,
        %get3A_469 = vector.shape_cast %get3A_468 : vector<1x16xf32> to vector<16xf32>
        %exp3A_470 = math.exp %get3A_469 : vector<16xf32>
        %add3A_471 = arith.addf %add3A_427, %exp3A_470 : vector<16xf32>
        %add3A_472 = arith.constant 528 : i32
        %add3A_473 = vector.broadcast %add3A_472 : i32 to vector<16xi32>
        %add3A_474 = arith.addi %iota3A, %add3A_473 : vector<16xi32>
        %eq3A_475 = arith.cmpi eq, %add3A_474, %get3A_96 : vector<16xi32>
        %select_n3A_476 = arith.select %eq3A_475, %get3A_469, %select_n3A_465 : vector<16xi1>, vector<16xf32>
        %get3A_477 = arith.index_cast %scan3A_90 : i32 to index
        %get3A_478 = arith.constant 544 : index
        %get3A_479 = tpu.vector_load %arg9[%get3A_477, %get3A_478] {strides = array<i32>} : memref<32x1000xf32, #tpu.memory_space<vmem>>, vector<1x16xf32>,
        %get3A_480 = vector.shape_cast %get3A_479 : vector<1x16xf32> to vector<16xf32>
        %exp3A_481 = math.exp %get3A_480 : vector<16xf32>
        %add3A_482 = arith.addf %add3A_438, %exp3A_481 : vector<16xf32>
        %add3A_483 = arith.constant 544 : i32
        %add3A_484 = vector.broadcast %add3A_483 : i32 to vector<16xi32>
        %add3A_485 = arith.addi %iota3A, %add3A_484 : vector<16xi32>
        %eq3A_486 = arith.cmpi eq, %add3A_485, %get3A_96 : vector<16xi32>
        %select_n3A_487 = arith.select %eq3A_486, %get3A_480, %select_n3A_476 : vector<16xi1>, vector<16xf32>
        %get3A_488 = arith.index_cast %scan3A_90 : i32 to index
        %get3A_489 = arith.constant 560 : index
        %get3A_490 = tpu.vector_load %arg9[%get3A_488, %get3A_489] {strides = array<i32>} : memref<32x1000xf32, #tpu.memory_space<vmem>>, vector<1x16xf32>,
        %get3A_491 = vector.shape_cast %get3A_490 : vector<1x16xf32> to vector<16xf32>
        %exp3A_492 = math.exp %get3A_491 : vector<16xf32>
        %add3A_493 = arith.addf %add3A_449, %exp3A_492 : vector<16xf32>
        %add3A_494 = arith.constant 560 : i32
        %add3A_495 = vector.broadcast %add3A_494 : i32 to vector<16xi32>
        %add3A_496 = arith.addi %iota3A, %add3A_495 : vector<16xi32>
        %eq3A_497 = arith.cmpi eq, %add3A_496, %get3A_96 : vector<16xi32>
        %select_n3A_498 = arith.select %eq3A_497, %get3A_491, %select_n3A_487 : vector<16xi1>, vector<16xf32>
        %get3A_499 = arith.index_cast %scan3A_90 : i32 to index
        %get3A_500 = arith.constant 576 : index
        %get3A_501 = tpu.vector_load %arg9[%get3A_499, %get3A_500] {strides = array<i32>} : memref<32x1000xf32, #tpu.memory_space<vmem>>, vector<1x16xf32>,
        %get3A_502 = vector.shape_cast %get3A_501 : vector<1x16xf32> to vector<16xf32>
        %exp3A_503 = math.exp %get3A_502 : vector<16xf32>
        %add3A_504 = arith.addf %add3A_460, %exp3A_503 : vector<16xf32>
        %add3A_505 = arith.constant 576 : i32
        %add3A_506 = vector.broadcast %add3A_505 : i32 to vector<16xi32>
        %add3A_507 = arith.addi %iota3A, %add3A_506 : vector<16xi32>
        %eq3A_508 = arith.cmpi eq, %add3A_507, %get3A_96 : vector<16xi32>
        %select_n3A_509 = arith.select %eq3A_508, %get3A_502, %select_n3A_498 : vector<16xi1>, vector<16xf32>
        %get3A_510 = arith.index_cast %scan3A_90 : i32 to index
        %get3A_511 = arith.constant 592 : index
        %get3A_512 = tpu.vector_load %arg9[%get3A_510, %get3A_511] {strides = array<i32>} : memref<32x1000xf32, #tpu.memory_space<vmem>>, vector<1x16xf32>,
        %get3A_513 = vector.shape_cast %get3A_512 : vector<1x16xf32> to vector<16xf32>
        %exp3A_514 = math.exp %get3A_513 : vector<16xf32>
        %add3A_515 = arith.addf %add3A_471, %exp3A_514 : vector<16xf32>
        %add3A_516 = arith.constant 592 : i32
        %add3A_517 = vector.broadcast %add3A_516 : i32 to vector<16xi32>
        %add3A_518 = arith.addi %iota3A, %add3A_517 : vector<16xi32>
        %eq3A_519 = arith.cmpi eq, %add3A_518, %get3A_96 : vector<16xi32>
        %select_n3A_520 = arith.select %eq3A_519, %get3A_513, %select_n3A_509 : vector<16xi1>, vector<16xf32>
        %get3A_521 = arith.index_cast %scan3A_90 : i32 to index
        %get3A_522 = arith.constant 608 : index
        %get3A_523 = tpu.vector_load %arg9[%get3A_521, %get3A_522] {strides = array<i32>} : memref<32x1000xf32, #tpu.memory_space<vmem>>, vector<1x16xf32>,
        %get3A_524 = vector.shape_cast %get3A_523 : vector<1x16xf32> to vector<16xf32>
        %exp3A_525 = math.exp %get3A_524 : vector<16xf32>
        %add3A_526 = arith.addf %add3A_482, %exp3A_525 : vector<16xf32>
        %add3A_527 = arith.constant 608 : i32
        %add3A_528 = vector.broadcast %add3A_527 : i32 to vector<16xi32>
        %add3A_529 = arith.addi %iota3A, %add3A_528 : vector<16xi32>
        %eq3A_530 = arith.cmpi eq, %add3A_529, %get3A_96 : vector<16xi32>
        %select_n3A_531 = arith.select %eq3A_530, %get3A_524, %select_n3A_520 : vector<16xi1>, vector<16xf32>
        %get3A_532 = arith.index_cast %scan3A_90 : i32 to index
        %get3A_533 = arith.constant 624 : index
        %get3A_534 = tpu.vector_load %arg9[%get3A_532, %get3A_533] {strides = array<i32>} : memref<32x1000xf32, #tpu.memory_space<vmem>>, vector<1x16xf32>,
        %get3A_535 = vector.shape_cast %get3A_534 : vector<1x16xf32> to vector<16xf32>
        %exp3A_536 = math.exp %get3A_535 : vector<16xf32>
        %add3A_537 = arith.addf %add3A_493, %exp3A_536 : vector<16xf32>
        %add3A_538 = arith.constant 624 : i32
        %add3A_539 = vector.broadcast %add3A_538 : i32 to vector<16xi32>
        %add3A_540 = arith.addi %iota3A, %add3A_539 : vector<16xi32>
        %eq3A_541 = arith.cmpi eq, %add3A_540, %get3A_96 : vector<16xi32>
        %select_n3A_542 = arith.select %eq3A_541, %get3A_535, %select_n3A_531 : vector<16xi1>, vector<16xf32>
        %get3A_543 = arith.index_cast %scan3A_90 : i32 to index
        %get3A_544 = arith.constant 640 : index
        %get3A_545 = tpu.vector_load %arg9[%get3A_543, %get3A_544] {strides = array<i32>} : memref<32x1000xf32, #tpu.memory_space<vmem>>, vector<1x16xf32>,
        %get3A_546 = vector.shape_cast %get3A_545 : vector<1x16xf32> to vector<16xf32>
        %exp3A_547 = math.exp %get3A_546 : vector<16xf32>
        %add3A_548 = arith.addf %add3A_504, %exp3A_547 : vector<16xf32>
        %add3A_549 = arith.constant 640 : i32
        %add3A_550 = vector.broadcast %add3A_549 : i32 to vector<16xi32>
        %add3A_551 = arith.addi %iota3A, %add3A_550 : vector<16xi32>
        %eq3A_552 = arith.cmpi eq, %add3A_551, %get3A_96 : vector<16xi32>
        %select_n3A_553 = arith.select %eq3A_552, %get3A_546, %select_n3A_542 : vector<16xi1>, vector<16xf32>
        %get3A_554 = arith.index_cast %scan3A_90 : i32 to index
        %get3A_555 = arith.constant 656 : index
        %get3A_556 = tpu.vector_load %arg9[%get3A_554, %get3A_555] {strides = array<i32>} : memref<32x1000xf32, #tpu.memory_space<vmem>>, vector<1x16xf32>,
        %get3A_557 = vector.shape_cast %get3A_556 : vector<1x16xf32> to vector<16xf32>
        %exp3A_558 = math.exp %get3A_557 : vector<16xf32>
        %add3A_559 = arith.addf %add3A_515, %exp3A_558 : vector<16xf32>
        %add3A_560 = arith.constant 656 : i32
        %add3A_561 = vector.broadcast %add3A_560 : i32 to vector<16xi32>
        %add3A_562 = arith.addi %iota3A, %add3A_561 : vector<16xi32>
        %eq3A_563 = arith.cmpi eq, %add3A_562, %get3A_96 : vector<16xi32>
        %select_n3A_564 = arith.select %eq3A_563, %get3A_557, %select_n3A_553 : vector<16xi1>, vector<16xf32>
        %get3A_565 = arith.index_cast %scan3A_90 : i32 to index
        %get3A_566 = arith.constant 672 : index
        %get3A_567 = tpu.vector_load %arg9[%get3A_565, %get3A_566] {strides = array<i32>} : memref<32x1000xf32, #tpu.memory_space<vmem>>, vector<1x16xf32>,
        %get3A_568 = vector.shape_cast %get3A_567 : vector<1x16xf32> to vector<16xf32>
        %exp3A_569 = math.exp %get3A_568 : vector<16xf32>
        %add3A_570 = arith.addf %add3A_526, %exp3A_569 : vector<16xf32>
        %add3A_571 = arith.constant 672 : i32
        %add3A_572 = vector.broadcast %add3A_571 : i32 to vector<16xi32>
        %add3A_573 = arith.addi %iota3A, %add3A_572 : vector<16xi32>
        %eq3A_574 = arith.cmpi eq, %add3A_573, %get3A_96 : vector<16xi32>
        %select_n3A_575 = arith.select %eq3A_574, %get3A_568, %select_n3A_564 : vector<16xi1>, vector<16xf32>
        %get3A_576 = arith.index_cast %scan3A_90 : i32 to index
        %get3A_577 = arith.constant 688 : index
        %get3A_578 = tpu.vector_load %arg9[%get3A_576, %get3A_577] {strides = array<i32>} : memref<32x1000xf32, #tpu.memory_space<vmem>>, vector<1x16xf32>,
        %get3A_579 = vector.shape_cast %get3A_578 : vector<1x16xf32> to vector<16xf32>
        %exp3A_580 = math.exp %get3A_579 : vector<16xf32>
        %add3A_581 = arith.addf %add3A_537, %exp3A_580 : vector<16xf32>
        %add3A_582 = arith.constant 688 : i32
        %add3A_583 = vector.broadcast %add3A_582 : i32 to vector<16xi32>
        %add3A_584 = arith.addi %iota3A, %add3A_583 : vector<16xi32>
        %eq3A_585 = arith.cmpi eq, %add3A_584, %get3A_96 : vector<16xi32>
        %select_n3A_586 = arith.select %eq3A_585, %get3A_579, %select_n3A_575 : vector<16xi1>, vector<16xf32>
        %get3A_587 = arith.index_cast %scan3A_90 : i32 to index
        %get3A_588 = arith.constant 704 : index
        %get3A_589 = tpu.vector_load %arg9[%get3A_587, %get3A_588] {strides = array<i32>} : memref<32x1000xf32, #tpu.memory_space<vmem>>, vector<1x16xf32>,
        %get3A_590 = vector.shape_cast %get3A_589 : vector<1x16xf32> to vector<16xf32>
        %exp3A_591 = math.exp %get3A_590 : vector<16xf32>
        %add3A_592 = arith.addf %add3A_548, %exp3A_591 : vector<16xf32>
        %add3A_593 = arith.constant 704 : i32
        %add3A_594 = vector.broadcast %add3A_593 : i32 to vector<16xi32>
        %add3A_595 = arith.addi %iota3A, %add3A_594 : vector<16xi32>
        %eq3A_596 = arith.cmpi eq, %add3A_595, %get3A_96 : vector<16xi32>
        %select_n3A_597 = arith.select %eq3A_596, %get3A_590, %select_n3A_586 : vector<16xi1>, vector<16xf32>
        %get3A_598 = arith.index_cast %scan3A_90 : i32 to index
        %get3A_599 = arith.constant 720 : index
        %get3A_600 = tpu.vector_load %arg9[%get3A_598, %get3A_599] {strides = array<i32>} : memref<32x1000xf32, #tpu.memory_space<vmem>>, vector<1x16xf32>,
        %get3A_601 = vector.shape_cast %get3A_600 : vector<1x16xf32> to vector<16xf32>
        %exp3A_602 = math.exp %get3A_601 : vector<16xf32>
        %add3A_603 = arith.addf %add3A_559, %exp3A_602 : vector<16xf32>
        %add3A_604 = arith.constant 720 : i32
        %add3A_605 = vector.broadcast %add3A_604 : i32 to vector<16xi32>
        %add3A_606 = arith.addi %iota3A, %add3A_605 : vector<16xi32>
        %eq3A_607 = arith.cmpi eq, %add3A_606, %get3A_96 : vector<16xi32>
        %select_n3A_608 = arith.select %eq3A_607, %get3A_601, %select_n3A_597 : vector<16xi1>, vector<16xf32>
        %get3A_609 = arith.index_cast %scan3A_90 : i32 to index
        %get3A_610 = arith.constant 736 : index
        %get3A_611 = tpu.vector_load %arg9[%get3A_609, %get3A_610] {strides = array<i32>} : memref<32x1000xf32, #tpu.memory_space<vmem>>, vector<1x16xf32>,
        %get3A_612 = vector.shape_cast %get3A_611 : vector<1x16xf32> to vector<16xf32>
        %exp3A_613 = math.exp %get3A_612 : vector<16xf32>
        %add3A_614 = arith.addf %add3A_570, %exp3A_613 : vector<16xf32>
        %add3A_615 = arith.constant 736 : i32
        %add3A_616 = vector.broadcast %add3A_615 : i32 to vector<16xi32>
        %add3A_617 = arith.addi %iota3A, %add3A_616 : vector<16xi32>
        %eq3A_618 = arith.cmpi eq, %add3A_617, %get3A_96 : vector<16xi32>
        %select_n3A_619 = arith.select %eq3A_618, %get3A_612, %select_n3A_608 : vector<16xi1>, vector<16xf32>
        %get3A_620 = arith.index_cast %scan3A_90 : i32 to index
        %get3A_621 = arith.constant 752 : index
        %get3A_622 = tpu.vector_load %arg9[%get3A_620, %get3A_621] {strides = array<i32>} : memref<32x1000xf32, #tpu.memory_space<vmem>>, vector<1x16xf32>,
        %get3A_623 = vector.shape_cast %get3A_622 : vector<1x16xf32> to vector<16xf32>
        %exp3A_624 = math.exp %get3A_623 : vector<16xf32>
        %add3A_625 = arith.addf %add3A_581, %exp3A_624 : vector<16xf32>
        %add3A_626 = arith.constant 752 : i32
        %add3A_627 = vector.broadcast %add3A_626 : i32 to vector<16xi32>
        %add3A_628 = arith.addi %iota3A, %add3A_627 : vector<16xi32>
        %eq3A_629 = arith.cmpi eq, %add3A_628, %get3A_96 : vector<16xi32>
        %select_n3A_630 = arith.select %eq3A_629, %get3A_623, %select_n3A_619 : vector<16xi1>, vector<16xf32>
        %get3A_631 = arith.index_cast %scan3A_90 : i32 to index
        %get3A_632 = arith.constant 768 : index
        %get3A_633 = tpu.vector_load %arg9[%get3A_631, %get3A_632] {strides = array<i32>} : memref<32x1000xf32, #tpu.memory_space<vmem>>, vector<1x16xf32>,
        %get3A_634 = vector.shape_cast %get3A_633 : vector<1x16xf32> to vector<16xf32>
        %exp3A_635 = math.exp %get3A_634 : vector<16xf32>
        %add3A_636 = arith.addf %add3A_592, %exp3A_635 : vector<16xf32>
        %add3A_637 = arith.constant 768 : i32
        %add3A_638 = vector.broadcast %add3A_637 : i32 to vector<16xi32>
        %add3A_639 = arith.addi %iota3A, %add3A_638 : vector<16xi32>
        %eq3A_640 = arith.cmpi eq, %add3A_639, %get3A_96 : vector<16xi32>
        %select_n3A_641 = arith.select %eq3A_640, %get3A_634, %select_n3A_630 : vector<16xi1>, vector<16xf32>
        %get3A_642 = arith.index_cast %scan3A_90 : i32 to index
        %get3A_643 = arith.constant 784 : index
        %get3A_644 = tpu.vector_load %arg9[%get3A_642, %get3A_643] {strides = array<i32>} : memref<32x1000xf32, #tpu.memory_space<vmem>>, vector<1x16xf32>,
        %get3A_645 = vector.shape_cast %get3A_644 : vector<1x16xf32> to vector<16xf32>
        %exp3A_646 = math.exp %get3A_645 : vector<16xf32>
        %add3A_647 = arith.addf %add3A_603, %exp3A_646 : vector<16xf32>
        %add3A_648 = arith.constant 784 : i32
        %add3A_649 = vector.broadcast %add3A_648 : i32 to vector<16xi32>
        %add3A_650 = arith.addi %iota3A, %add3A_649 : vector<16xi32>
        %eq3A_651 = arith.cmpi eq, %add3A_650, %get3A_96 : vector<16xi32>
        %select_n3A_652 = arith.select %eq3A_651, %get3A_645, %select_n3A_641 : vector<16xi1>, vector<16xf32>
        %get3A_653 = arith.index_cast %scan3A_90 : i32 to index
        %get3A_654 = arith.constant 800 : index
        %get3A_655 = tpu.vector_load %arg9[%get3A_653, %get3A_654] {strides = array<i32>} : memref<32x1000xf32, #tpu.memory_space<vmem>>, vector<1x16xf32>,
        %get3A_656 = vector.shape_cast %get3A_655 : vector<1x16xf32> to vector<16xf32>
        %exp3A_657 = math.exp %get3A_656 : vector<16xf32>
        %add3A_658 = arith.addf %add3A_614, %exp3A_657 : vector<16xf32>
        %add3A_659 = arith.constant 800 : i32
        %add3A_660 = vector.broadcast %add3A_659 : i32 to vector<16xi32>
        %add3A_661 = arith.addi %iota3A, %add3A_660 : vector<16xi32>
        %eq3A_662 = arith.cmpi eq, %add3A_661, %get3A_96 : vector<16xi32>
        %select_n3A_663 = arith.select %eq3A_662, %get3A_656, %select_n3A_652 : vector<16xi1>, vector<16xf32>
        %get3A_664 = arith.index_cast %scan3A_90 : i32 to index
        %get3A_665 = arith.constant 816 : index
        %get3A_666 = tpu.vector_load %arg9[%get3A_664, %get3A_665] {strides = array<i32>} : memref<32x1000xf32, #tpu.memory_space<vmem>>, vector<1x16xf32>,
        %get3A_667 = vector.shape_cast %get3A_666 : vector<1x16xf32> to vector<16xf32>
        %exp3A_668 = math.exp %get3A_667 : vector<16xf32>
        %add3A_669 = arith.addf %add3A_625, %exp3A_668 : vector<16xf32>
        %add3A_670 = arith.constant 816 : i32
        %add3A_671 = vector.broadcast %add3A_670 : i32 to vector<16xi32>
        %add3A_672 = arith.addi %iota3A, %add3A_671 : vector<16xi32>
        %eq3A_673 = arith.cmpi eq, %add3A_672, %get3A_96 : vector<16xi32>
        %select_n3A_674 = arith.select %eq3A_673, %get3A_667, %select_n3A_663 : vector<16xi1>, vector<16xf32>
        %get3A_675 = arith.index_cast %scan3A_90 : i32 to index
        %get3A_676 = arith.constant 832 : index
        %get3A_677 = tpu.vector_load %arg9[%get3A_675, %get3A_676] {strides = array<i32>} : memref<32x1000xf32, #tpu.memory_space<vmem>>, vector<1x16xf32>,
        %get3A_678 = vector.shape_cast %get3A_677 : vector<1x16xf32> to vector<16xf32>
        %exp3A_679 = math.exp %get3A_678 : vector<16xf32>
        %add3A_680 = arith.addf %add3A_636, %exp3A_679 : vector<16xf32>
        %add3A_681 = arith.constant 832 : i32
        %add3A_682 = vector.broadcast %add3A_681 : i32 to vector<16xi32>
        %add3A_683 = arith.addi %iota3A, %add3A_682 : vector<16xi32>
        %eq3A_684 = arith.cmpi eq, %add3A_683, %get3A_96 : vector<16xi32>
        %select_n3A_685 = arith.select %eq3A_684, %get3A_678, %select_n3A_674 : vector<16xi1>, vector<16xf32>
        %get3A_686 = arith.index_cast %scan3A_90 : i32 to index
        %get3A_687 = arith.constant 848 : index
        %get3A_688 = tpu.vector_load %arg9[%get3A_686, %get3A_687] {strides = array<i32>} : memref<32x1000xf32, #tpu.memory_space<vmem>>, vector<1x16xf32>,
        %get3A_689 = vector.shape_cast %get3A_688 : vector<1x16xf32> to vector<16xf32>
        %exp3A_690 = math.exp %get3A_689 : vector<16xf32>
        %add3A_691 = arith.addf %add3A_647, %exp3A_690 : vector<16xf32>
        %add3A_692 = arith.constant 848 : i32
        %add3A_693 = vector.broadcast %add3A_692 : i32 to vector<16xi32>
        %add3A_694 = arith.addi %iota3A, %add3A_693 : vector<16xi32>
        %eq3A_695 = arith.cmpi eq, %add3A_694, %get3A_96 : vector<16xi32>
        %select_n3A_696 = arith.select %eq3A_695, %get3A_689, %select_n3A_685 : vector<16xi1>, vector<16xf32>
        %get3A_697 = arith.index_cast %scan3A_90 : i32 to index
        %get3A_698 = arith.constant 864 : index
        %get3A_699 = tpu.vector_load %arg9[%get3A_697, %get3A_698] {strides = array<i32>} : memref<32x1000xf32, #tpu.memory_space<vmem>>, vector<1x16xf32>,
        %get3A_700 = vector.shape_cast %get3A_699 : vector<1x16xf32> to vector<16xf32>
        %exp3A_701 = math.exp %get3A_700 : vector<16xf32>
        %add3A_702 = arith.addf %add3A_658, %exp3A_701 : vector<16xf32>
        %add3A_703 = arith.constant 864 : i32
        %add3A_704 = vector.broadcast %add3A_703 : i32 to vector<16xi32>
        %add3A_705 = arith.addi %iota3A, %add3A_704 : vector<16xi32>
        %eq3A_706 = arith.cmpi eq, %add3A_705, %get3A_96 : vector<16xi32>
        %select_n3A_707 = arith.select %eq3A_706, %get3A_700, %select_n3A_696 : vector<16xi1>, vector<16xf32>
        %get3A_708 = arith.index_cast %scan3A_90 : i32 to index
        %get3A_709 = arith.constant 880 : index
        %get3A_710 = tpu.vector_load %arg9[%get3A_708, %get3A_709] {strides = array<i32>} : memref<32x1000xf32, #tpu.memory_space<vmem>>, vector<1x16xf32>,
        %get3A_711 = vector.shape_cast %get3A_710 : vector<1x16xf32> to vector<16xf32>
        %exp3A_712 = math.exp %get3A_711 : vector<16xf32>
        %add3A_713 = arith.addf %add3A_669, %exp3A_712 : vector<16xf32>
        %add3A_714 = arith.constant 880 : i32
        %add3A_715 = vector.broadcast %add3A_714 : i32 to vector<16xi32>
        %add3A_716 = arith.addi %iota3A, %add3A_715 : vector<16xi32>
        %eq3A_717 = arith.cmpi eq, %add3A_716, %get3A_96 : vector<16xi32>
        %select_n3A_718 = arith.select %eq3A_717, %get3A_711, %select_n3A_707 : vector<16xi1>, vector<16xf32>
        %get3A_719 = arith.index_cast %scan3A_90 : i32 to index
        %get3A_720 = arith.constant 896 : index
        %get3A_721 = tpu.vector_load %arg9[%get3A_719, %get3A_720] {strides = array<i32>} : memref<32x1000xf32, #tpu.memory_space<vmem>>, vector<1x16xf32>,
        %get3A_722 = vector.shape_cast %get3A_721 : vector<1x16xf32> to vector<16xf32>
        %exp3A_723 = math.exp %get3A_722 : vector<16xf32>
        %add3A_724 = arith.addf %add3A_680, %exp3A_723 : vector<16xf32>
        %add3A_725 = arith.constant 896 : i32
        %add3A_726 = vector.broadcast %add3A_725 : i32 to vector<16xi32>
        %add3A_727 = arith.addi %iota3A, %add3A_726 : vector<16xi32>
        %eq3A_728 = arith.cmpi eq, %add3A_727, %get3A_96 : vector<16xi32>
        %select_n3A_729 = arith.select %eq3A_728, %get3A_722, %select_n3A_718 : vector<16xi1>, vector<16xf32>
        %get3A_730 = arith.index_cast %scan3A_90 : i32 to index
        %get3A_731 = arith.constant 912 : index
        %get3A_732 = tpu.vector_load %arg9[%get3A_730, %get3A_731] {strides = array<i32>} : memref<32x1000xf32, #tpu.memory_space<vmem>>, vector<1x16xf32>,
        %get3A_733 = vector.shape_cast %get3A_732 : vector<1x16xf32> to vector<16xf32>
        %exp3A_734 = math.exp %get3A_733 : vector<16xf32>
        %add3A_735 = arith.addf %add3A_691, %exp3A_734 : vector<16xf32>
        %add3A_736 = arith.constant 912 : i32
        %add3A_737 = vector.broadcast %add3A_736 : i32 to vector<16xi32>
        %add3A_738 = arith.addi %iota3A, %add3A_737 : vector<16xi32>
        %eq3A_739 = arith.cmpi eq, %add3A_738, %get3A_96 : vector<16xi32>
        %select_n3A_740 = arith.select %eq3A_739, %get3A_733, %select_n3A_729 : vector<16xi1>, vector<16xf32>
        %get3A_741 = arith.index_cast %scan3A_90 : i32 to index
        %get3A_742 = arith.constant 928 : index
        %get3A_743 = tpu.vector_load %arg9[%get3A_741, %get3A_742] {strides = array<i32>} : memref<32x1000xf32, #tpu.memory_space<vmem>>, vector<1x16xf32>,
        %get3A_744 = vector.shape_cast %get3A_743 : vector<1x16xf32> to vector<16xf32>
        %exp3A_745 = math.exp %get3A_744 : vector<16xf32>
        %add3A_746 = arith.addf %add3A_702, %exp3A_745 : vector<16xf32>
        %add3A_747 = arith.constant 928 : i32
        %add3A_748 = vector.broadcast %add3A_747 : i32 to vector<16xi32>
        %add3A_749 = arith.addi %iota3A, %add3A_748 : vector<16xi32>
        %eq3A_750 = arith.cmpi eq, %add3A_749, %get3A_96 : vector<16xi32>
        %select_n3A_751 = arith.select %eq3A_750, %get3A_744, %select_n3A_740 : vector<16xi1>, vector<16xf32>
        %get3A_752 = arith.index_cast %scan3A_90 : i32 to index
        %get3A_753 = arith.constant 944 : index
        %get3A_754 = tpu.vector_load %arg9[%get3A_752, %get3A_753] {strides = array<i32>} : memref<32x1000xf32, #tpu.memory_space<vmem>>, vector<1x16xf32>,
        %get3A_755 = vector.shape_cast %get3A_754 : vector<1x16xf32> to vector<16xf32>
        %exp3A_756 = math.exp %get3A_755 : vector<16xf32>
        %add3A_757 = arith.addf %add3A_713, %exp3A_756 : vector<16xf32>
        %add3A_758 = arith.constant 944 : i32
        %add3A_759 = vector.broadcast %add3A_758 : i32 to vector<16xi32>
        %add3A_760 = arith.addi %iota3A, %add3A_759 : vector<16xi32>
        %eq3A_761 = arith.cmpi eq, %add3A_760, %get3A_96 : vector<16xi32>
        %select_n3A_762 = arith.select %eq3A_761, %get3A_755, %select_n3A_751 : vector<16xi1>, vector<16xf32>
        %get3A_763 = arith.index_cast %scan3A_90 : i32 to index
        %get3A_764 = arith.constant 960 : index
        %get3A_765 = tpu.vector_load %arg9[%get3A_763, %get3A_764] {strides = array<i32>} : memref<32x1000xf32, #tpu.memory_space<vmem>>, vector<1x16xf32>,
        %get3A_766 = vector.shape_cast %get3A_765 : vector<1x16xf32> to vector<16xf32>
        %exp3A_767 = math.exp %get3A_766 : vector<16xf32>
        %add3A_768 = arith.addf %add3A_724, %exp3A_767 : vector<16xf32>
        %add3A_769 = arith.constant 960 : i32
        %add3A_770 = vector.broadcast %add3A_769 : i32 to vector<16xi32>
        %add3A_771 = arith.addi %iota3A, %add3A_770 : vector<16xi32>
        %eq3A_772 = arith.cmpi eq, %add3A_771, %get3A_96 : vector<16xi32>
        %select_n3A_773 = arith.select %eq3A_772, %get3A_766, %select_n3A_762 : vector<16xi1>, vector<16xf32>
        %get3A_774 = arith.index_cast %scan3A_90 : i32 to index
        %get3A_775 = arith.constant 976 : index
        %get3A_776 = tpu.vector_load %arg9[%get3A_774, %get3A_775] {strides = array<i32>} : memref<32x1000xf32, #tpu.memory_space<vmem>>, vector<1x16xf32>,
        %get3A_777 = vector.shape_cast %get3A_776 : vector<1x16xf32> to vector<16xf32>
        %exp3A_778 = math.exp %get3A_777 : vector<16xf32>
        %add3A_779 = arith.addf %add3A_735, %exp3A_778 : vector<16xf32>
        %add3A_780 = arith.constant 976 : i32
        %add3A_781 = vector.broadcast %add3A_780 : i32 to vector<16xi32>
        %add3A_782 = arith.addi %iota3A, %add3A_781 : vector<16xi32>
        %eq3A_783 = arith.cmpi eq, %add3A_782, %get3A_96 : vector<16xi32>
        %select_n3A_784 = arith.select %eq3A_783, %get3A_777, %select_n3A_773 : vector<16xi1>, vector<16xf32>
        %get3A_785 = arith.index_cast %scan3A_90 : i32 to index
        %get3A_786 = arith.constant 984 : index
        %get3A_787 = tpu.vector_load %arg9[%get3A_785, %get3A_786] {strides = array<i32>} : memref<32x1000xf32, #tpu.memory_space<vmem>>, vector<1x16xf32>,
        %get3A_788 = vector.shape_cast %get3A_787 : vector<1x16xf32> to vector<16xf32>
        %ge3A = arith.constant 8 : i32
        %ge3A_789 = vector.broadcast %ge3A : i32 to vector<16xi32>
        %ge3A_790 = arith.cmpi sge, %iota3A, %ge3A_789 : vector<16xi32>
        %exp3A_791 = math.exp %get3A_788 : vector<16xf32>
        %jit3A = arith.constant 0.000000e+00 : f32
        %broadcast_in_dim3A_792 = vector.broadcast %jit3A : f32 to vector<16xf32>
        %select_n3A_793 = arith.select %ge3A_790, %exp3A_791, %broadcast_in_dim3A_792 : vector<16xi1>, vector<16xf32>
        %add3A_794 = arith.addf %add3A_757, %select_n3A_793 : vector<16xf32>
        %add3A_795 = arith.constant 984 : i32
        %add3A_796 = vector.broadcast %add3A_795 : i32 to vector<16xi32>
        %add3A_797 = arith.addi %iota3A, %add3A_796 : vector<16xi32>
        %eq3A_798 = arith.cmpi eq, %add3A_797, %get3A_96 : vector<16xi32>
        %select_n3A_799 = arith.select %eq3A_798, %get3A_788, %select_n3A_784 : vector<16xi1>, vector<16xf32>
        %add3A_800 = arith.addf %add3A_768, %add3A_779 : vector<16xf32>
        %add3A_801 = arith.addf %add3A_746, %add3A_794 : vector<16xf32>
        %add3A_802 = arith.addf %add3A_800, %add3A_801 : vector<16xf32>
        %swap3A = arith.index_cast %scan3A_90 : i32 to index
        %swap3A_803 = arith.constant 0 : index
        %swap3A_804 = tpu.vector_load %arg12[%swap3A, %swap3A_803] {strides = array<i32>} : memref<32x16xf32, #tpu.memory_space<vmem>>, vector<1x16xf32>,
        %swap3A_805 = vector.shape_cast %swap3A_804 : vector<1x16xf32> to vector<16xf32>
        %swap3A_806 = vector.shape_cast %add3A_802 : vector<16xf32> to vector<1x16xf32>
        tpu.vector_store %arg12[%swap3A, %swap3A_803], %swap3A_806 {strides = array<i32>} : memref<32x16xf32, #tpu.memory_space<vmem>>, vector<1x16xf32>,
        %swap3A_807 = arith.index_cast %scan3A_90 : i32 to index
        %swap3A_808 = arith.constant 0 : index
        %swap3A_809 = tpu.vector_load %arg13[%swap3A_807, %swap3A_808] {strides = array<i32>} : memref<32x16xf32, #tpu.memory_space<vmem>>, vector<1x16xf32>,
        %swap3A_810 = vector.shape_cast %swap3A_809 : vector<1x16xf32> to vector<16xf32>
        %swap3A_811 = vector.shape_cast %select_n3A_799 : vector<16xf32> to vector<1x16xf32>
        tpu.vector_store %arg13[%swap3A_807, %swap3A_808], %swap3A_811 {strides = array<i32>} : memref<32x16xf32, #tpu.memory_space<vmem>>, vector<1x16xf32>,
      }
      %scan3A_58 = arith.constant 32 : i32
      %mul3A_59 = arith.constant 32 : i32
      %mul3A_60 = arith.muli %mul3A_31, %mul3A_59 : i32
      %add3A_61 = arith.addi %mul3A_2, %mul3A_60 : i32
      "tpu.region"() ({
        %run_scoped3A = tpu.sem_alloc : memref<!tpu.dma_semaphore, #tpu.memory_space<semaphore_mem>>
        %dma_start3A_90 = arith.constant 0 : i32
        %dma_start3A_91 = tpu.memref_slice %arg7[%add3A_61, %dma_start3A_90] : memref<4096x16xf32, #tpu.memory_space<hbm>> -> memref<32x16xf32, #tpu.memory_space<hbm>>
        %dma_start3A_92 = arith.constant 0 : i32
        %dma_start3A_93 = tpu.memref_slice %arg7[%add3A_61, %dma_start3A_92] : memref<4096x16xf32, #tpu.memory_space<hbm>> -> memref<32x16xf32, #tpu.memory_space<hbm>>
        tpu.enqueue_dma source(%arg12 : memref<32x16xf32, #tpu.memory_space<vmem>>) target(%dma_start3A_93 : memref<32x16xf32, #tpu.memory_space<hbm>>) target_semaphore(%run_scoped3A : memref<!tpu.dma_semaphore, #tpu.memory_space<semaphore_mem>>)
        %dma_wait3A_94 = arith.constant 0 : i32
        %dma_wait3A_95 = tpu.memref_slice %arg7[%add3A_61, %dma_wait3A_94] : memref<4096x16xf32, #tpu.memory_space<hbm>> -> memref<32x16xf32, #tpu.memory_space<hbm>>
        %dma_wait3A_96 = arith.constant 0 : i32
        %dma_wait3A_97 = tpu.memref_slice %arg7[%add3A_61, %dma_wait3A_96] : memref<4096x16xf32, #tpu.memory_space<hbm>> -> memref<32x16xf32, #tpu.memory_space<hbm>>
        tpu.wait_dma2 semaphore(%run_scoped3A : memref<!tpu.dma_semaphore, #tpu.memory_space<semaphore_mem>>) src(%arg12 : memref<32x16xf32, #tpu.memory_space<vmem>>) dst(%dma_wait3A_97 : memref<32x16xf32, #tpu.memory_space<hbm>>)
        tpu.yield
      }) : () -> ()
      %mul3A_62 = arith.constant 32 : i32
      %mul3A_63 = arith.muli %mul3A_31, %mul3A_62 : i32
      %add3A_64 = arith.addi %mul3A_2, %mul3A_63 : i32
      "tpu.region"() ({
        %run_scoped3A = tpu.sem_alloc : memref<!tpu.dma_semaphore, #tpu.memory_space<semaphore_mem>>
        %dma_start3A_90 = arith.constant 0 : i32
        %dma_start3A_91 = tpu.memref_slice %arg8[%add3A_64, %dma_start3A_90] : memref<4096x16xf32, #tpu.memory_space<hbm>> -> memref<32x16xf32, #tpu.memory_space<hbm>>
        %dma_start3A_92 = arith.constant 0 : i32
        %dma_start3A_93 = tpu.memref_slice %arg8[%add3A_64, %dma_start3A_92] : memref<4096x16xf32, #tpu.memory_space<hbm>> -> memref<32x16xf32, #tpu.memory_space<hbm>>
        tpu.enqueue_dma source(%arg13 : memref<32x16xf32, #tpu.memory_space<vmem>>) target(%dma_start3A_93 : memref<32x16xf32, #tpu.memory_space<hbm>>) target_semaphore(%run_scoped3A : memref<!tpu.dma_semaphore, #tpu.memory_space<semaphore_mem>>)
        %dma_wait3A_94 = arith.constant 0 : i32
        %dma_wait3A_95 = tpu.memref_slice %arg8[%add3A_64, %dma_wait3A_94] : memref<4096x16xf32, #tpu.memory_space<hbm>> -> memref<32x16xf32, #tpu.memory_space<hbm>>
        %dma_wait3A_96 = arith.constant 0 : i32
        %dma_wait3A_97 = tpu.memref_slice %arg8[%add3A_64, %dma_wait3A_96] : memref<4096x16xf32, #tpu.memory_space<hbm>> -> memref<32x16xf32, #tpu.memory_space<hbm>>
        tpu.wait_dma2 semaphore(%run_scoped3A : memref<!tpu.dma_semaphore, #tpu.memory_space<semaphore_mem>>) src(%arg13 : memref<32x16xf32, #tpu.memory_space<vmem>>) dst(%dma_wait3A_97 : memref<32x16xf32, #tpu.memory_space<hbm>>)
        tpu.yield
      }) : () -> ()
      %add3A_65 = arith.constant 2 : i32
      %add3A_66 = arith.addi %mul3A_31, %add3A_65 : i32
      %lt3A = arith.constant 4 : i32
      %lt3A_67 = arith.cmpi slt, %add3A_66, %lt3A : i32
      %convert_element_type3A = arith.extui %lt3A_67 : i1 to i32
      %cond3A = arith.constant 0 : i32
      %cond3A_68 = arith.cmpi ne, %convert_element_type3A, %cond3A : i32
      scf.if %cond3A_68 {
        %add3A_90 = arith.constant 2 : i32
        %add3A_91 = arith.addi %mul3A_31, %add3A_90 : i32
        %add3A_92 = arith.constant 12288 : i32
        %add3A_93 = arith.addi %add3A_92, %mul3A_2 : i32
        %mul3A_94 = arith.constant 32 : i32
        %mul3A_95 = arith.muli %add3A_91, %mul3A_94 : i32
        %add3A_96 = arith.addi %add3A_93, %mul3A_95 : i32
        %dma_start3A_97 = arith.constant 0 : i32
        %dma_start3A_98 = tpu.memref_slice %arg3[%add3A_96, %dma_start3A_97] : memref<16384x1000xf32, #tpu.memory_space<hbm>> -> memref<32x1000xf32, #tpu.memory_space<hbm>>
        %dma_start3A_99 = arith.constant 0 : i32
        %dma_start3A_100 = tpu.memref_slice %arg3[%add3A_96, %dma_start3A_99] : memref<16384x1000xf32, #tpu.memory_space<hbm>> -> memref<32x1000xf32, #tpu.memory_space<hbm>>
        tpu.enqueue_dma source(%dma_start3A_100 : memref<32x1000xf32, #tpu.memory_space<hbm>>) target(%arg9 : memref<32x1000xf32, #tpu.memory_space<vmem>>) target_semaphore(%arg14 : memref<!tpu.dma_semaphore, #tpu.memory_space<semaphore_mem>>)
      } else {
      }
      %add3A_69 = arith.constant 12288 : i32
      %add3A_70 = arith.addi %add3A_69, %mul3A_2 : i32
      %mul3A_71 = arith.constant 32 : i32
      %mul3A_72 = arith.muli %add3A_35, %mul3A_71 : i32
      %add3A_73 = arith.addi %add3A_70, %mul3A_72 : i32
      %dma_wait3A_74 = arith.constant 0 : i32
      %dma_wait3A_75 = tpu.memref_slice %arg3[%add3A_73, %dma_wait3A_74] : memref<16384x1000xf32, #tpu.memory_space<hbm>> -> memref<32x1000xf32, #tpu.memory_space<hbm>>
      %dma_wait3A_76 = arith.constant 0 : i32
      %dma_wait3A_77 = tpu.memref_slice %arg3[%add3A_73, %dma_wait3A_76] : memref<16384x1000xf32, #tpu.memory_space<hbm>> -> memref<32x1000xf32, #tpu.memory_space<hbm>>
      tpu.wait_dma2 semaphore(%arg15 : memref<!tpu.dma_semaphore, #tpu.memory_space<semaphore_mem>>) src(%dma_wait3A_77 : memref<32x1000xf32, #tpu.memory_space<hbm>>) dst(%arg10 : memref<32x1000xf32, #tpu.memory_space<vmem>>)
      %scan3A_78 = arith.constant 0 : i32
      %scan3A_79 = arith.constant 0 : i32
      %scan3A_80 = arith.constant 32 : i32
      %scan3A_81 = arith.addi %scan3A_79, %scan3A_80 : i32
      %scan3A_82 = arith.constant 1 : i32
      scf.for %scan3A_90 = %scan3A_79 to %scan3A_81 step %scan3A_82  : i32 {
        %mul3A_91 = arith.constant 32 : i32
        %mul3A_92 = arith.muli %add3A_35, %mul3A_91 : i32
        %add3A_93 = arith.addi %mul3A_92, %scan3A_90 : i32
        %get3A = arith.index_cast %add3A_93 : i32 to index
        %get3A_94 = arith.constant 0 : index
        %get3A_95 = tpu.vector_load %arg11[%get3A, %get3A_94] {strides = array<i32>} : memref<128x16xi32, #tpu.memory_space<vmem>>, vector<1x16xi32>,
        %get3A_96 = vector.shape_cast %get3A_95 : vector<1x16xi32> to vector<16xi32>
        %broadcast_in_dim3A = arith.constant 0.000000e+00 : f32
        %broadcast_in_dim3A_97 = vector.broadcast %broadcast_in_dim3A : f32 to vector<16xf32>
        %broadcast_in_dim3A_98 = arith.constant 0.000000e+00 : f32
        %broadcast_in_dim3A_99 = vector.broadcast %broadcast_in_dim3A_98 : f32 to vector<16xf32>
        %broadcast_in_dim3A_100 = arith.constant 0.000000e+00 : f32
        %broadcast_in_dim3A_101 = vector.broadcast %broadcast_in_dim3A_100 : f32 to vector<16xf32>
        %broadcast_in_dim3A_102 = arith.constant 0.000000e+00 : f32
        %broadcast_in_dim3A_103 = vector.broadcast %broadcast_in_dim3A_102 : f32 to vector<16xf32>
        %broadcast_in_dim3A_104 = arith.constant 0.000000e+00 : f32
        %broadcast_in_dim3A_105 = vector.broadcast %broadcast_in_dim3A_104 : f32 to vector<16xf32>
        %get3A_106 = arith.index_cast %scan3A_90 : i32 to index
        %get3A_107 = arith.constant 0 : index
        %get3A_108 = tpu.vector_load %arg10[%get3A_106, %get3A_107] {strides = array<i32>} : memref<32x1000xf32, #tpu.memory_space<vmem>>, vector<1x16xf32>,
        %get3A_109 = vector.shape_cast %get3A_108 : vector<1x16xf32> to vector<16xf32>
        %exp3A = math.exp %get3A_109 : vector<16xf32>
        %add3A_110 = arith.addf %broadcast_in_dim3A_97, %exp3A : vector<16xf32>
        %add3A_111 = arith.constant 0 : i32
        %add3A_112 = vector.broadcast %add3A_111 : i32 to vector<16xi32>
        %add3A_113 = arith.addi %iota3A, %add3A_112 : vector<16xi32>
        %eq3A = arith.cmpi eq, %add3A_113, %get3A_96 : vector<16xi32>
        %select_n3A = arith.select %eq3A, %get3A_109, %broadcast_in_dim3A_105 : vector<16xi1>, vector<16xf32>
        %get3A_114 = arith.index_cast %scan3A_90 : i32 to index
        %get3A_115 = arith.constant 16 : index
        %get3A_116 = tpu.vector_load %arg10[%get3A_114, %get3A_115] {strides = array<i32>} : memref<32x1000xf32, #tpu.memory_space<vmem>>, vector<1x16xf32>,
        %get3A_117 = vector.shape_cast %get3A_116 : vector<1x16xf32> to vector<16xf32>
        %exp3A_118 = math.exp %get3A_117 : vector<16xf32>
        %add3A_119 = arith.addf %broadcast_in_dim3A_99, %exp3A_118 : vector<16xf32>
        %add3A_120 = arith.constant 16 : i32
        %add3A_121 = vector.broadcast %add3A_120 : i32 to vector<16xi32>
        %add3A_122 = arith.addi %iota3A, %add3A_121 : vector<16xi32>
        %eq3A_123 = arith.cmpi eq, %add3A_122, %get3A_96 : vector<16xi32>
        %select_n3A_124 = arith.select %eq3A_123, %get3A_117, %select_n3A : vector<16xi1>, vector<16xf32>
        %get3A_125 = arith.index_cast %scan3A_90 : i32 to index
        %get3A_126 = arith.constant 32 : index
        %get3A_127 = tpu.vector_load %arg10[%get3A_125, %get3A_126] {strides = array<i32>} : memref<32x1000xf32, #tpu.memory_space<vmem>>, vector<1x16xf32>,
        %get3A_128 = vector.shape_cast %get3A_127 : vector<1x16xf32> to vector<16xf32>
        %exp3A_129 = math.exp %get3A_128 : vector<16xf32>
        %add3A_130 = arith.addf %broadcast_in_dim3A_101, %exp3A_129 : vector<16xf32>
        %add3A_131 = arith.constant 32 : i32
        %add3A_132 = vector.broadcast %add3A_131 : i32 to vector<16xi32>
        %add3A_133 = arith.addi %iota3A, %add3A_132 : vector<16xi32>
        %eq3A_134 = arith.cmpi eq, %add3A_133, %get3A_96 : vector<16xi32>
        %select_n3A_135 = arith.select %eq3A_134, %get3A_128, %select_n3A_124 : vector<16xi1>, vector<16xf32>
        %get3A_136 = arith.index_cast %scan3A_90 : i32 to index
        %get3A_137 = arith.constant 48 : index
        %get3A_138 = tpu.vector_load %arg10[%get3A_136, %get3A_137] {strides = array<i32>} : memref<32x1000xf32, #tpu.memory_space<vmem>>, vector<1x16xf32>,
        %get3A_139 = vector.shape_cast %get3A_138 : vector<1x16xf32> to vector<16xf32>
        %exp3A_140 = math.exp %get3A_139 : vector<16xf32>
        %add3A_141 = arith.addf %broadcast_in_dim3A_103, %exp3A_140 : vector<16xf32>
        %add3A_142 = arith.constant 48 : i32
        %add3A_143 = vector.broadcast %add3A_142 : i32 to vector<16xi32>
        %add3A_144 = arith.addi %iota3A, %add3A_143 : vector<16xi32>
        %eq3A_145 = arith.cmpi eq, %add3A_144, %get3A_96 : vector<16xi32>
        %select_n3A_146 = arith.select %eq3A_145, %get3A_139, %select_n3A_135 : vector<16xi1>, vector<16xf32>
        %get3A_147 = arith.index_cast %scan3A_90 : i32 to index
        %get3A_148 = arith.constant 64 : index
        %get3A_149 = tpu.vector_load %arg10[%get3A_147, %get3A_148] {strides = array<i32>} : memref<32x1000xf32, #tpu.memory_space<vmem>>, vector<1x16xf32>,
        %get3A_150 = vector.shape_cast %get3A_149 : vector<1x16xf32> to vector<16xf32>
        %exp3A_151 = math.exp %get3A_150 : vector<16xf32>
        %add3A_152 = arith.addf %add3A_110, %exp3A_151 : vector<16xf32>
        %add3A_153 = arith.constant 64 : i32
        %add3A_154 = vector.broadcast %add3A_153 : i32 to vector<16xi32>
        %add3A_155 = arith.addi %iota3A, %add3A_154 : vector<16xi32>
        %eq3A_156 = arith.cmpi eq, %add3A_155, %get3A_96 : vector<16xi32>
        %select_n3A_157 = arith.select %eq3A_156, %get3A_150, %select_n3A_146 : vector<16xi1>, vector<16xf32>
        %get3A_158 = arith.index_cast %scan3A_90 : i32 to index
        %get3A_159 = arith.constant 80 : index
        %get3A_160 = tpu.vector_load %arg10[%get3A_158, %get3A_159] {strides = array<i32>} : memref<32x1000xf32, #tpu.memory_space<vmem>>, vector<1x16xf32>,
        %get3A_161 = vector.shape_cast %get3A_160 : vector<1x16xf32> to vector<16xf32>
        %exp3A_162 = math.exp %get3A_161 : vector<16xf32>
        %add3A_163 = arith.addf %add3A_119, %exp3A_162 : vector<16xf32>
        %add3A_164 = arith.constant 80 : i32
        %add3A_165 = vector.broadcast %add3A_164 : i32 to vector<16xi32>
        %add3A_166 = arith.addi %iota3A, %add3A_165 : vector<16xi32>
        %eq3A_167 = arith.cmpi eq, %add3A_166, %get3A_96 : vector<16xi32>
        %select_n3A_168 = arith.select %eq3A_167, %get3A_161, %select_n3A_157 : vector<16xi1>, vector<16xf32>
        %get3A_169 = arith.index_cast %scan3A_90 : i32 to index
        %get3A_170 = arith.constant 96 : index
        %get3A_171 = tpu.vector_load %arg10[%get3A_169, %get3A_170] {strides = array<i32>} : memref<32x1000xf32, #tpu.memory_space<vmem>>, vector<1x16xf32>,
        %get3A_172 = vector.shape_cast %get3A_171 : vector<1x16xf32> to vector<16xf32>
        %exp3A_173 = math.exp %get3A_172 : vector<16xf32>
        %add3A_174 = arith.addf %add3A_130, %exp3A_173 : vector<16xf32>
        %add3A_175 = arith.constant 96 : i32
        %add3A_176 = vector.broadcast %add3A_175 : i32 to vector<16xi32>
        %add3A_177 = arith.addi %iota3A, %add3A_176 : vector<16xi32>
        %eq3A_178 = arith.cmpi eq, %add3A_177, %get3A_96 : vector<16xi32>
        %select_n3A_179 = arith.select %eq3A_178, %get3A_172, %select_n3A_168 : vector<16xi1>, vector<16xf32>
        %get3A_180 = arith.index_cast %scan3A_90 : i32 to index
        %get3A_181 = arith.constant 112 : index
        %get3A_182 = tpu.vector_load %arg10[%get3A_180, %get3A_181] {strides = array<i32>} : memref<32x1000xf32, #tpu.memory_space<vmem>>, vector<1x16xf32>,
        %get3A_183 = vector.shape_cast %get3A_182 : vector<1x16xf32> to vector<16xf32>
        %exp3A_184 = math.exp %get3A_183 : vector<16xf32>
        %add3A_185 = arith.addf %add3A_141, %exp3A_184 : vector<16xf32>
        %add3A_186 = arith.constant 112 : i32
        %add3A_187 = vector.broadcast %add3A_186 : i32 to vector<16xi32>
        %add3A_188 = arith.addi %iota3A, %add3A_187 : vector<16xi32>
        %eq3A_189 = arith.cmpi eq, %add3A_188, %get3A_96 : vector<16xi32>
        %select_n3A_190 = arith.select %eq3A_189, %get3A_183, %select_n3A_179 : vector<16xi1>, vector<16xf32>
        %get3A_191 = arith.index_cast %scan3A_90 : i32 to index
        %get3A_192 = arith.constant 128 : index
        %get3A_193 = tpu.vector_load %arg10[%get3A_191, %get3A_192] {strides = array<i32>} : memref<32x1000xf32, #tpu.memory_space<vmem>>, vector<1x16xf32>,
        %get3A_194 = vector.shape_cast %get3A_193 : vector<1x16xf32> to vector<16xf32>
        %exp3A_195 = math.exp %get3A_194 : vector<16xf32>
        %add3A_196 = arith.addf %add3A_152, %exp3A_195 : vector<16xf32>
        %add3A_197 = arith.constant 128 : i32
        %add3A_198 = vector.broadcast %add3A_197 : i32 to vector<16xi32>
        %add3A_199 = arith.addi %iota3A, %add3A_198 : vector<16xi32>
        %eq3A_200 = arith.cmpi eq, %add3A_199, %get3A_96 : vector<16xi32>
        %select_n3A_201 = arith.select %eq3A_200, %get3A_194, %select_n3A_190 : vector<16xi1>, vector<16xf32>
        %get3A_202 = arith.index_cast %scan3A_90 : i32 to index
        %get3A_203 = arith.constant 144 : index
        %get3A_204 = tpu.vector_load %arg10[%get3A_202, %get3A_203] {strides = array<i32>} : memref<32x1000xf32, #tpu.memory_space<vmem>>, vector<1x16xf32>,
        %get3A_205 = vector.shape_cast %get3A_204 : vector<1x16xf32> to vector<16xf32>
        %exp3A_206 = math.exp %get3A_205 : vector<16xf32>
        %add3A_207 = arith.addf %add3A_163, %exp3A_206 : vector<16xf32>
        %add3A_208 = arith.constant 144 : i32
        %add3A_209 = vector.broadcast %add3A_208 : i32 to vector<16xi32>
        %add3A_210 = arith.addi %iota3A, %add3A_209 : vector<16xi32>
        %eq3A_211 = arith.cmpi eq, %add3A_210, %get3A_96 : vector<16xi32>
        %select_n3A_212 = arith.select %eq3A_211, %get3A_205, %select_n3A_201 : vector<16xi1>, vector<16xf32>
        %get3A_213 = arith.index_cast %scan3A_90 : i32 to index
        %get3A_214 = arith.constant 160 : index
        %get3A_215 = tpu.vector_load %arg10[%get3A_213, %get3A_214] {strides = array<i32>} : memref<32x1000xf32, #tpu.memory_space<vmem>>, vector<1x16xf32>,
        %get3A_216 = vector.shape_cast %get3A_215 : vector<1x16xf32> to vector<16xf32>
        %exp3A_217 = math.exp %get3A_216 : vector<16xf32>
        %add3A_218 = arith.addf %add3A_174, %exp3A_217 : vector<16xf32>
        %add3A_219 = arith.constant 160 : i32
        %add3A_220 = vector.broadcast %add3A_219 : i32 to vector<16xi32>
        %add3A_221 = arith.addi %iota3A, %add3A_220 : vector<16xi32>
        %eq3A_222 = arith.cmpi eq, %add3A_221, %get3A_96 : vector<16xi32>
        %select_n3A_223 = arith.select %eq3A_222, %get3A_216, %select_n3A_212 : vector<16xi1>, vector<16xf32>
        %get3A_224 = arith.index_cast %scan3A_90 : i32 to index
        %get3A_225 = arith.constant 176 : index
        %get3A_226 = tpu.vector_load %arg10[%get3A_224, %get3A_225] {strides = array<i32>} : memref<32x1000xf32, #tpu.memory_space<vmem>>, vector<1x16xf32>,
        %get3A_227 = vector.shape_cast %get3A_226 : vector<1x16xf32> to vector<16xf32>
        %exp3A_228 = math.exp %get3A_227 : vector<16xf32>
        %add3A_229 = arith.addf %add3A_185, %exp3A_228 : vector<16xf32>
        %add3A_230 = arith.constant 176 : i32
        %add3A_231 = vector.broadcast %add3A_230 : i32 to vector<16xi32>
        %add3A_232 = arith.addi %iota3A, %add3A_231 : vector<16xi32>
        %eq3A_233 = arith.cmpi eq, %add3A_232, %get3A_96 : vector<16xi32>
        %select_n3A_234 = arith.select %eq3A_233, %get3A_227, %select_n3A_223 : vector<16xi1>, vector<16xf32>
        %get3A_235 = arith.index_cast %scan3A_90 : i32 to index
        %get3A_236 = arith.constant 192 : index
        %get3A_237 = tpu.vector_load %arg10[%get3A_235, %get3A_236] {strides = array<i32>} : memref<32x1000xf32, #tpu.memory_space<vmem>>, vector<1x16xf32>,
        %get3A_238 = vector.shape_cast %get3A_237 : vector<1x16xf32> to vector<16xf32>
        %exp3A_239 = math.exp %get3A_238 : vector<16xf32>
        %add3A_240 = arith.addf %add3A_196, %exp3A_239 : vector<16xf32>
        %add3A_241 = arith.constant 192 : i32
        %add3A_242 = vector.broadcast %add3A_241 : i32 to vector<16xi32>
        %add3A_243 = arith.addi %iota3A, %add3A_242 : vector<16xi32>
        %eq3A_244 = arith.cmpi eq, %add3A_243, %get3A_96 : vector<16xi32>
        %select_n3A_245 = arith.select %eq3A_244, %get3A_238, %select_n3A_234 : vector<16xi1>, vector<16xf32>
        %get3A_246 = arith.index_cast %scan3A_90 : i32 to index
        %get3A_247 = arith.constant 208 : index
        %get3A_248 = tpu.vector_load %arg10[%get3A_246, %get3A_247] {strides = array<i32>} : memref<32x1000xf32, #tpu.memory_space<vmem>>, vector<1x16xf32>,
        %get3A_249 = vector.shape_cast %get3A_248 : vector<1x16xf32> to vector<16xf32>
        %exp3A_250 = math.exp %get3A_249 : vector<16xf32>
        %add3A_251 = arith.addf %add3A_207, %exp3A_250 : vector<16xf32>
        %add3A_252 = arith.constant 208 : i32
        %add3A_253 = vector.broadcast %add3A_252 : i32 to vector<16xi32>
        %add3A_254 = arith.addi %iota3A, %add3A_253 : vector<16xi32>
        %eq3A_255 = arith.cmpi eq, %add3A_254, %get3A_96 : vector<16xi32>
        %select_n3A_256 = arith.select %eq3A_255, %get3A_249, %select_n3A_245 : vector<16xi1>, vector<16xf32>
        %get3A_257 = arith.index_cast %scan3A_90 : i32 to index
        %get3A_258 = arith.constant 224 : index
        %get3A_259 = tpu.vector_load %arg10[%get3A_257, %get3A_258] {strides = array<i32>} : memref<32x1000xf32, #tpu.memory_space<vmem>>, vector<1x16xf32>,
        %get3A_260 = vector.shape_cast %get3A_259 : vector<1x16xf32> to vector<16xf32>
        %exp3A_261 = math.exp %get3A_260 : vector<16xf32>
        %add3A_262 = arith.addf %add3A_218, %exp3A_261 : vector<16xf32>
        %add3A_263 = arith.constant 224 : i32
        %add3A_264 = vector.broadcast %add3A_263 : i32 to vector<16xi32>
        %add3A_265 = arith.addi %iota3A, %add3A_264 : vector<16xi32>
        %eq3A_266 = arith.cmpi eq, %add3A_265, %get3A_96 : vector<16xi32>
        %select_n3A_267 = arith.select %eq3A_266, %get3A_260, %select_n3A_256 : vector<16xi1>, vector<16xf32>
        %get3A_268 = arith.index_cast %scan3A_90 : i32 to index
        %get3A_269 = arith.constant 240 : index
        %get3A_270 = tpu.vector_load %arg10[%get3A_268, %get3A_269] {strides = array<i32>} : memref<32x1000xf32, #tpu.memory_space<vmem>>, vector<1x16xf32>,
        %get3A_271 = vector.shape_cast %get3A_270 : vector<1x16xf32> to vector<16xf32>
        %exp3A_272 = math.exp %get3A_271 : vector<16xf32>
        %add3A_273 = arith.addf %add3A_229, %exp3A_272 : vector<16xf32>
        %add3A_274 = arith.constant 240 : i32
        %add3A_275 = vector.broadcast %add3A_274 : i32 to vector<16xi32>
        %add3A_276 = arith.addi %iota3A, %add3A_275 : vector<16xi32>
        %eq3A_277 = arith.cmpi eq, %add3A_276, %get3A_96 : vector<16xi32>
        %select_n3A_278 = arith.select %eq3A_277, %get3A_271, %select_n3A_267 : vector<16xi1>, vector<16xf32>
        %get3A_279 = arith.index_cast %scan3A_90 : i32 to index
        %get3A_280 = arith.constant 256 : index
        %get3A_281 = tpu.vector_load %arg10[%get3A_279, %get3A_280] {strides = array<i32>} : memref<32x1000xf32, #tpu.memory_space<vmem>>, vector<1x16xf32>,
        %get3A_282 = vector.shape_cast %get3A_281 : vector<1x16xf32> to vector<16xf32>
        %exp3A_283 = math.exp %get3A_282 : vector<16xf32>
        %add3A_284 = arith.addf %add3A_240, %exp3A_283 : vector<16xf32>
        %add3A_285 = arith.constant 256 : i32
        %add3A_286 = vector.broadcast %add3A_285 : i32 to vector<16xi32>
        %add3A_287 = arith.addi %iota3A, %add3A_286 : vector<16xi32>
        %eq3A_288 = arith.cmpi eq, %add3A_287, %get3A_96 : vector<16xi32>
        %select_n3A_289 = arith.select %eq3A_288, %get3A_282, %select_n3A_278 : vector<16xi1>, vector<16xf32>
        %get3A_290 = arith.index_cast %scan3A_90 : i32 to index
        %get3A_291 = arith.constant 272 : index
        %get3A_292 = tpu.vector_load %arg10[%get3A_290, %get3A_291] {strides = array<i32>} : memref<32x1000xf32, #tpu.memory_space<vmem>>, vector<1x16xf32>,
        %get3A_293 = vector.shape_cast %get3A_292 : vector<1x16xf32> to vector<16xf32>
        %exp3A_294 = math.exp %get3A_293 : vector<16xf32>
        %add3A_295 = arith.addf %add3A_251, %exp3A_294 : vector<16xf32>
        %add3A_296 = arith.constant 272 : i32
        %add3A_297 = vector.broadcast %add3A_296 : i32 to vector<16xi32>
        %add3A_298 = arith.addi %iota3A, %add3A_297 : vector<16xi32>
        %eq3A_299 = arith.cmpi eq, %add3A_298, %get3A_96 : vector<16xi32>
        %select_n3A_300 = arith.select %eq3A_299, %get3A_293, %select_n3A_289 : vector<16xi1>, vector<16xf32>
        %get3A_301 = arith.index_cast %scan3A_90 : i32 to index
        %get3A_302 = arith.constant 288 : index
        %get3A_303 = tpu.vector_load %arg10[%get3A_301, %get3A_302] {strides = array<i32>} : memref<32x1000xf32, #tpu.memory_space<vmem>>, vector<1x16xf32>,
        %get3A_304 = vector.shape_cast %get3A_303 : vector<1x16xf32> to vector<16xf32>
        %exp3A_305 = math.exp %get3A_304 : vector<16xf32>
        %add3A_306 = arith.addf %add3A_262, %exp3A_305 : vector<16xf32>
        %add3A_307 = arith.constant 288 : i32
        %add3A_308 = vector.broadcast %add3A_307 : i32 to vector<16xi32>
        %add3A_309 = arith.addi %iota3A, %add3A_308 : vector<16xi32>
        %eq3A_310 = arith.cmpi eq, %add3A_309, %get3A_96 : vector<16xi32>
        %select_n3A_311 = arith.select %eq3A_310, %get3A_304, %select_n3A_300 : vector<16xi1>, vector<16xf32>
        %get3A_312 = arith.index_cast %scan3A_90 : i32 to index
        %get3A_313 = arith.constant 304 : index
        %get3A_314 = tpu.vector_load %arg10[%get3A_312, %get3A_313] {strides = array<i32>} : memref<32x1000xf32, #tpu.memory_space<vmem>>, vector<1x16xf32>,
        %get3A_315 = vector.shape_cast %get3A_314 : vector<1x16xf32> to vector<16xf32>
        %exp3A_316 = math.exp %get3A_315 : vector<16xf32>
        %add3A_317 = arith.addf %add3A_273, %exp3A_316 : vector<16xf32>
        %add3A_318 = arith.constant 304 : i32
        %add3A_319 = vector.broadcast %add3A_318 : i32 to vector<16xi32>
        %add3A_320 = arith.addi %iota3A, %add3A_319 : vector<16xi32>
        %eq3A_321 = arith.cmpi eq, %add3A_320, %get3A_96 : vector<16xi32>
        %select_n3A_322 = arith.select %eq3A_321, %get3A_315, %select_n3A_311 : vector<16xi1>, vector<16xf32>
        %get3A_323 = arith.index_cast %scan3A_90 : i32 to index
        %get3A_324 = arith.constant 320 : index
        %get3A_325 = tpu.vector_load %arg10[%get3A_323, %get3A_324] {strides = array<i32>} : memref<32x1000xf32, #tpu.memory_space<vmem>>, vector<1x16xf32>,
        %get3A_326 = vector.shape_cast %get3A_325 : vector<1x16xf32> to vector<16xf32>
        %exp3A_327 = math.exp %get3A_326 : vector<16xf32>
        %add3A_328 = arith.addf %add3A_284, %exp3A_327 : vector<16xf32>
        %add3A_329 = arith.constant 320 : i32
        %add3A_330 = vector.broadcast %add3A_329 : i32 to vector<16xi32>
        %add3A_331 = arith.addi %iota3A, %add3A_330 : vector<16xi32>
        %eq3A_332 = arith.cmpi eq, %add3A_331, %get3A_96 : vector<16xi32>
        %select_n3A_333 = arith.select %eq3A_332, %get3A_326, %select_n3A_322 : vector<16xi1>, vector<16xf32>
        %get3A_334 = arith.index_cast %scan3A_90 : i32 to index
        %get3A_335 = arith.constant 336 : index
        %get3A_336 = tpu.vector_load %arg10[%get3A_334, %get3A_335] {strides = array<i32>} : memref<32x1000xf32, #tpu.memory_space<vmem>>, vector<1x16xf32>,
        %get3A_337 = vector.shape_cast %get3A_336 : vector<1x16xf32> to vector<16xf32>
        %exp3A_338 = math.exp %get3A_337 : vector<16xf32>
        %add3A_339 = arith.addf %add3A_295, %exp3A_338 : vector<16xf32>
        %add3A_340 = arith.constant 336 : i32
        %add3A_341 = vector.broadcast %add3A_340 : i32 to vector<16xi32>
        %add3A_342 = arith.addi %iota3A, %add3A_341 : vector<16xi32>
        %eq3A_343 = arith.cmpi eq, %add3A_342, %get3A_96 : vector<16xi32>
        %select_n3A_344 = arith.select %eq3A_343, %get3A_337, %select_n3A_333 : vector<16xi1>, vector<16xf32>
        %get3A_345 = arith.index_cast %scan3A_90 : i32 to index
        %get3A_346 = arith.constant 352 : index
        %get3A_347 = tpu.vector_load %arg10[%get3A_345, %get3A_346] {strides = array<i32>} : memref<32x1000xf32, #tpu.memory_space<vmem>>, vector<1x16xf32>,
        %get3A_348 = vector.shape_cast %get3A_347 : vector<1x16xf32> to vector<16xf32>
        %exp3A_349 = math.exp %get3A_348 : vector<16xf32>
        %add3A_350 = arith.addf %add3A_306, %exp3A_349 : vector<16xf32>
        %add3A_351 = arith.constant 352 : i32
        %add3A_352 = vector.broadcast %add3A_351 : i32 to vector<16xi32>
        %add3A_353 = arith.addi %iota3A, %add3A_352 : vector<16xi32>
        %eq3A_354 = arith.cmpi eq, %add3A_353, %get3A_96 : vector<16xi32>
        %select_n3A_355 = arith.select %eq3A_354, %get3A_348, %select_n3A_344 : vector<16xi1>, vector<16xf32>
        %get3A_356 = arith.index_cast %scan3A_90 : i32 to index
        %get3A_357 = arith.constant 368 : index
        %get3A_358 = tpu.vector_load %arg10[%get3A_356, %get3A_357] {strides = array<i32>} : memref<32x1000xf32, #tpu.memory_space<vmem>>, vector<1x16xf32>,
        %get3A_359 = vector.shape_cast %get3A_358 : vector<1x16xf32> to vector<16xf32>
        %exp3A_360 = math.exp %get3A_359 : vector<16xf32>
        %add3A_361 = arith.addf %add3A_317, %exp3A_360 : vector<16xf32>
        %add3A_362 = arith.constant 368 : i32
        %add3A_363 = vector.broadcast %add3A_362 : i32 to vector<16xi32>
        %add3A_364 = arith.addi %iota3A, %add3A_363 : vector<16xi32>
        %eq3A_365 = arith.cmpi eq, %add3A_364, %get3A_96 : vector<16xi32>
        %select_n3A_366 = arith.select %eq3A_365, %get3A_359, %select_n3A_355 : vector<16xi1>, vector<16xf32>
        %get3A_367 = arith.index_cast %scan3A_90 : i32 to index
        %get3A_368 = arith.constant 384 : index
        %get3A_369 = tpu.vector_load %arg10[%get3A_367, %get3A_368] {strides = array<i32>} : memref<32x1000xf32, #tpu.memory_space<vmem>>, vector<1x16xf32>,
        %get3A_370 = vector.shape_cast %get3A_369 : vector<1x16xf32> to vector<16xf32>
        %exp3A_371 = math.exp %get3A_370 : vector<16xf32>
        %add3A_372 = arith.addf %add3A_328, %exp3A_371 : vector<16xf32>
        %add3A_373 = arith.constant 384 : i32
        %add3A_374 = vector.broadcast %add3A_373 : i32 to vector<16xi32>
        %add3A_375 = arith.addi %iota3A, %add3A_374 : vector<16xi32>
        %eq3A_376 = arith.cmpi eq, %add3A_375, %get3A_96 : vector<16xi32>
        %select_n3A_377 = arith.select %eq3A_376, %get3A_370, %select_n3A_366 : vector<16xi1>, vector<16xf32>
        %get3A_378 = arith.index_cast %scan3A_90 : i32 to index
        %get3A_379 = arith.constant 400 : index
        %get3A_380 = tpu.vector_load %arg10[%get3A_378, %get3A_379] {strides = array<i32>} : memref<32x1000xf32, #tpu.memory_space<vmem>>, vector<1x16xf32>,
        %get3A_381 = vector.shape_cast %get3A_380 : vector<1x16xf32> to vector<16xf32>
        %exp3A_382 = math.exp %get3A_381 : vector<16xf32>
        %add3A_383 = arith.addf %add3A_339, %exp3A_382 : vector<16xf32>
        %add3A_384 = arith.constant 400 : i32
        %add3A_385 = vector.broadcast %add3A_384 : i32 to vector<16xi32>
        %add3A_386 = arith.addi %iota3A, %add3A_385 : vector<16xi32>
        %eq3A_387 = arith.cmpi eq, %add3A_386, %get3A_96 : vector<16xi32>
        %select_n3A_388 = arith.select %eq3A_387, %get3A_381, %select_n3A_377 : vector<16xi1>, vector<16xf32>
        %get3A_389 = arith.index_cast %scan3A_90 : i32 to index
        %get3A_390 = arith.constant 416 : index
        %get3A_391 = tpu.vector_load %arg10[%get3A_389, %get3A_390] {strides = array<i32>} : memref<32x1000xf32, #tpu.memory_space<vmem>>, vector<1x16xf32>,
        %get3A_392 = vector.shape_cast %get3A_391 : vector<1x16xf32> to vector<16xf32>
        %exp3A_393 = math.exp %get3A_392 : vector<16xf32>
        %add3A_394 = arith.addf %add3A_350, %exp3A_393 : vector<16xf32>
        %add3A_395 = arith.constant 416 : i32
        %add3A_396 = vector.broadcast %add3A_395 : i32 to vector<16xi32>
        %add3A_397 = arith.addi %iota3A, %add3A_396 : vector<16xi32>
        %eq3A_398 = arith.cmpi eq, %add3A_397, %get3A_96 : vector<16xi32>
        %select_n3A_399 = arith.select %eq3A_398, %get3A_392, %select_n3A_388 : vector<16xi1>, vector<16xf32>
        %get3A_400 = arith.index_cast %scan3A_90 : i32 to index
        %get3A_401 = arith.constant 432 : index
        %get3A_402 = tpu.vector_load %arg10[%get3A_400, %get3A_401] {strides = array<i32>} : memref<32x1000xf32, #tpu.memory_space<vmem>>, vector<1x16xf32>,
        %get3A_403 = vector.shape_cast %get3A_402 : vector<1x16xf32> to vector<16xf32>
        %exp3A_404 = math.exp %get3A_403 : vector<16xf32>
        %add3A_405 = arith.addf %add3A_361, %exp3A_404 : vector<16xf32>
        %add3A_406 = arith.constant 432 : i32
        %add3A_407 = vector.broadcast %add3A_406 : i32 to vector<16xi32>
        %add3A_408 = arith.addi %iota3A, %add3A_407 : vector<16xi32>
        %eq3A_409 = arith.cmpi eq, %add3A_408, %get3A_96 : vector<16xi32>
        %select_n3A_410 = arith.select %eq3A_409, %get3A_403, %select_n3A_399 : vector<16xi1>, vector<16xf32>
        %get3A_411 = arith.index_cast %scan3A_90 : i32 to index
        %get3A_412 = arith.constant 448 : index
        %get3A_413 = tpu.vector_load %arg10[%get3A_411, %get3A_412] {strides = array<i32>} : memref<32x1000xf32, #tpu.memory_space<vmem>>, vector<1x16xf32>,
        %get3A_414 = vector.shape_cast %get3A_413 : vector<1x16xf32> to vector<16xf32>
        %exp3A_415 = math.exp %get3A_414 : vector<16xf32>
        %add3A_416 = arith.addf %add3A_372, %exp3A_415 : vector<16xf32>
        %add3A_417 = arith.constant 448 : i32
        %add3A_418 = vector.broadcast %add3A_417 : i32 to vector<16xi32>
        %add3A_419 = arith.addi %iota3A, %add3A_418 : vector<16xi32>
        %eq3A_420 = arith.cmpi eq, %add3A_419, %get3A_96 : vector<16xi32>
        %select_n3A_421 = arith.select %eq3A_420, %get3A_414, %select_n3A_410 : vector<16xi1>, vector<16xf32>
        %get3A_422 = arith.index_cast %scan3A_90 : i32 to index
        %get3A_423 = arith.constant 464 : index
        %get3A_424 = tpu.vector_load %arg10[%get3A_422, %get3A_423] {strides = array<i32>} : memref<32x1000xf32, #tpu.memory_space<vmem>>, vector<1x16xf32>,
        %get3A_425 = vector.shape_cast %get3A_424 : vector<1x16xf32> to vector<16xf32>
        %exp3A_426 = math.exp %get3A_425 : vector<16xf32>
        %add3A_427 = arith.addf %add3A_383, %exp3A_426 : vector<16xf32>
        %add3A_428 = arith.constant 464 : i32
        %add3A_429 = vector.broadcast %add3A_428 : i32 to vector<16xi32>
        %add3A_430 = arith.addi %iota3A, %add3A_429 : vector<16xi32>
        %eq3A_431 = arith.cmpi eq, %add3A_430, %get3A_96 : vector<16xi32>
        %select_n3A_432 = arith.select %eq3A_431, %get3A_425, %select_n3A_421 : vector<16xi1>, vector<16xf32>
        %get3A_433 = arith.index_cast %scan3A_90 : i32 to index
        %get3A_434 = arith.constant 480 : index
        %get3A_435 = tpu.vector_load %arg10[%get3A_433, %get3A_434] {strides = array<i32>} : memref<32x1000xf32, #tpu.memory_space<vmem>>, vector<1x16xf32>,
        %get3A_436 = vector.shape_cast %get3A_435 : vector<1x16xf32> to vector<16xf32>
        %exp3A_437 = math.exp %get3A_436 : vector<16xf32>
        %add3A_438 = arith.addf %add3A_394, %exp3A_437 : vector<16xf32>
        %add3A_439 = arith.constant 480 : i32
        %add3A_440 = vector.broadcast %add3A_439 : i32 to vector<16xi32>
        %add3A_441 = arith.addi %iota3A, %add3A_440 : vector<16xi32>
        %eq3A_442 = arith.cmpi eq, %add3A_441, %get3A_96 : vector<16xi32>
        %select_n3A_443 = arith.select %eq3A_442, %get3A_436, %select_n3A_432 : vector<16xi1>, vector<16xf32>
        %get3A_444 = arith.index_cast %scan3A_90 : i32 to index
        %get3A_445 = arith.constant 496 : index
        %get3A_446 = tpu.vector_load %arg10[%get3A_444, %get3A_445] {strides = array<i32>} : memref<32x1000xf32, #tpu.memory_space<vmem>>, vector<1x16xf32>,
        %get3A_447 = vector.shape_cast %get3A_446 : vector<1x16xf32> to vector<16xf32>
        %exp3A_448 = math.exp %get3A_447 : vector<16xf32>
        %add3A_449 = arith.addf %add3A_405, %exp3A_448 : vector<16xf32>
        %add3A_450 = arith.constant 496 : i32
        %add3A_451 = vector.broadcast %add3A_450 : i32 to vector<16xi32>
        %add3A_452 = arith.addi %iota3A, %add3A_451 : vector<16xi32>
        %eq3A_453 = arith.cmpi eq, %add3A_452, %get3A_96 : vector<16xi32>
        %select_n3A_454 = arith.select %eq3A_453, %get3A_447, %select_n3A_443 : vector<16xi1>, vector<16xf32>
        %get3A_455 = arith.index_cast %scan3A_90 : i32 to index
        %get3A_456 = arith.constant 512 : index
        %get3A_457 = tpu.vector_load %arg10[%get3A_455, %get3A_456] {strides = array<i32>} : memref<32x1000xf32, #tpu.memory_space<vmem>>, vector<1x16xf32>,
        %get3A_458 = vector.shape_cast %get3A_457 : vector<1x16xf32> to vector<16xf32>
        %exp3A_459 = math.exp %get3A_458 : vector<16xf32>
        %add3A_460 = arith.addf %add3A_416, %exp3A_459 : vector<16xf32>
        %add3A_461 = arith.constant 512 : i32
        %add3A_462 = vector.broadcast %add3A_461 : i32 to vector<16xi32>
        %add3A_463 = arith.addi %iota3A, %add3A_462 : vector<16xi32>
        %eq3A_464 = arith.cmpi eq, %add3A_463, %get3A_96 : vector<16xi32>
        %select_n3A_465 = arith.select %eq3A_464, %get3A_458, %select_n3A_454 : vector<16xi1>, vector<16xf32>
        %get3A_466 = arith.index_cast %scan3A_90 : i32 to index
        %get3A_467 = arith.constant 528 : index
        %get3A_468 = tpu.vector_load %arg10[%get3A_466, %get3A_467] {strides = array<i32>} : memref<32x1000xf32, #tpu.memory_space<vmem>>, vector<1x16xf32>,
        %get3A_469 = vector.shape_cast %get3A_468 : vector<1x16xf32> to vector<16xf32>
        %exp3A_470 = math.exp %get3A_469 : vector<16xf32>
        %add3A_471 = arith.addf %add3A_427, %exp3A_470 : vector<16xf32>
        %add3A_472 = arith.constant 528 : i32
        %add3A_473 = vector.broadcast %add3A_472 : i32 to vector<16xi32>
        %add3A_474 = arith.addi %iota3A, %add3A_473 : vector<16xi32>
        %eq3A_475 = arith.cmpi eq, %add3A_474, %get3A_96 : vector<16xi32>
        %select_n3A_476 = arith.select %eq3A_475, %get3A_469, %select_n3A_465 : vector<16xi1>, vector<16xf32>
        %get3A_477 = arith.index_cast %scan3A_90 : i32 to index
        %get3A_478 = arith.constant 544 : index
        %get3A_479 = tpu.vector_load %arg10[%get3A_477, %get3A_478] {strides = array<i32>} : memref<32x1000xf32, #tpu.memory_space<vmem>>, vector<1x16xf32>,
        %get3A_480 = vector.shape_cast %get3A_479 : vector<1x16xf32> to vector<16xf32>
        %exp3A_481 = math.exp %get3A_480 : vector<16xf32>
        %add3A_482 = arith.addf %add3A_438, %exp3A_481 : vector<16xf32>
        %add3A_483 = arith.constant 544 : i32
        %add3A_484 = vector.broadcast %add3A_483 : i32 to vector<16xi32>
        %add3A_485 = arith.addi %iota3A, %add3A_484 : vector<16xi32>
        %eq3A_486 = arith.cmpi eq, %add3A_485, %get3A_96 : vector<16xi32>
        %select_n3A_487 = arith.select %eq3A_486, %get3A_480, %select_n3A_476 : vector<16xi1>, vector<16xf32>
        %get3A_488 = arith.index_cast %scan3A_90 : i32 to index
        %get3A_489 = arith.constant 560 : index
        %get3A_490 = tpu.vector_load %arg10[%get3A_488, %get3A_489] {strides = array<i32>} : memref<32x1000xf32, #tpu.memory_space<vmem>>, vector<1x16xf32>,
        %get3A_491 = vector.shape_cast %get3A_490 : vector<1x16xf32> to vector<16xf32>
        %exp3A_492 = math.exp %get3A_491 : vector<16xf32>
        %add3A_493 = arith.addf %add3A_449, %exp3A_492 : vector<16xf32>
        %add3A_494 = arith.constant 560 : i32
        %add3A_495 = vector.broadcast %add3A_494 : i32 to vector<16xi32>
        %add3A_496 = arith.addi %iota3A, %add3A_495 : vector<16xi32>
        %eq3A_497 = arith.cmpi eq, %add3A_496, %get3A_96 : vector<16xi32>
        %select_n3A_498 = arith.select %eq3A_497, %get3A_491, %select_n3A_487 : vector<16xi1>, vector<16xf32>
        %get3A_499 = arith.index_cast %scan3A_90 : i32 to index
        %get3A_500 = arith.constant 576 : index
        %get3A_501 = tpu.vector_load %arg10[%get3A_499, %get3A_500] {strides = array<i32>} : memref<32x1000xf32, #tpu.memory_space<vmem>>, vector<1x16xf32>,
        %get3A_502 = vector.shape_cast %get3A_501 : vector<1x16xf32> to vector<16xf32>
        %exp3A_503 = math.exp %get3A_502 : vector<16xf32>
        %add3A_504 = arith.addf %add3A_460, %exp3A_503 : vector<16xf32>
        %add3A_505 = arith.constant 576 : i32
        %add3A_506 = vector.broadcast %add3A_505 : i32 to vector<16xi32>
        %add3A_507 = arith.addi %iota3A, %add3A_506 : vector<16xi32>
        %eq3A_508 = arith.cmpi eq, %add3A_507, %get3A_96 : vector<16xi32>
        %select_n3A_509 = arith.select %eq3A_508, %get3A_502, %select_n3A_498 : vector<16xi1>, vector<16xf32>
        %get3A_510 = arith.index_cast %scan3A_90 : i32 to index
        %get3A_511 = arith.constant 592 : index
        %get3A_512 = tpu.vector_load %arg10[%get3A_510, %get3A_511] {strides = array<i32>} : memref<32x1000xf32, #tpu.memory_space<vmem>>, vector<1x16xf32>,
        %get3A_513 = vector.shape_cast %get3A_512 : vector<1x16xf32> to vector<16xf32>
        %exp3A_514 = math.exp %get3A_513 : vector<16xf32>
        %add3A_515 = arith.addf %add3A_471, %exp3A_514 : vector<16xf32>
        %add3A_516 = arith.constant 592 : i32
        %add3A_517 = vector.broadcast %add3A_516 : i32 to vector<16xi32>
        %add3A_518 = arith.addi %iota3A, %add3A_517 : vector<16xi32>
        %eq3A_519 = arith.cmpi eq, %add3A_518, %get3A_96 : vector<16xi32>
        %select_n3A_520 = arith.select %eq3A_519, %get3A_513, %select_n3A_509 : vector<16xi1>, vector<16xf32>
        %get3A_521 = arith.index_cast %scan3A_90 : i32 to index
        %get3A_522 = arith.constant 608 : index
        %get3A_523 = tpu.vector_load %arg10[%get3A_521, %get3A_522] {strides = array<i32>} : memref<32x1000xf32, #tpu.memory_space<vmem>>, vector<1x16xf32>,
        %get3A_524 = vector.shape_cast %get3A_523 : vector<1x16xf32> to vector<16xf32>
        %exp3A_525 = math.exp %get3A_524 : vector<16xf32>
        %add3A_526 = arith.addf %add3A_482, %exp3A_525 : vector<16xf32>
        %add3A_527 = arith.constant 608 : i32
        %add3A_528 = vector.broadcast %add3A_527 : i32 to vector<16xi32>
        %add3A_529 = arith.addi %iota3A, %add3A_528 : vector<16xi32>
        %eq3A_530 = arith.cmpi eq, %add3A_529, %get3A_96 : vector<16xi32>
        %select_n3A_531 = arith.select %eq3A_530, %get3A_524, %select_n3A_520 : vector<16xi1>, vector<16xf32>
        %get3A_532 = arith.index_cast %scan3A_90 : i32 to index
        %get3A_533 = arith.constant 624 : index
        %get3A_534 = tpu.vector_load %arg10[%get3A_532, %get3A_533] {strides = array<i32>} : memref<32x1000xf32, #tpu.memory_space<vmem>>, vector<1x16xf32>,
        %get3A_535 = vector.shape_cast %get3A_534 : vector<1x16xf32> to vector<16xf32>
        %exp3A_536 = math.exp %get3A_535 : vector<16xf32>
        %add3A_537 = arith.addf %add3A_493, %exp3A_536 : vector<16xf32>
        %add3A_538 = arith.constant 624 : i32
        %add3A_539 = vector.broadcast %add3A_538 : i32 to vector<16xi32>
        %add3A_540 = arith.addi %iota3A, %add3A_539 : vector<16xi32>
        %eq3A_541 = arith.cmpi eq, %add3A_540, %get3A_96 : vector<16xi32>
        %select_n3A_542 = arith.select %eq3A_541, %get3A_535, %select_n3A_531 : vector<16xi1>, vector<16xf32>
        %get3A_543 = arith.index_cast %scan3A_90 : i32 to index
        %get3A_544 = arith.constant 640 : index
        %get3A_545 = tpu.vector_load %arg10[%get3A_543, %get3A_544] {strides = array<i32>} : memref<32x1000xf32, #tpu.memory_space<vmem>>, vector<1x16xf32>,
        %get3A_546 = vector.shape_cast %get3A_545 : vector<1x16xf32> to vector<16xf32>
        %exp3A_547 = math.exp %get3A_546 : vector<16xf32>
        %add3A_548 = arith.addf %add3A_504, %exp3A_547 : vector<16xf32>
        %add3A_549 = arith.constant 640 : i32
        %add3A_550 = vector.broadcast %add3A_549 : i32 to vector<16xi32>
        %add3A_551 = arith.addi %iota3A, %add3A_550 : vector<16xi32>
        %eq3A_552 = arith.cmpi eq, %add3A_551, %get3A_96 : vector<16xi32>
        %select_n3A_553 = arith.select %eq3A_552, %get3A_546, %select_n3A_542 : vector<16xi1>, vector<16xf32>
        %get3A_554 = arith.index_cast %scan3A_90 : i32 to index
        %get3A_555 = arith.constant 656 : index
        %get3A_556 = tpu.vector_load %arg10[%get3A_554, %get3A_555] {strides = array<i32>} : memref<32x1000xf32, #tpu.memory_space<vmem>>, vector<1x16xf32>,
        %get3A_557 = vector.shape_cast %get3A_556 : vector<1x16xf32> to vector<16xf32>
        %exp3A_558 = math.exp %get3A_557 : vector<16xf32>
        %add3A_559 = arith.addf %add3A_515, %exp3A_558 : vector<16xf32>
        %add3A_560 = arith.constant 656 : i32
        %add3A_561 = vector.broadcast %add3A_560 : i32 to vector<16xi32>
        %add3A_562 = arith.addi %iota3A, %add3A_561 : vector<16xi32>
        %eq3A_563 = arith.cmpi eq, %add3A_562, %get3A_96 : vector<16xi32>
        %select_n3A_564 = arith.select %eq3A_563, %get3A_557, %select_n3A_553 : vector<16xi1>, vector<16xf32>
        %get3A_565 = arith.index_cast %scan3A_90 : i32 to index
        %get3A_566 = arith.constant 672 : index
        %get3A_567 = tpu.vector_load %arg10[%get3A_565, %get3A_566] {strides = array<i32>} : memref<32x1000xf32, #tpu.memory_space<vmem>>, vector<1x16xf32>,
        %get3A_568 = vector.shape_cast %get3A_567 : vector<1x16xf32> to vector<16xf32>
        %exp3A_569 = math.exp %get3A_568 : vector<16xf32>
        %add3A_570 = arith.addf %add3A_526, %exp3A_569 : vector<16xf32>
        %add3A_571 = arith.constant 672 : i32
        %add3A_572 = vector.broadcast %add3A_571 : i32 to vector<16xi32>
        %add3A_573 = arith.addi %iota3A, %add3A_572 : vector<16xi32>
        %eq3A_574 = arith.cmpi eq, %add3A_573, %get3A_96 : vector<16xi32>
        %select_n3A_575 = arith.select %eq3A_574, %get3A_568, %select_n3A_564 : vector<16xi1>, vector<16xf32>
        %get3A_576 = arith.index_cast %scan3A_90 : i32 to index
        %get3A_577 = arith.constant 688 : index
        %get3A_578 = tpu.vector_load %arg10[%get3A_576, %get3A_577] {strides = array<i32>} : memref<32x1000xf32, #tpu.memory_space<vmem>>, vector<1x16xf32>,
        %get3A_579 = vector.shape_cast %get3A_578 : vector<1x16xf32> to vector<16xf32>
        %exp3A_580 = math.exp %get3A_579 : vector<16xf32>
        %add3A_581 = arith.addf %add3A_537, %exp3A_580 : vector<16xf32>
        %add3A_582 = arith.constant 688 : i32
        %add3A_583 = vector.broadcast %add3A_582 : i32 to vector<16xi32>
        %add3A_584 = arith.addi %iota3A, %add3A_583 : vector<16xi32>
        %eq3A_585 = arith.cmpi eq, %add3A_584, %get3A_96 : vector<16xi32>
        %select_n3A_586 = arith.select %eq3A_585, %get3A_579, %select_n3A_575 : vector<16xi1>, vector<16xf32>
        %get3A_587 = arith.index_cast %scan3A_90 : i32 to index
        %get3A_588 = arith.constant 704 : index
        %get3A_589 = tpu.vector_load %arg10[%get3A_587, %get3A_588] {strides = array<i32>} : memref<32x1000xf32, #tpu.memory_space<vmem>>, vector<1x16xf32>,
        %get3A_590 = vector.shape_cast %get3A_589 : vector<1x16xf32> to vector<16xf32>
        %exp3A_591 = math.exp %get3A_590 : vector<16xf32>
        %add3A_592 = arith.addf %add3A_548, %exp3A_591 : vector<16xf32>
        %add3A_593 = arith.constant 704 : i32
        %add3A_594 = vector.broadcast %add3A_593 : i32 to vector<16xi32>
        %add3A_595 = arith.addi %iota3A, %add3A_594 : vector<16xi32>
        %eq3A_596 = arith.cmpi eq, %add3A_595, %get3A_96 : vector<16xi32>
        %select_n3A_597 = arith.select %eq3A_596, %get3A_590, %select_n3A_586 : vector<16xi1>, vector<16xf32>
        %get3A_598 = arith.index_cast %scan3A_90 : i32 to index
        %get3A_599 = arith.constant 720 : index
        %get3A_600 = tpu.vector_load %arg10[%get3A_598, %get3A_599] {strides = array<i32>} : memref<32x1000xf32, #tpu.memory_space<vmem>>, vector<1x16xf32>,
        %get3A_601 = vector.shape_cast %get3A_600 : vector<1x16xf32> to vector<16xf32>
        %exp3A_602 = math.exp %get3A_601 : vector<16xf32>
        %add3A_603 = arith.addf %add3A_559, %exp3A_602 : vector<16xf32>
        %add3A_604 = arith.constant 720 : i32
        %add3A_605 = vector.broadcast %add3A_604 : i32 to vector<16xi32>
        %add3A_606 = arith.addi %iota3A, %add3A_605 : vector<16xi32>
        %eq3A_607 = arith.cmpi eq, %add3A_606, %get3A_96 : vector<16xi32>
        %select_n3A_608 = arith.select %eq3A_607, %get3A_601, %select_n3A_597 : vector<16xi1>, vector<16xf32>
        %get3A_609 = arith.index_cast %scan3A_90 : i32 to index
        %get3A_610 = arith.constant 736 : index
        %get3A_611 = tpu.vector_load %arg10[%get3A_609, %get3A_610] {strides = array<i32>} : memref<32x1000xf32, #tpu.memory_space<vmem>>, vector<1x16xf32>,
        %get3A_612 = vector.shape_cast %get3A_611 : vector<1x16xf32> to vector<16xf32>
        %exp3A_613 = math.exp %get3A_612 : vector<16xf32>
        %add3A_614 = arith.addf %add3A_570, %exp3A_613 : vector<16xf32>
        %add3A_615 = arith.constant 736 : i32
        %add3A_616 = vector.broadcast %add3A_615 : i32 to vector<16xi32>
        %add3A_617 = arith.addi %iota3A, %add3A_616 : vector<16xi32>
        %eq3A_618 = arith.cmpi eq, %add3A_617, %get3A_96 : vector<16xi32>
        %select_n3A_619 = arith.select %eq3A_618, %get3A_612, %select_n3A_608 : vector<16xi1>, vector<16xf32>
        %get3A_620 = arith.index_cast %scan3A_90 : i32 to index
        %get3A_621 = arith.constant 752 : index
        %get3A_622 = tpu.vector_load %arg10[%get3A_620, %get3A_621] {strides = array<i32>} : memref<32x1000xf32, #tpu.memory_space<vmem>>, vector<1x16xf32>,
        %get3A_623 = vector.shape_cast %get3A_622 : vector<1x16xf32> to vector<16xf32>
        %exp3A_624 = math.exp %get3A_623 : vector<16xf32>
        %add3A_625 = arith.addf %add3A_581, %exp3A_624 : vector<16xf32>
        %add3A_626 = arith.constant 752 : i32
        %add3A_627 = vector.broadcast %add3A_626 : i32 to vector<16xi32>
        %add3A_628 = arith.addi %iota3A, %add3A_627 : vector<16xi32>
        %eq3A_629 = arith.cmpi eq, %add3A_628, %get3A_96 : vector<16xi32>
        %select_n3A_630 = arith.select %eq3A_629, %get3A_623, %select_n3A_619 : vector<16xi1>, vector<16xf32>
        %get3A_631 = arith.index_cast %scan3A_90 : i32 to index
        %get3A_632 = arith.constant 768 : index
        %get3A_633 = tpu.vector_load %arg10[%get3A_631, %get3A_632] {strides = array<i32>} : memref<32x1000xf32, #tpu.memory_space<vmem>>, vector<1x16xf32>,
        %get3A_634 = vector.shape_cast %get3A_633 : vector<1x16xf32> to vector<16xf32>
        %exp3A_635 = math.exp %get3A_634 : vector<16xf32>
        %add3A_636 = arith.addf %add3A_592, %exp3A_635 : vector<16xf32>
        %add3A_637 = arith.constant 768 : i32
        %add3A_638 = vector.broadcast %add3A_637 : i32 to vector<16xi32>
        %add3A_639 = arith.addi %iota3A, %add3A_638 : vector<16xi32>
        %eq3A_640 = arith.cmpi eq, %add3A_639, %get3A_96 : vector<16xi32>
        %select_n3A_641 = arith.select %eq3A_640, %get3A_634, %select_n3A_630 : vector<16xi1>, vector<16xf32>
        %get3A_642 = arith.index_cast %scan3A_90 : i32 to index
        %get3A_643 = arith.constant 784 : index
        %get3A_644 = tpu.vector_load %arg10[%get3A_642, %get3A_643] {strides = array<i32>} : memref<32x1000xf32, #tpu.memory_space<vmem>>, vector<1x16xf32>,
        %get3A_645 = vector.shape_cast %get3A_644 : vector<1x16xf32> to vector<16xf32>
        %exp3A_646 = math.exp %get3A_645 : vector<16xf32>
        %add3A_647 = arith.addf %add3A_603, %exp3A_646 : vector<16xf32>
        %add3A_648 = arith.constant 784 : i32
        %add3A_649 = vector.broadcast %add3A_648 : i32 to vector<16xi32>
        %add3A_650 = arith.addi %iota3A, %add3A_649 : vector<16xi32>
        %eq3A_651 = arith.cmpi eq, %add3A_650, %get3A_96 : vector<16xi32>
        %select_n3A_652 = arith.select %eq3A_651, %get3A_645, %select_n3A_641 : vector<16xi1>, vector<16xf32>
        %get3A_653 = arith.index_cast %scan3A_90 : i32 to index
        %get3A_654 = arith.constant 800 : index
        %get3A_655 = tpu.vector_load %arg10[%get3A_653, %get3A_654] {strides = array<i32>} : memref<32x1000xf32, #tpu.memory_space<vmem>>, vector<1x16xf32>,
        %get3A_656 = vector.shape_cast %get3A_655 : vector<1x16xf32> to vector<16xf32>
        %exp3A_657 = math.exp %get3A_656 : vector<16xf32>
        %add3A_658 = arith.addf %add3A_614, %exp3A_657 : vector<16xf32>
        %add3A_659 = arith.constant 800 : i32
        %add3A_660 = vector.broadcast %add3A_659 : i32 to vector<16xi32>
        %add3A_661 = arith.addi %iota3A, %add3A_660 : vector<16xi32>
        %eq3A_662 = arith.cmpi eq, %add3A_661, %get3A_96 : vector<16xi32>
        %select_n3A_663 = arith.select %eq3A_662, %get3A_656, %select_n3A_652 : vector<16xi1>, vector<16xf32>
        %get3A_664 = arith.index_cast %scan3A_90 : i32 to index
        %get3A_665 = arith.constant 816 : index
        %get3A_666 = tpu.vector_load %arg10[%get3A_664, %get3A_665] {strides = array<i32>} : memref<32x1000xf32, #tpu.memory_space<vmem>>, vector<1x16xf32>,
        %get3A_667 = vector.shape_cast %get3A_666 : vector<1x16xf32> to vector<16xf32>
        %exp3A_668 = math.exp %get3A_667 : vector<16xf32>
        %add3A_669 = arith.addf %add3A_625, %exp3A_668 : vector<16xf32>
        %add3A_670 = arith.constant 816 : i32
        %add3A_671 = vector.broadcast %add3A_670 : i32 to vector<16xi32>
        %add3A_672 = arith.addi %iota3A, %add3A_671 : vector<16xi32>
        %eq3A_673 = arith.cmpi eq, %add3A_672, %get3A_96 : vector<16xi32>
        %select_n3A_674 = arith.select %eq3A_673, %get3A_667, %select_n3A_663 : vector<16xi1>, vector<16xf32>
        %get3A_675 = arith.index_cast %scan3A_90 : i32 to index
        %get3A_676 = arith.constant 832 : index
        %get3A_677 = tpu.vector_load %arg10[%get3A_675, %get3A_676] {strides = array<i32>} : memref<32x1000xf32, #tpu.memory_space<vmem>>, vector<1x16xf32>,
        %get3A_678 = vector.shape_cast %get3A_677 : vector<1x16xf32> to vector<16xf32>
        %exp3A_679 = math.exp %get3A_678 : vector<16xf32>
        %add3A_680 = arith.addf %add3A_636, %exp3A_679 : vector<16xf32>
        %add3A_681 = arith.constant 832 : i32
        %add3A_682 = vector.broadcast %add3A_681 : i32 to vector<16xi32>
        %add3A_683 = arith.addi %iota3A, %add3A_682 : vector<16xi32>
        %eq3A_684 = arith.cmpi eq, %add3A_683, %get3A_96 : vector<16xi32>
        %select_n3A_685 = arith.select %eq3A_684, %get3A_678, %select_n3A_674 : vector<16xi1>, vector<16xf32>
        %get3A_686 = arith.index_cast %scan3A_90 : i32 to index
        %get3A_687 = arith.constant 848 : index
        %get3A_688 = tpu.vector_load %arg10[%get3A_686, %get3A_687] {strides = array<i32>} : memref<32x1000xf32, #tpu.memory_space<vmem>>, vector<1x16xf32>,
        %get3A_689 = vector.shape_cast %get3A_688 : vector<1x16xf32> to vector<16xf32>
        %exp3A_690 = math.exp %get3A_689 : vector<16xf32>
        %add3A_691 = arith.addf %add3A_647, %exp3A_690 : vector<16xf32>
        %add3A_692 = arith.constant 848 : i32
        %add3A_693 = vector.broadcast %add3A_692 : i32 to vector<16xi32>
        %add3A_694 = arith.addi %iota3A, %add3A_693 : vector<16xi32>
        %eq3A_695 = arith.cmpi eq, %add3A_694, %get3A_96 : vector<16xi32>
        %select_n3A_696 = arith.select %eq3A_695, %get3A_689, %select_n3A_685 : vector<16xi1>, vector<16xf32>
        %get3A_697 = arith.index_cast %scan3A_90 : i32 to index
        %get3A_698 = arith.constant 864 : index
        %get3A_699 = tpu.vector_load %arg10[%get3A_697, %get3A_698] {strides = array<i32>} : memref<32x1000xf32, #tpu.memory_space<vmem>>, vector<1x16xf32>,
        %get3A_700 = vector.shape_cast %get3A_699 : vector<1x16xf32> to vector<16xf32>
        %exp3A_701 = math.exp %get3A_700 : vector<16xf32>
        %add3A_702 = arith.addf %add3A_658, %exp3A_701 : vector<16xf32>
        %add3A_703 = arith.constant 864 : i32
        %add3A_704 = vector.broadcast %add3A_703 : i32 to vector<16xi32>
        %add3A_705 = arith.addi %iota3A, %add3A_704 : vector<16xi32>
        %eq3A_706 = arith.cmpi eq, %add3A_705, %get3A_96 : vector<16xi32>
        %select_n3A_707 = arith.select %eq3A_706, %get3A_700, %select_n3A_696 : vector<16xi1>, vector<16xf32>
        %get3A_708 = arith.index_cast %scan3A_90 : i32 to index
        %get3A_709 = arith.constant 880 : index
        %get3A_710 = tpu.vector_load %arg10[%get3A_708, %get3A_709] {strides = array<i32>} : memref<32x1000xf32, #tpu.memory_space<vmem>>, vector<1x16xf32>,
        %get3A_711 = vector.shape_cast %get3A_710 : vector<1x16xf32> to vector<16xf32>
        %exp3A_712 = math.exp %get3A_711 : vector<16xf32>
        %add3A_713 = arith.addf %add3A_669, %exp3A_712 : vector<16xf32>
        %add3A_714 = arith.constant 880 : i32
        %add3A_715 = vector.broadcast %add3A_714 : i32 to vector<16xi32>
        %add3A_716 = arith.addi %iota3A, %add3A_715 : vector<16xi32>
        %eq3A_717 = arith.cmpi eq, %add3A_716, %get3A_96 : vector<16xi32>
        %select_n3A_718 = arith.select %eq3A_717, %get3A_711, %select_n3A_707 : vector<16xi1>, vector<16xf32>
        %get3A_719 = arith.index_cast %scan3A_90 : i32 to index
        %get3A_720 = arith.constant 896 : index
        %get3A_721 = tpu.vector_load %arg10[%get3A_719, %get3A_720] {strides = array<i32>} : memref<32x1000xf32, #tpu.memory_space<vmem>>, vector<1x16xf32>,
        %get3A_722 = vector.shape_cast %get3A_721 : vector<1x16xf32> to vector<16xf32>
        %exp3A_723 = math.exp %get3A_722 : vector<16xf32>
        %add3A_724 = arith.addf %add3A_680, %exp3A_723 : vector<16xf32>
        %add3A_725 = arith.constant 896 : i32
        %add3A_726 = vector.broadcast %add3A_725 : i32 to vector<16xi32>
        %add3A_727 = arith.addi %iota3A, %add3A_726 : vector<16xi32>
        %eq3A_728 = arith.cmpi eq, %add3A_727, %get3A_96 : vector<16xi32>
        %select_n3A_729 = arith.select %eq3A_728, %get3A_722, %select_n3A_718 : vector<16xi1>, vector<16xf32>
        %get3A_730 = arith.index_cast %scan3A_90 : i32 to index
        %get3A_731 = arith.constant 912 : index
        %get3A_732 = tpu.vector_load %arg10[%get3A_730, %get3A_731] {strides = array<i32>} : memref<32x1000xf32, #tpu.memory_space<vmem>>, vector<1x16xf32>,
        %get3A_733 = vector.shape_cast %get3A_732 : vector<1x16xf32> to vector<16xf32>
        %exp3A_734 = math.exp %get3A_733 : vector<16xf32>
        %add3A_735 = arith.addf %add3A_691, %exp3A_734 : vector<16xf32>
        %add3A_736 = arith.constant 912 : i32
        %add3A_737 = vector.broadcast %add3A_736 : i32 to vector<16xi32>
        %add3A_738 = arith.addi %iota3A, %add3A_737 : vector<16xi32>
        %eq3A_739 = arith.cmpi eq, %add3A_738, %get3A_96 : vector<16xi32>
        %select_n3A_740 = arith.select %eq3A_739, %get3A_733, %select_n3A_729 : vector<16xi1>, vector<16xf32>
        %get3A_741 = arith.index_cast %scan3A_90 : i32 to index
        %get3A_742 = arith.constant 928 : index
        %get3A_743 = tpu.vector_load %arg10[%get3A_741, %get3A_742] {strides = array<i32>} : memref<32x1000xf32, #tpu.memory_space<vmem>>, vector<1x16xf32>,
        %get3A_744 = vector.shape_cast %get3A_743 : vector<1x16xf32> to vector<16xf32>
        %exp3A_745 = math.exp %get3A_744 : vector<16xf32>
        %add3A_746 = arith.addf %add3A_702, %exp3A_745 : vector<16xf32>
        %add3A_747 = arith.constant 928 : i32
        %add3A_748 = vector.broadcast %add3A_747 : i32 to vector<16xi32>
        %add3A_749 = arith.addi %iota3A, %add3A_748 : vector<16xi32>
        %eq3A_750 = arith.cmpi eq, %add3A_749, %get3A_96 : vector<16xi32>
        %select_n3A_751 = arith.select %eq3A_750, %get3A_744, %select_n3A_740 : vector<16xi1>, vector<16xf32>
        %get3A_752 = arith.index_cast %scan3A_90 : i32 to index
        %get3A_753 = arith.constant 944 : index
        %get3A_754 = tpu.vector_load %arg10[%get3A_752, %get3A_753] {strides = array<i32>} : memref<32x1000xf32, #tpu.memory_space<vmem>>, vector<1x16xf32>,
        %get3A_755 = vector.shape_cast %get3A_754 : vector<1x16xf32> to vector<16xf32>
        %exp3A_756 = math.exp %get3A_755 : vector<16xf32>
        %add3A_757 = arith.addf %add3A_713, %exp3A_756 : vector<16xf32>
        %add3A_758 = arith.constant 944 : i32
        %add3A_759 = vector.broadcast %add3A_758 : i32 to vector<16xi32>
        %add3A_760 = arith.addi %iota3A, %add3A_759 : vector<16xi32>
        %eq3A_761 = arith.cmpi eq, %add3A_760, %get3A_96 : vector<16xi32>
        %select_n3A_762 = arith.select %eq3A_761, %get3A_755, %select_n3A_751 : vector<16xi1>, vector<16xf32>
        %get3A_763 = arith.index_cast %scan3A_90 : i32 to index
        %get3A_764 = arith.constant 960 : index
        %get3A_765 = tpu.vector_load %arg10[%get3A_763, %get3A_764] {strides = array<i32>} : memref<32x1000xf32, #tpu.memory_space<vmem>>, vector<1x16xf32>,
        %get3A_766 = vector.shape_cast %get3A_765 : vector<1x16xf32> to vector<16xf32>
        %exp3A_767 = math.exp %get3A_766 : vector<16xf32>
        %add3A_768 = arith.addf %add3A_724, %exp3A_767 : vector<16xf32>
        %add3A_769 = arith.constant 960 : i32
        %add3A_770 = vector.broadcast %add3A_769 : i32 to vector<16xi32>
        %add3A_771 = arith.addi %iota3A, %add3A_770 : vector<16xi32>
        %eq3A_772 = arith.cmpi eq, %add3A_771, %get3A_96 : vector<16xi32>
        %select_n3A_773 = arith.select %eq3A_772, %get3A_766, %select_n3A_762 : vector<16xi1>, vector<16xf32>
        %get3A_774 = arith.index_cast %scan3A_90 : i32 to index
        %get3A_775 = arith.constant 976 : index
        %get3A_776 = tpu.vector_load %arg10[%get3A_774, %get3A_775] {strides = array<i32>} : memref<32x1000xf32, #tpu.memory_space<vmem>>, vector<1x16xf32>,
        %get3A_777 = vector.shape_cast %get3A_776 : vector<1x16xf32> to vector<16xf32>
        %exp3A_778 = math.exp %get3A_777 : vector<16xf32>
        %add3A_779 = arith.addf %add3A_735, %exp3A_778 : vector<16xf32>
        %add3A_780 = arith.constant 976 : i32
        %add3A_781 = vector.broadcast %add3A_780 : i32 to vector<16xi32>
        %add3A_782 = arith.addi %iota3A, %add3A_781 : vector<16xi32>
        %eq3A_783 = arith.cmpi eq, %add3A_782, %get3A_96 : vector<16xi32>
        %select_n3A_784 = arith.select %eq3A_783, %get3A_777, %select_n3A_773 : vector<16xi1>, vector<16xf32>
        %get3A_785 = arith.index_cast %scan3A_90 : i32 to index
        %get3A_786 = arith.constant 984 : index
        %get3A_787 = tpu.vector_load %arg10[%get3A_785, %get3A_786] {strides = array<i32>} : memref<32x1000xf32, #tpu.memory_space<vmem>>, vector<1x16xf32>,
        %get3A_788 = vector.shape_cast %get3A_787 : vector<1x16xf32> to vector<16xf32>
        %ge3A = arith.constant 8 : i32
        %ge3A_789 = vector.broadcast %ge3A : i32 to vector<16xi32>
        %ge3A_790 = arith.cmpi sge, %iota3A, %ge3A_789 : vector<16xi32>
        %exp3A_791 = math.exp %get3A_788 : vector<16xf32>
        %jit3A = arith.constant 0.000000e+00 : f32
        %broadcast_in_dim3A_792 = vector.broadcast %jit3A : f32 to vector<16xf32>
        %select_n3A_793 = arith.select %ge3A_790, %exp3A_791, %broadcast_in_dim3A_792 : vector<16xi1>, vector<16xf32>
        %add3A_794 = arith.addf %add3A_757, %select_n3A_793 : vector<16xf32>
        %add3A_795 = arith.constant 984 : i32
        %add3A_796 = vector.broadcast %add3A_795 : i32 to vector<16xi32>
        %add3A_797 = arith.addi %iota3A, %add3A_796 : vector<16xi32>
        %eq3A_798 = arith.cmpi eq, %add3A_797, %get3A_96 : vector<16xi32>
        %select_n3A_799 = arith.select %eq3A_798, %get3A_788, %select_n3A_784 : vector<16xi1>, vector<16xf32>
        %add3A_800 = arith.addf %add3A_768, %add3A_779 : vector<16xf32>
        %add3A_801 = arith.addf %add3A_746, %add3A_794 : vector<16xf32>
        %add3A_802 = arith.addf %add3A_800, %add3A_801 : vector<16xf32>
        %swap3A = arith.index_cast %scan3A_90 : i32 to index
        %swap3A_803 = arith.constant 0 : index
        %swap3A_804 = tpu.vector_load %arg12[%swap3A, %swap3A_803] {strides = array<i32>} : memref<32x16xf32, #tpu.memory_space<vmem>>, vector<1x16xf32>,
        %swap3A_805 = vector.shape_cast %swap3A_804 : vector<1x16xf32> to vector<16xf32>
        %swap3A_806 = vector.shape_cast %add3A_802 : vector<16xf32> to vector<1x16xf32>
        tpu.vector_store %arg12[%swap3A, %swap3A_803], %swap3A_806 {strides = array<i32>} : memref<32x16xf32, #tpu.memory_space<vmem>>, vector<1x16xf32>,
        %swap3A_807 = arith.index_cast %scan3A_90 : i32 to index
        %swap3A_808 = arith.constant 0 : index
        %swap3A_809 = tpu.vector_load %arg13[%swap3A_807, %swap3A_808] {strides = array<i32>} : memref<32x16xf32, #tpu.memory_space<vmem>>, vector<1x16xf32>,
        %swap3A_810 = vector.shape_cast %swap3A_809 : vector<1x16xf32> to vector<16xf32>
        %swap3A_811 = vector.shape_cast %select_n3A_799 : vector<16xf32> to vector<1x16xf32>
        tpu.vector_store %arg13[%swap3A_807, %swap3A_808], %swap3A_811 {strides = array<i32>} : memref<32x16xf32, #tpu.memory_space<vmem>>, vector<1x16xf32>,
      }
      %scan3A_83 = arith.constant 32 : i32
      %mul3A_84 = arith.constant 32 : i32
      %mul3A_85 = arith.muli %add3A_35, %mul3A_84 : i32
      %add3A_86 = arith.addi %mul3A_2, %mul3A_85 : i32
      "tpu.region"() ({
        %run_scoped3A = tpu.sem_alloc : memref<!tpu.dma_semaphore, #tpu.memory_space<semaphore_mem>>
        %dma_start3A_90 = arith.constant 0 : i32
        %dma_start3A_91 = tpu.memref_slice %arg7[%add3A_86, %dma_start3A_90] : memref<4096x16xf32, #tpu.memory_space<hbm>> -> memref<32x16xf32, #tpu.memory_space<hbm>>
        %dma_start3A_92 = arith.constant 0 : i32
        %dma_start3A_93 = tpu.memref_slice %arg7[%add3A_86, %dma_start3A_92] : memref<4096x16xf32, #tpu.memory_space<hbm>> -> memref<32x16xf32, #tpu.memory_space<hbm>>
        tpu.enqueue_dma source(%arg12 : memref<32x16xf32, #tpu.memory_space<vmem>>) target(%dma_start3A_93 : memref<32x16xf32, #tpu.memory_space<hbm>>) target_semaphore(%run_scoped3A : memref<!tpu.dma_semaphore, #tpu.memory_space<semaphore_mem>>)
        %dma_wait3A_94 = arith.constant 0 : i32
        %dma_wait3A_95 = tpu.memref_slice %arg7[%add3A_86, %dma_wait3A_94] : memref<4096x16xf32, #tpu.memory_space<hbm>> -> memref<32x16xf32, #tpu.memory_space<hbm>>
        %dma_wait3A_96 = arith.constant 0 : i32
        %dma_wait3A_97 = tpu.memref_slice %arg7[%add3A_86, %dma_wait3A_96] : memref<4096x16xf32, #tpu.memory_space<hbm>> -> memref<32x16xf32, #tpu.memory_space<hbm>>
        tpu.wait_dma2 semaphore(%run_scoped3A : memref<!tpu.dma_semaphore, #tpu.memory_space<semaphore_mem>>) src(%arg12 : memref<32x16xf32, #tpu.memory_space<vmem>>) dst(%dma_wait3A_97 : memref<32x16xf32, #tpu.memory_space<hbm>>)
        tpu.yield
      }) : () -> ()
      %mul3A_87 = arith.constant 32 : i32
      %mul3A_88 = arith.muli %add3A_35, %mul3A_87 : i32
      %add3A_89 = arith.addi %mul3A_2, %mul3A_88 : i32
      "tpu.region"() ({
        %run_scoped3A = tpu.sem_alloc : memref<!tpu.dma_semaphore, #tpu.memory_space<semaphore_mem>>
        %dma_start3A_90 = arith.constant 0 : i32
        %dma_start3A_91 = tpu.memref_slice %arg8[%add3A_89, %dma_start3A_90] : memref<4096x16xf32, #tpu.memory_space<hbm>> -> memref<32x16xf32, #tpu.memory_space<hbm>>
        %dma_start3A_92 = arith.constant 0 : i32
        %dma_start3A_93 = tpu.memref_slice %arg8[%add3A_89, %dma_start3A_92] : memref<4096x16xf32, #tpu.memory_space<hbm>> -> memref<32x16xf32, #tpu.memory_space<hbm>>
        tpu.enqueue_dma source(%arg13 : memref<32x16xf32, #tpu.memory_space<vmem>>) target(%dma_start3A_93 : memref<32x16xf32, #tpu.memory_space<hbm>>) target_semaphore(%run_scoped3A : memref<!tpu.dma_semaphore, #tpu.memory_space<semaphore_mem>>)
        %dma_wait3A_94 = arith.constant 0 : i32
        %dma_wait3A_95 = tpu.memref_slice %arg8[%add3A_89, %dma_wait3A_94] : memref<4096x16xf32, #tpu.memory_space<hbm>> -> memref<32x16xf32, #tpu.memory_space<hbm>>
        %dma_wait3A_96 = arith.constant 0 : i32
        %dma_wait3A_97 = tpu.memref_slice %arg8[%add3A_89, %dma_wait3A_96] : memref<4096x16xf32, #tpu.memory_space<hbm>> -> memref<32x16xf32, #tpu.memory_space<hbm>>
        tpu.wait_dma2 semaphore(%run_scoped3A : memref<!tpu.dma_semaphore, #tpu.memory_space<semaphore_mem>>) src(%arg13 : memref<32x16xf32, #tpu.memory_space<vmem>>) dst(%dma_wait3A_97 : memref<32x16xf32, #tpu.memory_space<hbm>>)
        tpu.yield
      }) : () -> ()
    }
    %scan3A_28 = arith.constant 2 : i32
    return
  }
}

module attributes {stable_mosaic.version = 14 : i64} {
  func.func @_ce_body(%arg0: i32, %arg1: memref<1024x1000xf32, #tpu.memory_space<vmem>>, %arg2: memref<1024x1000xf32, #tpu.memory_space<vmem>>, %arg3: memref<1024x1xi32, #tpu.memory_space<vmem>>, %arg4: memref<1024x1xf32, #tpu.memory_space<vmem>>, %arg5: memref<1024x1xf32, #tpu.memory_space<vmem>>) attributes {dimension_semantics = [#tpu.dimension_semantics<arbitrary>], iteration_bounds = array<i64: 12>, scalar_prefetch = 0 : i64, scratch_operands = 0 : i64, tpu.core_type = #tpu.core_type<tc>, window_params = [{transform_indices = @transform_0, window_bounds = array<i64: 1024, 1000>}, {transform_indices = @transform_1, window_bounds = array<i64: 1024, 1000>}, {transform_indices = @transform_2, window_bounds = array<i64: 1024, 1>}, {transform_indices = @transform_3, window_bounds = array<i64: 1024, 1>}, {transform_indices = @transform_4, window_bounds = array<i64: 1024, 1>}]} {
    %get3A = arith.constant 0 : index
    %get3A_0 = arith.constant 0 : index
    %get3A_1 = vector.load %arg3[%get3A, %get3A_0] : memref<1024x1xi32, #tpu.memory_space<vmem>>, vector<1024x1xi32>
    %iota3A = tpu.iota {dimensions = array<i32: 1>} : vector<1024x1000xi32>
    %eq3A = vector.broadcast %get3A_1 : vector<1024x1xi32> to vector<1024x1000xi32>
    %eq3A_2 = arith.cmpi eq, %iota3A, %eq3A : vector<1024x1000xi32>
    %get3A_3 = arith.constant 0 : index
    %get3A_4 = arith.constant 0 : index
    %get3A_5 = vector.load %arg1[%get3A_3, %get3A_4] : memref<1024x1000xf32, #tpu.memory_space<vmem>>, vector<1024x1000xf32>
    %reduce_max3A = arith.constant dense<0xFF800000> : vector<1024xf32>
    %reduce_max3A_6 = vector.multi_reduction <maximumf>, %get3A_5, %reduce_max3A [1] : vector<1024x1000xf32> to vector<1024xf32>
    %broadcast_in_dim3A = vector.shape_cast %reduce_max3A_6 : vector<1024xf32> to vector<1024x1xf32>
    %sub3A = vector.broadcast %broadcast_in_dim3A : vector<1024x1xf32> to vector<1024x1000xf32>
    %sub3A_7 = arith.subf %get3A_5, %sub3A : vector<1024x1000xf32>
    %exp3A = math.exp %sub3A_7 : vector<1024x1000xf32>
    %reduce_sum3A = arith.constant dense<0.000000e+00> : vector<1024xf32>
    %reduce_sum3A_8 = vector.multi_reduction <add>, %exp3A, %reduce_sum3A [1] : vector<1024x1000xf32> to vector<1024xf32>
    %broadcast_in_dim3A_9 = vector.shape_cast %reduce_sum3A_8 : vector<1024xf32> to vector<1024x1xf32>
    %jit3A = arith.constant 0.000000e+00 : f32
    %broadcast_in_dim3A_10 = vector.broadcast %jit3A : f32 to vector<1024x1000xf32>
    %select_n3A = arith.select %eq3A_2, %get3A_5, %broadcast_in_dim3A_10 : vector<1024x1000xi1>, vector<1024x1000xf32>
    %reduce_sum3A_11 = arith.constant dense<0.000000e+00> : vector<1024xf32>
    %reduce_sum3A_12 = vector.multi_reduction <add>, %select_n3A, %reduce_sum3A_11 [1] : vector<1024x1000xf32> to vector<1024xf32>
    %broadcast_in_dim3A_13 = vector.shape_cast %reduce_sum3A_12 : vector<1024xf32> to vector<1024x1xf32>
    %log3A = math.log %broadcast_in_dim3A_9 : vector<1024x1xf32>
    %add3A = arith.addf %broadcast_in_dim3A, %log3A : vector<1024x1xf32>
    %sub3A_14 = arith.subf %add3A, %broadcast_in_dim3A_13 : vector<1024x1xf32>
    %swap3A = arith.constant 0 : index
    %swap3A_15 = arith.constant 0 : index
    %swap3A_16 = vector.load %arg4[%swap3A, %swap3A_15] : memref<1024x1xf32, #tpu.memory_space<vmem>>, vector<1024x1xf32>
    tpu.vector_store %arg4[%swap3A, %swap3A_15], %sub3A_14 {strides = array<i32>} : memref<1024x1xf32, #tpu.memory_space<vmem>>, vector<1024x1xf32>,
    %get3A_17 = arith.constant 0 : index
    %get3A_18 = arith.constant 0 : index
    %get3A_19 = vector.load %arg2[%get3A_17, %get3A_18] : memref<1024x1000xf32, #tpu.memory_space<vmem>>, vector<1024x1000xf32>
    %reduce_max3A_20 = arith.constant dense<0xFF800000> : vector<1024xf32>
    %reduce_max3A_21 = vector.multi_reduction <maximumf>, %get3A_19, %reduce_max3A_20 [1] : vector<1024x1000xf32> to vector<1024xf32>
    %broadcast_in_dim3A_22 = vector.shape_cast %reduce_max3A_21 : vector<1024xf32> to vector<1024x1xf32>
    %sub3A_23 = vector.broadcast %broadcast_in_dim3A_22 : vector<1024x1xf32> to vector<1024x1000xf32>
    %sub3A_24 = arith.subf %get3A_19, %sub3A_23 : vector<1024x1000xf32>
    %exp3A_25 = math.exp %sub3A_24 : vector<1024x1000xf32>
    %reduce_sum3A_26 = arith.constant dense<0.000000e+00> : vector<1024xf32>
    %reduce_sum3A_27 = vector.multi_reduction <add>, %exp3A_25, %reduce_sum3A_26 [1] : vector<1024x1000xf32> to vector<1024xf32>
    %broadcast_in_dim3A_28 = vector.shape_cast %reduce_sum3A_27 : vector<1024xf32> to vector<1024x1xf32>
    %jit3A_29 = arith.constant 0.000000e+00 : f32
    %broadcast_in_dim3A_30 = vector.broadcast %jit3A_29 : f32 to vector<1024x1000xf32>
    %select_n3A_31 = arith.select %eq3A_2, %get3A_19, %broadcast_in_dim3A_30 : vector<1024x1000xi1>, vector<1024x1000xf32>
    %reduce_sum3A_32 = arith.constant dense<0.000000e+00> : vector<1024xf32>
    %reduce_sum3A_33 = vector.multi_reduction <add>, %select_n3A_31, %reduce_sum3A_32 [1] : vector<1024x1000xf32> to vector<1024xf32>
    %broadcast_in_dim3A_34 = vector.shape_cast %reduce_sum3A_33 : vector<1024xf32> to vector<1024x1xf32>
    %log3A_35 = math.log %broadcast_in_dim3A_28 : vector<1024x1xf32>
    %add3A_36 = arith.addf %broadcast_in_dim3A_22, %log3A_35 : vector<1024x1xf32>
    %sub3A_37 = arith.subf %add3A_36, %broadcast_in_dim3A_34 : vector<1024x1xf32>
    %swap3A_38 = arith.constant 0 : index
    %swap3A_39 = arith.constant 0 : index
    %swap3A_40 = vector.load %arg5[%swap3A_38, %swap3A_39] : memref<1024x1xf32, #tpu.memory_space<vmem>>, vector<1024x1xf32>
    tpu.vector_store %arg5[%swap3A_38, %swap3A_39], %sub3A_37 {strides = array<i32>} : memref<1024x1xf32, #tpu.memory_space<vmem>>, vector<1024x1xf32>,
    return
  }
  func.func @transform_0(%arg0: i32) -> (i32, i32) {
    %c0_i32 = arith.constant 0 : i32
    %c0_i32_0 = arith.constant 0 : i32
    return %arg0, %c0_i32 : i32, i32
  }
  func.func @transform_1(%arg0: i32) -> (i32, i32) {
    %c0_i32 = arith.constant 0 : i32
    %c0_i32_0 = arith.constant 0 : i32
    return %arg0, %c0_i32 : i32, i32
  }
  func.func @transform_2(%arg0: i32) -> (i32, i32) {
    %c0_i32 = arith.constant 0 : i32
    %c0_i32_0 = arith.constant 0 : i32
    return %arg0, %c0_i32 : i32, i32
  }
  func.func @transform_3(%arg0: i32) -> (i32, i32) {
    %c0_i32 = arith.constant 0 : i32
    %c0_i32_0 = arith.constant 0 : i32
    return %arg0, %c0_i32 : i32, i32
  }
  func.func @transform_4(%arg0: i32) -> (i32, i32) {
    %c0_i32 = arith.constant 0 : i32
    %c0_i32_0 = arith.constant 0 : i32
    return %arg0, %c0_i32 : i32, i32
  }
}

module attributes {stable_mosaic.version = 14 : i64} {
  func.func @_sel_body(%arg0: memref<96x128xf32, #tpu.memory_space<vmem>>, %arg1: memref<96x128xf32, #tpu.memory_space<vmem>>, %arg2: memref<32x2048xf32, #tpu.memory_space<vmem>>, %arg3: memref<32x2048xf32, #tpu.memory_space<vmem>>, %arg4: memref<32x2048xf32, #tpu.memory_space<vmem>>, %arg5: memref<32x2048xf32, #tpu.memory_space<vmem>>, %arg6: memref<128x128xi32, #tpu.memory_space<vmem>>, %arg7: memref<1x1xf32, #tpu.memory_space<vmem>>, %arg8: memref<1x1xf32, #tpu.memory_space<vmem>>) attributes {dimension_semantics = [], scalar_prefetch = 0 : i64, scratch_operands = 0 : i64, tpu.core_type = #tpu.core_type<tc>} {
    %iota3A = tpu.iota {dimensions = array<i32: 0>} : vector<2048x128xi32>
    %iota3A_0 = tpu.iota {dimensions = array<i32: 1>} : vector<2048x128xi32>
    %jit3A = arith.constant 16 : i32
    %div3A = vector.broadcast %jit3A : i32 to vector<2048x128xi32>
    %div3A_1 = arith.divsi %iota3A, %div3A : vector<2048x128xi32>
    %sign3A = arith.constant 0 : i32
    %sign3A_2 = vector.broadcast %sign3A : i32 to vector<2048x128xi32>
    %sign3A_3 = arith.cmpi sgt, %iota3A, %sign3A_2 : vector<2048x128xi32>
    %sign3A_4 = arith.extui %sign3A_3 : vector<2048x128xi1> to vector<2048x128xi32>
    %sign3A_5 = arith.constant 0 : i32
    %sign3A_6 = vector.broadcast %sign3A_5 : i32 to vector<2048x128xi32>
    %sign3A_7 = arith.cmpi slt, %iota3A, %sign3A_6 : vector<2048x128xi32>
    %sign3A_8 = arith.extui %sign3A_7 : vector<2048x128xi1> to vector<2048x128xi32>
    %sign3A_9 = arith.subi %sign3A_4, %sign3A_8 : vector<2048x128xi32>
    %sign3A_10 = arith.constant 0 : i32
    %sign3A_11 = arith.cmpi sgt, %jit3A, %sign3A_10 : i32
    %sign3A_12 = arith.extui %sign3A_11 : i1 to i32
    %sign3A_13 = arith.constant 0 : i32
    %sign3A_14 = arith.cmpi slt, %jit3A, %sign3A_13 : i32
    %sign3A_15 = arith.extui %sign3A_14 : i1 to i32
    %sign3A_16 = arith.subi %sign3A_12, %sign3A_15 : i32
    %ne3A = vector.broadcast %sign3A_16 : i32 to vector<2048x128xi32>
    %ne3A_17 = arith.cmpi ne, %sign3A_9, %ne3A : vector<2048x128xi32>
    %rem3A = vector.broadcast %jit3A : i32 to vector<2048x128xi32>
    %rem3A_18 = arith.remsi %iota3A, %rem3A : vector<2048x128xi32>
    %ne3A_19 = arith.constant 0 : i32
    %ne3A_20 = vector.broadcast %ne3A_19 : i32 to vector<2048x128xi32>
    %ne3A_21 = arith.cmpi ne, %rem3A_18, %ne3A_20 : vector<2048x128xi32>
    %and3A = arith.andi %ne3A_17, %ne3A_21 : vector<2048x128xi1>
    %sub3A = arith.constant 1 : i32
    %sub3A_22 = vector.broadcast %sub3A : i32 to vector<2048x128xi32>
    %sub3A_23 = arith.subi %div3A_1, %sub3A_22 : vector<2048x128xi32>
    %select_n3A = arith.select %and3A, %sub3A_23, %div3A_1 : vector<2048x128xi1>, vector<2048x128xi32>
    %eq3A = arith.cmpi eq, %select_n3A, %iota3A_0 : vector<2048x128xi32>
    %jit3A_24 = arith.constant 1.000000e+00 : f32
    %jit3A_25 = arith.constant 0.000000e+00 : f32
    %broadcast_in_dim3A = vector.broadcast %jit3A_24 : f32 to vector<2048x128xf32>
    %broadcast_in_dim3A_26 = vector.broadcast %jit3A_25 : f32 to vector<2048x128xf32>
    %select_n3A_27 = arith.select %eq3A, %broadcast_in_dim3A, %broadcast_in_dim3A_26 : vector<2048x128xi1>, vector<2048x128xf32>
    %get3A = arith.constant 0 : index
    %get3A_28 = arith.constant 0 : index
    %get3A_29 = vector.load %arg0[%get3A, %get3A_28] : memref<96x128xf32, #tpu.memory_space<vmem>>, vector<96x128xf32>
    %get3A_30 = arith.constant 0 : index
    %get3A_31 = arith.constant 0 : index
    %get3A_32 = vector.load %arg2[%get3A_30, %get3A_31] : memref<32x2048xf32, #tpu.memory_space<vmem>>, vector<32x2048xf32>
    %dot_general3A = arith.constant dense<0.000000e+00> : vector<32x128xf32>
    %dot_general3A_33 = tpu.matmul %get3A_32, %select_n3A_27, %dot_general3A {dimension_numbers = #tpu.dot_dimension_numbers<[1], [0], [0], [1], [0, 0, 1, 1], [], []>, transpose_lhs_hint = false} : vector<32x2048xf32>, vector<2048x128xf32>, vector<32x128xf32> -> vector<32x128xf32>
    %log3A = math.log %dot_general3A_33 : vector<32x128xf32>
    %get3A_34 = arith.constant 0 : index
    %get3A_35 = arith.constant 0 : index
    %get3A_36 = vector.load %arg3[%get3A_34, %get3A_35] : memref<32x2048xf32, #tpu.memory_space<vmem>>, vector<32x2048xf32>
    %dot_general3A_37 = arith.constant dense<0.000000e+00> : vector<32x128xf32>
    %dot_general3A_38 = tpu.matmul %get3A_36, %select_n3A_27, %dot_general3A_37 {dimension_numbers = #tpu.dot_dimension_numbers<[1], [0], [0], [1], [0, 0, 1, 1], [], []>, transpose_lhs_hint = false} : vector<32x2048xf32>, vector<2048x128xf32>, vector<32x128xf32> -> vector<32x128xf32>
    %sub3A_39 = arith.subf %log3A, %dot_general3A_38 : vector<32x128xf32>
    %concatenate3A = tpu.concatenate %get3A_29, %sub3A_39 in 0 : vector<96x128xf32>, vector<32x128xf32> -> vector<128x128xf32>
    %get3A_40 = arith.constant 0 : index
    %get3A_41 = arith.constant 0 : index
    %get3A_42 = vector.load %arg1[%get3A_40, %get3A_41] : memref<96x128xf32, #tpu.memory_space<vmem>>, vector<96x128xf32>
    %get3A_43 = arith.constant 0 : index
    %get3A_44 = arith.constant 0 : index
    %get3A_45 = vector.load %arg4[%get3A_43, %get3A_44] : memref<32x2048xf32, #tpu.memory_space<vmem>>, vector<32x2048xf32>
    %dot_general3A_46 = arith.constant dense<0.000000e+00> : vector<32x128xf32>
    %dot_general3A_47 = tpu.matmul %get3A_45, %select_n3A_27, %dot_general3A_46 {dimension_numbers = #tpu.dot_dimension_numbers<[1], [0], [0], [1], [0, 0, 1, 1], [], []>, transpose_lhs_hint = false} : vector<32x2048xf32>, vector<2048x128xf32>, vector<32x128xf32> -> vector<32x128xf32>
    %log3A_48 = math.log %dot_general3A_47 : vector<32x128xf32>
    %get3A_49 = arith.constant 0 : index
    %get3A_50 = arith.constant 0 : index
    %get3A_51 = vector.load %arg5[%get3A_49, %get3A_50] : memref<32x2048xf32, #tpu.memory_space<vmem>>, vector<32x2048xf32>
    %dot_general3A_52 = arith.constant dense<0.000000e+00> : vector<32x128xf32>
    %dot_general3A_53 = tpu.matmul %get3A_51, %select_n3A_27, %dot_general3A_52 {dimension_numbers = #tpu.dot_dimension_numbers<[1], [0], [0], [1], [0, 0, 1, 1], [], []>, transpose_lhs_hint = false} : vector<32x2048xf32>, vector<2048x128xf32>, vector<32x128xf32> -> vector<32x128xf32>
    %sub3A_54 = arith.subf %log3A_48, %dot_general3A_53 : vector<32x128xf32>
    %concatenate3A_55 = tpu.concatenate %get3A_42, %sub3A_54 in 0 : vector<96x128xf32>, vector<32x128xf32> -> vector<128x128xf32>
    %get3A_56 = arith.constant 0 : index
    %get3A_57 = arith.constant 0 : index
    %get3A_58 = vector.load %arg6[%get3A_56, %get3A_57] : memref<128x128xi32, #tpu.memory_space<vmem>>, vector<128x128xi32>
    %lt3A = arith.constant 64 : i32
    %lt3A_59 = vector.broadcast %lt3A : i32 to vector<128x128xi32>
    %lt3A_60 = arith.cmpi slt, %get3A_58, %lt3A_59 : vector<128x128xi32>
    %iota3A_61 = tpu.iota {dimensions = array<i32: 0>} : vector<128x128xi32>
    %iota3A_62 = tpu.iota {dimensions = array<i32: 1>} : vector<128x128xi32>
    %mul3A = arith.constant 128 : i32
    %mul3A_63 = vector.broadcast %mul3A : i32 to vector<128x128xi32>
    %mul3A_64 = arith.muli %iota3A_61, %mul3A_63 : vector<128x128xi32>
    %add3A = arith.addi %mul3A_64, %iota3A_62 : vector<128x128xi32>
    %bitcast_convert_type3A = tpu.bitcast %concatenate3A : vector<128x128xf32> -> vector<128x128xi32>
    %broadcast_in_dim3A_65 = arith.constant 0 : i32
    %broadcast_in_dim3A_66 = vector.broadcast %broadcast_in_dim3A_65 : i32 to vector<128x128xi32>
    %broadcast_in_dim3A_67 = arith.constant 1 : i32
    %broadcast_in_dim3A_68 = vector.broadcast %broadcast_in_dim3A_67 : i32 to vector<128x128xi32>
    %scan3A = arith.constant 14563 : i32
    %scan3A_69 = arith.constant 0 : i32
    %scan3A_70 = arith.constant 32 : i32
    %scan3A_71 = arith.addi %scan3A_69, %scan3A_70 : i32
    %scan3A_72 = arith.constant 1 : i32
    %scan3A_73:3 = scf.for %scan3A_130 = %scan3A_69 to %scan3A_71 step %scan3A_72 iter_args(%scan3A_131 = %broadcast_in_dim3A_66, %scan3A_132 = %broadcast_in_dim3A_68, %scan3A_133 = %scan3A) -> (vector<128x128xi32>, vector<128x128xi32>, i32)  : i32 {
      %sub3A_134 = arith.constant 31 : i32
      %sub3A_135 = arith.subi %sub3A_134, %scan3A_130 : i32
      %shift_right_logical3A = vector.broadcast %sub3A_135 : i32 to vector<128x128xi32>
      %shift_right_logical3A_136 = arith.shrui %bitcast_convert_type3A, %shift_right_logical3A : vector<128x128xi32>
      %and3A_137 = arith.constant 1 : i32
      %and3A_138 = vector.broadcast %and3A_137 : i32 to vector<128x128xi32>
      %and3A_139 = arith.andi %shift_right_logical3A_136, %and3A_138 : vector<128x128xi32>
      %xor3A = arith.constant 1 : i32
      %xor3A_140 = vector.broadcast %xor3A : i32 to vector<128x128xi32>
      %xor3A_141 = arith.xori %and3A_139, %xor3A_140 : vector<128x128xi32>
      %and3A_142 = arith.andi %scan3A_132, %xor3A_141 : vector<128x128xi32>
      %reduce_sum3A_143 = vector.shape_cast %and3A_142 : vector<128x128xi32> to vector<1x128x128xi32>
      %reduce_sum3A_144 = arith.constant dense<0> : vector<1xi32>
      %reduce_sum3A_145 = vector.multi_reduction <add>, %reduce_sum3A_143, %reduce_sum3A_144 [1, 2] : vector<1x128x128xi32> to vector<1xi32>
      %reduce_sum3A_146 = vector.shape_cast %reduce_sum3A_145 : vector<1xi32> to vector<1x1x1xi32>
      %reduce_sum3A_147 = vector.extract %reduce_sum3A_146[0, 0, 0] : i32 from vector<1x1x1xi32>
      %le3A = arith.cmpi sle, %scan3A_133, %reduce_sum3A_147 : i32
      %or3A_148 = arith.ori %scan3A_131, %and3A_142 : vector<128x128xi32>
      %select_n3A_149 = arith.select %le3A, %scan3A_131, %or3A_148 : vector<128x128xi32>
      %and3A_150 = arith.andi %scan3A_132, %and3A_139 : vector<128x128xi32>
      %select_n3A_151 = arith.select %le3A, %and3A_142, %and3A_150 : vector<128x128xi32>
      %sub3A_152 = arith.subi %scan3A_133, %reduce_sum3A_147 : i32
      %select_n3A_153 = arith.select %le3A, %scan3A_133, %sub3A_152 : i32
      scf.yield %select_n3A_149, %select_n3A_151, %select_n3A_153 : vector<128x128xi32>, vector<128x128xi32>, i32
    }
    %scan3A_74 = arith.constant 32 : i32
    %scan3A_75 = arith.constant 0 : i32
    %scan3A_76 = arith.constant 14 : i32
    %scan3A_77 = arith.addi %scan3A_75, %scan3A_76 : i32
    %scan3A_78 = arith.constant 1 : i32
    %scan3A_79:3 = scf.for %scan3A_130 = %scan3A_75 to %scan3A_77 step %scan3A_78 iter_args(%scan3A_131 = %scan3A_73#0, %scan3A_132 = %scan3A_73#1, %scan3A_133 = %scan3A_73#2) -> (vector<128x128xi32>, vector<128x128xi32>, i32)  : i32 {
      %sub3A_134 = arith.constant 13 : i32
      %sub3A_135 = arith.subi %sub3A_134, %scan3A_130 : i32
      %shift_right_logical3A = vector.broadcast %sub3A_135 : i32 to vector<128x128xi32>
      %shift_right_logical3A_136 = arith.shrui %add3A, %shift_right_logical3A : vector<128x128xi32>
      %and3A_137 = arith.constant 1 : i32
      %and3A_138 = vector.broadcast %and3A_137 : i32 to vector<128x128xi32>
      %and3A_139 = arith.andi %shift_right_logical3A_136, %and3A_138 : vector<128x128xi32>
      %xor3A = arith.constant 1 : i32
      %xor3A_140 = vector.broadcast %xor3A : i32 to vector<128x128xi32>
      %xor3A_141 = arith.xori %and3A_139, %xor3A_140 : vector<128x128xi32>
      %and3A_142 = arith.andi %scan3A_132, %xor3A_141 : vector<128x128xi32>
      %reduce_sum3A_143 = vector.shape_cast %and3A_142 : vector<128x128xi32> to vector<1x128x128xi32>
      %reduce_sum3A_144 = arith.constant dense<0> : vector<1xi32>
      %reduce_sum3A_145 = vector.multi_reduction <add>, %reduce_sum3A_143, %reduce_sum3A_144 [1, 2] : vector<1x128x128xi32> to vector<1xi32>
      %reduce_sum3A_146 = vector.shape_cast %reduce_sum3A_145 : vector<1xi32> to vector<1x1x1xi32>
      %reduce_sum3A_147 = vector.extract %reduce_sum3A_146[0, 0, 0] : i32 from vector<1x1x1xi32>
      %le3A = arith.cmpi sle, %scan3A_133, %reduce_sum3A_147 : i32
      %or3A_148 = arith.ori %scan3A_131, %and3A_142 : vector<128x128xi32>
      %select_n3A_149 = arith.select %le3A, %scan3A_131, %or3A_148 : vector<128x128xi32>
      %and3A_150 = arith.andi %scan3A_132, %and3A_139 : vector<128x128xi32>
      %select_n3A_151 = arith.select %le3A, %and3A_142, %and3A_150 : vector<128x128xi32>
      %sub3A_152 = arith.subi %scan3A_133, %reduce_sum3A_147 : i32
      %select_n3A_153 = arith.select %le3A, %scan3A_133, %sub3A_152 : i32
      scf.yield %select_n3A_149, %select_n3A_151, %select_n3A_153 : vector<128x128xi32>, vector<128x128xi32>, i32
    }
    %scan3A_80 = arith.constant 14 : i32
    %or3A = arith.ori %scan3A_79#0, %scan3A_79#1 : vector<128x128xi32>
    %eq3A_81 = arith.constant 1 : i32
    %eq3A_82 = vector.broadcast %eq3A_81 : i32 to vector<128x128xi32>
    %eq3A_83 = arith.cmpi eq, %or3A, %eq3A_82 : vector<128x128xi32>
    %bitcast_convert_type3A_84 = tpu.bitcast %concatenate3A_55 : vector<128x128xf32> -> vector<128x128xi32>
    %broadcast_in_dim3A_85 = arith.constant 0 : i32
    %broadcast_in_dim3A_86 = vector.broadcast %broadcast_in_dim3A_85 : i32 to vector<128x128xi32>
    %broadcast_in_dim3A_87 = arith.constant 1 : i32
    %broadcast_in_dim3A_88 = vector.broadcast %broadcast_in_dim3A_87 : i32 to vector<128x128xi32>
    %scan3A_89 = arith.constant 14563 : i32
    %scan3A_90 = arith.constant 0 : i32
    %scan3A_91 = arith.constant 32 : i32
    %scan3A_92 = arith.addi %scan3A_90, %scan3A_91 : i32
    %scan3A_93 = arith.constant 1 : i32
    %scan3A_94:3 = scf.for %scan3A_130 = %scan3A_90 to %scan3A_92 step %scan3A_93 iter_args(%scan3A_131 = %broadcast_in_dim3A_86, %scan3A_132 = %broadcast_in_dim3A_88, %scan3A_133 = %scan3A_89) -> (vector<128x128xi32>, vector<128x128xi32>, i32)  : i32 {
      %sub3A_134 = arith.constant 31 : i32
      %sub3A_135 = arith.subi %sub3A_134, %scan3A_130 : i32
      %shift_right_logical3A = vector.broadcast %sub3A_135 : i32 to vector<128x128xi32>
      %shift_right_logical3A_136 = arith.shrui %bitcast_convert_type3A_84, %shift_right_logical3A : vector<128x128xi32>
      %and3A_137 = arith.constant 1 : i32
      %and3A_138 = vector.broadcast %and3A_137 : i32 to vector<128x128xi32>
      %and3A_139 = arith.andi %shift_right_logical3A_136, %and3A_138 : vector<128x128xi32>
      %xor3A = arith.constant 1 : i32
      %xor3A_140 = vector.broadcast %xor3A : i32 to vector<128x128xi32>
      %xor3A_141 = arith.xori %and3A_139, %xor3A_140 : vector<128x128xi32>
      %and3A_142 = arith.andi %scan3A_132, %xor3A_141 : vector<128x128xi32>
      %reduce_sum3A_143 = vector.shape_cast %and3A_142 : vector<128x128xi32> to vector<1x128x128xi32>
      %reduce_sum3A_144 = arith.constant dense<0> : vector<1xi32>
      %reduce_sum3A_145 = vector.multi_reduction <add>, %reduce_sum3A_143, %reduce_sum3A_144 [1, 2] : vector<1x128x128xi32> to vector<1xi32>
      %reduce_sum3A_146 = vector.shape_cast %reduce_sum3A_145 : vector<1xi32> to vector<1x1x1xi32>
      %reduce_sum3A_147 = vector.extract %reduce_sum3A_146[0, 0, 0] : i32 from vector<1x1x1xi32>
      %le3A = arith.cmpi sle, %scan3A_133, %reduce_sum3A_147 : i32
      %or3A_148 = arith.ori %scan3A_131, %and3A_142 : vector<128x128xi32>
      %select_n3A_149 = arith.select %le3A, %scan3A_131, %or3A_148 : vector<128x128xi32>
      %and3A_150 = arith.andi %scan3A_132, %and3A_139 : vector<128x128xi32>
      %select_n3A_151 = arith.select %le3A, %and3A_142, %and3A_150 : vector<128x128xi32>
      %sub3A_152 = arith.subi %scan3A_133, %reduce_sum3A_147 : i32
      %select_n3A_153 = arith.select %le3A, %scan3A_133, %sub3A_152 : i32
      scf.yield %select_n3A_149, %select_n3A_151, %select_n3A_153 : vector<128x128xi32>, vector<128x128xi32>, i32
    }
    %scan3A_95 = arith.constant 32 : i32
    %scan3A_96 = arith.constant 0 : i32
    %scan3A_97 = arith.constant 14 : i32
    %scan3A_98 = arith.addi %scan3A_96, %scan3A_97 : i32
    %scan3A_99 = arith.constant 1 : i32
    %scan3A_100:3 = scf.for %scan3A_130 = %scan3A_96 to %scan3A_98 step %scan3A_99 iter_args(%scan3A_131 = %scan3A_94#0, %scan3A_132 = %scan3A_94#1, %scan3A_133 = %scan3A_94#2) -> (vector<128x128xi32>, vector<128x128xi32>, i32)  : i32 {
      %sub3A_134 = arith.constant 13 : i32
      %sub3A_135 = arith.subi %sub3A_134, %scan3A_130 : i32
      %shift_right_logical3A = vector.broadcast %sub3A_135 : i32 to vector<128x128xi32>
      %shift_right_logical3A_136 = arith.shrui %add3A, %shift_right_logical3A : vector<128x128xi32>
      %and3A_137 = arith.constant 1 : i32
      %and3A_138 = vector.broadcast %and3A_137 : i32 to vector<128x128xi32>
      %and3A_139 = arith.andi %shift_right_logical3A_136, %and3A_138 : vector<128x128xi32>
      %xor3A = arith.constant 1 : i32
      %xor3A_140 = vector.broadcast %xor3A : i32 to vector<128x128xi32>
      %xor3A_141 = arith.xori %and3A_139, %xor3A_140 : vector<128x128xi32>
      %and3A_142 = arith.andi %scan3A_132, %xor3A_141 : vector<128x128xi32>
      %reduce_sum3A_143 = vector.shape_cast %and3A_142 : vector<128x128xi32> to vector<1x128x128xi32>
      %reduce_sum3A_144 = arith.constant dense<0> : vector<1xi32>
      %reduce_sum3A_145 = vector.multi_reduction <add>, %reduce_sum3A_143, %reduce_sum3A_144 [1, 2] : vector<1x128x128xi32> to vector<1xi32>
      %reduce_sum3A_146 = vector.shape_cast %reduce_sum3A_145 : vector<1xi32> to vector<1x1x1xi32>
      %reduce_sum3A_147 = vector.extract %reduce_sum3A_146[0, 0, 0] : i32 from vector<1x1x1xi32>
      %le3A = arith.cmpi sle, %scan3A_133, %reduce_sum3A_147 : i32
      %or3A_148 = arith.ori %scan3A_131, %and3A_142 : vector<128x128xi32>
      %select_n3A_149 = arith.select %le3A, %scan3A_131, %or3A_148 : vector<128x128xi32>
      %and3A_150 = arith.andi %scan3A_132, %and3A_139 : vector<128x128xi32>
      %select_n3A_151 = arith.select %le3A, %and3A_142, %and3A_150 : vector<128x128xi32>
      %sub3A_152 = arith.subi %scan3A_133, %reduce_sum3A_147 : i32
      %select_n3A_153 = arith.select %le3A, %scan3A_133, %sub3A_152 : i32
      scf.yield %select_n3A_149, %select_n3A_151, %select_n3A_153 : vector<128x128xi32>, vector<128x128xi32>, i32
    }
    %scan3A_101 = arith.constant 14 : i32
    %or3A_102 = arith.ori %scan3A_100#0, %scan3A_100#1 : vector<128x128xi32>
    %eq3A_103 = arith.constant 1 : i32
    %eq3A_104 = vector.broadcast %eq3A_103 : i32 to vector<128x128xi32>
    %eq3A_105 = arith.cmpi eq, %or3A_102, %eq3A_104 : vector<128x128xi32>
    %and3A_106 = arith.andi %eq3A_105, %lt3A_60 : vector<128x128xi1>
    %jit3A_107 = arith.constant 0.000000e+00 : f32
    %broadcast_in_dim3A_108 = vector.broadcast %jit3A_107 : f32 to vector<128x128xf32>
    %select_n3A_109 = arith.select %and3A_106, %concatenate3A, %broadcast_in_dim3A_108 : vector<128x128xi1>, vector<128x128xf32>
    %reduce_sum3A = vector.shape_cast %select_n3A_109 : vector<128x128xf32> to vector<1x128x128xf32>
    %reduce_sum3A_110 = arith.constant dense<0.000000e+00> : vector<1xf32>
    %reduce_sum3A_111 = vector.multi_reduction <add>, %reduce_sum3A, %reduce_sum3A_110 [1, 2] : vector<1x128x128xf32> to vector<1xf32>
    %reduce_sum3A_112 = vector.shape_cast %reduce_sum3A_111 : vector<1xf32> to vector<1x1x1xf32>
    %reduce_sum3A_113 = vector.extract %reduce_sum3A_112[0, 0, 0] : f32 from vector<1x1x1xf32>
    %broadcast_in_dim3A_114 = vector.broadcast %reduce_sum3A_113 : f32 to vector<1x1xf32>
    %swap3A = arith.constant 0 : index
    %swap3A_115 = arith.constant 0 : index
    %swap3A_116 = vector.load %arg7[%swap3A, %swap3A_115] : memref<1x1xf32, #tpu.memory_space<vmem>>, vector<1x1xf32>
    tpu.vector_store %arg7[%swap3A, %swap3A_115], %broadcast_in_dim3A_114 {strides = array<i32>} : memref<1x1xf32, #tpu.memory_space<vmem>>, vector<1x1xf32>,
    %and3A_117 = arith.andi %eq3A_83, %lt3A_60 : vector<128x128xi1>
    %jit3A_118 = arith.constant 0.000000e+00 : f32
    %broadcast_in_dim3A_119 = vector.broadcast %jit3A_118 : f32 to vector<128x128xf32>
    %select_n3A_120 = arith.select %and3A_117, %concatenate3A_55, %broadcast_in_dim3A_119 : vector<128x128xi1>, vector<128x128xf32>
    %reduce_sum3A_121 = vector.shape_cast %select_n3A_120 : vector<128x128xf32> to vector<1x128x128xf32>
    %reduce_sum3A_122 = arith.constant dense<0.000000e+00> : vector<1xf32>
    %reduce_sum3A_123 = vector.multi_reduction <add>, %reduce_sum3A_121, %reduce_sum3A_122 [1, 2] : vector<1x128x128xf32> to vector<1xf32>
    %reduce_sum3A_124 = vector.shape_cast %reduce_sum3A_123 : vector<1xf32> to vector<1x1x1xf32>
    %reduce_sum3A_125 = vector.extract %reduce_sum3A_124[0, 0, 0] : f32 from vector<1x1x1xf32>
    %broadcast_in_dim3A_126 = vector.broadcast %reduce_sum3A_125 : f32 to vector<1x1xf32>
    %swap3A_127 = arith.constant 0 : index
    %swap3A_128 = arith.constant 0 : index
    %swap3A_129 = vector.load %arg8[%swap3A_127, %swap3A_128] : memref<1x1xf32, #tpu.memory_space<vmem>>, vector<1x1xf32>
    tpu.vector_store %arg8[%swap3A_127, %swap3A_128], %broadcast_in_dim3A_126 {strides = array<i32>} : memref<1x1xf32, #tpu.memory_space<vmem>>, vector<1x1xf32>,
    return
  }
}

</mosaic_0001>

<sc_bundles>
// kernel: kernel.5.cloned.1.call-start
scs
__scs_entry_jumppad:
0x0: {  	(pc) =	sbr.rel $0x88, $3  }
0x1: {  	(tag) =	ssettag $0x0;
	lr =	simm.s32 $0x1  }
0x2: {  	[smem:$0x3F9C] =	sst lr;
	_ =	strace $0xD0000000  }
0x3: {  	_ = 	snop  }
0x4: {  	_ = 	snop  }
0x5: {  	_ = 	snop  }
0x6: {  	_ = 	snop  }
0x7: {  	_ = 	snop  }
__scs_overlays_trampoline_lowered:
0x8: {  	[smem:$0x3FAB] =	sst s0  }
0x9: {  	[smem:$0x3FAC] =	sst s1  }
0xa: {  	[smem:$0x3FAD] =	sst s2  }
0xb: {  	[smem:$0x3FAE] =	sst s3  }
0xc: {  	[smem:$0x3FAF] =	sst s4  }
0xd: {  	[smem:$0x3FB0] =	sst s5  }
0xe: {  	[smem:$0x3FB1] =	sst s6  }
0xf: {  	[smem:$0x3FB2] =	sst s7  }
0x10: {  	[smem:$0x3FB3] =	sst s8  }
0x11: {  	[smem:$0x3FB4] =	sst s9;
	s0 =	simm.s32 @!p0 $0x0  }
0x12: {  	s1 =	sld [smem:$0x3F9A];
	s0 =	simm.s32 @p0 $0x1  }
0x13: {  	[smem:$0x3FB5] =	sst s0;
	s0 =	simm.s32 @!p1 $0x0  }
0x14: {  	s2 =	sld [smem:$0x3F99];
	s0 =	simm.s32 @p1 $0x1  }
0x15: {  	[smem:$0x3FB6] =	sst s0;
	s0 =	simm.s32 @!p2 $0x0  }
0x16: {  	s3 =	sld [smem:$0x3FDB];
	s0 =	simm.s32 @p2 $0x1  }
0x17: {  	s4 =	simm.s32 $0x1BF5;
	[smem:$0x3FB8] =	sst s0  }
0x18: {  	s0 =	sld [smem:$0x3F9B];
	_ =	swait.ge [sflag:s4], $0x0  }
0x19: {  	s7 =	sld [smem:$0x3F9C]  }
0x1a: {  	s8 =	sadd.s32 $0xFFFFE003, lr  }
0x1b: {  	s9 =	sadd.s32 $0xFFFFFEF7, lr;
	s5 =	simm.s32 $0xFFFFFFFF;
	p2 =	slt.u32 s8, $0xFFFFF086  }
0x1c: {  	p1 =	slt.u32 s9, $0xF7A;
	s5 =	simm.s32 @!p2 $0x0  }
0x1d: {  	s5 =	simm.s32 @p1 $0x1;
	p0 =	seq.s32 s7, s2  }
0x1e: {  	s7 =	smul.u32 @!p0 $0xF7A, s2;
	p2 =	seq.s32 @!p0 s5, $0x0  }
0x1f: {  	s9 =	smul.u32 $0xF7A, s1;
	s8 =	simm.s32 @!p0 $0x1BF5;
	p2 =	por !p2, p0  }
0x20: {  	[sflag:s8] =	ssyncset.s32 @!p0 $0xFFFFF086;
	s6 =	sadd.s32 @!p0 s3, s7;
	s7 =	simm.s32 @!p0 $0x108  }
0x21: {  	s3 =	sadd.s32 s3, s9;
	s6 =	sadd.s32 @!p0 $0x88, s6;
	s7 =	simm.s32 @p2 $0x1082  }
0x22: {  	[simem:s7], [sflag:s8] =	dma.local @!p0 [hbm:s6], $0xF7A  }
0x23: {  	s9 =	sor.u32 $0xD0000000, s2;
	s6 =	simm.s32 $0x108;
	_ =	swait.ge @!p0 [sflag:s8], $0x0  }
0x24: {  	s3 =	sadd.s32 $0x88, s3;
	s6 =	simm.s32 @!p1 $0x1082;
	[sflag:s4] =	ssyncset.s32 $0xFFFFF086  }
0x25: {  	[simem:s6], [sflag:s4] =	dma.local [hbm:s3], $0xF7A  }
0x26: {  	[smem:$0x3F9C] =	sst s1;
	(tag) =	ssettag s2;
	_ =	strace s9  }
0x27: {  	s1 =	sld [smem:$0x3FAC]  }
0x28: {  	s2 =	sld [smem:$0x3FAD]  }
0x29: {  	s4 =	sld [smem:$0x3FAF]  }
0x2a: {  	p0 =	seq.s32 s5, $0x0;
	s5 =	sld [smem:$0x3FB0]  }
0x2b: {  	s6 =	sld [smem:$0x3FB1]  }
0x2c: {  	s7 =	sld [smem:$0x3FB2]  }
0x2d: {  	s3 =	simm.s32 $0x108;
	s8 =	sld [smem:$0x3FB3]  }
0x2e: {  	s3 =	simm.s32 @!p0 $0x1082;
	s9 =	sld [smem:$0x3FB4]  }
0x2f: {  	lr =	sadd.s32 s0, s3;
	s0 =	sld [smem:$0x3FAB]  }
0x30: {  	s3 =	sld [smem:$0x3FAE]  }
0x31: {  	[smem:$0x3FB7] =	sst s10  }
0x32: {  	s10 =	sld [smem:$0x3FB5];
	_ =	sdelay $0x3  }
0x33: {  	p0 =	seq.s32 s10, $0x1;
	s10 =	sld [smem:$0x3FB7];
	_ =	sdelay $0x3  }
0x34: {  	[smem:$0x3FB7] =	sst s10  }
0x35: {  	s10 =	sld [smem:$0x3FB6];
	_ =	sdelay $0x3  }
0x36: {  	p1 =	seq.s32 s10, $0x1;
	s10 =	sld [smem:$0x3FB7];
	_ =	sdelay $0x3  }
0x37: {  	[smem:$0x3FB7] =	sst s10  }
0x38: {  	s10 =	sld [smem:$0x3FB8]  }
0x39: {  	_ = 	snop;
	(pc) =	sbr.ind lr, $3  }
0x3a: {  	_ = 	snop  }
0x3b: {  	_ = 	snop  }
0x3c: {  	p2 =	seq.s32 s10, $0x1;
	s10 =	sld [smem:$0x3FB7]  }
0x3d: {  	_ =	shalt  }
0x3e: {  	_ =	shalt  }
0x3f: {  	_ =	shalt  }
0x40: {  	_ =	shalt  }
0x41: {  	_ =	shalt  }
0x42: {  	_ =	shalt  }
0x43: {  	_ =	shalt  }
0x44: {  	_ =	shalt  }
0x45: {  	_ =	shalt  }
0x46: {  	_ =	shalt  }
0x47: {  	_ =	shalt  }
0x48: {  	_ =	shalt  }
0x49: {  	_ =	shalt  }
0x4a: {  	_ =	shalt  }
0x4b: {  	_ =	shalt  }
0x4c: {  	_ =	shalt  }
0x4d: {  	_ =	shalt  }
0x4e: {  	_ =	shalt  }
0x4f: {  	_ =	shalt  }
0x50: {  	_ =	shalt  }
0x51: {  	_ =	shalt  }
0x52: {  	_ =	shalt  }
0x53: {  	_ =	shalt  }
0x54: {  	_ =	shalt  }
0x55: {  	_ =	shalt  }
0x56: {  	_ =	shalt  }
0x57: {  	_ =	shalt  }
0x58: {  	_ =	shalt  }
0x59: {  	_ =	shalt  }
0x5a: {  	_ =	shalt  }
0x5b: {  	_ =	shalt  }
0x5c: {  	_ =	shalt  }
0x5d: {  	_ =	shalt  }
0x5e: {  	_ =	shalt  }
0x5f: {  	_ =	shalt  }
0x60: {  	_ =	shalt  }
0x61: {  	_ =	shalt  }
0x62: {  	_ =	shalt  }
0x63: {  	_ =	shalt  }
0x64: {  	_ =	shalt  }
0x65: {  	_ =	shalt  }
0x66: {  	_ =	shalt  }
0x67: {  	_ =	shalt  }
0x68: {  	_ =	shalt  }
0x69: {  	_ =	shalt  }
0x6a: {  	_ =	shalt  }
0x6b: {  	_ =	shalt  }
0x6c: {  	_ =	shalt  }
0x6d: {  	_ =	shalt  }
0x6e: {  	_ =	shalt  }
0x6f: {  	_ =	shalt  }
0x70: {  	_ =	shalt  }
0x71: {  	_ =	shalt  }
0x72: {  	_ =	shalt  }
0x73: {  	_ =	shalt  }
0x74: {  	_ =	shalt  }
0x75: {  	_ =	shalt  }
0x76: {  	_ =	shalt  }
0x77: {  	_ =	shalt  }
0x78: {  	_ =	shalt  }
0x79: {  	_ =	shalt  }
0x7a: {  	_ =	shalt  }
0x7b: {  	_ =	shalt  }
0x7c: {  	_ =	shalt  }
0x7d: {  	_ =	shalt  }
0x7e: {  	_ =	shalt  }
0x7f: {  	_ =	shalt  }
0x80: {  	_ =	shalt  }
0x81: {  	_ =	shalt  }
0x82: {  	_ =	shalt  }
0x83: {  	_ =	shalt  }
0x84: {  	_ =	shalt  }
0x85: {  	_ =	shalt  }
0x86: {  	_ =	shalt  }
0x87: {  	_ =	shalt  }
.Lfunc_end0:
.L_simem_size_0:
called_computation_lowered:
.L_overlay_start_0:
0x88: {  	s2 =	sld [smem:$0x3FD9]  }
0x89: {  	s3 =	sld [smem:$0x3FFE];
	_ =	sdelay $0x1  }
0x8a: {  	s1 =	srdreg.scid  }
0x8b: {  	s0 =	sand.u32 $0x1, s1  }
0x8c: {  	s16 =	sshll.u32 s0, $0xA;
	s2 =	sadd.s32 s3, s2  }
0x8d: {  	s2 =	sadd.s32 s2, s16  }
0x8e: {  	[smem:$0x3FC3] =	sst s2  }
0x8f: {  	_ = 	snop  }
0x90: {  	(tm) =	ssettm $0x1  }
0x91: {  	s17 =	sld [smem:$0x3FFB];
	_ =	sdelay $0x3  }
0x92: {  	_ =	strace s17  }
0x93: {  	s2 =	sld [smem:$0x3FFC];
	_ =	sdelay $0x3  }
0x94: {  	_ =	strace s2  }
0x95: {  	s2 =	sld [smem:$0x3FFD];
	_ =	sdelay $0x3  }
0x96: {  	_ =	strace s2  }
0x97: {  	_ =	strace $0x8FFFFFFF  }
0x98: {  	s18 =	sld [smem:$0x3FDB];
	_ =	sdelay $0x1  }
0x99: {  	s19 =	simm.s32 $_scs_section_size  }
0x9a: {  	s4 =	simm.s32 $_size__tile_overlayer_lowered;
	s5 =	simm.s32 $_tile_overlayer_lowered  }
0x9b: {  	s22 =	simm.s32 $0x1BFF;
	s21 =	sshll.u32 s5, $0x1;
	s2 =	sadd.s32 s19, s18  }
0x9c: {  	s6 =	simm.s32 $0x0;
	s20 =	sshll.u32 s4, $0x1;
	s4 =	sadd.s32 s21, s2  }
0x9d: {  	[timem:s6], [sflag:s22] =	dma.local [hbm:s4], s20  }
0x9e: {  	_ =	swait.ge [sflag:s22], s20  }
0x9f: {  	s3 =	ssub.s32 $0x0, s20;
	[sflag:s22] =	ssyncset.done $0x0  }
0xa0: {  	[sflag:s22] =	ssyncadd.s32 s3;
	_ =	sdelay $0x1  }
0xa1: {  	s23 =	simm.s32 $0x1B8B  }
0xa2: {  	_ =	swait.ge [sflag:s23], $0x1  }
0xa3: {  	[sflag:s23] =	ssyncset.done $0x0  }
0xa4: {  	s25 =	simm.s32 $0x1B8E;
	s24 =	sld [smem:$0x3FFE];
	[sflag:s23] =	ssyncadd.s32 $0xFFFFFFFF  }
0xa5: {  	s26 =	simm.s32 $execute0_lowered;
	[smem:$0x3FD2] =	sst s25  }
0xa6: {  	s4 =	sshll.u32 s26, $0x1;
	_ =	strace $0x80000046;
	[dreg:$0x1] =	wrdreg $0xFFFFFFFF  }
0xa7: {  	s28 =	simm.s32 $_size_execute0_lowered;
	s2 =	sadd.s32 s2, s4;
	[dreg:$0x0] =	wrdreg $0x0  }
0xa8: {  	s4 =	sshll.u32 s28, $0x1;
	[dreg:$0x2] =	wrdreg s2  }
0xa9: {  	[dreg:$0x3] =	wrdreg s4  }
0xaa: {  	[dreg:$0x4] =	wrdreg $0xC0  }
0xab: {  	_ =	task [dreg:s6], $0x5FFFF  }
0xac: {  	[dreg:$0x1] =	wrdreg $0xFFFFFFFF  }
0xad: {  	[dreg:$0x0] =	wrdreg $0x60  }
0xae: {  	[dreg:$0x2] =	wrdreg s24  }
0xaf: {  	[dreg:$0x3] =	wrdreg $0x9  }
0xb0: {  	_ =	task.clear_ibuf [dreg:s6], $0x4FFFF;
	_ =	strace $0x90000046  }
0xb1: {  	s29 =	simm.s32 $0x9;
	_ =	strace $0x80000048  }
0xb2: {  	_ =	swait.ge [sflag:s29], $0x1  }
0xb3: {  	[sflag:s29] =	ssyncadd.s32 $0xFFFFFFFF  }
0xb4: {  	_ =	strace $0x90000048  }
0xb5: {  	_ =	sfence  }
0xb6: {  	s30 =	sld [smem:$0x0];
	_ =	sdelay $0x2  }
0xb7: {  	s31 =	sshll.u32 s1, $0xD;
	s1 =	sshrl.u32 s1, $0x2  }
0xb8: {  	s3 =	sand.u32 $0x4000, s31;
	s1 =	sadd.s32 s1, s30  }
0xb9: {  	s0 =	sor.u32 s3, s0;
	s1 =	sshll.u32 s1, $0x11  }
0xba: {  	s0 =	sor.u32 s1, s0  }
0xbb: {  	s0 =	sadd.s32 $0x8F2B, s0  }
0xbc: {  	[sflag:s0] =	ssyncadd.remote.s32 $0x1  }
0xbd: {  	_ =	sfence.sel $0xFFFF  }
0xbe: {  	[dreg:$0x0] =	wrdreg $0xFFFFFFFF;
	(pc) =	sbr.abs _section_cstart, $3  }
0xbf: {  	[dreg:$0x1] =	wrdreg $0xFFFFFFFF  }
0xc0: {  	_ =	task.clear_ibuf [dreg:s6], $0x2FFFF;
	_ =	strace $0x9FFFFFFF  }
0xc1: {  	(tm) =	ssettm $0x7FFFFFFF  }
tec
execute0_lowered:
.L_overlay_start_1:
0x0: {  	(tag) =	ssettag $0x1  }
0x1: {  	v14 =	vlaneseq.u32  }
0x2: {  	v0 =	vor.u32 $0x100, v14  }
0x3: {  	v51 =	vor.u32 $0x110, v14;
	[tilespmem:$0x1FD80] =	vst v0  }
0x4: {  	v52 =	vor.u32 $0x120, v14;
	[tilespmem:$0x1FD90] =	vst v51  }
0x5: {  	v53 =	vor.u32 $0x130, v14;
	[tilespmem:$0x1FDA0] =	vst v52  }
0x6: {  	v54 =	vor.u32 $0x140, v14;
	[tilespmem:$0x1FDB0] =	vst v53  }
0x7: {  	v55 =	vor.u32 $0x150, v14;
	[tilespmem:$0x1FDC0] =	vst v54  }
0x8: {  	v56 =	vor.u32 $0x160, v14;
	[tilespmem:$0x1FDD0] =	vst v55  }
0x9: {  	v57 =	vor.u32 $0x170, v14;
	[tilespmem:$0x1FDE0] =	vst v56  }
0xa: {  	v58 =	vor.u32 $0x180, v14;
	[tilespmem:$0x1FDF0] =	vst v57  }
0xb: {  	v59 =	vor.u32 $0x190, v14;
	[tilespmem:$0x1FE00] =	vst v58  }
0xc: {  	v60 =	vor.u32 $0x1A0, v14;
	[tilespmem:$0x1FE10] =	vst v59  }
0xd: {  	v61 =	vor.u32 $0x1B0, v14;
	[tilespmem:$0x1FE20] =	vst v60  }
0xe: {  	v62 =	vor.u32 $0x1C0, v14;
	[tilespmem:$0x1FE30] =	vst v61  }
0xf: {  	v63 =	vor.u32 $0x1D0, v14;
	[tilespmem:$0x1FE40] =	vst v62  }
0x10: {  	v32 =	vor.u32 $0x1E0, v14;
	[tilespmem:$0x1FE50] =	vst v63  }
0x11: {  	v33 =	vor.u32 $0x1F0, v14;
	[tilespmem:$0x1FE60] =	vst v32  }
0x12: {  	v34 =	vor.u32 $0x200, v14;
	[tilespmem:$0x1FE70] =	vst v33  }
0x13: {  	v35 =	vor.u32 $0x210, v14;
	[tilespmem:$0x1FE80] =	vst v34  }
0x14: {  	v36 =	vor.u32 $0x220, v14;
	[tilespmem:$0x1FE90] =	vst v35  }
0x15: {  	v37 =	vor.u32 $0x230, v14;
	[tilespmem:$0x1FEA0] =	vst v36  }
0x16: {  	v38 =	vor.u32 $0x240, v14;
	[tilespmem:$0x1FEB0] =	vst v37  }
0x17: {  	v39 =	vor.u32 $0x250, v14;
	[tilespmem:$0x1FEC0] =	vst v38  }
0x18: {  	v40 =	vor.u32 $0x260, v14;
	[tilespmem:$0x1FED0] =	vst v39  }
0x19: {  	v41 =	vor.u32 $0x270, v14;
	[tilespmem:$0x1FEE0] =	vst v40  }
0x1a: {  	v42 =	vor.u32 $0x280, v14;
	[tilespmem:$0x1FEF0] =	vst v41  }
0x1b: {  	s2 =	simm.s32 $0x0;
	v43 =	vor.u32 $0x290, v14;
	[tilespmem:$0x1FF00] =	vst v42  }
0x1c: {  	vm0 =	vmmov $0xff;
	v15 =	vor.u32 $0x10, v14;
	[smem:$0x7FF] =	sst s2;
	v44 =	vor.u32 $0x2A0, v14;
	[tilespmem:$0x1FF10] =	vst v43  }
0x1d: {  	s0 =	rddreg [dreg:$0x0];
	v16 =	vor.u32 $0x20, v14;
	v17 =	vor.u32 $0x30, v14;
	v45 =	vor.u32 $0x2B0, v14;
	_ =	strace $0x80000047;
	[tilespmem:$0x1FF20] =	vst v44  }
0x1e: {  	v19 =	vor.u32 $0x40, v14;
	v20 =	vor.u32 $0x50, v14;
	v46 =	vor.u32 $0x2C0, v14;
	[tilespmem:$0x1FF30] =	vst v45  }
0x1f: {  	s1 =	srdreg.scid;
	s3 =	stileid.u32;
	s18 =	simm.s32 $0x3;
	v21 =	vor.u32 $0x60, v14;
	v22 =	vor.u32 $0x70, v14;
	v47 =	vor.u32 $0x2D0, v14;
	[tilespmem:$0x1FF40] =	vst v46  }
0x20: {  	s19 =	simm.s32 $0x8000;
	s20 =	simm.s32 $0x1;
	s21 =	simm.s32 $0x14000;
	v23 =	vor.u32 $0x80, v14;
	v24 =	vor.u32 $0x90, v14;
	v48 =	vor.u32 $0x2E0, v14;
	[tilespmem:$0x1FF50] =	vst v47  }
0x21: {  	s22 =	simm.s32 $0x15000;
	s23 =	simm.s32 $0x2;
	v25 =	vor.u32 $0xA0, v14;
	v26 =	vor.u32 $0xB0, v14;
	s1 =	sand.u32 $0x1, s1;
	v49 =	vor.u32 $0x300, v14;
	[tilespmem:$0x1FF60] =	vst v48  }
0x22: {  	v27 =	vor.u32 $0xC0, v14;
	v28 =	vor.u32 $0xD0, v14;
	s3 =	sshll.u32 s3, $0x8;
	s5 =	sadd.s32 $0x201000, s0;
	v50 =	vor.u32 $0x310, v14;
	s4 =	sshll.u32 s1, $0x7;
	[tilespmem:$0x1FF70] =	vst v49  }
0x23: {  	v29 =	vor.u32 $0xE0, v14;
	v30 =	vor.u32 $0xF0, v14;
	s7 =	sadd.s32 $0x421000, s0;
	s8 =	sadd.s32 $0x431000, s0;
	v51 =	vor.u32 $0x320, v14;
	s3 =	sor.u32 s4, s3;
	[tilespmem:$0x1FF80] =	vst v50  }
0x24: {  	v12 =	vor.u32 $0x2F0, v14;
	s10 =	sadd.s32 $0x441000, s0;
	s1 =	ssub.s32 $0x2, s1;
	v52 =	vor.u32 $0x330, v14;
	v53 =	vimm.s32 $0xFEDCBA98;
	[tilespmem:$0x1FF90] =	vst v51;
	s6 =	sshll.u32 s3, $0x4  }
0x25: {  	v56 =	vimm.s32 $0x76543210;
	v60 =	vor.u32 $0x360, v14;
	s4 =	sadd.s32 $0x1000, s0;
	[tilespmem:$0x1FFA0] =	vst v52;
	v0 =	vunpack.c.l.s4.s8 v53;
	s9 =	sor.u32 $0x3000, s3;
	s11 =	sadd.s32 s6, s0  }
0x26: {  	v18 =	vor.u32 $0x340, v14;
	v1 =	vor.u32 $0x350, v14;
	s30 =	sshrl.u32 s1, $0x1;
	[tilespmem:$0x1FFC0] =	vst v60;
	v60 =	vunpack.c.l.s4.s8 v56;
	s12 =	sshll.u32 s9, $0x7;
	s11 =	sadd.s32 $0x401000, s11  }
0x27: {  	v6 =	vor.u32 $0x3A0, v14;
	v62 =	vor.u32 $0x380, v14;
	[tilespmem:$0x1FFB0] =	vst v1;
	s6 =	sadd.s32 $0x411000, s0;
	v0 =	vunpack.c.0.s8.s32 v0;
	s31 =	sadd.s32 s4, s12;
	[dreg:$0x4] =	wrdreg s11  }
0x28: {  	v7 =	vor.u32 $0x3B0, v14;
	v61 =	vor.u32 $0x370, v14;
	[tilespmem:$0x1FFE0] =	vst v62;
	s0 =	ssub.s32 s1, s30;
	v62 =	vunpack.c.0.s8.s32 v60;
	s12 =	sadd.s32 s5, s12;
	[dreg:$0x2] =	wrdreg s31  }
0x29: {  	s24 =	simm.s32 $0x0;
	v8 =	vor.u32 $0x3C0, v14;
	v63 =	vor.u32 $0x390, v14;
	[tilespmem:$0x1FFD0] =	vst v61;
	s0 =	smax.u32 s0, $0x1;
	[dreg:$0x3] =	wrdreg s12;
	v0 =	vand.u32 $0xF, v0  }
0x2a: {  	v4 =	vor.u32 $0x3D0, v14;
	v5 =	vadd.s32 $0x3D8, v14;
	[tilespmem:$0x1FFF0] =	vst v63;
	s14 =	sadd.s32 $0x2000, s31;
	s15 =	sadd.s32 $0x2000, s12;
	[dreg:$0x5] =	wrdreg s0;
	v62 =	vcombine.low v0, v62  }
.LBB2_1:
0x2b: {  	s0 =	rddreg [dreg:$0x4];
	s1 =	simm.s32 $0x10000  }
0x2c: {  	[tilespmem:s1], [sflag:$0x3] =	stream.linear.gather [hbm4b:s0+s2], $0x4000, $0x38;
	[tilespmem:$0x16000] =	vst v63  }
0x2d: {  	_ =	swait.ge [sflag:s18], $0x4000  }
0x2e: {  	p1 =	por $0x1, $0x1;
	[sflag:s18] =	ssyncset.done $0x0  }
0x2f: {  	s28 =	simm.s32 $0x0;
	s31 =	rddreg [dreg:$0x2];
	[sflag:s18] =	ssyncadd.s32 $0xFFFFC000  }
0x30: {  	[tilespmem:s2], [sflag:$0x1] =	stream.linear.gather [hbm4b:s31+s2], $0x8000, $0x38;
	[tilespmem:$0x16000] =	vst v63  }
.LBB2_2:
0x31: {  	s25 =	sor.u32 $0x20, s28  }
0x32: {  	s0 =	sor.u32 s9, s25  }
0x33: {  	s0 =	sshll.u32 s0, $0x7  }
0x34: {  	s29 =	simm.s32 $0x0;
	s0 =	sadd.s32 s4, s0  }
0x35: {  	[tilespmem:s19], [sflag:$0x2] =	stream.linear.gather [hbm4b:s0+s29], $0x8000, $0x38;
	[tilespmem:$0x16000] =	vst v63  }
0x36: {  	_ =	swait.ge [sflag:s20], $0x8000  }
0x37: {  	v59 =	vld [tilespmem:$0x1FF60]  }
0x38: {  	v61 =	vld [tilespmem:$0x1FF70]  }
0x39: {  	v63 =	vld [tilespmem:$0x1FF80]  }
0x3a: {  	v46 =	vld [tilespmem:$0x1FF90]  }
0x3b: {  	v47 =	vld [tilespmem:$0x1FFA0]  }
0x3c: {  	v49 =	vld [tilespmem:$0x1FFB0]  }
0x3d: {  	s26 =	sshll.u32 s28, $0x9;
	s31 =	simm.s32 $0x15000;
	v50 =	vld [tilespmem:$0x1FFC0]  }
0x3e: {  	p0 =	por p1, p1;
	s1 =	simm.s32 $0xFFFF8000;
	s17 =	simm.s32 $0x0;
	v51 =	vld [tilespmem:$0x1FFD0]  }
0x3f: {  	s13 =	simm.s32 $0x0;
	s26 =	sshra.s32 s26, $0x2;
	[sflag:s20] =	ssyncset.done $0x0;
	v52 =	vld [tilespmem:$0x1FFE0]  }
0x40: {  	s30 =	sadd.s32 $0x10000, s26;
	s0 =	simm.s32 $0x14000;
	v53 =	vld [tilespmem:$0x1FFF0];
	[sflag:s20] =	ssyncadd.s32 $0xFFFF8000  }
.LBB2_3:
0x41: {  	s11 =	sadd.s32 $0x8000, s1  }
0x42: {  	s16 =	sand.u32 $0x380, s13;
	s11 =	sand.u32 $0x6000, s11  }
0x43: {  	s16 =	sor.u32 s16, s11  }
0x44: {  	v1 =	vld [tilespmem:s16+$0x0]  }
0x45: {  	v2 =	vld [tilespmem:s16+$0x10];
	_ =	sdelay $0x1  }
0x46: {  	v3 =	vld [tilespmem:s16+$0x20]  }
0x47: {  	v58 =	vmov v5;
	v5 =	vld [tilespmem:s16+$0x30]  }
0x48: {  	v54 =	vmov v6;
	v6 =	vld [tilespmem:s16+$0x40];
	v0 =	vmul.f32 $1.442695020e+00, v1  }
0x49: {  	v57 =	vmov v4;
	v56 =	vmov v8;
	v8 =	vld [tilespmem:s16+$0x60];
	v4 =	vmul.f32 $1.442695020e+00, v2  }
0x4a: {  	(erf) = vpow2.f32 v0;
	v0 =	vld [tilespmem:s30+$0x0]  }
0x4b: {  	(erf) = vpow2.f32 v4;
	v4 =	vld [tilespmem:s16+$0x50]  }
0x4c: {  	v55 =	vmov v7;
	v10 =	vld [tilespmem:s16+$0x400];
	v7 =	vmul.f32 $1.442695020e+00, v3  }
0x4d: {  	v9 =	vmul.f32 $1.442695020e+00, v5  }
0x4e: {  	v60 =	vmov v12;
	v12 =	vld [tilespmem:s16+$0x410];
	(erf) = vpow2.f32 v7;
	v7 =	vmul.f32 $1.442695020e+00, v6  }
0x4f: {  	v11 =	vmul.f32 $1.442695020e+00, v8;
	(erf) = vpow2.f32 v9  }
0x50: {  	v9 =	vld [tilespmem:s16+$0x70];
	(erf) = vpow2.f32 v7;
	vm1 =	veq.s32 v0, v14;
	v7 =	vmul.f32 $1.442695020e+00, v4  }
0x51: {  	v31 =	vmovc v15;
	v39 =	vmul.f32 $1.442695020e+00, v10;
	v1 =	vnsel vm1, $0x0, v1;
	vm1 =	veq.s32 v0, v15;
	v15 =	vld [tilespmem:s16+$0x430]  }
0x52: {  	v1 =	vsel vm1, v2, v1;
	vm1 =	veq.s32 v0, v16;
	(erf) = vpow2.f32 v7  }
0x53: {  	v1 =	vsel vm1, v3, v1;
	v3 =	vmul.f32 $1.442695020e+00, v12;
	vm1 =	veq.s32 v0, v17;
	v13 =	vpop (erf)  }
0x54: {  	(erf) = vpow2.f32 v11;
	v1 =	vsel vm1, v5, v1;
	vm1 =	veq.s32 v0, v19;
	v14 =	vpop (erf)  }
0x55: {  	v7 =	vld [tilespmem:s16+$0x420];
	v13 =	vadd.f32 $0.0e+00, v13;
	v11 =	vadd.f32 $0.0e+00, v14;
	v14 =	vmul.f32 $1.442695020e+00, v9  }
0x56: {  	v32 =	vmovc v16;
	v33 =	vmovc v17;
	v1 =	vsel vm1, v6, v1;
	vm1 =	veq.s32 v0, v20;
	v41 =	vmul.f32 $1.442695020e+00, v15  }
0x57: {  	v48 =	vmovc v18;
	v34 =	vmovc v19;
	v1 =	vsel vm1, v4, v1;
	vm1 =	veq.s32 v0, v21;
	(erf) = vpow2.f32 v14;
	v14 =	vld [tilespmem:s16+$0x440]  }
0x58: {  	v17 =	vld [tilespmem:s16+$0x450];
	v16 =	vpop (erf);
	v1 =	vsel vm1, v8, v1;
	vm1 =	veq.s32 v0, v22;
	(erf) = vpow2.f32 v39  }
0x59: {  	v18 =	vpop (erf);
	v1 =	vsel vm1, v9, v1;
	vm1 =	veq.s32 v0, v23;
	(erf) = vpow2.f32 v3;
	v3 =	vld [tilespmem:s16+$0x460]  }
0x5a: {  	v19 =	vld [tilespmem:s16+$0x470];
	v40 =	vmul.f32 $1.442695020e+00, v7;
	v5 =	vpop (erf);
	v1 =	vsel vm1, v10, v1;
	vm1 =	veq.s32 v0, v24  }
0x5b: {  	v16 =	vadd.f32 $0.0e+00, v16;
	v5 =	vadd.f32 v5, v13;
	v1 =	vsel vm1, v12, v1  }
0x5c: {  	vm1 =	veq.s32 v0, v25;
	(erf) = vpow2.f32 v40;
	v6 =	vpop (erf);
	v42 =	vmul.f32 $1.442695020e+00, v14  }
0x5d: {  	(erf) = vpow2.f32 v41;
	v6 =	vadd.f32 v6, v11;
	v11 =	vmul.f32 $1.442695020e+00, v17  }
0x5e: {  	v1 =	vsel vm1, v7, v1;
	v4 =	vpop (erf);
	(erf) = vpow2.f32 v42;
	v43 =	vmul.f32 $1.442695020e+00, v3  }
0x5f: {  	v13 =	vld [tilespmem:s16+$0x800];
	vm1 =	veq.s32 v0, v26;
	(erf) = vpow2.f32 v11;
	v11 =	vmul.f32 $1.442695020e+00, v19  }
0x60: {  	v35 =	vld [tilespmem:$0x1FD80];
	v1 =	vsel vm1, v15, v1;
	vm1 =	veq.s32 v0, v27;
	v8 =	vpop (erf);
	(erf) = vpow2.f32 v43  }
0x61: {  	v44 =	vld [tilespmem:s16+$0x810];
	v1 =	vsel vm1, v14, v1;
	vm1 =	veq.s32 v0, v28;
	v9 =	vpop (erf);
	(erf) = vpow2.f32 v11  }
0x62: {  	v18 =	vadd.f32 $0.0e+00, v18;
	v1 =	vsel vm1, v17, v1;
	vm1 =	veq.s32 v0, v29;
	v11 =	vld [tilespmem:s16+$0x820]  }
0x63: {  	v4 =	vadd.f32 v4, v16;
	v1 =	vsel vm1, v3, v1;
	vm1 =	veq.s32 v0, v30  }
0x64: {  	v10 =	vmul.f32 $1.442695020e+00, v13;
	v1 =	vsel vm1, v19, v1;
	v5 =	vadd.f32 v9, v5;
	v9 =	vpop (erf)  }
0x65: {  	v12 =	vld [tilespmem:s16+$0x840];
	vm1 =	veq.s32 v0, v35;
	v8 =	vadd.f32 v8, v18;
	v6 =	vadd.f32 v9, v6;
	v9 =	vpop (erf)  }
0x66: {  	(erf) = vpow2.f32 v10;
	v10 =	vld [tilespmem:s16+$0x830];
	v4 =	vadd.f32 v9, v4;
	v7 =	vpop (erf);
	v9 =	vmul.f32 $1.442695020e+00, v44  }
0x67: {  	v1 =	vsel vm1, v13, v1;
	v13 =	vld [tilespmem:$0x1FD90];
	v7 =	vadd.f32 v7, v8;
	v8 =	vmul.f32 $1.442695020e+00, v11;
	v15 =	vpop (erf)  }
0x68: {  	(erf) = vpow2.f32 v9;
	v9 =	vld [tilespmem:s16+$0x850];
	v14 =	vpop (erf)  }
0x69: {  	(erf) = vpow2.f32 v8;
	v8 =	vld [tilespmem:s16+$0x860];
	v6 =	vadd.f32 v14, v6;
	v14 =	vpop (erf)  }
0x6a: {  	v5 =	vadd.f32 v15, v5;
	v15 =	vld [tilespmem:s16+$0x870];
	v4 =	vadd.f32 v14, v4;
	v14 =	vpop (erf)  }
0x6b: {  	v16 =	vmul.f32 $1.442695020e+00, v10;
	v3 =	vadd.f32 v14, v7;
	v14 =	vld [tilespmem:s16+$0xC00]  }
0x6c: {  	v7 =	vmul.f32 $1.442695020e+00, v12  }
0x6d: {  	(erf) = vpow2.f32 v16;
	v16 =	vmul.f32 $1.442695020e+00, v9  }
0x6e: {  	(erf) = vpow2.f32 v7;
	v7 =	vmul.f32 $1.442695020e+00, v8  }
0x6f: {  	(erf) = vpow2.f32 v16;
	v16 =	vmul.f32 $1.442695020e+00, v15  }
0x70: {  	vm1 =	veq.s32 v0, v13;
	(erf) = vpow2.f32 v7;
	v13 =	vmul.f32 $1.442695020e+00, v14  }
0x71: {  	(erf) = vpow2.f32 v16  }
0x72: {  	(erf) = vpow2.f32 v13;
	v13 =	vld [tilespmem:$0x1FDA0];
	_ =	sdelay $0x4  }
0x73: {  	v1 =	vsel vm1, v44, v1;
	vm1 =	veq.s32 v0, v13  }
0x74: {  	v1 =	vsel vm1, v11, v1;
	v11 =	vld [tilespmem:$0x1FDB0];
	_ =	sdelay $0x4  }
0x75: {  	vm1 =	veq.s32 v0, v11  }
0x76: {  	v1 =	vsel vm1, v10, v1;
	v10 =	vld [tilespmem:$0x1FDC0]  }
0x77: {  	v17 =	vld [tilespmem:s16+$0xC10]  }
0x78: {  	v18 =	vld [tilespmem:s16+$0xC20]  }
0x79: {  	v35 =	vmov v20;
	v20 =	vld [tilespmem:s16+$0xC30]  }
0x7a: {  	v19 =	vpop (erf)  }
0x7b: {  	v7 =	vpop (erf);
	vm1 =	veq.s32 v0, v10;
	v10 =	vld [tilespmem:$0x1FDD0]  }
0x7c: {  	v6 =	vadd.f32 v7, v6;
	v45 =	vpop (erf);
	v7 =	vmul.f32 $1.442695020e+00, v17  }
0x7d: {  	v2 =	vadd.f32 v45, v4;
	v4 =	vmul.f32 $1.442695020e+00, v18  }
0x7e: {  	(erf) = vpow2.f32 v7;
	v7 =	vmul.f32 $1.442695020e+00, v20  }
0x7f: {  	v5 =	vadd.f32 v19, v5;
	v16 =	vld [tilespmem:s16+$0xC40]  }
0x80: {  	v13 =	vld [tilespmem:s16+$0xC50];
	v1 =	vsel vm1, v12, v1;
	vm1 =	veq.s32 v0, v10  }
0x81: {  	(erf) = vpow2.f32 v4;
	v4 =	vpop (erf);
	v1 =	vsel vm1, v9, v1;
	v9 =	vld [tilespmem:$0x1FDE0]  }
0x82: {  	(erf) = vpow2.f32 v7;
	v7 =	vpop (erf)  }
0x83: {  	v3 =	vadd.f32 v4, v3;
	v4 =	vadd.f32 v7, v5;
	v5 =	vpop (erf)  }
0x84: {  	v7 =	vpop (erf)  }
0x85: {  	v5 =	vadd.f32 v5, v6;
	v6 =	vpop (erf);
	v10 =	vmul.f32 $1.442695020e+00, v16  }
0x86: {  	v3 =	vadd.f32 v6, v3;
	v6 =	vld [tilespmem:$0x1FDF0];
	vm1 =	veq.s32 v0, v9;
	v9 =	vmul.f32 $1.442695020e+00, v13  }
0x87: {  	v11 =	vld [tilespmem:s16+$0xC60];
	(erf) = vpow2.f32 v10  }
0x88: {  	(erf) = vpow2.f32 v9;
	v9 =	vld [tilespmem:$0x1FE00]  }
0x89: {  	v2 =	vadd.f32 v7, v2;
	v7 =	vld [tilespmem:s16+$0xC70];
	v1 =	vsel vm1, v8, v1;
	v8 =	vpop (erf)  }
0x8a: {  	v12 =	vld [tilespmem:$0x1FE10];
	v4 =	vadd.f32 v8, v4;
	v8 =	vpop (erf)  }
0x8b: {  	v10 =	vld [tilespmem:s16+$0x1010];
	v5 =	vadd.f32 v8, v5;
	v8 =	vpop (erf)  }
0x8c: {  	vm1 =	veq.s32 v0, v6;
	v2 =	vadd.f32 v8, v2;
	v8 =	vld [tilespmem:$0x1FE20]  }
0x8d: {  	v6 =	vld [tilespmem:s16+$0x1000];
	v1 =	vsel vm1, v15, v1;
	vm1 =	veq.s32 v0, v9;
	v9 =	vmul.f32 $1.442695020e+00, v11  }
0x8e: {  	v1 =	vsel vm1, v14, v1  }
0x8f: {  	vm1 =	veq.s32 v0, v12;
	(erf) = vpow2.f32 v9;
	v9 =	vmul.f32 $1.442695020e+00, v7  }
0x90: {  	v1 =	vsel vm1, v17, v1  }
0x91: {  	v15 =	vld [tilespmem:s16+$0x1040];
	vm1 =	veq.s32 v0, v8;
	v8 =	vpop (erf);
	(erf) = vpow2.f32 v9;
	v9 =	vmul.f32 $1.442695020e+00, v10  }
0x92: {  	v17 =	vld [tilespmem:$0x1FE30];
	v3 =	vadd.f32 v8, v3;
	v8 =	vmul.f32 $1.442695020e+00, v6  }
0x93: {  	v12 =	vld [tilespmem:s16+$0x1020]  }
0x94: {  	v14 =	vld [tilespmem:s16+$0x1030];
	v1 =	vsel vm1, v18, v1;
	v18 =	vpop (erf);
	(erf) = vpow2.f32 v8  }
0x95: {  	v4 =	vadd.f32 v18, v4;
	v18 =	vld [tilespmem:$0x1FE40];
	(erf) = vpow2.f32 v9;
	v9 =	vpop (erf)  }
0x96: {  	v5 =	vadd.f32 v9, v5;
	v9 =	vld [tilespmem:$0x1FE50]  }
0x97: {  	vm1 =	veq.s32 v0, v17;
	v17 =	vld [tilespmem:s16+$0x1050]  }
0x98: {  	v8 =	vmul.f32 $1.442695020e+00, v12  }
0x99: {  	v1 =	vsel vm1, v20, v1  }
0x9a: {  	(erf) = vpow2.f32 v8;
	v8 =	vmul.f32 $1.442695020e+00, v14;
	vm1 =	veq.s32 v0, v18  }
0x9b: {  	v1 =	vsel vm1, v16, v1;
	vm1 =	veq.s32 v0, v9;
	v9 =	vmul.f32 $1.442695020e+00, v15  }
0x9c: {  	(erf) = vpow2.f32 v8;
	v8 =	vmul.f32 $1.442695020e+00, v17  }
0x9d: {  	v20 =	vld [tilespmem:$0x1FE60];
	(erf) = vpow2.f32 v9  }
0x9e: {  	v1 =	vsel vm1, v13, v1;
	v13 =	vpop (erf);
	(erf) = vpow2.f32 v8;
	v8 =	vld [tilespmem:$0x1FE70]  }
0x9f: {  	v19 =	vld [tilespmem:s16+$0x1060];
	_ =	sdelay $0x2  }
0xa0: {  	vm1 =	veq.s32 v0, v20  }
0xa1: {  	v16 =	vld [tilespmem:s16+$0x1070];
	v1 =	vsel vm1, v11, v1;
	vm1 =	veq.s32 v0, v8  }
0xa2: {  	v9 =	vmul.f32 $1.442695020e+00, v19;
	v1 =	vsel vm1, v7, v1;
	v7 =	vld [tilespmem:$0x1FE80];
	_ =	sdelay $0x3  }
0xa3: {  	(erf) = vpow2.f32 v9;
	v9 =	vpop (erf)  }
0xa4: {  	v18 =	vld [tilespmem:s16+$0x1400];
	v3 =	vadd.f32 v9, v3;
	v9 =	vpop (erf);
	v8 =	vmul.f32 $1.442695020e+00, v16;
	vm1 =	veq.s32 v0, v7  }
0xa5: {  	v20 =	vld [tilespmem:s16+$0x1410];
	v2 =	vadd.f32 v13, v2;
	v1 =	vsel vm1, v6, v1;
	v6 =	vpop (erf)  }
0xa6: {  	(erf) = vpow2.f32 v8;
	v8 =	vld [tilespmem:$0x1FE90];
	v5 =	vadd.f32 v6, v5;
	v6 =	vpop (erf)  }
0xa7: {  	v2 =	vadd.f32 v6, v2;
	v6 =	vld [tilespmem:$0x1FEA0];
	_ =	sdelay $0x1  }
0xa8: {  	v7 =	vmul.f32 $1.442695020e+00, v18;
	_ =	sdelay $0x1  }
0xa9: {  	v36 =	vmovc v21;
	v37 =	vld [tilespmem:$0x1FF20];
	vm1 =	veq.s32 v0, v8;
	(erf) = vpow2.f32 v7;
	v7 =	vmul.f32 $1.442695020e+00, v20  }
0xaa: {  	v21 =	vld [tilespmem:s16+$0x1860];
	v4 =	vadd.f32 v9, v4;
	v1 =	vsel vm1, v10, v1;
	vm1 =	veq.s32 v0, v6;
	v6 =	vpop (erf)  }
0xab: {  	(erf) = vpow2.f32 v7;
	v7 =	vld [tilespmem:$0x1FEB0];
	v3 =	vadd.f32 v6, v3;
	v6 =	vpop (erf)  }
0xac: {  	v9 =	vld [tilespmem:$0x1FEC0];
	v4 =	vadd.f32 v6, v4;
	v6 =	vpop (erf)  }
0xad: {  	v5 =	vadd.f32 v6, v5;
	v6 =	vld [tilespmem:$0x1FED0]  }
0xae: {  	v39 =	vld [tilespmem:$0x1FF30]  }
0xaf: {  	v11 =	vld [tilespmem:s16+$0x1420]  }
0xb0: {  	v42 =	vld [tilespmem:$0x1FF40];
	v1 =	vsel vm1, v12, v1;
	vm1 =	veq.s32 v0, v7  }
0xb1: {  	v8 =	vld [tilespmem:s16+$0x1430];
	v1 =	vsel vm1, v14, v1;
	vm1 =	veq.s32 v0, v9  }
0xb2: {  	v12 =	vld [tilespmem:s16+$0x1460];
	v1 =	vsel vm1, v15, v1;
	vm1 =	veq.s32 v0, v6;
	v6 =	vpop (erf)  }
0xb3: {  	v2 =	vadd.f32 v6, v2;
	v6 =	vld [tilespmem:$0x1FEE0]  }
0xb4: {  	v7 =	vmul.f32 $1.442695020e+00, v11;
	v9 =	vld [tilespmem:s16+$0x1440]  }
0xb5: {  	v14 =	vld [tilespmem:$0x1FEF0];
	v13 =	vpop (erf)  }
0xb6: {  	(erf) = vpow2.f32 v7;
	v7 =	vld [tilespmem:s16+$0x1450];
	v3 =	vadd.f32 v13, v3;
	v13 =	vpop (erf)  }
0xb7: {  	v4 =	vadd.f32 v13, v4;
	v13 =	vld [tilespmem:$0x1FF00]  }
0xb8: {  	v10 =	vmul.f32 $1.442695020e+00, v8;
	v1 =	vsel vm1, v17, v1;
	vm1 =	veq.s32 v0, v6;
	v6 =	vld [tilespmem:s16+$0x1470]  }
0xb9: {  	v1 =	vsel vm1, v19, v1;
	v19 =	vld [tilespmem:$0x1FF10]  }
0xba: {  	(erf) = vpow2.f32 v10;
	v10 =	vld [tilespmem:s16+$0x1800];
	v17 =	vpop (erf)  }
0xbb: {  	v15 =	vld [tilespmem:s16+$0x1810];
	v5 =	vadd.f32 v17, v5;
	vm1 =	veq.s32 v0, v14;
	v14 =	vmul.f32 $1.442695020e+00, v9  }
0xbc: {  	v1 =	vsel vm1, v16, v1;
	vm1 =	veq.s32 v0, v13;
	v13 =	vmul.f32 $1.442695020e+00, v7;
	v16 =	vld [tilespmem:s16+$0x1820]  }
0xbd: {  	v1 =	vsel vm1, v18, v1;
	(erf) = vpow2.f32 v14;
	v14 =	vmul.f32 $1.442695020e+00, v12;
	v18 =	vld [tilespmem:s16+$0x1830]  }
0xbe: {  	s12 =	sand.u32 $0x7, s29;
	v17 =	vld [tilespmem:s16+$0x1840];
	(erf) = vpow2.f32 v13;
	v13 =	vmul.f32 $1.442695020e+00, v6;
	vm1 =	veq.s32 v0, v19  }
0xbf: {  	s11 =	sshll.u32 s12, $0x7;
	(erf) = vpow2.f32 v14;
	v14 =	vmul.f32 $1.442695020e+00, v10;
	v19 =	vld [tilespmem:s16+$0x1850];
	v1 =	vsel vm1, v20, v1  }
0xc0: {  	s11 =	sadd.s32 s11, s17;
	v44 =	vld [tilespmem:$0x1FF50];
	v20 =	vpop (erf);
	(erf) = vpow2.f32 v13;
	v13 =	vmul.f32 $1.442695020e+00, v15;
	vm1 =	veq.s32 v0, v37  }
0xc1: {  	s12 =	sor.u32 $0x1C00, s11;
	v2 =	vadd.f32 v20, v2;
	(erf) = vpow2.f32 v14;
	v14 =	vmul.f32 $1.442695020e+00, v16;
	v20 =	vld [tilespmem:s16+$0x1870]  }
0xc2: {  	v38 =	vmovc v23;
	v37 =	vmovc v22;
	v22 =	vld [tilespmem:s12+$0x0];
	s12 =	sor.u32 $0x1C10, s11;
	v1 =	vsel vm1, v11, v1;
	(erf) = vpow2.f32 v13;
	v13 =	vmul.f32 $1.442695020e+00, v18  }
0xc3: {  	v11 =	vpop (erf);
	v23 =	vld [tilespmem:s12+$0x0];
	s12 =	sor.u32 $0x1C20, s11;
	vm1 =	veq.s32 v0, v39;
	(erf) = vpow2.f32 v14;
	v14 =	vmul.f32 $1.442695020e+00, v17  }
0xc4: {  	v40 =	vmovc v25;
	v41 =	vmovc v26;
	v3 =	vadd.f32 v11, v3;
	(erf) = vpow2.f32 v13;
	v11 =	vmul.f32 $1.442695020e+00, v19;
	v13 =	vld [tilespmem:s12+$0x0];
	s12 =	sor.u32 $0x1C30, s11  }
0xc5: {  	v43 =	vmovc v28;
	v39 =	vmovc v24;
	v1 =	vsel vm1, v8, v1;
	(erf) = vpow2.f32 v14;
	v14 =	vmul.f32 $1.442695020e+00, v21;
	v24 =	vld [tilespmem:s12+$0x0];
	s12 =	sor.u32 $0x1C40, s11  }
0xc6: {  	vm1 =	veq.s32 v0, v42;
	v8 =	vpop (erf);
	(erf) = vpow2.f32 v11;
	v11 =	vmul.f32 $1.442695020e+00, v20;
	v25 =	vld [tilespmem:s12+$0x0];
	s12 =	sor.u32 $0x1C50, s11  }
0xc7: {  	v4 =	vadd.f32 v8, v4;
	v8 =	vpop (erf);
	(erf) = vpow2.f32 v14;
	v14 =	vmul.f32 $1.442695020e+00, v22;
	v26 =	vld [tilespmem:s12+$0x0]  }
0xc8: {  	v42 =	vmov v27;
	v27 =	vpop (erf);
	(erf) = vpow2.f32 v11;
	v11 =	vmul.f32 $1.442695020e+00, v23  }
0xc9: {  	v1 =	vsel vm1, v9, v1;
	s11 =	sor.u32 $0x1C60, s11;
	v9 =	vpop (erf);
	(erf) = vpow2.f32 v14;
	v14 =	vmul.f32 $1.442695020e+00, v13  }
0xca: {  	v28 =	vld.msk [tilespmem:s11+$0x0], $0xff;
	v5 =	vadd.f32 v8, v5;
	v8 =	vpop (erf);
	(erf) = vpow2.f32 v11;
	v11 =	vmul.f32 $1.442695020e+00, v24  }
0xcb: {  	vm1 =	veq.s32 v0, v44;
	v44 =	vmov v29;
	v29 =	vpop (erf);
	(erf) = vpow2.f32 v14  }
0xcc: {  	(erf) = vpow2.f32 v11;
	v11 =	vmul.f32 $1.442695020e+00, v26  }
0xcd: {  	v1 =	vsel vm1, v7, v1;
	vm1 =	veq.s32 v0, v59;
	v14 =	vmul.f32 $1.442695020e+00, v25  }
0xce: {  	v45 =	vmov v30;
	v1 =	vsel vm1, v12, v1;
	v7 =	vpop (erf)  }
0xcf: {  	vm1 =	veq.s32 v0, v60;
	v30 =	vpop (erf);
	(erf) = vpow2.f32 v14;
	v14 =	vmul.f32 $1.442695020e+00, v28  }
0xd0: {  	v12 =	vmov v60;
	v1 =	vsel vm1, v6, v1;
	(erf) = vpow2.f32 v11;
	v11 =	vpop (erf)  }
0xd1: {  	vm1 =	veq.s32 v0, v61;
	v3 =	vadd.f32 v9, v3;
	(erf) = vpow2.f32 v14;
	v9 =	vpop (erf)  }
0xd2: {  	v1 =	vsel vm1, v10, v1;
	vm1 =	veq.s32 v0, v63;
	v2 =	vadd.f32 v27, v2;
	v6 =	vpop (erf)  }
0xd3: {  	v1 =	vsel vm1, v15, v1;
	vm1 =	veq.s32 v0, v46;
	v4 =	vadd.f32 v8, v4;
	v8 =	vpop (erf)  }
0xd4: {  	v1 =	vsel vm1, v16, v1;
	vm1 =	veq.s32 v0, v47;
	v2 =	vadd.f32 v7, v2;
	v7 =	vpop (erf)  }
0xd5: {  	v1 =	vsel vm1, v18, v1;
	vm1 =	veq.s32 v0, v48;
	v5 =	vadd.f32 v29, v5;
	v10 =	vpop (erf)  }
0xd6: {  	v27 =	vmov v42;
	v1 =	vsel vm1, v17, v1;
	v4 =	vadd.f32 v11, v4;
	v11 =	vpop (erf)  }
0xd7: {  	vm1 =	veq.s32 v0, v49;
	v3 =	vadd.f32 v30, v3;
	v5 =	vadd.f32 v9, v5;
	v9 =	vpop (erf)  }
0xd8: {  	v1 =	vsel vm1, v19, v1;
	vm1 =	veq.s32 v0, v50;
	v2 =	vadd.f32 v6, v2;
	v6 =	vpop (erf)  }
0xd9: {  	v1 =	vsel vm1, v21, v1;
	vm1 =	veq.s32 v0, v51;
	v3 =	vadd.f32 v8, v3;
	v8 =	vpop (erf)  }
0xda: {  	v1 =	vsel vm1, v20, v1;
	vm1 =	veq.s32 v0, v52;
	v4 =	vadd.f32 v7, v4;
	v7 =	vpop (erf)  }
0xdb: {  	v15 =	vmovc v31;
	v1 =	vsel vm1, v22, v1;
	vm1 =	veq.s32 v0, v53;
	v7 =	vperm.xlane v7, v62  }
0xdc: {  	v16 =	vmovc v32;
	v1 =	vsel vm1, v23, v1;
	v5 =	vadd.f32 v10, v5;
	v3 =	vadd.f32 v9, v3  }
0xdd: {  	v18 =	vmovc v48;
	v17 =	vmovc v33;
	v2 =	vadd.f32 v11, v2;
	v4 =	vadd.f32 v6, v4;
	v6 =	vsel vm0, $0x0, v7  }
0xde: {  	v29 =	vmovc v44;
	vm1 =	veq.s32 v0, v54;
	v5 =	vadd.f32 v8, v5;
	v3 =	vadd.f32 v6, v3  }
0xdf: {  	v19 =	vmovc v34;
	v21 =	vmovc v36;
	v14 =	vlaneseq.u32;
	v1 =	vsel vm1, v13, v1;
	vm1 =	veq.s32 v0, v55  }
0xe0: {  	p1 =	sne.s32 s13, $0xF80;
	v30 =	vmovc v45;
	v1 =	vsel vm1, v24, v1;
	v4 =	vadd.f32 v5, v4;
	v2 =	vadd.f32 v3, v2  }
.Ltmp0:
0xe1: {  	v20 =	vmovc v35;
	vm1 =	veq.s32 v0, v56;
	v5 =	vperm.xlane v28, v62;
	v3 =	vperm.xlane v26, v62;
	(pc) =	sbr.rel @p1 .LBB2_3-.Ltmp0, $4  }
0xe2: {  	v22 =	vmovc v37;
	v1 =	vsel vm1, v25, v1;
	vm1 =	veq.s32 v0, v57;
	v2 =	vadd.f32 v2, v4  }
0xe3: {  	s29 =	sadd.s32 $0x1, s29;
	v23 =	vmovc v38;
	v1 =	vsel vm1, v26, v1;
	vm1 =	veq.s32 v0, v58;
	v3 =	vsel vm0, v3, v5  }
0xe4: {  	s1 =	sadd.s32 $0x400, s1;
	s13 =	sadd.s32 $0x80, s13;
	s17 =	sadd.s32 $0x400, s17;
	v24 =	vmovc v39;
	v25 =	vmovc v40;
	v8 =	vmov v56;
	v28 =	vmov v43;
	v0 =	vsel vm1, v3, v1;
	[tilespmem:s0+$0x0] =	vst v2  }
0xe5: {  	s30 =	sadd.s32 $0x80, s30;
	v7 =	vmovc v55;
	v6 =	vmovc v54;
	v26 =	vmov v41;
	v4 =	vmov v57;
	v5 =	vmov v58;
	s0 =	sadd.s32 $0x80, s0;
	[tilespmem:s31+$0x0] =	vst v0;
	s31 =	sadd.s32 $0x80, s31  }
0xe6: {  	s0 =	sor.u32 s3, s28  }
0xe7: {  	s0 =	sshll.u32 s0, $0x4  }
0xe8: {  	s1 =	sadd.s32 s6, s0  }
0xe9: {  	[hbm4b:s1+s2] =	stream.linear.scatter [tilespmem:s21], [sflag:$0x3], $0x1000, $0x38;
	[tilespmem:$0x16000] =	vst v63  }
0xea: {  	_ =	swait.ge [sflag:s18], $0x1000  }
0xeb: {  	[sflag:s18] =	ssyncset.done $0x0  }
0xec: {  	s0 =	sadd.s32 s7, s0;
	[sflag:s18] =	ssyncadd.s32 $0xFFFFF000  }
0xed: {  	[hbm4b:s0+s2] =	stream.linear.scatter [tilespmem:s22], [sflag:$0x3], $0x1000, $0x38;
	[tilespmem:$0x16000] =	vst v63  }
0xee: {  	_ =	swait.ge [sflag:s18], $0x1000  }
0xef: {  	[sflag:s18] =	ssyncset.done $0x0  }
0xf0: {  	s26 =	sadd.s32 $0x11000, s26;
	s0 =	simm.s32 @p0 $0x0;
	[sflag:s18] =	ssyncadd.s32 $0xFFFFF000  }
0xf1: {  	[tilespmem:s0], [sflag:$0x1] =	stream.linear.gather @p0 [hbm4b:s14+s0], $0x8000, $0x38;
	[tilespmem:$0x16000] =	vst v63  }
0xf2: {  	s28 =	simm.s32 $0x15000;
	s29 =	simm.s32 $0xFFFF8000;
	_ =	swait.ge [sflag:s23], $0x8000  }
0xf3: {  	s17 =	simm.s32 $0x0;
	s13 =	simm.s32 $0x0;
	[sflag:s23] =	ssyncset.done $0x0  }
0xf4: {  	s1 =	simm.s32 $0x0;
	s0 =	simm.s32 $0x14000;
	[sflag:s23] =	ssyncadd.s32 $0xFFFF8000  }
.LBB2_5:
0xf5: {  	s11 =	sadd.s32 $0x8000, s29  }
0xf6: {  	s16 =	sand.u32 $0x380, s13;
	s11 =	sand.u32 $0x6000, s11  }
0xf7: {  	s16 =	sor.u32 s16, s11  }
0xf8: {  	v1 =	vld [tilespmem:s16+$0x8000]  }
0xf9: {  	v2 =	vld [tilespmem:s16+$0x8010];
	_ =	sdelay $0x2  }
0xfa: {  	v3 =	vld [tilespmem:s16+$0x8020]  }
0xfb: {  	v5 =	vld [tilespmem:s16+$0x8030];
	v0 =	vmul.f32 $1.442695020e+00, v1  }
0xfc: {  	v6 =	vld [tilespmem:s16+$0x8040];
	v4 =	vmul.f32 $1.442695020e+00, v2  }
0xfd: {  	(erf) = vpow2.f32 v0;
	v0 =	vld [tilespmem:s26+$0x0]  }
0xfe: {  	(erf) = vpow2.f32 v4  }
0xff: {  	v7 =	vmul.f32 $1.442695020e+00, v3;
	v4 =	vld [tilespmem:s16+$0x8050]  }
0x100: {  	v8 =	vld [tilespmem:s16+$0x8060];
	v9 =	vmul.f32 $1.442695020e+00, v5  }
0x101: {  	(erf) = vpow2.f32 v7;
	v7 =	vmul.f32 $1.442695020e+00, v6  }
0x102: {  	v10 =	vld [tilespmem:s16+$0x8400];
	(erf) = vpow2.f32 v9;
	vm1 =	veq.s32 v0, v14  }
0x103: {  	v9 =	vld [tilespmem:s16+$0x8070];
	(erf) = vpow2.f32 v7;
	v1 =	vnsel vm1, $0x0, v1;
	vm1 =	veq.s32 v0, v15  }
0x104: {  	v12 =	vld [tilespmem:s16+$0x8410];
	v7 =	vmul.f32 $1.442695020e+00, v4;
	v1 =	vsel vm1, v2, v1;
	vm1 =	veq.s32 v0, v16  }
0x105: {  	v11 =	vmul.f32 $1.442695020e+00, v8;
	v1 =	vsel vm1, v3, v1;
	vm1 =	veq.s32 v0, v17  }
0x106: {  	(erf) = vpow2.f32 v7;
	v7 =	vld [tilespmem:s16+$0x8420];
	v13 =	vpop (erf);
	v1 =	vsel vm1, v5, v1;
	vm1 =	veq.s32 v0, v19  }
0x107: {  	v2 =	vmul.f32 $1.442695020e+00, v10;
	(erf) = vpow2.f32 v11;
	v14 =	vpop (erf);
	v1 =	vsel vm1, v6, v1  }
0x108: {  	v15 =	vld [tilespmem:s16+$0x8430];
	vm1 =	veq.s32 v0, v20;
	v11 =	vadd.f32 $0.0e+00, v14;
	v14 =	vmul.f32 $1.442695020e+00, v9  }
0x109: {  	v3 =	vmul.f32 $1.442695020e+00, v12;
	v1 =	vsel vm1, v4, v1;
	vm1 =	veq.s32 v0, v21  }
0x10a: {  	v13 =	vadd.f32 $0.0e+00, v13;
	v1 =	vsel vm1, v8, v1;
	(erf) = vpow2.f32 v14;
	v14 =	vld [tilespmem:s16+$0x8440]  }
0x10b: {  	v17 =	vld [tilespmem:s16+$0x8450];
	v16 =	vpop (erf);
	vm1 =	veq.s32 v0, v22;
	(erf) = vpow2.f32 v2;
	v2 =	vmul.f32 $1.442695020e+00, v7  }
0x10c: {  	v16 =	vadd.f32 $0.0e+00, v16;
	v18 =	vpop (erf);
	v1 =	vsel vm1, v9, v1;
	(erf) = vpow2.f32 v3;
	v3 =	vld [tilespmem:s16+$0x8460]  }
0x10d: {  	v19 =	vld [tilespmem:s16+$0x8470];
	v5 =	vpop (erf);
	vm1 =	veq.s32 v0, v23;
	(erf) = vpow2.f32 v2;
	v2 =	vmul.f32 $1.442695020e+00, v15  }
0x10e: {  	v5 =	vadd.f32 v5, v13;
	v1 =	vsel vm1, v10, v1;
	vm1 =	veq.s32 v0, v24  }
0x10f: {  	v1 =	vsel vm1, v12, v1;
	v6 =	vpop (erf);
	(erf) = vpow2.f32 v2;
	v2 =	vmul.f32 $1.442695020e+00, v14  }
0x110: {  	vm1 =	veq.s32 v0, v25;
	v6 =	vadd.f32 v6, v11;
	v11 =	vmul.f32 $1.442695020e+00, v17  }
0x111: {  	v1 =	vsel vm1, v7, v1;
	v4 =	vpop (erf);
	(erf) = vpow2.f32 v2;
	v2 =	vmul.f32 $1.442695020e+00, v3  }
0x112: {  	v13 =	vld [tilespmem:s16+$0x8800];
	vm1 =	veq.s32 v0, v26;
	(erf) = vpow2.f32 v11;
	v11 =	vmul.f32 $1.442695020e+00, v19  }
0x113: {  	v20 =	vld [tilespmem:$0x1FD80];
	v1 =	vsel vm1, v15, v1;
	vm1 =	veq.s32 v0, v27;
	v8 =	vpop (erf);
	(erf) = vpow2.f32 v2  }
0x114: {  	v1 =	vsel vm1, v14, v1;
	vm1 =	veq.s32 v0, v28;
	v2 =	vld [tilespmem:s16+$0x8810];
	v9 =	vpop (erf);
	(erf) = vpow2.f32 v11  }
0x115: {  	v18 =	vadd.f32 $0.0e+00, v18;
	v1 =	vsel vm1, v17, v1;
	vm1 =	veq.s32 v0, v29;
	v11 =	vld [tilespmem:s16+$0x8820]  }
0x116: {  	v4 =	vadd.f32 v4, v16;
	v1 =	vsel vm1, v3, v1;
	vm1 =	veq.s32 v0, v30  }
0x117: {  	v10 =	vmul.f32 $1.442695020e+00, v13;
	v1 =	vsel vm1, v19, v1;
	v5 =	vadd.f32 v9, v5;
	v9 =	vpop (erf)  }
0x118: {  	v12 =	vld [tilespmem:s16+$0x8840];
	vm1 =	veq.s32 v0, v20;
	v8 =	vadd.f32 v8, v18;
	v6 =	vadd.f32 v9, v6;
	v9 =	vpop (erf)  }
0x119: {  	(erf) = vpow2.f32 v10;
	v10 =	vld [tilespmem:s16+$0x8830];
	v4 =	vadd.f32 v9, v4;
	v7 =	vpop (erf);
	v9 =	vmul.f32 $1.442695020e+00, v2  }
0x11a: {  	v1 =	vsel vm1, v13, v1;
	v13 =	vld [tilespmem:$0x1FD90];
	v7 =	vadd.f32 v7, v8;
	v8 =	vmul.f32 $1.442695020e+00, v11;
	v15 =	vpop (erf)  }
0x11b: {  	(erf) = vpow2.f32 v9;
	v9 =	vld [tilespmem:s16+$0x8850];
	v14 =	vpop (erf)  }
0x11c: {  	(erf) = vpow2.f32 v8;
	v8 =	vld [tilespmem:s16+$0x8860];
	v6 =	vadd.f32 v14, v6;
	v14 =	vpop (erf)  }
0x11d: {  	v5 =	vadd.f32 v15, v5;
	v15 =	vld [tilespmem:s16+$0x8870];
	v4 =	vadd.f32 v14, v4;
	v14 =	vpop (erf)  }
0x11e: {  	v16 =	vmul.f32 $1.442695020e+00, v10;
	v3 =	vadd.f32 v14, v7;
	v14 =	vld [tilespmem:s16+$0x8C00]  }
0x11f: {  	v7 =	vmul.f32 $1.442695020e+00, v12  }
0x120: {  	(erf) = vpow2.f32 v16;
	v16 =	vmul.f32 $1.442695020e+00, v9  }
0x121: {  	(erf) = vpow2.f32 v7;
	v7 =	vmul.f32 $1.442695020e+00, v8  }
0x122: {  	(erf) = vpow2.f32 v16;
	v16 =	vmul.f32 $1.442695020e+00, v15  }
0x123: {  	vm1 =	veq.s32 v0, v13;
	(erf) = vpow2.f32 v7;
	v13 =	vmul.f32 $1.442695020e+00, v14  }
0x124: {  	(erf) = vpow2.f32 v16  }
0x125: {  	(erf) = vpow2.f32 v13;
	v13 =	vld [tilespmem:$0x1FDA0];
	_ =	sdelay $0x4  }
0x126: {  	v1 =	vsel vm1, v2, v1;
	vm1 =	veq.s32 v0, v13  }
0x127: {  	v1 =	vsel vm1, v11, v1;
	v11 =	vld [tilespmem:$0x1FDB0];
	_ =	sdelay $0x4  }
0x128: {  	vm1 =	veq.s32 v0, v11  }
0x129: {  	v1 =	vsel vm1, v10, v1;
	v10 =	vld [tilespmem:$0x1FDC0]  }
0x12a: {  	v17 =	vld [tilespmem:s16+$0x8C10]  }
0x12b: {  	v18 =	vld [tilespmem:s16+$0x8C20]  }
0x12c: {  	v20 =	vld [tilespmem:s16+$0x8C30]  }
0x12d: {  	v19 =	vpop (erf)  }
0x12e: {  	v7 =	vpop (erf);
	vm1 =	veq.s32 v0, v10;
	v10 =	vld [tilespmem:$0x1FDD0]  }
0x12f: {  	v16 =	vld [tilespmem:s16+$0x8C40];
	v6 =	vadd.f32 v7, v6;
	v2 =	vpop (erf);
	v7 =	vmul.f32 $1.442695020e+00, v17  }
0x130: {  	v2 =	vadd.f32 v2, v4;
	v4 =	vmul.f32 $1.442695020e+00, v18  }
0x131: {  	(erf) = vpow2.f32 v7;
	v7 =	vmul.f32 $1.442695020e+00, v20  }
0x132: {  	v5 =	vadd.f32 v19, v5  }
0x133: {  	v13 =	vld [tilespmem:s16+$0x8C50];
	v1 =	vsel vm1, v12, v1;
	vm1 =	veq.s32 v0, v10  }
0x134: {  	(erf) = vpow2.f32 v4;
	v4 =	vpop (erf);
	v10 =	vmul.f32 $1.442695020e+00, v16;
	v1 =	vsel vm1, v9, v1;
	v9 =	vld [tilespmem:$0x1FDE0]  }
0x135: {  	(erf) = vpow2.f32 v7;
	v7 =	vpop (erf)  }
0x136: {  	v3 =	vadd.f32 v4, v3;
	v4 =	vadd.f32 v7, v5;
	v5 =	vpop (erf)  }
0x137: {  	v7 =	vpop (erf)  }
0x138: {  	(erf) = vpow2.f32 v10;
	v10 =	vpop (erf)  }
0x139: {  	v3 =	vadd.f32 v10, v3;
	v10 =	vld [tilespmem:$0x1FDF0];
	vm1 =	veq.s32 v0, v9;
	v9 =	vmul.f32 $1.442695020e+00, v13  }
0x13a: {  	v11 =	vld [tilespmem:s16+$0x8C60]  }
0x13b: {  	(erf) = vpow2.f32 v9;
	v9 =	vld [tilespmem:$0x1FE00]  }
0x13c: {  	v5 =	vadd.f32 v5, v6;
	v2 =	vadd.f32 v7, v2;
	v7 =	vld [tilespmem:s16+$0x8C70];
	v1 =	vsel vm1, v8, v1;
	v8 =	vpop (erf)  }
0x13d: {  	v12 =	vld [tilespmem:$0x1FE10];
	v4 =	vadd.f32 v8, v4;
	v8 =	vpop (erf)  }
0x13e: {  	v5 =	vadd.f32 v8, v5;
	v8 =	vpop (erf);
	vm1 =	veq.s32 v0, v10;
	v10 =	vld [tilespmem:s16+$0x9010]  }
0x13f: {  	v2 =	vadd.f32 v8, v2;
	v8 =	vld [tilespmem:$0x1FE20]  }
0x140: {  	v6 =	vld [tilespmem:s16+$0x9000];
	v1 =	vsel vm1, v15, v1;
	vm1 =	veq.s32 v0, v9;
	v9 =	vmul.f32 $1.442695020e+00, v11  }
0x141: {  	v1 =	vsel vm1, v14, v1  }
0x142: {  	vm1 =	veq.s32 v0, v12;
	(erf) = vpow2.f32 v9;
	v9 =	vmul.f32 $1.442695020e+00, v7  }
0x143: {  	v1 =	vsel vm1, v17, v1  }
0x144: {  	v15 =	vld [tilespmem:s16+$0x9040];
	vm1 =	veq.s32 v0, v8;
	v8 =	vpop (erf);
	(erf) = vpow2.f32 v9;
	v9 =	vmul.f32 $1.442695020e+00, v10  }
0x145: {  	v17 =	vld [tilespmem:$0x1FE30];
	v3 =	vadd.f32 v8, v3;
	v8 =	vmul.f32 $1.442695020e+00, v6  }
0x146: {  	v12 =	vld [tilespmem:s16+$0x9020]  }
0x147: {  	v14 =	vld [tilespmem:s16+$0x9030];
	v1 =	vsel vm1, v18, v1;
	v18 =	vpop (erf);
	(erf) = vpow2.f32 v8  }
0x148: {  	v4 =	vadd.f32 v18, v4;
	v18 =	vld [tilespmem:$0x1FE40];
	(erf) = vpow2.f32 v9;
	v9 =	vpop (erf)  }
0x149: {  	v5 =	vadd.f32 v9, v5;
	v9 =	vld [tilespmem:$0x1FE50]  }
0x14a: {  	vm1 =	veq.s32 v0, v17;
	v17 =	vld [tilespmem:s16+$0x9050]  }
0x14b: {  	v8 =	vmul.f32 $1.442695020e+00, v12  }
0x14c: {  	v1 =	vsel vm1, v20, v1  }
0x14d: {  	(erf) = vpow2.f32 v8;
	v8 =	vmul.f32 $1.442695020e+00, v14;
	vm1 =	veq.s32 v0, v18  }
0x14e: {  	v19 =	vld [tilespmem:s16+$0x9060];
	v1 =	vsel vm1, v16, v1;
	vm1 =	veq.s32 v0, v9;
	v9 =	vmul.f32 $1.442695020e+00, v15  }
0x14f: {  	v20 =	vld [tilespmem:$0x1FE60];
	(erf) = vpow2.f32 v8;
	v8 =	vmul.f32 $1.442695020e+00, v17  }
0x150: {  	v16 =	vld [tilespmem:s16+$0x9070];
	(erf) = vpow2.f32 v9  }
0x151: {  	v1 =	vsel vm1, v13, v1;
	v13 =	vpop (erf);
	(erf) = vpow2.f32 v8;
	v8 =	vld [tilespmem:$0x1FE70];
	_ =	sdelay $0x1  }
0x152: {  	v9 =	vmul.f32 $1.442695020e+00, v19;
	_ =	sdelay $0x1  }
0x153: {  	vm1 =	veq.s32 v0, v20  }
0x154: {  	v18 =	vld [tilespmem:s16+$0x9400];
	v1 =	vsel vm1, v11, v1;
	vm1 =	veq.s32 v0, v8;
	v8 =	vmul.f32 $1.442695020e+00, v16  }
0x155: {  	v11 =	vld [tilespmem:$0x1FE80];
	(erf) = vpow2.f32 v9;
	v9 =	vpop (erf)  }
0x156: {  	v3 =	vadd.f32 v9, v3;
	v9 =	vpop (erf);
	(erf) = vpow2.f32 v8;
	v8 =	vld [tilespmem:$0x1FE90]  }
0x157: {  	v4 =	vadd.f32 v9, v4;
	v9 =	vld [tilespmem:$0x1FEA0];
	_ =	sdelay $0x1  }
0x158: {  	v21 =	vld [tilespmem:s16+$0x9860]  }
0x159: {  	s31 =	sand.u32 $0x7, s1;
	v20 =	vld [tilespmem:s16+$0x9410];
	v1 =	vsel vm1, v7, v1;
	vm1 =	veq.s32 v0, v11;
	v7 =	vmul.f32 $1.442695020e+00, v18  }
0x15a: {  	s11 =	sshll.u32 s31, $0x7;
	v22 =	vld [tilespmem:$0x1FF20];
	v1 =	vsel vm1, v6, v1;
	vm1 =	veq.s32 v0, v8  }
0x15b: {  	s11 =	sadd.s32 s11, s17;
	(erf) = vpow2.f32 v7;
	v1 =	vsel vm1, v10, v1;
	vm1 =	veq.s32 v0, v9;
	v9 =	vld [tilespmem:$0x1FEB0]  }
0x15c: {  	s30 =	sor.u32 $0x1C10, s11;
	v11 =	vld [tilespmem:s16+$0x9420];
	v6 =	vpop (erf)  }
0x15d: {  	v23 =	vld [tilespmem:s30+$0x8000];
	v2 =	vadd.f32 v13, v2;
	v5 =	vadd.f32 v6, v5;
	v6 =	vpop (erf)  }
0x15e: {  	v7 =	vmul.f32 $1.442695020e+00, v20;
	v8 =	vld [tilespmem:s16+$0x9430];
	v10 =	vpop (erf)  }
0x15f: {  	v2 =	vadd.f32 v6, v2;
	v1 =	vsel vm1, v12, v1;
	v6 =	vpop (erf);
	v12 =	vld [tilespmem:s16+$0x9460]  }
0x160: {  	(erf) = vpow2.f32 v7;
	v3 =	vadd.f32 v10, v3;
	v10 =	vpop (erf);
	vm1 =	veq.s32 v0, v9;
	v9 =	vld [tilespmem:$0x1FEC0]  }
0x161: {  	v7 =	vmul.f32 $1.442695020e+00, v11;
	v4 =	vadd.f32 v6, v4;
	v5 =	vadd.f32 v10, v5;
	v10 =	vld [tilespmem:$0x1FED0];
	v6 =	vpop (erf)  }
0x162: {  	v2 =	vadd.f32 v6, v2;
	v6 =	vld [tilespmem:$0x1FEE0]  }
0x163: {  	(erf) = vpow2.f32 v7;
	v7 =	vld [tilespmem:s16+$0x9450];
	v13 =	vpop (erf)  }
0x164: {  	v3 =	vadd.f32 v13, v3;
	v13 =	vpop (erf);
	v1 =	vsel vm1, v14, v1;
	v14 =	vld [tilespmem:$0x1FEF0]  }
0x165: {  	v4 =	vadd.f32 v13, v4;
	vm1 =	veq.s32 v0, v9;
	v9 =	vld [tilespmem:s16+$0x9440]  }
0x166: {  	v13 =	vld [tilespmem:$0x1FF00];
	v1 =	vsel vm1, v15, v1;
	vm1 =	veq.s32 v0, v10;
	v10 =	vmul.f32 $1.442695020e+00, v8  }
0x167: {  	v1 =	vsel vm1, v17, v1;
	vm1 =	veq.s32 v0, v6;
	v6 =	vld [tilespmem:s16+$0x9470]  }
0x168: {  	(erf) = vpow2.f32 v10;
	v10 =	vld [tilespmem:s16+$0x9800]  }
0x169: {  	v1 =	vsel vm1, v19, v1;
	v19 =	vld [tilespmem:$0x1FF10]  }
0x16a: {  	v15 =	vld [tilespmem:s16+$0x9810];
	vm1 =	veq.s32 v0, v14;
	v14 =	vmul.f32 $1.442695020e+00, v9  }
0x16b: {  	v1 =	vsel vm1, v16, v1;
	vm1 =	veq.s32 v0, v13;
	v13 =	vmul.f32 $1.442695020e+00, v7;
	v16 =	vld [tilespmem:s16+$0x9820]  }
0x16c: {  	v17 =	vpop (erf);
	v1 =	vsel vm1, v18, v1;
	v18 =	vld [tilespmem:s16+$0x9830];
	(erf) = vpow2.f32 v14;
	v14 =	vmul.f32 $1.442695020e+00, v12  }
0x16d: {  	v5 =	vadd.f32 v17, v5;
	v17 =	vld [tilespmem:s16+$0x9840];
	(erf) = vpow2.f32 v13;
	v13 =	vmul.f32 $1.442695020e+00, v6  }
0x16e: {  	vm1 =	veq.s32 v0, v19;
	v19 =	vld [tilespmem:s16+$0x9850];
	(erf) = vpow2.f32 v14;
	v14 =	vmul.f32 $1.442695020e+00, v10  }
0x16f: {  	v24 =	vld [tilespmem:$0x1FF30];
	v1 =	vsel vm1, v20, v1;
	v20 =	vpop (erf);
	(erf) = vpow2.f32 v13;
	v13 =	vmul.f32 $1.442695020e+00, v15  }
0x170: {  	s12 =	sor.u32 $0x1C00, s11;
	v2 =	vadd.f32 v20, v2;
	v20 =	vld [tilespmem:s16+$0x9870];
	(erf) = vpow2.f32 v14;
	v14 =	vmul.f32 $1.442695020e+00, v16  }
0x171: {  	vm1 =	veq.s32 v0, v22;
	v22 =	vld [tilespmem:s12+$0x8000];
	(erf) = vpow2.f32 v13;
	v13 =	vmul.f32 $1.442695020e+00, v18  }
0x172: {  	s31 =	sor.u32 $0x1C20, s11;
	v27 =	vld [tilespmem:$0x1FF40];
	v1 =	vsel vm1, v11, v1;
	v11 =	vpop (erf);
	(erf) = vpow2.f32 v14;
	v14 =	vmul.f32 $1.442695020e+00, v17  }
0x173: {  	s12 =	sor.u32 $0x1C30, s11;
	v3 =	vadd.f32 v11, v3;
	v11 =	vmul.f32 $1.442695020e+00, v19;
	(erf) = vpow2.f32 v13;
	v13 =	vld [tilespmem:s31+$0x8000]  }
0x174: {  	vm1 =	veq.s32 v0, v24;
	v24 =	vld [tilespmem:s12+$0x8000];
	(erf) = vpow2.f32 v14;
	v14 =	vmul.f32 $1.442695020e+00, v21  }
0x175: {  	v29 =	vld [tilespmem:$0x1FF50];
	v1 =	vsel vm1, v8, v1;
	s31 =	sor.u32 $0x1C50, s11;
	v8 =	vpop (erf);
	(erf) = vpow2.f32 v11;
	v11 =	vmul.f32 $1.442695020e+00, v20  }
0x176: {  	s30 =	sor.u32 $0x1C40, s11;
	v26 =	vld [tilespmem:s31+$0x8000];
	v4 =	vadd.f32 v8, v4;
	v8 =	vpop (erf);
	(erf) = vpow2.f32 v14;
	v14 =	vmul.f32 $1.442695020e+00, v22  }
0x177: {  	v25 =	vld [tilespmem:s30+$0x8000];
	vm1 =	veq.s32 v0, v27;
	v27 =	vpop (erf);
	(erf) = vpow2.f32 v11;
	v11 =	vmul.f32 $1.442695020e+00, v23  }
0x178: {  	v1 =	vsel vm1, v9, v1;
	s11 =	sor.u32 $0x1C60, s11;
	v9 =	vpop (erf);
	(erf) = vpow2.f32 v14;
	v14 =	vmul.f32 $1.442695020e+00, v13  }
0x179: {  	v28 =	vld.msk [tilespmem:s11+$0x8000], $0xff;
	v5 =	vadd.f32 v8, v5;
	v8 =	vpop (erf);
	(erf) = vpow2.f32 v11;
	v11 =	vmul.f32 $1.442695020e+00, v24  }
0x17a: {  	vm1 =	veq.s32 v0, v29;
	v29 =	vpop (erf);
	(erf) = vpow2.f32 v14  }
0x17b: {  	(erf) = vpow2.f32 v11;
	v11 =	vmul.f32 $1.442695020e+00, v26  }
0x17c: {  	v1 =	vsel vm1, v7, v1;
	vm1 =	veq.s32 v0, v59;
	v14 =	vmul.f32 $1.442695020e+00, v25  }
0x17d: {  	v1 =	vsel vm1, v12, v1;
	v7 =	vpop (erf)  }
0x17e: {  	vm1 =	veq.s32 v0, v60;
	v30 =	vpop (erf);
	(erf) = vpow2.f32 v14;
	v14 =	vmul.f32 $1.442695020e+00, v28  }
0x17f: {  	v1 =	vsel vm1, v6, v1;
	(erf) = vpow2.f32 v11;
	v11 =	vpop (erf)  }
0x180: {  	vm1 =	veq.s32 v0, v61;
	v3 =	vadd.f32 v9, v3;
	(erf) = vpow2.f32 v14;
	v9 =	vpop (erf)  }
0x181: {  	v1 =	vsel vm1, v10, v1;
	vm1 =	veq.s32 v0, v63;
	v2 =	vadd.f32 v27, v2;
	v6 =	vpop (erf)  }
0x182: {  	v1 =	vsel vm1, v15, v1;
	vm1 =	veq.s32 v0, v46;
	v4 =	vadd.f32 v8, v4;
	v8 =	vpop (erf)  }
0x183: {  	v1 =	vsel vm1, v16, v1;
	vm1 =	veq.s32 v0, v47;
	v2 =	vadd.f32 v7, v2;
	v7 =	vpop (erf)  }
0x184: {  	v1 =	vsel vm1, v18, v1;
	vm1 =	veq.s32 v0, v48;
	v5 =	vadd.f32 v29, v5;
	v10 =	vpop (erf)  }
0x185: {  	v1 =	vsel vm1, v17, v1;
	v4 =	vadd.f32 v11, v4;
	v11 =	vpop (erf)  }
0x186: {  	vm1 =	veq.s32 v0, v49;
	v3 =	vadd.f32 v30, v3;
	v5 =	vadd.f32 v9, v5;
	v9 =	vpop (erf)  }
0x187: {  	v1 =	vsel vm1, v19, v1;
	vm1 =	veq.s32 v0, v50;
	v2 =	vadd.f32 v6, v2;
	v6 =	vpop (erf)  }
0x188: {  	v1 =	vsel vm1, v21, v1;
	vm1 =	veq.s32 v0, v51;
	v3 =	vadd.f32 v8, v3;
	v8 =	vpop (erf)  }
0x189: {  	v1 =	vsel vm1, v20, v1;
	vm1 =	veq.s32 v0, v52;
	v4 =	vadd.f32 v7, v4;
	v7 =	vpop (erf)  }
0x18a: {  	v1 =	vsel vm1, v22, v1;
	vm1 =	veq.s32 v0, v53;
	v7 =	vperm.xlane v7, v62  }
0x18b: {  	v1 =	vsel vm1, v23, v1;
	v5 =	vadd.f32 v10, v5;
	v3 =	vadd.f32 v9, v3  }
0x18c: {  	v2 =	vadd.f32 v11, v2;
	v4 =	vadd.f32 v6, v4;
	v9 =	vsel vm0, $0x0, v7  }
0x18d: {  	vm1 =	veq.s32 v0, v54;
	v5 =	vadd.f32 v8, v5;
	v3 =	vadd.f32 v9, v3  }
0x18e: {  	v15 =	vmovc v31;
	v16 =	vmovc v32;
	v27 =	vmov v42;
	v1 =	vsel vm1, v13, v1;
	vm1 =	veq.s32 v0, v55  }
0x18f: {  	p1 =	sne.s32 s13, $0xF80;
	v17 =	vmovc v33;
	v1 =	vsel vm1, v24, v1;
	v4 =	vadd.f32 v5, v4;
	v2 =	vadd.f32 v3, v2  }
.Ltmp1:
0x190: {  	v19 =	vmovc v34;
	vm1 =	veq.s32 v0, v56;
	v10 =	vperm.xlane v26, v62;
	v11 =	vperm.xlane v28, v62;
	(pc) =	sbr.rel @p1 .LBB2_5-.Ltmp1, $4  }
0x191: {  	v29 =	vmovc v44;
	v1 =	vsel vm1, v25, v1;
	vm1 =	veq.s32 v0, v57;
	v2 =	vadd.f32 v2, v4  }
0x192: {  	s1 =	sadd.s32 $0x1, s1;
	v21 =	vmovc v36;
	v1 =	vsel vm1, v26, v1;
	vm1 =	veq.s32 v0, v58;
	v3 =	vsel vm0, v10, v11  }
0x193: {  	s29 =	sadd.s32 $0x400, s29;
	s13 =	sadd.s32 $0x80, s13;
	s17 =	sadd.s32 $0x400, s17;
	v20 =	vmovc v35;
	v30 =	vmovc v45;
	v22 =	vmov v37;
	v23 =	vmov v38;
	v0 =	vsel vm1, v3, v1;
	[tilespmem:s0+$0x0] =	vst v2  }
0x194: {  	s26 =	sadd.s32 $0x80, s26;
	v14 =	vlaneseq.u32;
	v24 =	vmovc v39;
	v25 =	vmovc v40;
	v26 =	vmov v41;
	v28 =	vmov v43;
	s0 =	sadd.s32 $0x80, s0;
	[tilespmem:s28+$0x0] =	vst v0;
	s28 =	sadd.s32 $0x80, s28  }
0x195: {  	s0 =	sor.u32 s3, s25  }
0x196: {  	s0 =	sshll.u32 s0, $0x4  }
0x197: {  	s1 =	sadd.s32 s6, s0  }
0x198: {  	[hbm4b:s1+s2] =	stream.linear.scatter [tilespmem:s21], [sflag:$0x3], $0x1000, $0x38;
	[tilespmem:$0x16000] =	vst v63  }
0x199: {  	_ =	swait.ge [sflag:s18], $0x1000  }
0x19a: {  	[sflag:s18] =	ssyncset.done $0x0  }
.Ltmp2:
0x19b: {  	s0 =	sadd.s32 s7, s0;
	[sflag:s18] =	ssyncadd.s32 $0xFFFFF000;
	(pc) =	sbr.rel @p0 .LBB2_2-.Ltmp2, $4  }
0x19c: {  	[hbm4b:s0+s2] =	stream.linear.scatter [tilespmem:s22], [sflag:$0x3], $0x1000, $0x38;
	[tilespmem:$0x16000] =	vst v63  }
0x19d: {  	_ =	swait.ge [sflag:s18], $0x1000  }
0x19e: {  	v12 =	vmov v60;
	v18 =	vmov v48;
	[sflag:s18] =	ssyncset.done $0x0  }
0x19f: {  	v7 =	vmovc v55;
	v8 =	vmovc v56;
	v6 =	vmov v54;
	v4 =	vmov v57;
	v5 =	vmov v58;
	s28 =	simm.s32 $0x40;
	p1 =	por $0x0, $0x0;
	[sflag:s18] =	ssyncadd.s32 $0xFFFFF000  }
0x1a0: {  	s25 =	simm.s32 $0x0  }
0x1a1: {  	s0 =	rddreg [dreg:$0x3];
	p1 =	por $0x1, $0x1;
	s29 =	simm.s32 $0x0  }
0x1a2: {  	[tilespmem:s25], [sflag:$0x1] =	stream.linear.gather [hbm4b:s0+s25], $0x8000, $0x38;
	[tilespmem:$0x16000] =	vst v63  }
.LBB2_8:
0x1a3: {  	s26 =	sor.u32 $0x20, s29  }
0x1a4: {  	s0 =	sor.u32 s9, s26  }
0x1a5: {  	s0 =	sshll.u32 s0, $0x7  }
0x1a6: {  	s0 =	sadd.s32 s5, s0  }
0x1a7: {  	[tilespmem:s19], [sflag:$0x2] =	stream.linear.gather [hbm4b:s0+s25], $0x8000, $0x38;
	[tilespmem:$0x16000] =	vst v63  }
0x1a8: {  	_ =	swait.ge [sflag:s20], $0x8000  }
0x1a9: {  	v59 =	vld [tilespmem:$0x1FF60]  }
0x1aa: {  	v61 =	vld [tilespmem:$0x1FF70]  }
0x1ab: {  	v63 =	vld [tilespmem:$0x1FF80]  }
0x1ac: {  	v46 =	vld [tilespmem:$0x1FF90]  }
0x1ad: {  	v47 =	vld [tilespmem:$0x1FFA0]  }
0x1ae: {  	v49 =	vld [tilespmem:$0x1FFB0]  }
0x1af: {  	s17 =	sshll.u32 s29, $0x9;
	s31 =	simm.s32 $0x15000;
	s1 =	simm.s32 $0xFFFF8000;
	v50 =	vld [tilespmem:$0x1FFC0]  }
0x1b0: {  	p0 =	por p1, p1;
	s13 =	simm.s32 $0x0;
	s16 =	simm.s32 $0x0;
	v51 =	vld [tilespmem:$0x1FFD0]  }
0x1b1: {  	s28 =	sshra.s32 s17, $0x2;
	s17 =	simm.s32 $0x0;
	[sflag:s20] =	ssyncset.done $0x0;
	v52 =	vld [tilespmem:$0x1FFE0]  }
0x1b2: {  	s30 =	sadd.s32 $0x10000, s28;
	s0 =	simm.s32 $0x14000;
	v53 =	vld [tilespmem:$0x1FFF0];
	[sflag:s20] =	ssyncadd.s32 $0xFFFF8000  }
.LBB2_9:
0x1b3: {  	s11 =	sadd.s32 $0x8000, s1  }
0x1b4: {  	s12 =	sand.u32 $0x380, s16;
	s11 =	sand.u32 $0x6000, s11  }
0x1b5: {  	s11 =	sor.u32 s12, s11  }
0x1b6: {  	v1 =	vld [tilespmem:s11+$0x0]  }
0x1b7: {  	v2 =	vld [tilespmem:s11+$0x10];
	_ =	sdelay $0x2  }
0x1b8: {  	v3 =	vld [tilespmem:s11+$0x20]  }
0x1b9: {  	v5 =	vld [tilespmem:s11+$0x30];
	v0 =	vmul.f32 $1.442695020e+00, v1  }
0x1ba: {  	v6 =	vld [tilespmem:s11+$0x40];
	v4 =	vmul.f32 $1.442695020e+00, v2  }
0x1bb: {  	(erf) = vpow2.f32 v0;
	v0 =	vld [tilespmem:s30+$0x0]  }
0x1bc: {  	(erf) = vpow2.f32 v4  }
0x1bd: {  	v7 =	vmul.f32 $1.442695020e+00, v3;
	v4 =	vld [tilespmem:s11+$0x50]  }
0x1be: {  	v8 =	vld [tilespmem:s11+$0x60];
	v9 =	vmul.f32 $1.442695020e+00, v5  }
0x1bf: {  	(erf) = vpow2.f32 v7;
	v7 =	vmul.f32 $1.442695020e+00, v6  }
0x1c0: {  	v10 =	vld [tilespmem:s11+$0x400];
	(erf) = vpow2.f32 v9;
	vm1 =	veq.s32 v0, v14  }
0x1c1: {  	v9 =	vld [tilespmem:s11+$0x70];
	(erf) = vpow2.f32 v7;
	v1 =	vnsel vm1, $0x0, v1;
	vm1 =	veq.s32 v0, v15  }
0x1c2: {  	v12 =	vld [tilespmem:s11+$0x410];
	v7 =	vmul.f32 $1.442695020e+00, v4;
	v1 =	vsel vm1, v2, v1;
	vm1 =	veq.s32 v0, v16  }
0x1c3: {  	v11 =	vmul.f32 $1.442695020e+00, v8;
	v1 =	vsel vm1, v3, v1;
	vm1 =	veq.s32 v0, v17  }
0x1c4: {  	(erf) = vpow2.f32 v7;
	v7 =	vld [tilespmem:s11+$0x420];
	v13 =	vpop (erf);
	v1 =	vsel vm1, v5, v1;
	vm1 =	veq.s32 v0, v19  }
0x1c5: {  	v2 =	vmul.f32 $1.442695020e+00, v10;
	(erf) = vpow2.f32 v11;
	v14 =	vpop (erf);
	v1 =	vsel vm1, v6, v1  }
0x1c6: {  	v15 =	vld [tilespmem:s11+$0x430];
	vm1 =	veq.s32 v0, v20;
	v11 =	vadd.f32 $0.0e+00, v14;
	v14 =	vmul.f32 $1.442695020e+00, v9  }
0x1c7: {  	v3 =	vmul.f32 $1.442695020e+00, v12;
	v1 =	vsel vm1, v4, v1;
	vm1 =	veq.s32 v0, v21  }
0x1c8: {  	v13 =	vadd.f32 $0.0e+00, v13;
	v1 =	vsel vm1, v8, v1;
	(erf) = vpow2.f32 v14;
	v14 =	vld [tilespmem:s11+$0x440]  }
0x1c9: {  	v17 =	vld [tilespmem:s11+$0x450];
	v16 =	vpop (erf);
	vm1 =	veq.s32 v0, v22;
	(erf) = vpow2.f32 v2;
	v2 =	vmul.f32 $1.442695020e+00, v7  }
0x1ca: {  	v16 =	vadd.f32 $0.0e+00, v16;
	v18 =	vpop (erf);
	v1 =	vsel vm1, v9, v1;
	(erf) = vpow2.f32 v3;
	v3 =	vld [tilespmem:s11+$0x460]  }
0x1cb: {  	v19 =	vld [tilespmem:s11+$0x470];
	v5 =	vpop (erf);
	vm1 =	veq.s32 v0, v23;
	(erf) = vpow2.f32 v2;
	v2 =	vmul.f32 $1.442695020e+00, v15  }
0x1cc: {  	v5 =	vadd.f32 v5, v13;
	v1 =	vsel vm1, v10, v1;
	vm1 =	veq.s32 v0, v24  }
0x1cd: {  	v1 =	vsel vm1, v12, v1;
	v6 =	vpop (erf);
	(erf) = vpow2.f32 v2;
	v2 =	vmul.f32 $1.442695020e+00, v14  }
0x1ce: {  	vm1 =	veq.s32 v0, v25;
	v6 =	vadd.f32 v6, v11;
	v11 =	vmul.f32 $1.442695020e+00, v17  }
0x1cf: {  	v1 =	vsel vm1, v7, v1;
	v4 =	vpop (erf);
	(erf) = vpow2.f32 v2;
	v2 =	vmul.f32 $1.442695020e+00, v3  }
0x1d0: {  	v13 =	vld [tilespmem:s11+$0x800];
	vm1 =	veq.s32 v0, v26;
	(erf) = vpow2.f32 v11;
	v11 =	vmul.f32 $1.442695020e+00, v19  }
0x1d1: {  	v20 =	vld [tilespmem:$0x1FD80];
	v1 =	vsel vm1, v15, v1;
	vm1 =	veq.s32 v0, v27;
	v8 =	vpop (erf);
	(erf) = vpow2.f32 v2  }
0x1d2: {  	v1 =	vsel vm1, v14, v1;
	vm1 =	veq.s32 v0, v28;
	v2 =	vld [tilespmem:s11+$0x810];
	v9 =	vpop (erf);
	(erf) = vpow2.f32 v11  }
0x1d3: {  	v18 =	vadd.f32 $0.0e+00, v18;
	v1 =	vsel vm1, v17, v1;
	vm1 =	veq.s32 v0, v29;
	v11 =	vld [tilespmem:s11+$0x820]  }
0x1d4: {  	v4 =	vadd.f32 v4, v16;
	v1 =	vsel vm1, v3, v1;
	vm1 =	veq.s32 v0, v30  }
0x1d5: {  	v10 =	vmul.f32 $1.442695020e+00, v13;
	v1 =	vsel vm1, v19, v1;
	v5 =	vadd.f32 v9, v5;
	v9 =	vpop (erf)  }
0x1d6: {  	v12 =	vld [tilespmem:s11+$0x840];
	vm1 =	veq.s32 v0, v20;
	v8 =	vadd.f32 v8, v18;
	v6 =	vadd.f32 v9, v6;
	v9 =	vpop (erf)  }
0x1d7: {  	(erf) = vpow2.f32 v10;
	v10 =	vld [tilespmem:s11+$0x830];
	v4 =	vadd.f32 v9, v4;
	v7 =	vpop (erf);
	v9 =	vmul.f32 $1.442695020e+00, v2  }
0x1d8: {  	v1 =	vsel vm1, v13, v1;
	v13 =	vld [tilespmem:$0x1FD90];
	v7 =	vadd.f32 v7, v8;
	v8 =	vmul.f32 $1.442695020e+00, v11;
	v15 =	vpop (erf)  }
0x1d9: {  	(erf) = vpow2.f32 v9;
	v9 =	vld [tilespmem:s11+$0x850];
	v14 =	vpop (erf)  }
0x1da: {  	(erf) = vpow2.f32 v8;
	v8 =	vld [tilespmem:s11+$0x860];
	v6 =	vadd.f32 v14, v6;
	v14 =	vpop (erf)  }
0x1db: {  	v5 =	vadd.f32 v15, v5;
	v15 =	vld [tilespmem:s11+$0x870];
	v4 =	vadd.f32 v14, v4;
	v14 =	vpop (erf)  }
0x1dc: {  	v16 =	vmul.f32 $1.442695020e+00, v10;
	v3 =	vadd.f32 v14, v7;
	v14 =	vld [tilespmem:s11+$0xC00]  }
0x1dd: {  	v7 =	vmul.f32 $1.442695020e+00, v12  }
0x1de: {  	(erf) = vpow2.f32 v16;
	v16 =	vmul.f32 $1.442695020e+00, v9  }
0x1df: {  	(erf) = vpow2.f32 v7;
	v7 =	vmul.f32 $1.442695020e+00, v8  }
0x1e0: {  	(erf) = vpow2.f32 v16;
	v16 =	vmul.f32 $1.442695020e+00, v15  }
0x1e1: {  	vm1 =	veq.s32 v0, v13;
	(erf) = vpow2.f32 v7;
	v13 =	vmul.f32 $1.442695020e+00, v14  }
0x1e2: {  	(erf) = vpow2.f32 v16  }
0x1e3: {  	(erf) = vpow2.f32 v13;
	v13 =	vld [tilespmem:$0x1FDA0];
	_ =	sdelay $0x4  }
0x1e4: {  	v1 =	vsel vm1, v2, v1;
	vm1 =	veq.s32 v0, v13  }
0x1e5: {  	v1 =	vsel vm1, v11, v1;
	v11 =	vld [tilespmem:$0x1FDB0];
	_ =	sdelay $0x4  }
0x1e6: {  	vm1 =	veq.s32 v0, v11  }
0x1e7: {  	v1 =	vsel vm1, v10, v1;
	v10 =	vld [tilespmem:$0x1FDC0]  }
0x1e8: {  	v17 =	vld [tilespmem:s11+$0xC10]  }
0x1e9: {  	v18 =	vld [tilespmem:s11+$0xC20]  }
0x1ea: {  	v20 =	vld [tilespmem:s11+$0xC30]  }
0x1eb: {  	v19 =	vpop (erf)  }
0x1ec: {  	v7 =	vpop (erf);
	vm1 =	veq.s32 v0, v10;
	v10 =	vld [tilespmem:$0x1FDD0]  }
0x1ed: {  	v16 =	vld [tilespmem:s11+$0xC40];
	v6 =	vadd.f32 v7, v6;
	v2 =	vpop (erf);
	v7 =	vmul.f32 $1.442695020e+00, v17  }
0x1ee: {  	v2 =	vadd.f32 v2, v4;
	v4 =	vmul.f32 $1.442695020e+00, v18  }
0x1ef: {  	(erf) = vpow2.f32 v7;
	v7 =	vmul.f32 $1.442695020e+00, v20  }
0x1f0: {  	v5 =	vadd.f32 v19, v5  }
0x1f1: {  	v13 =	vld [tilespmem:s11+$0xC50];
	v1 =	vsel vm1, v12, v1;
	vm1 =	veq.s32 v0, v10  }
0x1f2: {  	(erf) = vpow2.f32 v4;
	v4 =	vpop (erf);
	v10 =	vmul.f32 $1.442695020e+00, v16;
	v1 =	vsel vm1, v9, v1;
	v9 =	vld [tilespmem:$0x1FDE0]  }
0x1f3: {  	(erf) = vpow2.f32 v7;
	v7 =	vpop (erf)  }
0x1f4: {  	v3 =	vadd.f32 v4, v3;
	v4 =	vadd.f32 v7, v5;
	v5 =	vpop (erf)  }
0x1f5: {  	v7 =	vpop (erf)  }
0x1f6: {  	(erf) = vpow2.f32 v10;
	v10 =	vpop (erf)  }
0x1f7: {  	v3 =	vadd.f32 v10, v3;
	v10 =	vld [tilespmem:$0x1FDF0];
	vm1 =	veq.s32 v0, v9;
	v9 =	vmul.f32 $1.442695020e+00, v13  }
0x1f8: {  	v11 =	vld [tilespmem:s11+$0xC60]  }
0x1f9: {  	(erf) = vpow2.f32 v9;
	v9 =	vld [tilespmem:$0x1FE00]  }
0x1fa: {  	v5 =	vadd.f32 v5, v6;
	v2 =	vadd.f32 v7, v2;
	v7 =	vld [tilespmem:s11+$0xC70];
	v1 =	vsel vm1, v8, v1;
	v8 =	vpop (erf)  }
0x1fb: {  	v12 =	vld [tilespmem:$0x1FE10];
	v4 =	vadd.f32 v8, v4;
	v8 =	vpop (erf)  }
0x1fc: {  	v5 =	vadd.f32 v8, v5;
	v8 =	vpop (erf);
	vm1 =	veq.s32 v0, v10;
	v10 =	vld [tilespmem:s11+$0x1010]  }
0x1fd: {  	v2 =	vadd.f32 v8, v2;
	v8 =	vld [tilespmem:$0x1FE20]  }
0x1fe: {  	v6 =	vld [tilespmem:s11+$0x1000];
	v1 =	vsel vm1, v15, v1;
	vm1 =	veq.s32 v0, v9;
	v9 =	vmul.f32 $1.442695020e+00, v11  }
0x1ff: {  	v1 =	vsel vm1, v14, v1  }
0x200: {  	vm1 =	veq.s32 v0, v12;
	(erf) = vpow2.f32 v9;
	v9 =	vmul.f32 $1.442695020e+00, v7  }
0x201: {  	v1 =	vsel vm1, v17, v1  }
0x202: {  	v15 =	vld [tilespmem:s11+$0x1040];
	vm1 =	veq.s32 v0, v8;
	v8 =	vpop (erf);
	(erf) = vpow2.f32 v9;
	v9 =	vmul.f32 $1.442695020e+00, v10  }
0x203: {  	v17 =	vld [tilespmem:$0x1FE30];
	v3 =	vadd.f32 v8, v3;
	v8 =	vmul.f32 $1.442695020e+00, v6  }
0x204: {  	v12 =	vld [tilespmem:s11+$0x1020]  }
0x205: {  	v14 =	vld [tilespmem:s11+$0x1030];
	v1 =	vsel vm1, v18, v1;
	v18 =	vpop (erf);
	(erf) = vpow2.f32 v8  }
0x206: {  	v4 =	vadd.f32 v18, v4;
	v18 =	vld [tilespmem:$0x1FE40];
	(erf) = vpow2.f32 v9;
	v9 =	vpop (erf)  }
0x207: {  	v5 =	vadd.f32 v9, v5;
	v9 =	vld [tilespmem:$0x1FE50]  }
0x208: {  	vm1 =	veq.s32 v0, v17;
	v17 =	vld [tilespmem:s11+$0x1050]  }
0x209: {  	v8 =	vmul.f32 $1.442695020e+00, v12  }
0x20a: {  	v1 =	vsel vm1, v20, v1  }
0x20b: {  	(erf) = vpow2.f32 v8;
	v8 =	vmul.f32 $1.442695020e+00, v14;
	vm1 =	veq.s32 v0, v18  }
0x20c: {  	v19 =	vld [tilespmem:s11+$0x1060];
	v1 =	vsel vm1, v16, v1;
	vm1 =	veq.s32 v0, v9;
	v9 =	vmul.f32 $1.442695020e+00, v15  }
0x20d: {  	v20 =	vld [tilespmem:$0x1FE60];
	(erf) = vpow2.f32 v8;
	v8 =	vmul.f32 $1.442695020e+00, v17  }
0x20e: {  	v16 =	vld [tilespmem:s11+$0x1070];
	(erf) = vpow2.f32 v9  }
0x20f: {  	v1 =	vsel vm1, v13, v1;
	v13 =	vpop (erf);
	(erf) = vpow2.f32 v8;
	v8 =	vld [tilespmem:$0x1FE70];
	_ =	sdelay $0x1  }
0x210: {  	v9 =	vmul.f32 $1.442695020e+00, v19;
	_ =	sdelay $0x1  }
0x211: {  	vm1 =	veq.s32 v0, v20  }
0x212: {  	v18 =	vld [tilespmem:s11+$0x1400];
	v1 =	vsel vm1, v11, v1;
	vm1 =	veq.s32 v0, v8;
	v8 =	vmul.f32 $1.442695020e+00, v16  }
0x213: {  	v11 =	vld [tilespmem:$0x1FE80];
	(erf) = vpow2.f32 v9;
	v9 =	vpop (erf)  }
0x214: {  	v3 =	vadd.f32 v9, v3;
	v9 =	vpop (erf);
	(erf) = vpow2.f32 v8;
	v8 =	vld [tilespmem:$0x1FE90]  }
0x215: {  	v4 =	vadd.f32 v9, v4;
	v9 =	vld [tilespmem:$0x1FEA0]  }
0x216: {  	v21 =	vld [tilespmem:s11+$0x1860]  }
0x217: {  	v22 =	vld [tilespmem:$0x1FF20]  }
0x218: {  	v20 =	vld [tilespmem:s11+$0x1410];
	v1 =	vsel vm1, v7, v1;
	vm1 =	veq.s32 v0, v11;
	v7 =	vmul.f32 $1.442695020e+00, v18  }
0x219: {  	v24 =	vld [tilespmem:$0x1FF30];
	v1 =	vsel vm1, v6, v1;
	vm1 =	veq.s32 v0, v8  }
0x21a: {  	(erf) = vpow2.f32 v7;
	v1 =	vsel vm1, v10, v1;
	vm1 =	veq.s32 v0, v9;
	v9 =	vld [tilespmem:$0x1FEB0]  }
0x21b: {  	v11 =	vld [tilespmem:s11+$0x1420];
	v6 =	vpop (erf)  }
0x21c: {  	v27 =	vld [tilespmem:$0x1FF40];
	v2 =	vadd.f32 v13, v2;
	v5 =	vadd.f32 v6, v5;
	v6 =	vpop (erf)  }
0x21d: {  	v7 =	vmul.f32 $1.442695020e+00, v20;
	v8 =	vld [tilespmem:s11+$0x1430];
	v10 =	vpop (erf)  }
0x21e: {  	v2 =	vadd.f32 v6, v2;
	v1 =	vsel vm1, v12, v1;
	v6 =	vpop (erf);
	v12 =	vld [tilespmem:s11+$0x1460]  }
0x21f: {  	(erf) = vpow2.f32 v7;
	v3 =	vadd.f32 v10, v3;
	v10 =	vpop (erf);
	vm1 =	veq.s32 v0, v9;
	v9 =	vld [tilespmem:$0x1FEC0]  }
0x220: {  	v7 =	vmul.f32 $1.442695020e+00, v11;
	v4 =	vadd.f32 v6, v4;
	v5 =	vadd.f32 v10, v5;
	v10 =	vld [tilespmem:$0x1FED0];
	v6 =	vpop (erf)  }
0x221: {  	v2 =	vadd.f32 v6, v2;
	v6 =	vld [tilespmem:$0x1FEE0]  }
0x222: {  	(erf) = vpow2.f32 v7;
	v7 =	vld [tilespmem:s11+$0x1450];
	v13 =	vpop (erf)  }
0x223: {  	v3 =	vadd.f32 v13, v3;
	v13 =	vpop (erf);
	v1 =	vsel vm1, v14, v1;
	v14 =	vld [tilespmem:$0x1FEF0]  }
0x224: {  	v4 =	vadd.f32 v13, v4;
	vm1 =	veq.s32 v0, v9;
	v9 =	vld [tilespmem:s11+$0x1440]  }
0x225: {  	v13 =	vld [tilespmem:$0x1FF00];
	v1 =	vsel vm1, v15, v1;
	vm1 =	veq.s32 v0, v10;
	v10 =	vmul.f32 $1.442695020e+00, v8  }
0x226: {  	v1 =	vsel vm1, v17, v1;
	vm1 =	veq.s32 v0, v6;
	v6 =	vld [tilespmem:s11+$0x1470]  }
0x227: {  	(erf) = vpow2.f32 v10;
	v10 =	vld [tilespmem:s11+$0x1800]  }
0x228: {  	v1 =	vsel vm1, v19, v1;
	v19 =	vld [tilespmem:$0x1FF10]  }
0x229: {  	v15 =	vld [tilespmem:s11+$0x1810];
	vm1 =	veq.s32 v0, v14;
	v14 =	vmul.f32 $1.442695020e+00, v9  }
0x22a: {  	v1 =	vsel vm1, v16, v1;
	vm1 =	veq.s32 v0, v13;
	v13 =	vmul.f32 $1.442695020e+00, v7;
	v16 =	vld [tilespmem:s11+$0x1820]  }
0x22b: {  	v17 =	vpop (erf);
	v1 =	vsel vm1, v18, v1;
	v18 =	vld [tilespmem:s11+$0x1830];
	(erf) = vpow2.f32 v14;
	v14 =	vmul.f32 $1.442695020e+00, v12  }
0x22c: {  	s12 =	sand.u32 $0x7, s17;
	v5 =	vadd.f32 v17, v5;
	v17 =	vld [tilespmem:s11+$0x1840];
	(erf) = vpow2.f32 v13;
	v13 =	vmul.f32 $1.442695020e+00, v6  }
0x22d: {  	s12 =	sshll.u32 s12, $0x7;
	vm1 =	veq.s32 v0, v19;
	v19 =	vld [tilespmem:s11+$0x1850];
	(erf) = vpow2.f32 v14;
	v14 =	vmul.f32 $1.442695020e+00, v10  }
0x22e: {  	s12 =	sadd.s32 s12, s13;
	v29 =	vld [tilespmem:$0x1FF50];
	v1 =	vsel vm1, v20, v1;
	v20 =	vpop (erf);
	(erf) = vpow2.f32 v13;
	v13 =	vmul.f32 $1.442695020e+00, v15  }
0x22f: {  	v2 =	vadd.f32 v20, v2;
	v20 =	vld [tilespmem:s11+$0x1870];
	s11 =	sor.u32 $0x1C00, s12;
	(erf) = vpow2.f32 v14;
	v14 =	vmul.f32 $1.442695020e+00, v16  }
0x230: {  	vm1 =	veq.s32 v0, v22;
	v22 =	vld [tilespmem:s11+$0x0];
	s11 =	sor.u32 $0x1C10, s12;
	(erf) = vpow2.f32 v13;
	v13 =	vmul.f32 $1.442695020e+00, v18  }
0x231: {  	v1 =	vsel vm1, v11, v1;
	v11 =	vpop (erf);
	v23 =	vld [tilespmem:s11+$0x0];
	s11 =	sor.u32 $0x1C20, s12;
	(erf) = vpow2.f32 v14;
	v14 =	vmul.f32 $1.442695020e+00, v17  }
0x232: {  	v3 =	vadd.f32 v11, v3;
	v11 =	vmul.f32 $1.442695020e+00, v19;
	(erf) = vpow2.f32 v13;
	v13 =	vld [tilespmem:s11+$0x0];
	s11 =	sor.u32 $0x1C30, s12  }
0x233: {  	vm1 =	veq.s32 v0, v24;
	(erf) = vpow2.f32 v14;
	v14 =	vmul.f32 $1.442695020e+00, v21;
	v24 =	vld [tilespmem:s11+$0x0];
	s11 =	sor.u32 $0x1C40, s12  }
0x234: {  	v1 =	vsel vm1, v8, v1;
	v8 =	vpop (erf);
	(erf) = vpow2.f32 v11;
	v11 =	vmul.f32 $1.442695020e+00, v20;
	v25 =	vld [tilespmem:s11+$0x0];
	s11 =	sor.u32 $0x1C50, s12  }
0x235: {  	v4 =	vadd.f32 v8, v4;
	v8 =	vpop (erf);
	(erf) = vpow2.f32 v14;
	v14 =	vmul.f32 $1.442695020e+00, v22;
	v26 =	vld [tilespmem:s11+$0x0]  }
0x236: {  	vm1 =	veq.s32 v0, v27;
	v27 =	vpop (erf);
	(erf) = vpow2.f32 v11;
	v11 =	vmul.f32 $1.442695020e+00, v23  }
0x237: {  	v1 =	vsel vm1, v9, v1;
	s12 =	sor.u32 $0x1C60, s12;
	v9 =	vpop (erf);
	(erf) = vpow2.f32 v14;
	v14 =	vmul.f32 $1.442695020e+00, v13  }
0x238: {  	v28 =	vld.msk [tilespmem:s12+$0x0], $0xff;
	v5 =	vadd.f32 v8, v5;
	v8 =	vpop (erf);
	(erf) = vpow2.f32 v11;
	v11 =	vmul.f32 $1.442695020e+00, v24  }
0x239: {  	vm1 =	veq.s32 v0, v29;
	v29 =	vpop (erf);
	(erf) = vpow2.f32 v14  }
0x23a: {  	(erf) = vpow2.f32 v11;
	v11 =	vmul.f32 $1.442695020e+00, v26  }
0x23b: {  	v1 =	vsel vm1, v7, v1;
	vm1 =	veq.s32 v0, v59;
	v14 =	vmul.f32 $1.442695020e+00, v25  }
0x23c: {  	v1 =	vsel vm1, v12, v1;
	v7 =	vpop (erf)  }
0x23d: {  	vm1 =	veq.s32 v0, v60;
	v30 =	vpop (erf);
	(erf) = vpow2.f32 v14;
	v14 =	vmul.f32 $1.442695020e+00, v28  }
0x23e: {  	v1 =	vsel vm1, v6, v1;
	(erf) = vpow2.f32 v11;
	v11 =	vpop (erf)  }
0x23f: {  	vm1 =	veq.s32 v0, v61;
	v3 =	vadd.f32 v9, v3;
	(erf) = vpow2.f32 v14;
	v9 =	vpop (erf)  }
0x240: {  	v1 =	vsel vm1, v10, v1;
	vm1 =	veq.s32 v0, v63;
	v2 =	vadd.f32 v27, v2;
	v6 =	vpop (erf)  }
0x241: {  	v1 =	vsel vm1, v15, v1;
	vm1 =	veq.s32 v0, v46;
	v4 =	vadd.f32 v8, v4;
	v8 =	vpop (erf)  }
0x242: {  	v1 =	vsel vm1, v16, v1;
	vm1 =	veq.s32 v0, v47;
	v2 =	vadd.f32 v7, v2;
	v7 =	vpop (erf)  }
0x243: {  	v1 =	vsel vm1, v18, v1;
	vm1 =	veq.s32 v0, v48;
	v5 =	vadd.f32 v29, v5;
	v10 =	vpop (erf)  }
0x244: {  	v1 =	vsel vm1, v17, v1;
	v4 =	vadd.f32 v11, v4;
	v11 =	vpop (erf)  }
0x245: {  	vm1 =	veq.s32 v0, v49;
	v3 =	vadd.f32 v30, v3;
	v5 =	vadd.f32 v9, v5;
	v9 =	vpop (erf)  }
0x246: {  	v1 =	vsel vm1, v19, v1;
	vm1 =	veq.s32 v0, v50;
	v2 =	vadd.f32 v6, v2;
	v6 =	vpop (erf)  }
0x247: {  	v1 =	vsel vm1, v21, v1;
	vm1 =	veq.s32 v0, v51;
	v3 =	vadd.f32 v8, v3;
	v8 =	vpop (erf)  }
0x248: {  	v1 =	vsel vm1, v20, v1;
	vm1 =	veq.s32 v0, v52;
	v4 =	vadd.f32 v7, v4;
	v7 =	vpop (erf)  }
0x249: {  	v1 =	vsel vm1, v22, v1;
	vm1 =	veq.s32 v0, v53;
	v7 =	vperm.xlane v7, v62  }
0x24a: {  	v1 =	vsel vm1, v23, v1;
	v5 =	vadd.f32 v10, v5;
	v3 =	vadd.f32 v9, v3  }
0x24b: {  	v2 =	vadd.f32 v11, v2;
	v4 =	vadd.f32 v6, v4;
	v9 =	vsel vm0, $0x0, v7  }
0x24c: {  	vm1 =	veq.s32 v0, v54;
	v5 =	vadd.f32 v8, v5;
	v3 =	vadd.f32 v9, v3  }
0x24d: {  	v15 =	vmovc v31;
	v16 =	vmovc v32;
	v27 =	vmov v42;
	v1 =	vsel vm1, v13, v1;
	vm1 =	veq.s32 v0, v55  }
0x24e: {  	p1 =	sne.s32 s16, $0xF80;
	v17 =	vmovc v33;
	v1 =	vsel vm1, v24, v1;
	v4 =	vadd.f32 v5, v4;
	v2 =	vadd.f32 v3, v2  }
.Ltmp3:
0x24f: {  	v19 =	vmovc v34;
	vm1 =	veq.s32 v0, v56;
	v10 =	vperm.xlane v26, v62;
	v11 =	vperm.xlane v28, v62;
	(pc) =	sbr.rel @p1 .LBB2_9-.Ltmp3, $4  }
0x250: {  	v29 =	vmovc v44;
	v1 =	vsel vm1, v25, v1;
	vm1 =	veq.s32 v0, v57;
	v2 =	vadd.f32 v2, v4  }
0x251: {  	s1 =	sadd.s32 $0x400, s1;
	v21 =	vmovc v36;
	v1 =	vsel vm1, v26, v1;
	vm1 =	veq.s32 v0, v58;
	v3 =	vsel vm0, v10, v11  }
0x252: {  	s16 =	sadd.s32 $0x80, s16;
	s17 =	sadd.s32 $0x1, s17;
	s13 =	sadd.s32 $0x400, s13;
	v20 =	vmovc v35;
	v30 =	vmovc v45;
	v22 =	vmov v37;
	v23 =	vmov v38;
	v0 =	vsel vm1, v3, v1;
	[tilespmem:s0+$0x0] =	vst v2  }
0x253: {  	s30 =	sadd.s32 $0x80, s30;
	v14 =	vlaneseq.u32;
	v24 =	vmovc v39;
	v25 =	vmovc v40;
	v26 =	vmov v41;
	v28 =	vmov v43;
	s0 =	sadd.s32 $0x80, s0;
	[tilespmem:s31+$0x0] =	vst v0;
	s31 =	sadd.s32 $0x80, s31  }
0x254: {  	s0 =	sor.u32 s3, s29  }
0x255: {  	s0 =	sshll.u32 s0, $0x4  }
0x256: {  	s1 =	sadd.s32 s8, s0  }
0x257: {  	[hbm4b:s1+s2] =	stream.linear.scatter [tilespmem:s21], [sflag:$0x3], $0x1000, $0x38;
	[tilespmem:$0x16000] =	vst v63  }
0x258: {  	_ =	swait.ge [sflag:s18], $0x1000  }
0x259: {  	[sflag:s18] =	ssyncset.done $0x0  }
0x25a: {  	s0 =	sadd.s32 s10, s0;
	[sflag:s18] =	ssyncadd.s32 $0xFFFFF000  }
0x25b: {  	[hbm4b:s0+s2] =	stream.linear.scatter [tilespmem:s22], [sflag:$0x3], $0x1000, $0x38;
	[tilespmem:$0x16000] =	vst v63  }
0x25c: {  	_ =	swait.ge [sflag:s18], $0x1000  }
0x25d: {  	[sflag:s18] =	ssyncset.done $0x0  }
0x25e: {  	s28 =	sadd.s32 $0x11000, s28;
	s0 =	simm.s32 @p0 $0x0;
	[sflag:s18] =	ssyncadd.s32 $0xFFFFF000  }
0x25f: {  	[tilespmem:s0], [sflag:$0x1] =	stream.linear.gather @p0 [hbm4b:s15+s0], $0x8000, $0x38;
	[tilespmem:$0x16000] =	vst v63  }
0x260: {  	s29 =	simm.s32 $0x0;
	s17 =	simm.s32 $0xFFFF8000;
	_ =	swait.ge [sflag:s23], $0x8000  }
0x261: {  	s13 =	simm.s32 $0x0;
	s16 =	simm.s32 $0x0;
	[sflag:s23] =	ssyncset.done $0x0  }
0x262: {  	s1 =	simm.s32 $0x14000;
	s0 =	simm.s32 $0x15000;
	[sflag:s23] =	ssyncadd.s32 $0xFFFF8000  }
.LBB2_11:
0x263: {  	s11 =	sadd.s32 $0x8000, s17  }
0x264: {  	s12 =	sand.u32 $0x380, s16;
	s11 =	sand.u32 $0x6000, s11  }
0x265: {  	s11 =	sor.u32 s12, s11  }
0x266: {  	v1 =	vld [tilespmem:s11+$0x8000]  }
0x267: {  	v2 =	vld [tilespmem:s11+$0x8010];
	_ =	sdelay $0x2  }
0x268: {  	v3 =	vld [tilespmem:s11+$0x8020]  }
0x269: {  	v5 =	vld [tilespmem:s11+$0x8030];
	v0 =	vmul.f32 $1.442695020e+00, v1  }
0x26a: {  	v6 =	vld [tilespmem:s11+$0x8040];
	v4 =	vmul.f32 $1.442695020e+00, v2  }
0x26b: {  	(erf) = vpow2.f32 v0;
	v0 =	vld [tilespmem:s28+$0x0]  }
0x26c: {  	(erf) = vpow2.f32 v4  }
0x26d: {  	v7 =	vmul.f32 $1.442695020e+00, v3;
	v4 =	vld [tilespmem:s11+$0x8050]  }
0x26e: {  	v8 =	vld [tilespmem:s11+$0x8060];
	v9 =	vmul.f32 $1.442695020e+00, v5  }
0x26f: {  	(erf) = vpow2.f32 v7;
	v7 =	vmul.f32 $1.442695020e+00, v6  }
0x270: {  	v10 =	vld [tilespmem:s11+$0x8400];
	(erf) = vpow2.f32 v9;
	vm1 =	veq.s32 v0, v14  }
0x271: {  	v9 =	vld [tilespmem:s11+$0x8070];
	(erf) = vpow2.f32 v7;
	v1 =	vnsel vm1, $0x0, v1;
	vm1 =	veq.s32 v0, v15  }
0x272: {  	v12 =	vld [tilespmem:s11+$0x8410];
	v7 =	vmul.f32 $1.442695020e+00, v4;
	v1 =	vsel vm1, v2, v1;
	vm1 =	veq.s32 v0, v16  }
0x273: {  	v11 =	vmul.f32 $1.442695020e+00, v8;
	v1 =	vsel vm1, v3, v1;
	vm1 =	veq.s32 v0, v17  }
0x274: {  	(erf) = vpow2.f32 v7;
	v7 =	vld [tilespmem:s11+$0x8420];
	v13 =	vpop (erf);
	v1 =	vsel vm1, v5, v1;
	vm1 =	veq.s32 v0, v19  }
0x275: {  	v2 =	vmul.f32 $1.442695020e+00, v10;
	(erf) = vpow2.f32 v11;
	v14 =	vpop (erf);
	v1 =	vsel vm1, v6, v1  }
0x276: {  	v15 =	vld [tilespmem:s11+$0x8430];
	vm1 =	veq.s32 v0, v20;
	v11 =	vadd.f32 $0.0e+00, v14;
	v14 =	vmul.f32 $1.442695020e+00, v9  }
0x277: {  	v3 =	vmul.f32 $1.442695020e+00, v12;
	v1 =	vsel vm1, v4, v1;
	vm1 =	veq.s32 v0, v21  }
0x278: {  	v13 =	vadd.f32 $0.0e+00, v13;
	v1 =	vsel vm1, v8, v1;
	(erf) = vpow2.f32 v14;
	v14 =	vld [tilespmem:s11+$0x8440]  }
0x279: {  	v17 =	vld [tilespmem:s11+$0x8450];
	v16 =	vpop (erf);
	vm1 =	veq.s32 v0, v22;
	(erf) = vpow2.f32 v2;
	v2 =	vmul.f32 $1.442695020e+00, v7  }
0x27a: {  	v16 =	vadd.f32 $0.0e+00, v16;
	v18 =	vpop (erf);
	v1 =	vsel vm1, v9, v1;
	(erf) = vpow2.f32 v3;
	v3 =	vld [tilespmem:s11+$0x8460]  }
0x27b: {  	v19 =	vld [tilespmem:s11+$0x8470];
	v5 =	vpop (erf);
	vm1 =	veq.s32 v0, v23;
	(erf) = vpow2.f32 v2;
	v2 =	vmul.f32 $1.442695020e+00, v15  }
0x27c: {  	v5 =	vadd.f32 v5, v13;
	v1 =	vsel vm1, v10, v1;
	vm1 =	veq.s32 v0, v24  }
0x27d: {  	v1 =	vsel vm1, v12, v1;
	v6 =	vpop (erf);
	(erf) = vpow2.f32 v2;
	v2 =	vmul.f32 $1.442695020e+00, v14  }
0x27e: {  	vm1 =	veq.s32 v0, v25;
	v6 =	vadd.f32 v6, v11;
	v11 =	vmul.f32 $1.442695020e+00, v17  }
0x27f: {  	v1 =	vsel vm1, v7, v1;
	v4 =	vpop (erf);
	(erf) = vpow2.f32 v2;
	v2 =	vmul.f32 $1.442695020e+00, v3  }
0x280: {  	v13 =	vld [tilespmem:s11+$0x8800];
	vm1 =	veq.s32 v0, v26;
	(erf) = vpow2.f32 v11;
	v11 =	vmul.f32 $1.442695020e+00, v19  }
0x281: {  	v20 =	vld [tilespmem:$0x1FD80];
	v1 =	vsel vm1, v15, v1;
	vm1 =	veq.s32 v0, v27;
	v8 =	vpop (erf);
	(erf) = vpow2.f32 v2  }
0x282: {  	v1 =	vsel vm1, v14, v1;
	vm1 =	veq.s32 v0, v28;
	v2 =	vld [tilespmem:s11+$0x8810];
	v9 =	vpop (erf);
	(erf) = vpow2.f32 v11  }
0x283: {  	v18 =	vadd.f32 $0.0e+00, v18;
	v1 =	vsel vm1, v17, v1;
	vm1 =	veq.s32 v0, v29;
	v11 =	vld [tilespmem:s11+$0x8820]  }
0x284: {  	v4 =	vadd.f32 v4, v16;
	v1 =	vsel vm1, v3, v1;
	vm1 =	veq.s32 v0, v30  }
0x285: {  	v10 =	vmul.f32 $1.442695020e+00, v13;
	v1 =	vsel vm1, v19, v1;
	v5 =	vadd.f32 v9, v5;
	v9 =	vpop (erf)  }
0x286: {  	v12 =	vld [tilespmem:s11+$0x8840];
	vm1 =	veq.s32 v0, v20;
	v8 =	vadd.f32 v8, v18;
	v6 =	vadd.f32 v9, v6;
	v9 =	vpop (erf)  }
0x287: {  	(erf) = vpow2.f32 v10;
	v10 =	vld [tilespmem:s11+$0x8830];
	v4 =	vadd.f32 v9, v4;
	v7 =	vpop (erf);
	v9 =	vmul.f32 $1.442695020e+00, v2  }
0x288: {  	v1 =	vsel vm1, v13, v1;
	v13 =	vld [tilespmem:$0x1FD90];
	v7 =	vadd.f32 v7, v8;
	v8 =	vmul.f32 $1.442695020e+00, v11;
	v15 =	vpop (erf)  }
0x289: {  	(erf) = vpow2.f32 v9;
	v9 =	vld [tilespmem:s11+$0x8850];
	v14 =	vpop (erf)  }
0x28a: {  	(erf) = vpow2.f32 v8;
	v8 =	vld [tilespmem:s11+$0x8860];
	v6 =	vadd.f32 v14, v6;
	v14 =	vpop (erf)  }
0x28b: {  	v5 =	vadd.f32 v15, v5;
	v15 =	vld [tilespmem:s11+$0x8870];
	v4 =	vadd.f32 v14, v4;
	v14 =	vpop (erf)  }
0x28c: {  	v16 =	vmul.f32 $1.442695020e+00, v10;
	v3 =	vadd.f32 v14, v7;
	v14 =	vld [tilespmem:s11+$0x8C00]  }
0x28d: {  	v7 =	vmul.f32 $1.442695020e+00, v12  }
0x28e: {  	(erf) = vpow2.f32 v16;
	v16 =	vmul.f32 $1.442695020e+00, v9  }
0x28f: {  	(erf) = vpow2.f32 v7;
	v7 =	vmul.f32 $1.442695020e+00, v8  }
0x290: {  	(erf) = vpow2.f32 v16;
	v16 =	vmul.f32 $1.442695020e+00, v15  }
0x291: {  	vm1 =	veq.s32 v0, v13;
	(erf) = vpow2.f32 v7;
	v13 =	vmul.f32 $1.442695020e+00, v14  }
0x292: {  	(erf) = vpow2.f32 v16  }
0x293: {  	(erf) = vpow2.f32 v13;
	v13 =	vld [tilespmem:$0x1FDA0];
	_ =	sdelay $0x4  }
0x294: {  	v1 =	vsel vm1, v2, v1;
	vm1 =	veq.s32 v0, v13  }
0x295: {  	v1 =	vsel vm1, v11, v1;
	v11 =	vld [tilespmem:$0x1FDB0];
	_ =	sdelay $0x4  }
0x296: {  	vm1 =	veq.s32 v0, v11  }
0x297: {  	v1 =	vsel vm1, v10, v1;
	v10 =	vld [tilespmem:$0x1FDC0]  }
0x298: {  	v17 =	vld [tilespmem:s11+$0x8C10]  }
0x299: {  	v18 =	vld [tilespmem:s11+$0x8C20]  }
0x29a: {  	v20 =	vld [tilespmem:s11+$0x8C30]  }
0x29b: {  	v19 =	vpop (erf)  }
0x29c: {  	v7 =	vpop (erf);
	vm1 =	veq.s32 v0, v10;
	v10 =	vld [tilespmem:$0x1FDD0]  }
0x29d: {  	v16 =	vld [tilespmem:s11+$0x8C40];
	v6 =	vadd.f32 v7, v6;
	v2 =	vpop (erf);
	v7 =	vmul.f32 $1.442695020e+00, v17  }
0x29e: {  	v2 =	vadd.f32 v2, v4;
	v4 =	vmul.f32 $1.442695020e+00, v18  }
0x29f: {  	(erf) = vpow2.f32 v7;
	v7 =	vmul.f32 $1.442695020e+00, v20  }
0x2a0: {  	v5 =	vadd.f32 v19, v5  }
0x2a1: {  	v13 =	vld [tilespmem:s11+$0x8C50];
	v1 =	vsel vm1, v12, v1;
	vm1 =	veq.s32 v0, v10  }
0x2a2: {  	(erf) = vpow2.f32 v4;
	v4 =	vpop (erf);
	v10 =	vmul.f32 $1.442695020e+00, v16;
	v1 =	vsel vm1, v9, v1;
	v9 =	vld [tilespmem:$0x1FDE0]  }
0x2a3: {  	(erf) = vpow2.f32 v7;
	v7 =	vpop (erf)  }
0x2a4: {  	v3 =	vadd.f32 v4, v3;
	v4 =	vadd.f32 v7, v5;
	v5 =	vpop (erf)  }
0x2a5: {  	v7 =	vpop (erf)  }
0x2a6: {  	(erf) = vpow2.f32 v10;
	v10 =	vpop (erf)  }
0x2a7: {  	v3 =	vadd.f32 v10, v3;
	v10 =	vld [tilespmem:$0x1FDF0];
	vm1 =	veq.s32 v0, v9;
	v9 =	vmul.f32 $1.442695020e+00, v13  }
0x2a8: {  	v11 =	vld [tilespmem:s11+$0x8C60]  }
0x2a9: {  	(erf) = vpow2.f32 v9;
	v9 =	vld [tilespmem:$0x1FE00]  }
0x2aa: {  	v5 =	vadd.f32 v5, v6;
	v2 =	vadd.f32 v7, v2;
	v7 =	vld [tilespmem:s11+$0x8C70];
	v1 =	vsel vm1, v8, v1;
	v8 =	vpop (erf)  }
0x2ab: {  	v12 =	vld [tilespmem:$0x1FE10];
	v4 =	vadd.f32 v8, v4;
	v8 =	vpop (erf)  }
0x2ac: {  	v5 =	vadd.f32 v8, v5;
	v8 =	vpop (erf);
	vm1 =	veq.s32 v0, v10;
	v10 =	vld [tilespmem:s11+$0x9010]  }
0x2ad: {  	v2 =	vadd.f32 v8, v2;
	v8 =	vld [tilespmem:$0x1FE20]  }
0x2ae: {  	v6 =	vld [tilespmem:s11+$0x9000];
	v1 =	vsel vm1, v15, v1;
	vm1 =	veq.s32 v0, v9;
	v9 =	vmul.f32 $1.442695020e+00, v11  }
0x2af: {  	v1 =	vsel vm1, v14, v1  }
0x2b0: {  	vm1 =	veq.s32 v0, v12;
	(erf) = vpow2.f32 v9;
	v9 =	vmul.f32 $1.442695020e+00, v7  }
0x2b1: {  	v1 =	vsel vm1, v17, v1  }
0x2b2: {  	v15 =	vld [tilespmem:s11+$0x9040];
	vm1 =	veq.s32 v0, v8;
	v8 =	vpop (erf);
	(erf) = vpow2.f32 v9;
	v9 =	vmul.f32 $1.442695020e+00, v10  }
0x2b3: {  	v17 =	vld [tilespmem:$0x1FE30];
	v3 =	vadd.f32 v8, v3;
	v8 =	vmul.f32 $1.442695020e+00, v6  }
0x2b4: {  	v12 =	vld [tilespmem:s11+$0x9020]  }
0x2b5: {  	v14 =	vld [tilespmem:s11+$0x9030];
	v1 =	vsel vm1, v18, v1;
	v18 =	vpop (erf);
	(erf) = vpow2.f32 v8  }
0x2b6: {  	v4 =	vadd.f32 v18, v4;
	v18 =	vld [tilespmem:$0x1FE40];
	(erf) = vpow2.f32 v9;
	v9 =	vpop (erf)  }
0x2b7: {  	v5 =	vadd.f32 v9, v5;
	v9 =	vld [tilespmem:$0x1FE50]  }
0x2b8: {  	vm1 =	veq.s32 v0, v17;
	v17 =	vld [tilespmem:s11+$0x9050]  }
0x2b9: {  	v8 =	vmul.f32 $1.442695020e+00, v12  }
0x2ba: {  	v1 =	vsel vm1, v20, v1  }
0x2bb: {  	(erf) = vpow2.f32 v8;
	v8 =	vmul.f32 $1.442695020e+00, v14;
	vm1 =	veq.s32 v0, v18  }
0x2bc: {  	v19 =	vld [tilespmem:s11+$0x9060];
	v1 =	vsel vm1, v16, v1;
	vm1 =	veq.s32 v0, v9;
	v9 =	vmul.f32 $1.442695020e+00, v15  }
0x2bd: {  	v20 =	vld [tilespmem:$0x1FE60];
	(erf) = vpow2.f32 v8;
	v8 =	vmul.f32 $1.442695020e+00, v17  }
0x2be: {  	v16 =	vld [tilespmem:s11+$0x9070];
	(erf) = vpow2.f32 v9  }
0x2bf: {  	v1 =	vsel vm1, v13, v1;
	v13 =	vpop (erf);
	(erf) = vpow2.f32 v8;
	v8 =	vld [tilespmem:$0x1FE70];
	_ =	sdelay $0x1  }
0x2c0: {  	v9 =	vmul.f32 $1.442695020e+00, v19;
	_ =	sdelay $0x1  }
0x2c1: {  	vm1 =	veq.s32 v0, v20  }
0x2c2: {  	v18 =	vld [tilespmem:s11+$0x9400];
	v1 =	vsel vm1, v11, v1;
	vm1 =	veq.s32 v0, v8;
	v8 =	vmul.f32 $1.442695020e+00, v16  }
0x2c3: {  	v11 =	vld [tilespmem:$0x1FE80];
	(erf) = vpow2.f32 v9;
	v9 =	vpop (erf)  }
0x2c4: {  	v3 =	vadd.f32 v9, v3;
	v9 =	vpop (erf);
	(erf) = vpow2.f32 v8;
	v8 =	vld [tilespmem:$0x1FE90]  }
0x2c5: {  	v4 =	vadd.f32 v9, v4;
	v9 =	vld [tilespmem:$0x1FEA0];
	_ =	sdelay $0x1  }
0x2c6: {  	v21 =	vld [tilespmem:s11+$0x9860]  }
0x2c7: {  	s30 =	sand.u32 $0x7, s29;
	v20 =	vld [tilespmem:s11+$0x9410];
	v1 =	vsel vm1, v7, v1;
	vm1 =	veq.s32 v0, v11;
	v7 =	vmul.f32 $1.442695020e+00, v18  }
0x2c8: {  	s12 =	sshll.u32 s30, $0x7;
	v22 =	vld [tilespmem:$0x1FF20];
	v1 =	vsel vm1, v6, v1;
	vm1 =	veq.s32 v0, v8  }
0x2c9: {  	s12 =	sadd.s32 s12, s13;
	(erf) = vpow2.f32 v7;
	v1 =	vsel vm1, v10, v1;
	vm1 =	veq.s32 v0, v9;
	v9 =	vld [tilespmem:$0x1FEB0]  }
0x2ca: {  	s30 =	sor.u32 $0x1C10, s12;
	v11 =	vld [tilespmem:s11+$0x9420];
	v6 =	vpop (erf)  }
0x2cb: {  	v23 =	vld [tilespmem:s30+$0x8000];
	v2 =	vadd.f32 v13, v2;
	v5 =	vadd.f32 v6, v5;
	v6 =	vpop (erf)  }
0x2cc: {  	v7 =	vmul.f32 $1.442695020e+00, v20;
	v8 =	vld [tilespmem:s11+$0x9430];
	v10 =	vpop (erf)  }
0x2cd: {  	v2 =	vadd.f32 v6, v2;
	v1 =	vsel vm1, v12, v1;
	v6 =	vpop (erf);
	v12 =	vld [tilespmem:s11+$0x9460]  }
0x2ce: {  	(erf) = vpow2.f32 v7;
	v3 =	vadd.f32 v10, v3;
	v10 =	vpop (erf);
	vm1 =	veq.s32 v0, v9;
	v9 =	vld [tilespmem:$0x1FEC0]  }
0x2cf: {  	v7 =	vmul.f32 $1.442695020e+00, v11;
	v4 =	vadd.f32 v6, v4;
	v5 =	vadd.f32 v10, v5;
	v10 =	vld [tilespmem:$0x1FED0];
	v6 =	vpop (erf)  }
0x2d0: {  	v2 =	vadd.f32 v6, v2;
	v6 =	vld [tilespmem:$0x1FEE0]  }
0x2d1: {  	(erf) = vpow2.f32 v7;
	v7 =	vld [tilespmem:s11+$0x9450];
	v13 =	vpop (erf)  }
0x2d2: {  	v3 =	vadd.f32 v13, v3;
	v13 =	vpop (erf);
	v1 =	vsel vm1, v14, v1;
	v14 =	vld [tilespmem:$0x1FEF0]  }
0x2d3: {  	v4 =	vadd.f32 v13, v4;
	vm1 =	veq.s32 v0, v9;
	v9 =	vld [tilespmem:s11+$0x9440]  }
0x2d4: {  	v13 =	vld [tilespmem:$0x1FF00];
	v1 =	vsel vm1, v15, v1;
	vm1 =	veq.s32 v0, v10;
	v10 =	vmul.f32 $1.442695020e+00, v8  }
0x2d5: {  	v1 =	vsel vm1, v17, v1;
	vm1 =	veq.s32 v0, v6;
	v6 =	vld [tilespmem:s11+$0x9470]  }
0x2d6: {  	(erf) = vpow2.f32 v10;
	v10 =	vld [tilespmem:s11+$0x9800]  }
0x2d7: {  	v1 =	vsel vm1, v19, v1;
	v19 =	vld [tilespmem:$0x1FF10]  }
0x2d8: {  	v15 =	vld [tilespmem:s11+$0x9810];
	vm1 =	veq.s32 v0, v14;
	v14 =	vmul.f32 $1.442695020e+00, v9  }
0x2d9: {  	v1 =	vsel vm1, v16, v1;
	vm1 =	veq.s32 v0, v13;
	v13 =	vmul.f32 $1.442695020e+00, v7;
	v16 =	vld [tilespmem:s11+$0x9820]  }
0x2da: {  	v17 =	vpop (erf);
	v1 =	vsel vm1, v18, v1;
	v18 =	vld [tilespmem:s11+$0x9830];
	(erf) = vpow2.f32 v14;
	v14 =	vmul.f32 $1.442695020e+00, v12  }
0x2db: {  	v5 =	vadd.f32 v17, v5;
	v17 =	vld [tilespmem:s11+$0x9840];
	(erf) = vpow2.f32 v13;
	v13 =	vmul.f32 $1.442695020e+00, v6  }
0x2dc: {  	vm1 =	veq.s32 v0, v19;
	v19 =	vld [tilespmem:s11+$0x9850];
	(erf) = vpow2.f32 v14;
	v14 =	vmul.f32 $1.442695020e+00, v10  }
0x2dd: {  	v24 =	vld [tilespmem:$0x1FF30];
	v1 =	vsel vm1, v20, v1;
	v20 =	vpop (erf);
	(erf) = vpow2.f32 v13;
	v13 =	vmul.f32 $1.442695020e+00, v15  }
0x2de: {  	s31 =	sor.u32 $0x1C00, s12;
	v2 =	vadd.f32 v20, v2;
	v20 =	vld [tilespmem:s11+$0x9870];
	(erf) = vpow2.f32 v14;
	v14 =	vmul.f32 $1.442695020e+00, v16  }
0x2df: {  	vm1 =	veq.s32 v0, v22;
	v22 =	vld [tilespmem:s31+$0x8000];
	(erf) = vpow2.f32 v13;
	v13 =	vmul.f32 $1.442695020e+00, v18  }
0x2e0: {  	v27 =	vld [tilespmem:$0x1FF40];
	s31 =	sor.u32 $0x1C20, s12;
	v1 =	vsel vm1, v11, v1;
	v11 =	vpop (erf);
	(erf) = vpow2.f32 v14;
	v14 =	vmul.f32 $1.442695020e+00, v17  }
0x2e1: {  	s30 =	sor.u32 $0x1C30, s12;
	v3 =	vadd.f32 v11, v3;
	v11 =	vmul.f32 $1.442695020e+00, v19;
	(erf) = vpow2.f32 v13;
	v13 =	vld [tilespmem:s31+$0x8000]  }
0x2e2: {  	vm1 =	veq.s32 v0, v24;
	v24 =	vld [tilespmem:s30+$0x8000];
	(erf) = vpow2.f32 v14;
	v14 =	vmul.f32 $1.442695020e+00, v21  }
0x2e3: {  	v29 =	vld [tilespmem:$0x1FF50];
	s30 =	sor.u32 $0x1C50, s12;
	v1 =	vsel vm1, v8, v1;
	v8 =	vpop (erf);
	(erf) = vpow2.f32 v11;
	v11 =	vmul.f32 $1.442695020e+00, v20  }
0x2e4: {  	v26 =	vld [tilespmem:s30+$0x8000];
	s31 =	sor.u32 $0x1C40, s12;
	v4 =	vadd.f32 v8, v4;
	v8 =	vpop (erf);
	(erf) = vpow2.f32 v14;
	v14 =	vmul.f32 $1.442695020e+00, v22  }
0x2e5: {  	vm1 =	veq.s32 v0, v27;
	v25 =	vld [tilespmem:s31+$0x8000];
	v27 =	vpop (erf);
	(erf) = vpow2.f32 v11;
	v11 =	vmul.f32 $1.442695020e+00, v23  }
0x2e6: {  	v1 =	vsel vm1, v9, v1;
	s31 =	sor.u32 $0x1C60, s12;
	v9 =	vpop (erf);
	(erf) = vpow2.f32 v14;
	v14 =	vmul.f32 $1.442695020e+00, v13  }
0x2e7: {  	v28 =	vld.msk [tilespmem:s31+$0x8000], $0xff;
	v5 =	vadd.f32 v8, v5;
	v8 =	vpop (erf);
	(erf) = vpow2.f32 v11;
	v11 =	vmul.f32 $1.442695020e+00, v24  }
0x2e8: {  	vm1 =	veq.s32 v0, v29;
	v29 =	vpop (erf);
	(erf) = vpow2.f32 v14  }
0x2e9: {  	(erf) = vpow2.f32 v11;
	v11 =	vmul.f32 $1.442695020e+00, v26  }
0x2ea: {  	v1 =	vsel vm1, v7, v1;
	vm1 =	veq.s32 v0, v59;
	v14 =	vmul.f32 $1.442695020e+00, v25  }
0x2eb: {  	v1 =	vsel vm1, v12, v1;
	v7 =	vpop (erf)  }
0x2ec: {  	vm1 =	veq.s32 v0, v60;
	v30 =	vpop (erf);
	(erf) = vpow2.f32 v14;
	v14 =	vmul.f32 $1.442695020e+00, v28  }
0x2ed: {  	v1 =	vsel vm1, v6, v1;
	(erf) = vpow2.f32 v11;
	v11 =	vpop (erf)  }
0x2ee: {  	vm1 =	veq.s32 v0, v61;
	v3 =	vadd.f32 v9, v3;
	(erf) = vpow2.f32 v14;
	v9 =	vpop (erf)  }
0x2ef: {  	v1 =	vsel vm1, v10, v1;
	vm1 =	veq.s32 v0, v63;
	v2 =	vadd.f32 v27, v2;
	v6 =	vpop (erf)  }
0x2f0: {  	v1 =	vsel vm1, v15, v1;
	vm1 =	veq.s32 v0, v46;
	v4 =	vadd.f32 v8, v4;
	v8 =	vpop (erf)  }
0x2f1: {  	v1 =	vsel vm1, v16, v1;
	vm1 =	veq.s32 v0, v47;
	v2 =	vadd.f32 v7, v2;
	v7 =	vpop (erf)  }
0x2f2: {  	v1 =	vsel vm1, v18, v1;
	vm1 =	veq.s32 v0, v48;
	v5 =	vadd.f32 v29, v5;
	v10 =	vpop (erf)  }
0x2f3: {  	v1 =	vsel vm1, v17, v1;
	v4 =	vadd.f32 v11, v4;
	v11 =	vpop (erf)  }
0x2f4: {  	vm1 =	veq.s32 v0, v49;
	v3 =	vadd.f32 v30, v3;
	v5 =	vadd.f32 v9, v5;
	v9 =	vpop (erf)  }
0x2f5: {  	v1 =	vsel vm1, v19, v1;
	vm1 =	veq.s32 v0, v50;
	v2 =	vadd.f32 v6, v2;
	v6 =	vpop (erf)  }
0x2f6: {  	v1 =	vsel vm1, v21, v1;
	vm1 =	veq.s32 v0, v51;
	v3 =	vadd.f32 v8, v3;
	v8 =	vpop (erf)  }
0x2f7: {  	v1 =	vsel vm1, v20, v1;
	vm1 =	veq.s32 v0, v52;
	v4 =	vadd.f32 v7, v4;
	v7 =	vpop (erf)  }
0x2f8: {  	v1 =	vsel vm1, v22, v1;
	vm1 =	veq.s32 v0, v53;
	v7 =	vperm.xlane v7, v62  }
0x2f9: {  	v1 =	vsel vm1, v23, v1;
	v5 =	vadd.f32 v10, v5;
	v3 =	vadd.f32 v9, v3  }
0x2fa: {  	v2 =	vadd.f32 v11, v2;
	v4 =	vadd.f32 v6, v4;
	v9 =	vsel vm0, $0x0, v7  }
0x2fb: {  	vm1 =	veq.s32 v0, v54;
	v5 =	vadd.f32 v8, v5;
	v3 =	vadd.f32 v9, v3  }
0x2fc: {  	v15 =	vmovc v31;
	v16 =	vmovc v32;
	v27 =	vmov v42;
	v1 =	vsel vm1, v13, v1;
	vm1 =	veq.s32 v0, v55  }
0x2fd: {  	p1 =	sne.s32 s16, $0xF80;
	v17 =	vmovc v33;
	v1 =	vsel vm1, v24, v1;
	v4 =	vadd.f32 v5, v4;
	v2 =	vadd.f32 v3, v2  }
.Ltmp4:
0x2fe: {  	v19 =	vmovc v34;
	vm1 =	veq.s32 v0, v56;
	v10 =	vperm.xlane v26, v62;
	v11 =	vperm.xlane v28, v62;
	(pc) =	sbr.rel @p1 .LBB2_11-.Ltmp4, $4  }
0x2ff: {  	v29 =	vmovc v44;
	v1 =	vsel vm1, v25, v1;
	vm1 =	veq.s32 v0, v57;
	v2 =	vadd.f32 v2, v4  }
0x300: {  	s29 =	sadd.s32 $0x1, s29;
	v21 =	vmovc v36;
	v1 =	vsel vm1, v26, v1;
	vm1 =	veq.s32 v0, v58;
	v3 =	vsel vm0, v10, v11  }
0x301: {  	s17 =	sadd.s32 $0x400, s17;
	s16 =	sadd.s32 $0x80, s16;
	s13 =	sadd.s32 $0x400, s13;
	v20 =	vmovc v35;
	v30 =	vmovc v45;
	v22 =	vmov v37;
	v23 =	vmov v38;
	v0 =	vsel vm1, v3, v1;
	[tilespmem:s1+$0x0] =	vst v2  }
0x302: {  	s28 =	sadd.s32 $0x80, s28;
	v14 =	vlaneseq.u32;
	v24 =	vmovc v39;
	v25 =	vmovc v40;
	v26 =	vmov v41;
	v28 =	vmov v43;
	s1 =	sadd.s32 $0x80, s1;
	[tilespmem:s0+$0x0] =	vst v0;
	s0 =	sadd.s32 $0x80, s0  }
0x303: {  	s0 =	sor.u32 s3, s26  }
0x304: {  	s0 =	sshll.u32 s0, $0x4  }
0x305: {  	s1 =	sadd.s32 s8, s0  }
0x306: {  	[hbm4b:s1+s2] =	stream.linear.scatter [tilespmem:s21], [sflag:$0x3], $0x1000, $0x38;
	[tilespmem:$0x16000] =	vst v63  }
0x307: {  	_ =	swait.ge [sflag:s18], $0x1000  }
0x308: {  	[sflag:s18] =	ssyncset.done $0x0  }
.Ltmp5:
0x309: {  	s0 =	sadd.s32 s10, s0;
	[sflag:s18] =	ssyncadd.s32 $0xFFFFF000;
	(pc) =	sbr.rel @p0 .LBB2_8-.Ltmp5, $4  }
0x30a: {  	[hbm4b:s0+s2] =	stream.linear.scatter [tilespmem:s22], [sflag:$0x3], $0x1000, $0x38;
	[tilespmem:$0x16000] =	vst v63  }
0x30b: {  	_ =	swait.ge [sflag:s18], $0x1000  }
0x30c: {  	[sflag:s18] =	ssyncset.done $0x0  }
0x30d: {  	s29 =	simm.s32 $0x40;
	p1 =	por $0x0, $0x0;
	[sflag:s18] =	ssyncadd.s32 $0xFFFFF000  }
0x30e: {  	s24 =	sadd.s32 $0x1, s24;
	s0 =	rddreg [dreg:$0x5]  }
0x30f: {  	p0 =	sne.s32 s24, s0  }
.Ltmp6:
0x310: {  	_ = 	snop;
	(pc) =	sbr.rel @p0 .LBB2_1-.Ltmp6, $3  }
0x311: {  	_ =	sdelay $0x1  }
0x312: {  	v12 =	vmov v60;
	v18 =	vmov v48  }
0x313: {  	v7 =	vmovc v55;
	v8 =	vmovc v56;
	v6 =	vmov v54;
	v4 =	vmov v57;
	v5 =	vmov v58  }
0x314: {  	_ =	sfence.sel $0x180000  }
0x315: {  	[bflag:$0x0] =	sbarrier.arrive $0xFFFF  }
0x316: {  	_ =	strace $0x90000047  }
0x317: {  	s0 =	stileid.u32;
	[bflag:$0x2] =	sbarrier.arrive $0xFFFF  }
0x318: {  	p0 =	sne.s32 s0, $0x0;
	s0 =	rddreg [dreg:$0x1]  }
0x319: {  	s0 =	sadd.s32 @!p0 $0x100000, s0  }
0x31a: {  	[sflag:s0] =	ssyncadd.tile.s32 @!p0 $0x1;
	_ =	shalt  }
.Lfunc_end2:
_tile_overlayer_lowered:
.L_overlay_start_2:
0x31b: {  	(tag) =	ssettag $0x2  }
0x31c: {  	s0 =	rddreg [dreg:$0x0];
	s2 =	stileid.u32  }
0x31d: {  	s1 =	rddreg [dreg:$0x1];
	p0 =	sne.s32 s2, $0x0  }
0x31e: {  	s3 =	rddreg [dreg:$0x2];
	[bflag:$0x3] =	sbarrier.arrive $0xFFFF;
	s2 =	simm.s32 @!p0 $0x1C03  }
0x31f: {  	[timem:s3], [sflag:s2] =	dma.local @!p0 [hbm:s0], s1  }
0x320: {  	s0 =	simm.s32 @!p0 $0x3  }
0x321: {  	_ =	swait.ge @!p0 [sflag:s0], s1  }
0x322: {  	s1 =	ssub.s32 @!p0 $0x0, s1;
	[sflag:s0] =	ssyncset.done @!p0 $0x0  }
0x323: {  	[sflag:s0] =	ssyncadd.s32 @!p0 s1  }
0x324: {  	[bflag:$0x3] =	sbarrier.arrive $0xFFFF  }
0x325: {  	_ =	shalt  }

</sc_bundles>
